<compile_context>
chip_gen: v7x
topology: tpu7x:2x2x1
jax: 0.10.2.dev20260603
libtpu: 0.0.44.dev20260713+nightly
codegen_flags: <defaults>
</compile_context>

<pallas_src>
import jax
import jax.numpy as jnp
from jax import lax
from jax.experimental import pallas as pl

N = 50000
NV = 12500
NL = 2 * NV
NC = N - NL
H = 64
ITERS = 12
R = 1000

_HI = jax.lax.Precision.HIGHEST


def _dot(a, b):
    return jnp.dot(a, b, preferred_element_type=jnp.float32, precision=_HI)


def _gates(g):
    i = jax.nn.sigmoid(g[:, :H])
    f = jax.nn.sigmoid(g[:, H:2 * H])
    gg = jnp.tanh(g[:, 2 * H:3 * H])
    o = jax.nn.sigmoid(g[:, 3 * H:])
    return i, f, gg, o


def _cell_a_body(p_ref, scl_ref, ch_ref, cc_ref, dg_ref,
                 a1t_ref, whht_ref, m1_ref, k1_ref,
                 ch2_ref, cc2_ref):
    x = p_ref[...] + scl_ref[...]
    g = (_dot(x, a1t_ref[...]) + _dot(ch_ref[...], whht_ref[...])
         + _dot(dg_ref[...], m1_ref[...]) + k1_ref[...])
    i, f, gg, o = _gates(g)
    cc2 = f * cc_ref[...] + i * gg
    cc2_ref[...] = cc2
    ch2_ref[...] = o * jnp.tanh(cc2)


def _cell_b_body(p_ref, slit_ref, sp_ref, lh_ref, lc_ref, dg_ref,
                 b1t_ref, b2t_ref, whht_ref, m2_ref, k2_ref,
                 lh2_ref, lc2_ref):
    x = p_ref[...] + slit_ref[...]
    g = (_dot(sp_ref[...], b1t_ref[...]) + _dot(x, b2t_ref[...])
         + _dot(lh_ref[...], whht_ref[...]) + _dot(dg_ref[...], m2_ref[...])
         + k2_ref[...])
    i, f, gg, o = _gates(g)
    lc2 = f * lc_ref[...] + i * gg
    lc2_ref[...] = lc2
    lh2_ref[...] = o * jnp.tanh(lc2)


def _row_spec(width=H):
    return pl.BlockSpec((R, width), lambda i: (i, 0))


def _w_spec(r, c):
    return pl.BlockSpec((r, c), lambda i: (0, 0))


def _cell_a(P, scl, ch, cc, dg, a1t, whht, m1, k1):
    return pl.pallas_call(
        _cell_a_body,
        grid=(NC // R,),
        in_specs=[
            _row_spec(), _row_spec(), _row_spec(), _row_spec(),
            _row_spec(16),
            _w_spec(H, 4 * H), _w_spec(H, 4 * H), _w_spec(16, 4 * H),
            _w_spec(1, 4 * H),
        ],
        out_specs=[_row_spec(), _row_spec()],
        out_shape=[jax.ShapeDtypeStruct((NC, H), jnp.float32)] * 2,
    )(P, scl, ch, cc, dg, a1t, whht, m1, k1)


def _cell_b(P, slit, sp, lh, lc, dg, b1t, b2t, whht, m2, k2):
    return pl.pallas_call(
        _cell_b_body,
        grid=(NL // R,),
        in_specs=[
            _row_spec(), _row_spec(), _row_spec(), _row_spec(), _row_spec(),
            _row_spec(16),
            _w_spec(H, 4 * H), _w_spec(H, 4 * H), _w_spec(H, 4 * H),
            _w_spec(16, 4 * H), _w_spec(1, 4 * H),
        ],
        out_specs=[_row_spec(), _row_spec()],
        out_shape=[jax.ShapeDtypeStruct((NL, H), jnp.float32)] * 2,
    )(P, slit, sp, lh, lc, dg, b1t, b2t, whht, m2, k2)


def _init_body(x_ref, lw_ref, lb_ref, cw_ref, cb_ref, o_ref):
    pid = pl.program_id(0)
    x = x_ref[...]
    yl = _dot(x, lw_ref[...]) + lb_ref[...]
    yc = _dot(x, cw_ref[...]) + cb_ref[...]
    o_ref[...] = jnp.where(pid < NL // R, yl, yc)


def _init_state(x, lw, lb, cw, cb):
    return pl.pallas_call(
        _init_body,
        grid=(N // R,),
        in_specs=[
            pl.BlockSpec((R, 2), lambda i: (i, 0)),
            _w_spec(2, H), _w_spec(1, H), _w_spec(2, H), _w_spec(1, H),
        ],
        out_specs=_row_spec(),
        out_shape=jax.ShapeDtypeStruct((N, H), jnp.float32),
    )(x, lw, lb.reshape(1, H), cw, cb.reshape(1, H))


def _vote_body(x_ref, w1_ref, b1_ref, w2_ref, b2_ref, w3_ref, b3_ref, o_ref):
    y = _dot(x_ref[...], w1_ref[...].T) + b1_ref[...]
    y = _dot(y, w2_ref[...].T) + b2_ref[...]
    o_ref[...] = jnp.sum(y * w3_ref[...], axis=1, keepdims=True) + b3_ref[0, 0]


def _vote(x, W1, b1, W2, b2, W3, b3):
    return pl.pallas_call(
        _vote_body,
        grid=(NL // R,),
        in_specs=[
            _row_spec(),
            _w_spec(H, H), pl.BlockSpec((H,), lambda i: (0,)),
            _w_spec(H, H), pl.BlockSpec((H,), lambda i: (0,)),
            _w_spec(1, H), _w_spec(1, 1),
        ],
        out_specs=pl.BlockSpec((R, 1), lambda i: (i, 0)),
        out_shape=jax.ShapeDtypeStruct((NL, 1), jnp.float32),
    )(x, W1, b1, W2, b2, W3, b3.reshape(1, 1))


def kernel(x, edge_index, mask, batch, Linit_W, Linit_b, Cinit_W, Cinit_b,
           Lmsg_W1, Lmsg_b1, Lmsg_W2, Lmsg_b2, Lmsg_W3, Lmsg_b3,
           Cmsg_W1, Cmsg_b1, Cmsg_W2, Cmsg_b2, Cmsg_W3, Cmsg_b3,
           Cup_Wih, Cup_Whh, Cup_bih, Cup_bhh,
           Lup_Wih, Lup_Whh, Lup_bih, Lup_bhh,
           Lvote_W1, Lvote_b1, Lvote_W2, Lvote_b2, Lvote_W3, Lvote_b3):
    src = edge_index[0].astype(jnp.int32)
    dst = edge_index[1].astype(jnp.int32)

    order = jnp.argsort(dst)
    srcs = src[order]
    dsts = dst[order]
    is1 = dsts >= NL

    seg1 = jnp.where(is1, dsts - NL, -1)
    seg2 = jnp.where(is1, NL, dsts)

    def prop1(S):
        return jax.ops.segment_sum(S[srcs], seg1, num_segments=NC,
                                   indices_are_sorted=True)

    def prop2(S):
        return jax.ops.segment_sum(S[srcs], seg2, num_segments=NL,
                                   indices_are_sorted=True)

    ones = jnp.ones((N, 16), jnp.float32)
    dg1 = prop1(ones)
    dg2 = prop2(ones)

    weffL_t = _dot(_dot(Lmsg_W1.T, Lmsg_W2.T), Lmsg_W3.T)
    beffL = Lmsg_b3 + _dot(Lmsg_b2, Lmsg_W3.T) + _dot(_dot(Lmsg_b1, Lmsg_W2.T), Lmsg_W3.T)
    weffC_t = _dot(_dot(Cmsg_W1.T, Cmsg_W2.T), Cmsg_W3.T)
    beffC = Cmsg_b3 + _dot(Cmsg_b2, Cmsg_W3.T) + _dot(_dot(Cmsg_b1, Cmsg_W2.T), Cmsg_W3.T)

    a1t = _dot(weffL_t, Cup_Wih.T)
    bvec1 = _dot(beffL, Cup_Wih.T)
    k1 = (Cup_bih + Cup_bhh + bvec1).reshape(1, 4 * H)
    whhC_t = Cup_Whh.T

    wp_t = Lup_Wih[:, :H].T
    b2t = _dot(weffC_t, Lup_Wih[:, H:].T)
    bvec2 = _dot(beffC, Lup_Wih[:, H:].T)
    k2 = (Lup_bih + Lup_bhh + bvec2).reshape(1, 4 * H)
    whhL_t = Lup_Whh.T

    e0 = jnp.zeros((16, 4 * H), jnp.float32)
    m1 = e0.at[0].set(bvec1)
    m2 = e0.at[0].set(bvec2)

    S0 = _init_state(x, Linit_W.T, Linit_b, Cinit_W.T, Cinit_b)

    def _body(_, carry):
        s_lit, s_cl, ch_, cc_, lh_, lc_ = carry
        P1 = prop1(jnp.concatenate([s_lit, s_cl]))
        ch_, cc_ = _cell_a(P1, s_cl, ch_, cc_, dg1, a1t, whhC_t, m1, k1)
        s_cl = ch_
        P2 = prop2(jnp.concatenate([s_lit, s_cl]))
        sp = jnp.concatenate([s_lit[NV:], s_lit[:NV]], axis=0)
        lh_, lc_ = _cell_b(P2, s_lit, sp, lh_, lc_, dg2, wp_t, b2t, whhL_t,
                           m2, k2)
        s_lit = lh_
        return (s_lit, s_cl, ch_, cc_, lh_, lc_)

    zc = jnp.zeros((NC, H), jnp.float32)
    zl = jnp.zeros((NL, H), jnp.float32)
    carry = (S0[:NL], S0[NL:], zc, zc, zl, zl)
    s_lit = lax.fori_loop(1, ITERS, _body, carry)[0]

    xo_lit = _vote(s_lit, Lvote_W1, Lvote_b1, Lvote_W2, Lvote_b2, Lvote_W3,
                   Lvote_b3)
    return jnp.concatenate([xo_lit, jnp.zeros((NC, 1), jnp.float32)], axis=0)

# --- scband reference (transcript-rebuilt; emitter-appended) ---
"""Pipeline reference for scband-neuro-sat-18940805776105 (READ-ONLY COPY).

The authoritative reference and input builder live on the scoring server;
editing this copy changes nothing except your own understanding.
"""

import jax, jax.numpy as jnp
import numpy as np

N = 50000
NV = 12500
E = 800000
H = 64
ITERS = 12
PERM = np.concatenate([np.arange(NV, 2 * NV), np.arange(0, NV), np.arange(2 * NV, N)])


def _mlp(x, W1, b1, W2, b2, W3, b3):
    return ((x @ W1.T + b1) @ W2.T + b2) @ W3.T + b3


def _lstm(inp, h, c, Wih, Whh, bih, bhh):
    g = inp @ Wih.T + bih + h @ Whh.T + bhh
    i = jax.nn.sigmoid(g[:, :H])
    f = jax.nn.sigmoid(g[:, H:2 * H])
    gg = jnp.tanh(g[:, 2 * H:3 * H])
    o = jax.nn.sigmoid(g[:, 3 * H:])
    c2 = f * c + i * gg
    return o * jnp.tanh(c2), c2


def _prop(x, eidx):
    return jax.ops.segment_sum(x[eidx[0]], eidx[1], num_segments=N)


def setup_inputs(seed: int = 0):
    key = jax.random.key(seed)
    ks = jax.random.split(key, 40)
    d = {}
    d['x'] = jax.random.normal(ks[0], (N, 2), dtype=jnp.float32)
    d['edge_index'] = jax.random.randint(ks[1], (2, E), 0, N, dtype=jnp.int32)
    d['mask'] = (jnp.arange(N) >= 2 * NV).astype(jnp.float32)
    d['batch'] = jnp.zeros((N,), dtype=jnp.int32)
    def lin(k, o, i):
        s = 1.0 / np.sqrt(i)
        return jax.random.uniform(k, (o, i), jnp.float32, -s, s)
    def bias(k, o, i):
        s = 1.0 / np.sqrt(i)
        return jax.random.uniform(k, (o,), jnp.float32, -s, s)
    d['Linit_W'] = lin(ks[2], H, 2); d['Linit_b'] = bias(ks[3], H, 2)
    d['Cinit_W'] = lin(ks[4], H, 2); d['Cinit_b'] = bias(ks[5], H, 2)
    d['Lmsg_W1'] = lin(ks[6], H, H); d['Lmsg_b1'] = bias(ks[7], H, H)
    d['Lmsg_W2'] = lin(ks[8], H, H); d['Lmsg_b2'] = bias(ks[9], H, H)
    d['Lmsg_W3'] = lin(ks[10], H, H); d['Lmsg_b3'] = bias(ks[11], H, H)
    d['Cmsg_W1'] = lin(ks[12], H, H); d['Cmsg_b1'] = bias(ks[13], H, H)
    d['Cmsg_W2'] = lin(ks[14], H, H); d['Cmsg_b2'] = bias(ks[15], H, H)
    d['Cmsg_W3'] = lin(ks[16], H, H); d['Cmsg_b3'] = bias(ks[17], H, H)
    d['Cup_Wih'] = lin(ks[18], 4 * H, H); d['Cup_Whh'] = lin(ks[19], 4 * H, H)
    d['Cup_bih'] = bias(ks[20], 4 * H, H); d['Cup_bhh'] = bias(ks[21], 4 * H, H)
    d['Lup_Wih'] = lin(ks[22], 4 * H, 2 * H); d['Lup_Whh'] = lin(ks[23], 4 * H, H)
    d['Lup_bih'] = bias(ks[24], 4 * H, H); d['Lup_bhh'] = bias(ks[25], 4 * H, H)
    d['Lvote_W1'] = lin(ks[26], H, H); d['Lvote_b1'] = bias(ks[27], H, H)
    d['Lvote_W2'] = lin(ks[28], H, H); d['Lvote_b2'] = bias(ks[29], H, H)
    d['Lvote_W3'] = lin(ks[30], 1, H); d['Lvote_b3'] = bias(ks[31], 1, H)
    return d


def reference(x, edge_index, mask, batch, Linit_W, Linit_b, Cinit_W, Cinit_b, Lmsg_W1, Lmsg_b1, Lmsg_W2, Lmsg_b2, Lmsg_W3, Lmsg_b3, Cmsg_W1, Cmsg_b1, Cmsg_W2, Cmsg_b2, Cmsg_W3, Cmsg_b3, Cup_Wih, Cup_Whh, Cup_bih, Cup_bhh, Lup_Wih, Lup_Whh, Lup_bih, Lup_bhh, Lvote_W1, Lvote_b1, Lvote_W2, Lvote_b2, Lvote_W3, Lvote_b3):
    sl = jnp.arange(N, dtype=edge_index.dtype)
    eidx = jnp.concatenate([edge_index, jnp.stack([sl, sl])], axis=1)
    perm = jnp.asarray(PERM)
    m = mask[:, None]
    out = (x @ Linit_W.T + Linit_b) * (1 - m) + (x @ Cinit_W.T + Cinit_b) * m
    l_h = jnp.zeros((N, H), jnp.float32); l_c = jnp.zeros((N, H), jnp.float32)
    c_h = jnp.zeros((N, H), jnp.float32); c_c = jnp.zeros((N, H), jnp.float32)
    for _ in range(1, ITERS):
        l_msg = _prop(_mlp(out, Lmsg_W1, Lmsg_b1, Lmsg_W2, Lmsg_b2, Lmsg_W3, Lmsg_b3), eidx)
        c_h, c_c = _lstm(l_msg, c_h, c_c, Cup_Wih, Cup_Whh, Cup_bih, Cup_bhh)
        temp = out * (1 - m) + c_h * m
        c_msg = _prop(_mlp(temp, Cmsg_W1, Cmsg_b1, Cmsg_W2, Cmsg_b2, Cmsg_W3, Cmsg_b3), eidx)
        c_msg = jnp.concatenate([out[perm], c_msg], axis=1)
        l_h, l_c = _lstm(c_msg, l_h, l_c, Lup_Wih, Lup_Whh, Lup_bih, Lup_bhh)
        out = l_h * (1 - m) + c_h * m
    xo = _mlp(out * (1 - m), Lvote_W1, Lvote_b1, Lvote_W2, Lvote_b2, Lvote_W3, Lvote_b3)
    return xo * (1 - m)

if __name__ == "__main__":
    import jax
    _d = setup_inputs()
    print(jax.jit(kernel)(*tuple(_d.values())))

</pallas_src>

<mosaic_0001>
module attributes {stable_mosaic.version = 14 : i64} {
  func.func @_init_body(%arg0: i32, %arg1: memref<1000x2xf32, #tpu.memory_space<vmem>>, %arg2: memref<2x64xf32, #tpu.memory_space<vmem>>, %arg3: memref<1x64xf32, #tpu.memory_space<vmem>>, %arg4: memref<2x64xf32, #tpu.memory_space<vmem>>, %arg5: memref<1x64xf32, #tpu.memory_space<vmem>>, %arg6: memref<1000x64xf32, #tpu.memory_space<vmem>>) attributes {dimension_semantics = [#tpu.dimension_semantics<arbitrary>], iteration_bounds = array<i64: 50>, scalar_prefetch = 0 : i64, scratch_operands = 0 : i64, tpu.core_type = #tpu.core_type<tc>, window_params = [{transform_indices = @transform_0, window_bounds = array<i64: 1000, 2>}, {pipeline_mode = #tpu.pipeline_mode<synchronous>, transform_indices = @transform_1, window_bounds = array<i64: 2, 64>}, {pipeline_mode = #tpu.pipeline_mode<synchronous>, transform_indices = @transform_2, window_bounds = array<i64: 1, 64>}, {pipeline_mode = #tpu.pipeline_mode<synchronous>, transform_indices = @transform_3, window_bounds = array<i64: 2, 64>}, {pipeline_mode = #tpu.pipeline_mode<synchronous>, transform_indices = @transform_4, window_bounds = array<i64: 1, 64>}, {transform_indices = @transform_5, window_bounds = array<i64: 1000, 64>}]} {
    %get3A = arith.constant 0 : index
    %get3A_0 = arith.constant 0 : index
    %get3A_1 = vector.load %arg1[%get3A, %get3A_0] : memref<1000x2xf32, #tpu.memory_space<vmem>>, vector<1000x2xf32>
    %get3A_2 = arith.constant 0 : index
    %get3A_3 = arith.constant 0 : index
    %get3A_4 = vector.load %arg2[%get3A_2, %get3A_3] : memref<2x64xf32, #tpu.memory_space<vmem>>, vector<2x64xf32>
    %dot_general3A = arith.constant dense<0.000000e+00> : vector<1000x64xf32>
    %dot_general3A_5 = tpu.matmul %get3A_1, %get3A_4, %dot_general3A {dimension_numbers = #tpu.dot_dimension_numbers<[1], [0], [0], [1], [0, 0, 1, 1], [], []>, precision = #tpu.contract_precision<fp32>, transpose_lhs_hint = false} : vector<1000x2xf32>, vector<2x64xf32>, vector<1000x64xf32> -> vector<1000x64xf32>
    %get3A_6 = arith.constant 0 : index
    %get3A_7 = arith.constant 0 : index
    %get3A_8 = vector.load %arg3[%get3A_6, %get3A_7] : memref<1x64xf32, #tpu.memory_space<vmem>>, vector<1x64xf32>
    %add3A = vector.broadcast %get3A_8 : vector<1x64xf32> to vector<1000x64xf32>
    %add3A_9 = arith.addf %dot_general3A_5, %add3A : vector<1000x64xf32>
    %get3A_10 = arith.constant 0 : index
    %get3A_11 = arith.constant 0 : index
    %get3A_12 = vector.load %arg4[%get3A_10, %get3A_11] : memref<2x64xf32, #tpu.memory_space<vmem>>, vector<2x64xf32>
    %dot_general3A_13 = arith.constant dense<0.000000e+00> : vector<1000x64xf32>
    %dot_general3A_14 = tpu.matmul %get3A_1, %get3A_12, %dot_general3A_13 {dimension_numbers = #tpu.dot_dimension_numbers<[1], [0], [0], [1], [0, 0, 1, 1], [], []>, precision = #tpu.contract_precision<fp32>, transpose_lhs_hint = false} : vector<1000x2xf32>, vector<2x64xf32>, vector<1000x64xf32> -> vector<1000x64xf32>
    %get3A_15 = arith.constant 0 : index
    %get3A_16 = arith.constant 0 : index
    %get3A_17 = vector.load %arg5[%get3A_15, %get3A_16] : memref<1x64xf32, #tpu.memory_space<vmem>>, vector<1x64xf32>
    %add3A_18 = vector.broadcast %get3A_17 : vector<1x64xf32> to vector<1000x64xf32>
    %add3A_19 = arith.addf %dot_general3A_14, %add3A_18 : vector<1000x64xf32>
    %lt3A = arith.constant 25 : i32
    %lt3A_20 = arith.cmpi slt, %arg0, %lt3A : i32
    %select_n3A = arith.select %lt3A_20, %add3A_9, %add3A_19 : vector<1000x64xf32>
    %swap3A = arith.constant 0 : index
    %swap3A_21 = arith.constant 0 : index
    %swap3A_22 = vector.load %arg6[%swap3A, %swap3A_21] : memref<1000x64xf32, #tpu.memory_space<vmem>>, vector<1000x64xf32>
    tpu.vector_store %arg6[%swap3A, %swap3A_21], %select_n3A {strides = array<i32>} : memref<1000x64xf32, #tpu.memory_space<vmem>>, vector<1000x64xf32>,
    return
  }
  func.func @transform_0(%arg0: i32) -> (i32, i32) {
    %c0_i32 = arith.constant 0 : i32
    %c0_i32_0 = arith.constant 0 : i32
    return %arg0, %c0_i32 : i32, i32
  }
  func.func @transform_1(%arg0: i32) -> (i32, i32) {
    %c0_i32 = arith.constant 0 : i32
    %c0_i32_0 = arith.constant 0 : i32
    %c0_i32_1 = arith.constant 0 : i32
    return %c0_i32, %c0_i32_0 : i32, i32
  }
  func.func @transform_2(%arg0: i32) -> (i32, i32) {
    %c0_i32 = arith.constant 0 : i32
    %c0_i32_0 = arith.constant 0 : i32
    %c0_i32_1 = arith.constant 0 : i32
    return %c0_i32, %c0_i32_0 : i32, i32
  }
  func.func @transform_3(%arg0: i32) -> (i32, i32) {
    %c0_i32 = arith.constant 0 : i32
    %c0_i32_0 = arith.constant 0 : i32
    %c0_i32_1 = arith.constant 0 : i32
    return %c0_i32, %c0_i32_0 : i32, i32
  }
  func.func @transform_4(%arg0: i32) -> (i32, i32) {
    %c0_i32 = arith.constant 0 : i32
    %c0_i32_0 = arith.constant 0 : i32
    %c0_i32_1 = arith.constant 0 : i32
    return %c0_i32, %c0_i32_0 : i32, i32
  }
  func.func @transform_5(%arg0: i32) -> (i32, i32) {
    %c0_i32 = arith.constant 0 : i32
    %c0_i32_0 = arith.constant 0 : i32
    return %arg0, %c0_i32 : i32, i32
  }
}

module attributes {stable_mosaic.version = 14 : i64} {
  func.func @_cell_a_body(%arg0: i32, %arg1: memref<1000x64xf32, #tpu.memory_space<vmem>>, %arg2: memref<1000x64xf32, #tpu.memory_space<vmem>>, %arg3: memref<1000x64xf32, #tpu.memory_space<vmem>>, %arg4: memref<1000x64xf32, #tpu.memory_space<vmem>>, %arg5: memref<1000x16xf32, #tpu.memory_space<vmem>>, %arg6: memref<64x256xf32, #tpu.memory_space<vmem>>, %arg7: memref<64x256xf32, #tpu.memory_space<vmem>>, %arg8: memref<16x256xf32, #tpu.memory_space<vmem>>, %arg9: memref<1x256xf32, #tpu.memory_space<vmem>>, %arg10: memref<1000x64xf32, #tpu.memory_space<vmem>>, %arg11: memref<1000x64xf32, #tpu.memory_space<vmem>>) attributes {dimension_semantics = [#tpu.dimension_semantics<arbitrary>], iteration_bounds = array<i64: 25>, scalar_prefetch = 0 : i64, scratch_operands = 0 : i64, tpu.core_type = #tpu.core_type<tc>, window_params = [{transform_indices = @transform_0, window_bounds = array<i64: 1000, 64>}, {transform_indices = @transform_1, window_bounds = array<i64: 1000, 64>}, {transform_indices = @transform_2, window_bounds = array<i64: 1000, 64>}, {transform_indices = @transform_3, window_bounds = array<i64: 1000, 64>}, {transform_indices = @transform_4, window_bounds = array<i64: 1000, 16>}, {pipeline_mode = #tpu.pipeline_mode<synchronous>, transform_indices = @transform_5, window_bounds = array<i64: 64, 256>}, {pipeline_mode = #tpu.pipeline_mode<synchronous>, transform_indices = @transform_6, window_bounds = array<i64: 64, 256>}, {pipeline_mode = #tpu.pipeline_mode<synchronous>, transform_indices = @transform_7, window_bounds = array<i64: 16, 256>}, {pipeline_mode = #tpu.pipeline_mode<synchronous>, transform_indices = @transform_8, window_bounds = array<i64: 1, 256>}, {transform_indices = @transform_9, window_bounds = array<i64: 1000, 64>}, {transform_indices = @transform_10, window_bounds = array<i64: 1000, 64>}]} {
    %get3A = arith.constant 0 : index
    %get3A_0 = arith.constant 0 : index
    %get3A_1 = vector.load %arg1[%get3A, %get3A_0] : memref<1000x64xf32, #tpu.memory_space<vmem>>, vector<1000x64xf32>
    %get3A_2 = arith.constant 0 : index
    %get3A_3 = arith.constant 0 : index
    %get3A_4 = vector.load %arg2[%get3A_2, %get3A_3] : memref<1000x64xf32, #tpu.memory_space<vmem>>, vector<1000x64xf32>
    %add3A = arith.addf %get3A_1, %get3A_4 : vector<1000x64xf32>
    %get3A_5 = arith.constant 0 : index
    %get3A_6 = arith.constant 0 : index
    %get3A_7 = vector.load %arg6[%get3A_5, %get3A_6] : memref<64x256xf32, #tpu.memory_space<vmem>>, vector<64x256xf32>
    %dot_general3A = arith.constant dense<0.000000e+00> : vector<1000x256xf32>
    %dot_general3A_8 = tpu.matmul %add3A, %get3A_7, %dot_general3A {dimension_numbers = #tpu.dot_dimension_numbers<[1], [0], [0], [1], [0, 0, 1, 1], [], []>, precision = #tpu.contract_precision<fp32>, transpose_lhs_hint = false} : vector<1000x64xf32>, vector<64x256xf32>, vector<1000x256xf32> -> vector<1000x256xf32>
    %get3A_9 = arith.constant 0 : index
    %get3A_10 = arith.constant 0 : index
    %get3A_11 = vector.load %arg3[%get3A_9, %get3A_10] : memref<1000x64xf32, #tpu.memory_space<vmem>>, vector<1000x64xf32>
    %get3A_12 = arith.constant 0 : index
    %get3A_13 = arith.constant 0 : index
    %get3A_14 = vector.load %arg7[%get3A_12, %get3A_13] : memref<64x256xf32, #tpu.memory_space<vmem>>, vector<64x256xf32>
    %dot_general3A_15 = arith.constant dense<0.000000e+00> : vector<1000x256xf32>
    %dot_general3A_16 = tpu.matmul %get3A_11, %get3A_14, %dot_general3A_15 {dimension_numbers = #tpu.dot_dimension_numbers<[1], [0], [0], [1], [0, 0, 1, 1], [], []>, precision = #tpu.contract_precision<fp32>, transpose_lhs_hint = false} : vector<1000x64xf32>, vector<64x256xf32>, vector<1000x256xf32> -> vector<1000x256xf32>
    %add3A_17 = arith.addf %dot_general3A_8, %dot_general3A_16 : vector<1000x256xf32>
    %get3A_18 = arith.constant 0 : index
    %get3A_19 = arith.constant 0 : index
    %get3A_20 = vector.load %arg5[%get3A_18, %get3A_19] : memref<1000x16xf32, #tpu.memory_space<vmem>>, vector<1000x16xf32>
    %get3A_21 = arith.constant 0 : index
    %get3A_22 = arith.constant 0 : index
    %get3A_23 = vector.load %arg8[%get3A_21, %get3A_22] : memref<16x256xf32, #tpu.memory_space<vmem>>, vector<16x256xf32>
    %dot_general3A_24 = arith.constant dense<0.000000e+00> : vector<1000x256xf32>
    %dot_general3A_25 = tpu.matmul %get3A_20, %get3A_23, %dot_general3A_24 {dimension_numbers = #tpu.dot_dimension_numbers<[1], [0], [0], [1], [0, 0, 1, 1], [], []>, precision = #tpu.contract_precision<fp32>, transpose_lhs_hint = false} : vector<1000x16xf32>, vector<16x256xf32>, vector<1000x256xf32> -> vector<1000x256xf32>
    %add3A_26 = arith.addf %add3A_17, %dot_general3A_25 : vector<1000x256xf32>
    %get3A_27 = arith.constant 0 : index
    %get3A_28 = arith.constant 0 : index
    %get3A_29 = vector.load %arg9[%get3A_27, %get3A_28] : memref<1x256xf32, #tpu.memory_space<vmem>>, vector<1x256xf32>
    %add3A_30 = vector.broadcast %get3A_29 : vector<1x256xf32> to vector<1000x256xf32>
    %add3A_31 = arith.addf %add3A_26, %add3A_30 : vector<1000x256xf32>
    %slice3A = vector.extract_strided_slice %add3A_31 {offsets = [0, 0], sizes = [1000, 64], strides = [1, 1]} : vector<1000x256xf32> to vector<1000x64xf32>
    %logistic3A = arith.negf %slice3A : vector<1000x64xf32>
    %logistic3A_32 = math.exp %logistic3A : vector<1000x64xf32>
    %logistic3A_33 = arith.constant 1.000000e+00 : f32
    %logistic3A_34 = vector.broadcast %logistic3A_33 : f32 to vector<1000x64xf32>
    %logistic3A_35 = arith.addf %logistic3A_34, %logistic3A_32 : vector<1000x64xf32>
    %logistic3A_36 = arith.divf %logistic3A_34, %logistic3A_35 : vector<1000x64xf32>
    %slice3A_37 = vector.extract_strided_slice %add3A_31 {offsets = [0, 64], sizes = [1000, 64], strides = [1, 1]} : vector<1000x256xf32> to vector<1000x64xf32>
    %logistic3A_38 = arith.negf %slice3A_37 : vector<1000x64xf32>
    %logistic3A_39 = math.exp %logistic3A_38 : vector<1000x64xf32>
    %logistic3A_40 = arith.constant 1.000000e+00 : f32
    %logistic3A_41 = vector.broadcast %logistic3A_40 : f32 to vector<1000x64xf32>
    %logistic3A_42 = arith.addf %logistic3A_41, %logistic3A_39 : vector<1000x64xf32>
    %logistic3A_43 = arith.divf %logistic3A_41, %logistic3A_42 : vector<1000x64xf32>
    %slice3A_44 = vector.extract_strided_slice %add3A_31 {offsets = [0, 128], sizes = [1000, 64], strides = [1, 1]} : vector<1000x256xf32> to vector<1000x64xf32>
    %tanh3A = math.tanh %slice3A_44 : vector<1000x64xf32>
    %slice3A_45 = vector.extract_strided_slice %add3A_31 {offsets = [0, 192], sizes = [1000, 64], strides = [1, 1]} : vector<1000x256xf32> to vector<1000x64xf32>
    %logistic3A_46 = arith.negf %slice3A_45 : vector<1000x64xf32>
    %logistic3A_47 = math.exp %logistic3A_46 : vector<1000x64xf32>
    %logistic3A_48 = arith.constant 1.000000e+00 : f32
    %logistic3A_49 = vector.broadcast %logistic3A_48 : f32 to vector<1000x64xf32>
    %logistic3A_50 = arith.addf %logistic3A_49, %logistic3A_47 : vector<1000x64xf32>
    %logistic3A_51 = arith.divf %logistic3A_49, %logistic3A_50 : vector<1000x64xf32>
    %get3A_52 = arith.constant 0 : index
    %get3A_53 = arith.constant 0 : index
    %get3A_54 = vector.load %arg4[%get3A_52, %get3A_53] : memref<1000x64xf32, #tpu.memory_space<vmem>>, vector<1000x64xf32>
    %mul3A = arith.mulf %logistic3A_43, %get3A_54 : vector<1000x64xf32>
    %mul3A_55 = arith.mulf %logistic3A_36, %tanh3A : vector<1000x64xf32>
    %add3A_56 = arith.addf %mul3A, %mul3A_55 : vector<1000x64xf32>
    %swap3A = arith.constant 0 : index
    %swap3A_57 = arith.constant 0 : index
    %swap3A_58 = vector.load %arg11[%swap3A, %swap3A_57] : memref<1000x64xf32, #tpu.memory_space<vmem>>, vector<1000x64xf32>
    tpu.vector_store %arg11[%swap3A, %swap3A_57], %add3A_56 {strides = array<i32>} : memref<1000x64xf32, #tpu.memory_space<vmem>>, vector<1000x64xf32>,
    %tanh3A_59 = math.tanh %add3A_56 : vector<1000x64xf32>
    %mul3A_60 = arith.mulf %logistic3A_51, %tanh3A_59 : vector<1000x64xf32>
    %swap3A_61 = arith.constant 0 : index
    %swap3A_62 = arith.constant 0 : index
    %swap3A_63 = vector.load %arg10[%swap3A_61, %swap3A_62] : memref<1000x64xf32, #tpu.memory_space<vmem>>, vector<1000x64xf32>
    tpu.vector_store %arg10[%swap3A_61, %swap3A_62], %mul3A_60 {strides = array<i32>} : memref<1000x64xf32, #tpu.memory_space<vmem>>, vector<1000x64xf32>,
    return
  }
  func.func @transform_0(%arg0: i32) -> (i32, i32) {
    %c0_i32 = arith.constant 0 : i32
    %c0_i32_0 = arith.constant 0 : i32
    return %arg0, %c0_i32 : i32, i32
  }
  func.func @transform_1(%arg0: i32) -> (i32, i32) {
    %c0_i32 = arith.constant 0 : i32
    %c0_i32_0 = arith.constant 0 : i32
    return %arg0, %c0_i32 : i32, i32
  }
  func.func @transform_2(%arg0: i32) -> (i32, i32) {
    %c0_i32 = arith.constant 0 : i32
    %c0_i32_0 = arith.constant 0 : i32
    return %arg0, %c0_i32 : i32, i32
  }
  func.func @transform_3(%arg0: i32) -> (i32, i32) {
    %c0_i32 = arith.constant 0 : i32
    %c0_i32_0 = arith.constant 0 : i32
    return %arg0, %c0_i32 : i32, i32
  }
  func.func @transform_4(%arg0: i32) -> (i32, i32) {
    %c0_i32 = arith.constant 0 : i32
    %c0_i32_0 = arith.constant 0 : i32
    return %arg0, %c0_i32 : i32, i32
  }
  func.func @transform_5(%arg0: i32) -> (i32, i32) {
    %c0_i32 = arith.constant 0 : i32
    %c0_i32_0 = arith.constant 0 : i32
    %c0_i32_1 = arith.constant 0 : i32
    return %c0_i32, %c0_i32_0 : i32, i32
  }
  func.func @transform_6(%arg0: i32) -> (i32, i32) {
    %c0_i32 = arith.constant 0 : i32
    %c0_i32_0 = arith.constant 0 : i32
    %c0_i32_1 = arith.constant 0 : i32
    return %c0_i32, %c0_i32_0 : i32, i32
  }
  func.func @transform_7(%arg0: i32) -> (i32, i32) {
    %c0_i32 = arith.constant 0 : i32
    %c0_i32_0 = arith.constant 0 : i32
    %c0_i32_1 = arith.constant 0 : i32
    return %c0_i32, %c0_i32_0 : i32, i32
  }
  func.func @transform_8(%arg0: i32) -> (i32, i32) {
    %c0_i32 = arith.constant 0 : i32
    %c0_i32_0 = arith.constant 0 : i32
    %c0_i32_1 = arith.constant 0 : i32
    return %c0_i32, %c0_i32_0 : i32, i32
  }
  func.func @transform_9(%arg0: i32) -> (i32, i32) {
    %c0_i32 = arith.constant 0 : i32
    %c0_i32_0 = arith.constant 0 : i32
    return %arg0, %c0_i32 : i32, i32
  }
  func.func @transform_10(%arg0: i32) -> (i32, i32) {
    %c0_i32 = arith.constant 0 : i32
    %c0_i32_0 = arith.constant 0 : i32
    return %arg0, %c0_i32 : i32, i32
  }
}

module attributes {stable_mosaic.version = 14 : i64} {
  func.func @_cell_b_body(%arg0: i32, %arg1: memref<1000x64xf32, #tpu.memory_space<vmem>>, %arg2: memref<1000x64xf32, #tpu.memory_space<vmem>>, %arg3: memref<1000x64xf32, #tpu.memory_space<vmem>>, %arg4: memref<1000x64xf32, #tpu.memory_space<vmem>>, %arg5: memref<1000x64xf32, #tpu.memory_space<vmem>>, %arg6: memref<1000x16xf32, #tpu.memory_space<vmem>>, %arg7: memref<64x256xf32, #tpu.memory_space<vmem>>, %arg8: memref<64x256xf32, #tpu.memory_space<vmem>>, %arg9: memref<64x256xf32, #tpu.memory_space<vmem>>, %arg10: memref<16x256xf32, #tpu.memory_space<vmem>>, %arg11: memref<1x256xf32, #tpu.memory_space<vmem>>, %arg12: memref<1000x64xf32, #tpu.memory_space<vmem>>, %arg13: memref<1000x64xf32, #tpu.memory_space<vmem>>) attributes {dimension_semantics = [#tpu.dimension_semantics<arbitrary>], iteration_bounds = array<i64: 25>, scalar_prefetch = 0 : i64, scratch_operands = 0 : i64, tpu.core_type = #tpu.core_type<tc>, window_params = [{transform_indices = @transform_0, window_bounds = array<i64: 1000, 64>}, {transform_indices = @transform_1, window_bounds = array<i64: 1000, 64>}, {transform_indices = @transform_2, window_bounds = array<i64: 1000, 64>}, {transform_indices = @transform_3, window_bounds = array<i64: 1000, 64>}, {transform_indices = @transform_4, window_bounds = array<i64: 1000, 64>}, {transform_indices = @transform_5, window_bounds = array<i64: 1000, 16>}, {pipeline_mode = #tpu.pipeline_mode<synchronous>, transform_indices = @transform_6, window_bounds = array<i64: 64, 256>}, {pipeline_mode = #tpu.pipeline_mode<synchronous>, transform_indices = @transform_7, window_bounds = array<i64: 64, 256>}, {pipeline_mode = #tpu.pipeline_mode<synchronous>, transform_indices = @transform_8, window_bounds = array<i64: 64, 256>}, {pipeline_mode = #tpu.pipeline_mode<synchronous>, transform_indices = @transform_9, window_bounds = array<i64: 16, 256>}, {pipeline_mode = #tpu.pipeline_mode<synchronous>, transform_indices = @transform_10, window_bounds = array<i64: 1, 256>}, {transform_indices = @transform_11, window_bounds = array<i64: 1000, 64>}, {transform_indices = @transform_12, window_bounds = array<i64: 1000, 64>}]} {
    %get3A = arith.constant 0 : index
    %get3A_0 = arith.constant 0 : index
    %get3A_1 = vector.load %arg1[%get3A, %get3A_0] : memref<1000x64xf32, #tpu.memory_space<vmem>>, vector<1000x64xf32>
    %get3A_2 = arith.constant 0 : index
    %get3A_3 = arith.constant 0 : index
    %get3A_4 = vector.load %arg2[%get3A_2, %get3A_3] : memref<1000x64xf32, #tpu.memory_space<vmem>>, vector<1000x64xf32>
    %add3A = arith.addf %get3A_1, %get3A_4 : vector<1000x64xf32>
    %get3A_5 = arith.constant 0 : index
    %get3A_6 = arith.constant 0 : index
    %get3A_7 = vector.load %arg3[%get3A_5, %get3A_6] : memref<1000x64xf32, #tpu.memory_space<vmem>>, vector<1000x64xf32>
    %get3A_8 = arith.constant 0 : index
    %get3A_9 = arith.constant 0 : index
    %get3A_10 = vector.load %arg7[%get3A_8, %get3A_9] : memref<64x256xf32, #tpu.memory_space<vmem>>, vector<64x256xf32>
    %dot_general3A = arith.constant dense<0.000000e+00> : vector<1000x256xf32>
    %dot_general3A_11 = tpu.matmul %get3A_7, %get3A_10, %dot_general3A {dimension_numbers = #tpu.dot_dimension_numbers<[1], [0], [0], [1], [0, 0, 1, 1], [], []>, precision = #tpu.contract_precision<fp32>, transpose_lhs_hint = false} : vector<1000x64xf32>, vector<64x256xf32>, vector<1000x256xf32> -> vector<1000x256xf32>
    %get3A_12 = arith.constant 0 : index
    %get3A_13 = arith.constant 0 : index
    %get3A_14 = vector.load %arg8[%get3A_12, %get3A_13] : memref<64x256xf32, #tpu.memory_space<vmem>>, vector<64x256xf32>
    %dot_general3A_15 = arith.constant dense<0.000000e+00> : vector<1000x256xf32>
    %dot_general3A_16 = tpu.matmul %add3A, %get3A_14, %dot_general3A_15 {dimension_numbers = #tpu.dot_dimension_numbers<[1], [0], [0], [1], [0, 0, 1, 1], [], []>, precision = #tpu.contract_precision<fp32>, transpose_lhs_hint = false} : vector<1000x64xf32>, vector<64x256xf32>, vector<1000x256xf32> -> vector<1000x256xf32>
    %add3A_17 = arith.addf %dot_general3A_11, %dot_general3A_16 : vector<1000x256xf32>
    %get3A_18 = arith.constant 0 : index
    %get3A_19 = arith.constant 0 : index
    %get3A_20 = vector.load %arg4[%get3A_18, %get3A_19] : memref<1000x64xf32, #tpu.memory_space<vmem>>, vector<1000x64xf32>
    %get3A_21 = arith.constant 0 : index
    %get3A_22 = arith.constant 0 : index
    %get3A_23 = vector.load %arg9[%get3A_21, %get3A_22] : memref<64x256xf32, #tpu.memory_space<vmem>>, vector<64x256xf32>
    %dot_general3A_24 = arith.constant dense<0.000000e+00> : vector<1000x256xf32>
    %dot_general3A_25 = tpu.matmul %get3A_20, %get3A_23, %dot_general3A_24 {dimension_numbers = #tpu.dot_dimension_numbers<[1], [0], [0], [1], [0, 0, 1, 1], [], []>, precision = #tpu.contract_precision<fp32>, transpose_lhs_hint = false} : vector<1000x64xf32>, vector<64x256xf32>, vector<1000x256xf32> -> vector<1000x256xf32>
    %add3A_26 = arith.addf %add3A_17, %dot_general3A_25 : vector<1000x256xf32>
    %get3A_27 = arith.constant 0 : index
    %get3A_28 = arith.constant 0 : index
    %get3A_29 = vector.load %arg6[%get3A_27, %get3A_28] : memref<1000x16xf32, #tpu.memory_space<vmem>>, vector<1000x16xf32>
    %get3A_30 = arith.constant 0 : index
    %get3A_31 = arith.constant 0 : index
    %get3A_32 = vector.load %arg10[%get3A_30, %get3A_31] : memref<16x256xf32, #tpu.memory_space<vmem>>, vector<16x256xf32>
    %dot_general3A_33 = arith.constant dense<0.000000e+00> : vector<1000x256xf32>
    %dot_general3A_34 = tpu.matmul %get3A_29, %get3A_32, %dot_general3A_33 {dimension_numbers = #tpu.dot_dimension_numbers<[1], [0], [0], [1], [0, 0, 1, 1], [], []>, precision = #tpu.contract_precision<fp32>, transpose_lhs_hint = false} : vector<1000x16xf32>, vector<16x256xf32>, vector<1000x256xf32> -> vector<1000x256xf32>
    %add3A_35 = arith.addf %add3A_26, %dot_general3A_34 : vector<1000x256xf32>
    %get3A_36 = arith.constant 0 : index
    %get3A_37 = arith.constant 0 : index
    %get3A_38 = vector.load %arg11[%get3A_36, %get3A_37] : memref<1x256xf32, #tpu.memory_space<vmem>>, vector<1x256xf32>
    %add3A_39 = vector.broadcast %get3A_38 : vector<1x256xf32> to vector<1000x256xf32>
    %add3A_40 = arith.addf %add3A_35, %add3A_39 : vector<1000x256xf32>
    %slice3A = vector.extract_strided_slice %add3A_40 {offsets = [0, 0], sizes = [1000, 64], strides = [1, 1]} : vector<1000x256xf32> to vector<1000x64xf32>
    %logistic3A = arith.negf %slice3A : vector<1000x64xf32>
    %logistic3A_41 = math.exp %logistic3A : vector<1000x64xf32>
    %logistic3A_42 = arith.constant 1.000000e+00 : f32
    %logistic3A_43 = vector.broadcast %logistic3A_42 : f32 to vector<1000x64xf32>
    %logistic3A_44 = arith.addf %logistic3A_43, %logistic3A_41 : vector<1000x64xf32>
    %logistic3A_45 = arith.divf %logistic3A_43, %logistic3A_44 : vector<1000x64xf32>
    %slice3A_46 = vector.extract_strided_slice %add3A_40 {offsets = [0, 64], sizes = [1000, 64], strides = [1, 1]} : vector<1000x256xf32> to vector<1000x64xf32>
    %logistic3A_47 = arith.negf %slice3A_46 : vector<1000x64xf32>
    %logistic3A_48 = math.exp %logistic3A_47 : vector<1000x64xf32>
    %logistic3A_49 = arith.constant 1.000000e+00 : f32
    %logistic3A_50 = vector.broadcast %logistic3A_49 : f32 to vector<1000x64xf32>
    %logistic3A_51 = arith.addf %logistic3A_50, %logistic3A_48 : vector<1000x64xf32>
    %logistic3A_52 = arith.divf %logistic3A_50, %logistic3A_51 : vector<1000x64xf32>
    %slice3A_53 = vector.extract_strided_slice %add3A_40 {offsets = [0, 128], sizes = [1000, 64], strides = [1, 1]} : vector<1000x256xf32> to vector<1000x64xf32>
    %tanh3A = math.tanh %slice3A_53 : vector<1000x64xf32>
    %slice3A_54 = vector.extract_strided_slice %add3A_40 {offsets = [0, 192], sizes = [1000, 64], strides = [1, 1]} : vector<1000x256xf32> to vector<1000x64xf32>
    %logistic3A_55 = arith.negf %slice3A_54 : vector<1000x64xf32>
    %logistic3A_56 = math.exp %logistic3A_55 : vector<1000x64xf32>
    %logistic3A_57 = arith.constant 1.000000e+00 : f32
    %logistic3A_58 = vector.broadcast %logistic3A_57 : f32 to vector<1000x64xf32>
    %logistic3A_59 = arith.addf %logistic3A_58, %logistic3A_56 : vector<1000x64xf32>
    %logistic3A_60 = arith.divf %logistic3A_58, %logistic3A_59 : vector<1000x64xf32>
    %get3A_61 = arith.constant 0 : index
    %get3A_62 = arith.constant 0 : index
    %get3A_63 = vector.load %arg5[%get3A_61, %get3A_62] : memref<1000x64xf32, #tpu.memory_space<vmem>>, vector<1000x64xf32>
    %mul3A = arith.mulf %logistic3A_52, %get3A_63 : vector<1000x64xf32>
    %mul3A_64 = arith.mulf %logistic3A_45, %tanh3A : vector<1000x64xf32>
    %add3A_65 = arith.addf %mul3A, %mul3A_64 : vector<1000x64xf32>
    %swap3A = arith.constant 0 : index
    %swap3A_66 = arith.constant 0 : index
    %swap3A_67 = vector.load %arg13[%swap3A, %swap3A_66] : memref<1000x64xf32, #tpu.memory_space<vmem>>, vector<1000x64xf32>
    tpu.vector_store %arg13[%swap3A, %swap3A_66], %add3A_65 {strides = array<i32>} : memref<1000x64xf32, #tpu.memory_space<vmem>>, vector<1000x64xf32>,
    %tanh3A_68 = math.tanh %add3A_65 : vector<1000x64xf32>
    %mul3A_69 = arith.mulf %logistic3A_60, %tanh3A_68 : vector<1000x64xf32>
    %swap3A_70 = arith.constant 0 : index
    %swap3A_71 = arith.constant 0 : index
    %swap3A_72 = vector.load %arg12[%swap3A_70, %swap3A_71] : memref<1000x64xf32, #tpu.memory_space<vmem>>, vector<1000x64xf32>
    tpu.vector_store %arg12[%swap3A_70, %swap3A_71], %mul3A_69 {strides = array<i32>} : memref<1000x64xf32, #tpu.memory_space<vmem>>, vector<1000x64xf32>,
    return
  }
  func.func @transform_0(%arg0: i32) -> (i32, i32) {
    %c0_i32 = arith.constant 0 : i32
    %c0_i32_0 = arith.constant 0 : i32
    return %arg0, %c0_i32 : i32, i32
  }
  func.func @transform_1(%arg0: i32) -> (i32, i32) {
    %c0_i32 = arith.constant 0 : i32
    %c0_i32_0 = arith.constant 0 : i32
    return %arg0, %c0_i32 : i32, i32
  }
  func.func @transform_2(%arg0: i32) -> (i32, i32) {
    %c0_i32 = arith.constant 0 : i32
    %c0_i32_0 = arith.constant 0 : i32
    return %arg0, %c0_i32 : i32, i32
  }
  func.func @transform_3(%arg0: i32) -> (i32, i32) {
    %c0_i32 = arith.constant 0 : i32
    %c0_i32_0 = arith.constant 0 : i32
    return %arg0, %c0_i32 : i32, i32
  }
  func.func @transform_4(%arg0: i32) -> (i32, i32) {
    %c0_i32 = arith.constant 0 : i32
    %c0_i32_0 = arith.constant 0 : i32
    return %arg0, %c0_i32 : i32, i32
  }
  func.func @transform_5(%arg0: i32) -> (i32, i32) {
    %c0_i32 = arith.constant 0 : i32
    %c0_i32_0 = arith.constant 0 : i32
    return %arg0, %c0_i32 : i32, i32
  }
  func.func @transform_6(%arg0: i32) -> (i32, i32) {
    %c0_i32 = arith.constant 0 : i32
    %c0_i32_0 = arith.constant 0 : i32
    %c0_i32_1 = arith.constant 0 : i32
    return %c0_i32, %c0_i32_0 : i32, i32
  }
  func.func @transform_7(%arg0: i32) -> (i32, i32) {
    %c0_i32 = arith.constant 0 : i32
    %c0_i32_0 = arith.constant 0 : i32
    %c0_i32_1 = arith.constant 0 : i32
    return %c0_i32, %c0_i32_0 : i32, i32
  }
  func.func @transform_8(%arg0: i32) -> (i32, i32) {
    %c0_i32 = arith.constant 0 : i32
    %c0_i32_0 = arith.constant 0 : i32
    %c0_i32_1 = arith.constant 0 : i32
    return %c0_i32, %c0_i32_0 : i32, i32
  }
  func.func @transform_9(%arg0: i32) -> (i32, i32) {
    %c0_i32 = arith.constant 0 : i32
    %c0_i32_0 = arith.constant 0 : i32
    %c0_i32_1 = arith.constant 0 : i32
    return %c0_i32, %c0_i32_0 : i32, i32
  }
  func.func @transform_10(%arg0: i32) -> (i32, i32) {
    %c0_i32 = arith.constant 0 : i32
    %c0_i32_0 = arith.constant 0 : i32
    %c0_i32_1 = arith.constant 0 : i32
    return %c0_i32, %c0_i32_0 : i32, i32
  }
  func.func @transform_11(%arg0: i32) -> (i32, i32) {
    %c0_i32 = arith.constant 0 : i32
    %c0_i32_0 = arith.constant 0 : i32
    return %arg0, %c0_i32 : i32, i32
  }
  func.func @transform_12(%arg0: i32) -> (i32, i32) {
    %c0_i32 = arith.constant 0 : i32
    %c0_i32_0 = arith.constant 0 : i32
    return %arg0, %c0_i32 : i32, i32
  }
}

module attributes {stable_mosaic.version = 14 : i64} {
  func.func @_vote_body(%arg0: i32, %arg1: memref<1000x64xf32, #tpu.memory_space<vmem>>, %arg2: memref<64x64xf32, #tpu.memory_space<vmem>>, %arg3: memref<64xf32, #tpu.memory_space<vmem>>, %arg4: memref<64x64xf32, #tpu.memory_space<vmem>>, %arg5: memref<64xf32, #tpu.memory_space<vmem>>, %arg6: memref<1x64xf32, #tpu.memory_space<vmem>>, %arg7: memref<1x1xf32, #tpu.memory_space<vmem>>, %arg8: memref<1000x1xf32, #tpu.memory_space<vmem>>) attributes {dimension_semantics = [#tpu.dimension_semantics<arbitrary>], iteration_bounds = array<i64: 25>, scalar_prefetch = 0 : i64, scratch_operands = 0 : i64, tpu.core_type = #tpu.core_type<tc>, window_params = [{transform_indices = @transform_0, window_bounds = array<i64: 1000, 64>}, {pipeline_mode = #tpu.pipeline_mode<synchronous>, transform_indices = @transform_1, window_bounds = array<i64: 64, 64>}, {pipeline_mode = #tpu.pipeline_mode<synchronous>, transform_indices = @transform_2, window_bounds = array<i64: 64>}, {pipeline_mode = #tpu.pipeline_mode<synchronous>, transform_indices = @transform_3, window_bounds = array<i64: 64, 64>}, {pipeline_mode = #tpu.pipeline_mode<synchronous>, transform_indices = @transform_4, window_bounds = array<i64: 64>}, {pipeline_mode = #tpu.pipeline_mode<synchronous>, transform_indices = @transform_5, window_bounds = array<i64: 1, 64>}, {pipeline_mode = #tpu.pipeline_mode<synchronous>, transform_indices = @transform_6, window_bounds = array<i64: 1, 1>}, {transform_indices = @transform_7, window_bounds = array<i64: 1000, 1>}]} {
    %get3A = arith.constant 0 : index
    %get3A_0 = arith.constant 0 : index
    %get3A_1 = vector.load %arg1[%get3A, %get3A_0] : memref<1000x64xf32, #tpu.memory_space<vmem>>, vector<1000x64xf32>
    %get3A_2 = arith.constant 0 : index
    %get3A_3 = arith.constant 0 : index
    %get3A_4 = vector.load %arg2[%get3A_2, %get3A_3] : memref<64x64xf32, #tpu.memory_space<vmem>>, vector<64x64xf32>
    %transpose3A = tpu.transpose %get3A_4, [1, 0] : vector<64x64xf32> -> vector<64x64xf32>
    %dot_general3A = arith.constant dense<0.000000e+00> : vector<1000x64xf32>
    %dot_general3A_5 = tpu.matmul %get3A_1, %transpose3A, %dot_general3A {dimension_numbers = #tpu.dot_dimension_numbers<[1], [0], [0], [1], [0, 0, 1, 1], [], []>, precision = #tpu.contract_precision<fp32>, transpose_lhs_hint = false} : vector<1000x64xf32>, vector<64x64xf32>, vector<1000x64xf32> -> vector<1000x64xf32>
    %get3A_6 = arith.constant 0 : index
    %get3A_7 = vector.load %arg3[%get3A_6] : memref<64xf32, #tpu.memory_space<vmem>>, vector<64xf32>
    %broadcast_in_dim3A = vector.shape_cast %get3A_7 : vector<64xf32> to vector<1x64xf32>
    %add3A = vector.broadcast %broadcast_in_dim3A : vector<1x64xf32> to vector<1000x64xf32>
    %add3A_8 = arith.addf %dot_general3A_5, %add3A : vector<1000x64xf32>
    %get3A_9 = arith.constant 0 : index
    %get3A_10 = arith.constant 0 : index
    %get3A_11 = vector.load %arg4[%get3A_9, %get3A_10] : memref<64x64xf32, #tpu.memory_space<vmem>>, vector<64x64xf32>
    %transpose3A_12 = tpu.transpose %get3A_11, [1, 0] : vector<64x64xf32> -> vector<64x64xf32>
    %dot_general3A_13 = arith.constant dense<0.000000e+00> : vector<1000x64xf32>
    %dot_general3A_14 = tpu.matmul %add3A_8, %transpose3A_12, %dot_general3A_13 {dimension_numbers = #tpu.dot_dimension_numbers<[1], [0], [0], [1], [0, 0, 1, 1], [], []>, precision = #tpu.contract_precision<fp32>, transpose_lhs_hint = false} : vector<1000x64xf32>, vector<64x64xf32>, vector<1000x64xf32> -> vector<1000x64xf32>
    %get3A_15 = arith.constant 0 : index
    %get3A_16 = vector.load %arg5[%get3A_15] : memref<64xf32, #tpu.memory_space<vmem>>, vector<64xf32>
    %broadcast_in_dim3A_17 = vector.shape_cast %get3A_16 : vector<64xf32> to vector<1x64xf32>
    %add3A_18 = vector.broadcast %broadcast_in_dim3A_17 : vector<1x64xf32> to vector<1000x64xf32>
    %add3A_19 = arith.addf %dot_general3A_14, %add3A_18 : vector<1000x64xf32>
    %get3A_20 = arith.constant 0 : index
    %get3A_21 = arith.constant 0 : index
    %get3A_22 = vector.load %arg6[%get3A_20, %get3A_21] : memref<1x64xf32, #tpu.memory_space<vmem>>, vector<1x64xf32>
    %mul3A = vector.broadcast %get3A_22 : vector<1x64xf32> to vector<1000x64xf32>
    %mul3A_23 = arith.mulf %add3A_19, %mul3A : vector<1000x64xf32>
    %reduce_sum3A = arith.constant dense<0.000000e+00> : vector<1000xf32>
    %reduce_sum3A_24 = vector.multi_reduction <add>, %mul3A_23, %reduce_sum3A [1] : vector<1000x64xf32> to vector<1000xf32>
    %broadcast_in_dim3A_25 = vector.shape_cast %reduce_sum3A_24 : vector<1000xf32> to vector<1000x1xf32>
    %get3A_26 = arith.constant 0 : index
    %get3A_27 = arith.constant 0 : index
    %get3A_28 = vector.load %arg7[%get3A_26, %get3A_27] : memref<1x1xf32, #tpu.memory_space<vmem>>, vector<1x1xf32>
    %get3A_29 = vector.extract %get3A_28[0, 0] : f32 from vector<1x1xf32>
    %add3A_30 = vector.broadcast %get3A_29 : f32 to vector<1000x1xf32>
    %add3A_31 = arith.addf %broadcast_in_dim3A_25, %add3A_30 : vector<1000x1xf32>
    %swap3A = arith.constant 0 : index
    %swap3A_32 = arith.constant 0 : index
    %swap3A_33 = vector.load %arg8[%swap3A, %swap3A_32] : memref<1000x1xf32, #tpu.memory_space<vmem>>, vector<1000x1xf32>
    tpu.vector_store %arg8[%swap3A, %swap3A_32], %add3A_31 {strides = array<i32>} : memref<1000x1xf32, #tpu.memory_space<vmem>>, vector<1000x1xf32>,
    return
  }
  func.func @transform_0(%arg0: i32) -> (i32, i32) {
    %c0_i32 = arith.constant 0 : i32
    %c0_i32_0 = arith.constant 0 : i32
    return %arg0, %c0_i32 : i32, i32
  }
  func.func @transform_1(%arg0: i32) -> (i32, i32) {
    %c0_i32 = arith.constant 0 : i32
    %c0_i32_0 = arith.constant 0 : i32
    %c0_i32_1 = arith.constant 0 : i32
    return %c0_i32, %c0_i32_0 : i32, i32
  }
  func.func @transform_2(%arg0: i32) -> i32 {
    %c0_i32 = arith.constant 0 : i32
    %c0_i32_0 = arith.constant 0 : i32
    return %c0_i32 : i32
  }
  func.func @transform_3(%arg0: i32) -> (i32, i32) {
    %c0_i32 = arith.constant 0 : i32
    %c0_i32_0 = arith.constant 0 : i32
    %c0_i32_1 = arith.constant 0 : i32
    return %c0_i32, %c0_i32_0 : i32, i32
  }
  func.func @transform_4(%arg0: i32) -> i32 {
    %c0_i32 = arith.constant 0 : i32
    %c0_i32_0 = arith.constant 0 : i32
    return %c0_i32 : i32
  }
  func.func @transform_5(%arg0: i32) -> (i32, i32) {
    %c0_i32 = arith.constant 0 : i32
    %c0_i32_0 = arith.constant 0 : i32
    %c0_i32_1 = arith.constant 0 : i32
    return %c0_i32, %c0_i32_0 : i32, i32
  }
  func.func @transform_6(%arg0: i32) -> (i32, i32) {
    %c0_i32 = arith.constant 0 : i32
    %c0_i32_0 = arith.constant 0 : i32
    %c0_i32_1 = arith.constant 0 : i32
    return %c0_i32, %c0_i32_0 : i32, i32
  }
  func.func @transform_7(%arg0: i32) -> (i32, i32) {
    %c0_i32 = arith.constant 0 : i32
    %c0_i32_0 = arith.constant 0 : i32
    return %arg0, %c0_i32 : i32, i32
  }
}

</mosaic_0001>

<sc_bundles>
// kernel: gather_offload_async_start.1
scs
__scs_entry_jumppad:
0x0: {  	(pc) =	sbr.rel $0x88, $3  }
0x1: {  	(tag) =	ssettag $0x0;
	lr =	simm.s32 $0x1  }
0x2: {  	[smem:$0x3F81] =	sst lr;
	_ =	strace $0xD0000000  }
0x3: {  	_ = 	snop  }
0x4: {  	_ = 	snop  }
0x5: {  	_ = 	snop  }
0x6: {  	_ = 	snop  }
0x7: {  	_ = 	snop  }
__scs_overlays_trampoline_lowered:
0x8: {  	[smem:$0x3F90] =	sst s0  }
0x9: {  	[smem:$0x3F91] =	sst s1  }
0xa: {  	[smem:$0x3F92] =	sst s2  }
0xb: {  	[smem:$0x3F93] =	sst s3  }
0xc: {  	[smem:$0x3F94] =	sst s4  }
0xd: {  	[smem:$0x3F95] =	sst s5  }
0xe: {  	[smem:$0x3F96] =	sst s6  }
0xf: {  	[smem:$0x3F97] =	sst s7  }
0x10: {  	[smem:$0x3F98] =	sst s8  }
0x11: {  	[smem:$0x3F99] =	sst s9;
	s0 =	simm.s32 @!p0 $0x0  }
0x12: {  	s1 =	sld [smem:$0x3F7F];
	s0 =	simm.s32 @p0 $0x1  }
0x13: {  	[smem:$0x3F9A] =	sst s0;
	s0 =	simm.s32 @!p1 $0x0  }
0x14: {  	s2 =	sld [smem:$0x3F7E];
	s0 =	simm.s32 @p1 $0x1  }
0x15: {  	[smem:$0x3F9B] =	sst s0;
	s0 =	simm.s32 @!p2 $0x0  }
0x16: {  	s3 =	sld [smem:$0x3FDB];
	s0 =	simm.s32 @p2 $0x1  }
0x17: {  	s4 =	simm.s32 $0x1BF5;
	[smem:$0x3F9D] =	sst s0  }
0x18: {  	s0 =	sld [smem:$0x3F80];
	_ =	swait.ge [sflag:s4], $0x0  }
0x19: {  	s7 =	sld [smem:$0x3F81]  }
0x1a: {  	s8 =	sadd.s32 $0xFFFFE003, lr  }
0x1b: {  	s9 =	sadd.s32 $0xFFFFFEF7, lr;
	s5 =	simm.s32 $0xFFFFFFFF;
	p2 =	slt.u32 s8, $0xFFFFF086  }
0x1c: {  	p1 =	slt.u32 s9, $0xF7A;
	s5 =	simm.s32 @!p2 $0x0  }
0x1d: {  	s5 =	simm.s32 @p1 $0x1;
	p0 =	seq.s32 s7, s2  }
0x1e: {  	s7 =	smul.u32 @!p0 $0xF7A, s2;
	p2 =	seq.s32 @!p0 s5, $0x0  }
0x1f: {  	s9 =	smul.u32 $0xF7A, s1;
	s8 =	simm.s32 @!p0 $0x1BF5;
	p2 =	por !p2, p0  }
0x20: {  	[sflag:s8] =	ssyncset.s32 @!p0 $0xFFFFF086;
	s6 =	sadd.s32 @!p0 s3, s7;
	s7 =	simm.s32 @!p0 $0x108  }
0x21: {  	s3 =	sadd.s32 s3, s9;
	s6 =	sadd.s32 @!p0 $0x88, s6;
	s7 =	simm.s32 @p2 $0x1082  }
0x22: {  	[simem:s7], [sflag:s8] =	dma.local @!p0 [hbm:s6], $0xF7A  }
0x23: {  	s9 =	sor.u32 $0xD0000000, s2;
	s6 =	simm.s32 $0x108;
	_ =	swait.ge @!p0 [sflag:s8], $0x0  }
0x24: {  	s3 =	sadd.s32 $0x88, s3;
	s6 =	simm.s32 @!p1 $0x1082;
	[sflag:s4] =	ssyncset.s32 $0xFFFFF086  }
0x25: {  	[simem:s6], [sflag:s4] =	dma.local [hbm:s3], $0xF7A  }
0x26: {  	[smem:$0x3F81] =	sst s1;
	(tag) =	ssettag s2;
	_ =	strace s9  }
0x27: {  	s1 =	sld [smem:$0x3F91]  }
0x28: {  	s2 =	sld [smem:$0x3F92]  }
0x29: {  	s4 =	sld [smem:$0x3F94]  }
0x2a: {  	p0 =	seq.s32 s5, $0x0;
	s5 =	sld [smem:$0x3F95]  }
0x2b: {  	s6 =	sld [smem:$0x3F96]  }
0x2c: {  	s7 =	sld [smem:$0x3F97]  }
0x2d: {  	s3 =	simm.s32 $0x108;
	s8 =	sld [smem:$0x3F98]  }
0x2e: {  	s3 =	simm.s32 @!p0 $0x1082;
	s9 =	sld [smem:$0x3F99]  }
0x2f: {  	lr =	sadd.s32 s0, s3;
	s0 =	sld [smem:$0x3F90]  }
0x30: {  	s3 =	sld [smem:$0x3F93]  }
0x31: {  	[smem:$0x3F9C] =	sst s10  }
0x32: {  	s10 =	sld [smem:$0x3F9A];
	_ =	sdelay $0x3  }
0x33: {  	p0 =	seq.s32 s10, $0x1;
	s10 =	sld [smem:$0x3F9C];
	_ =	sdelay $0x3  }
0x34: {  	[smem:$0x3F9C] =	sst s10  }
0x35: {  	s10 =	sld [smem:$0x3F9B];
	_ =	sdelay $0x3  }
0x36: {  	p1 =	seq.s32 s10, $0x1;
	s10 =	sld [smem:$0x3F9C];
	_ =	sdelay $0x3  }
0x37: {  	[smem:$0x3F9C] =	sst s10  }
0x38: {  	s10 =	sld [smem:$0x3F9D]  }
0x39: {  	_ = 	snop;
	(pc) =	sbr.ind lr, $3  }
0x3a: {  	_ = 	snop  }
0x3b: {  	_ = 	snop  }
0x3c: {  	p2 =	seq.s32 s10, $0x1;
	s10 =	sld [smem:$0x3F9C]  }
0x3d: {  	_ =	shalt  }
0x3e: {  	_ =	shalt  }
0x3f: {  	_ =	shalt  }
0x40: {  	_ =	shalt  }
0x41: {  	_ =	shalt  }
0x42: {  	_ =	shalt  }
0x43: {  	_ =	shalt  }
0x44: {  	_ =	shalt  }
0x45: {  	_ =	shalt  }
0x46: {  	_ =	shalt  }
0x47: {  	_ =	shalt  }
0x48: {  	_ =	shalt  }
0x49: {  	_ =	shalt  }
0x4a: {  	_ =	shalt  }
0x4b: {  	_ =	shalt  }
0x4c: {  	_ =	shalt  }
0x4d: {  	_ =	shalt  }
0x4e: {  	_ =	shalt  }
0x4f: {  	_ =	shalt  }
0x50: {  	_ =	shalt  }
0x51: {  	_ =	shalt  }
0x52: {  	_ =	shalt  }
0x53: {  	_ =	shalt  }
0x54: {  	_ =	shalt  }
0x55: {  	_ =	shalt  }
0x56: {  	_ =	shalt  }
0x57: {  	_ =	shalt  }
0x58: {  	_ =	shalt  }
0x59: {  	_ =	shalt  }
0x5a: {  	_ =	shalt  }
0x5b: {  	_ =	shalt  }
0x5c: {  	_ =	shalt  }
0x5d: {  	_ =	shalt  }
0x5e: {  	_ =	shalt  }
0x5f: {  	_ =	shalt  }
0x60: {  	_ =	shalt  }
0x61: {  	_ =	shalt  }
0x62: {  	_ =	shalt  }
0x63: {  	_ =	shalt  }
0x64: {  	_ =	shalt  }
0x65: {  	_ =	shalt  }
0x66: {  	_ =	shalt  }
0x67: {  	_ =	shalt  }
0x68: {  	_ =	shalt  }
0x69: {  	_ =	shalt  }
0x6a: {  	_ =	shalt  }
0x6b: {  	_ =	shalt  }
0x6c: {  	_ =	shalt  }
0x6d: {  	_ =	shalt  }
0x6e: {  	_ =	shalt  }
0x6f: {  	_ =	shalt  }
0x70: {  	_ =	shalt  }
0x71: {  	_ =	shalt  }
0x72: {  	_ =	shalt  }
0x73: {  	_ =	shalt  }
0x74: {  	_ =	shalt  }
0x75: {  	_ =	shalt  }
0x76: {  	_ =	shalt  }
0x77: {  	_ =	shalt  }
0x78: {  	_ =	shalt  }
0x79: {  	_ =	shalt  }
0x7a: {  	_ =	shalt  }
0x7b: {  	_ =	shalt  }
0x7c: {  	_ =	shalt  }
0x7d: {  	_ =	shalt  }
0x7e: {  	_ =	shalt  }
0x7f: {  	_ =	shalt  }
0x80: {  	_ =	shalt  }
0x81: {  	_ =	shalt  }
0x82: {  	_ =	shalt  }
0x83: {  	_ =	shalt  }
0x84: {  	_ =	shalt  }
0x85: {  	_ =	shalt  }
0x86: {  	_ =	shalt  }
0x87: {  	_ =	shalt  }
.Lfunc_end0:
.L_simem_size_0:
called_computation.5_lowered:
.L_overlay_start_0:
0x88: {  	s2 =	sld [smem:$0x3FD9]  }
0x89: {  	s3 =	sld [smem:$0x3FFE];
	_ =	sdelay $0x1  }
0x8a: {  	s1 =	srdreg.scid  }
0x8b: {  	s0 =	sand.u32 $0x1, s1  }
0x8c: {  	s16 =	sshll.u32 s0, $0xA;
	s2 =	sadd.s32 s3, s2  }
0x8d: {  	s2 =	sadd.s32 s2, s16  }
0x8e: {  	[smem:$0x3FA8] =	sst s2  }
0x8f: {  	_ = 	snop  }
0x90: {  	(tm) =	ssettm $0x1  }
0x91: {  	s17 =	sld [smem:$0x3FFB];
	_ =	sdelay $0x3  }
0x92: {  	_ =	strace s17  }
0x93: {  	s2 =	sld [smem:$0x3FFC];
	_ =	sdelay $0x3  }
0x94: {  	_ =	strace s2  }
0x95: {  	s2 =	sld [smem:$0x3FFD];
	_ =	sdelay $0x3  }
0x96: {  	_ =	strace s2  }
0x97: {  	_ =	strace $0x8FFFFFFF  }
0x98: {  	s18 =	sld [smem:$0x3FDB];
	_ =	sdelay $0x1  }
0x99: {  	s19 =	simm.s32 $_scs_section_size  }
0x9a: {  	s4 =	simm.s32 $_size__tile_overlayer_lowered;
	s5 =	simm.s32 $_tile_overlayer_lowered  }
0x9b: {  	s22 =	simm.s32 $0x1BFF;
	s21 =	sshll.u32 s5, $0x1;
	s2 =	sadd.s32 s19, s18  }
0x9c: {  	s6 =	simm.s32 $0x0;
	s20 =	sshll.u32 s4, $0x1;
	s4 =	sadd.s32 s21, s2  }
0x9d: {  	[timem:s6], [sflag:s22] =	dma.local [hbm:s4], s20  }
0x9e: {  	_ =	swait.ge [sflag:s22], s20  }
0x9f: {  	s3 =	ssub.s32 $0x0, s20;
	[sflag:s22] =	ssyncset.done $0x0  }
0xa0: {  	[sflag:s22] =	ssyncadd.s32 s3;
	_ =	sdelay $0x1  }
0xa1: {  	s23 =	simm.s32 $0x1B8B  }
0xa2: {  	_ =	swait.ge [sflag:s23], $0x1  }
0xa3: {  	[sflag:s23] =	ssyncset.done $0x0  }
0xa4: {  	s25 =	simm.s32 $0x1B8E;
	s24 =	sld [smem:$0x3FFE];
	[sflag:s23] =	ssyncadd.s32 $0xFFFFFFFF  }
0xa5: {  	s26 =	simm.s32 $execute0_lowered;
	[smem:$0x3FD2] =	sst s25  }
0xa6: {  	s4 =	sshll.u32 s26, $0x1;
	_ =	strace $0x80000049;
	[dreg:$0x1] =	wrdreg $0xFFFFFFFF  }
0xa7: {  	s28 =	simm.s32 $_size_execute0_lowered;
	s2 =	sadd.s32 s2, s4;
	[dreg:$0x0] =	wrdreg $0x0  }
0xa8: {  	s4 =	sshll.u32 s28, $0x1;
	[dreg:$0x2] =	wrdreg s2  }
0xa9: {  	[dreg:$0x3] =	wrdreg s4  }
0xaa: {  	[dreg:$0x4] =	wrdreg $0xC0  }
0xab: {  	_ =	task [dreg:s6], $0x5FFFF  }
0xac: {  	[dreg:$0x1] =	wrdreg $0xFFFFFFFF  }
0xad: {  	[dreg:$0x0] =	wrdreg $0x60  }
0xae: {  	[dreg:$0x2] =	wrdreg s24  }
0xaf: {  	[dreg:$0x3] =	wrdreg $0x9  }
0xb0: {  	_ =	task.clear_ibuf [dreg:s6], $0x4FFFF;
	_ =	strace $0x90000049  }
0xb1: {  	s29 =	simm.s32 $0x9;
	_ =	strace $0x8000004B  }
0xb2: {  	_ =	swait.ge [sflag:s29], $0x1  }
0xb3: {  	[sflag:s29] =	ssyncadd.s32 $0xFFFFFFFF  }
0xb4: {  	_ =	strace $0x9000004B  }
0xb5: {  	_ =	sfence  }
0xb6: {  	s30 =	sld [smem:$0x0];
	_ =	sdelay $0x2  }
0xb7: {  	s31 =	sshll.u32 s1, $0xD;
	s1 =	sshrl.u32 s1, $0x2  }
0xb8: {  	s3 =	sand.u32 $0x4000, s31;
	s1 =	sadd.s32 s1, s30  }
0xb9: {  	s0 =	sor.u32 s3, s0;
	s1 =	sshll.u32 s1, $0x11  }
0xba: {  	s0 =	sor.u32 s1, s0  }
0xbb: {  	s0 =	sadd.s32 $0x8F2B, s0  }
0xbc: {  	[sflag:s0] =	ssyncadd.remote.s32 $0x1  }
0xbd: {  	_ =	sfence.sel $0xFFFF  }
0xbe: {  	[dreg:$0x0] =	wrdreg $0xFFFFFFFF;
	(pc) =	sbr.abs _section_cstart, $3  }
0xbf: {  	[dreg:$0x1] =	wrdreg $0xFFFFFFFF  }
0xc0: {  	_ =	task.clear_ibuf [dreg:s6], $0x2FFFF;
	_ =	strace $0x9FFFFFFF  }
0xc1: {  	(tm) =	ssettm $0x7FFFFFFF  }
tec
execute0_lowered:
.L_overlay_start_1:
0x0: {  	(tag) =	ssettag $0x1  }
0x1: {  	s8 =	rddreg [dreg:$0x0];
	s1 =	stileid.u32  }
0x2: {  	s2 =	srdreg.scid;
	s0 =	rddreg [dreg:$0x1]  }
0x3: {  	_ =	strace $0x8000004A;
	s5 =	simm.s32 $0x1;
	s9 =	simm.s32 $0x1  }
0x4: {  	s10 =	simm.s32 $0x3;
	s2 =	sand.u32 $0x1, s2;
	s3 =	sshll.u32 s1, $0x1  }
0x5: {  	s13 =	simm.s32 $0x0;
	s12 =	simm.s32 $0x0;
	s6 =	sor.u32 s3, s2  }
0x6: {  	[sflag:s5] =	ssyncpa.u1 $0x0;
	s2 =	sadd.s32 $0x1DC00, s8;
	s4 =	smul.u32 $0x4E20, s6  }
0x7: {  	s3 =	sadd.s32 $0x36400, s8;
	p0 =	slt.u32 s6, $0x9;
	s6 =	simm.s32 $0x9C400  }
.Ltmp0:
0x8: {  	s6 =	simm.s32 @!p0 $0x0;
	s7 =	ssub.s32 $0xC3500, s4;
	(pc) =	sbr.rel .LBB2_1-.Ltmp0, $4  }
0x9: {  	s9 =	simm.s32 @!p0 $0x0;
	p0 =	sne.s32 s7, s6;
	s7 =	simm.s32 $0x1  }
0xa: {  	s8 =	sadd.s32 $0x67400, s8;
	s6 =	simm.s32 $0x2;
	s7 =	simm.s32 @!p0 $0x0  }
0xb: {  	s11 =	smov.u32 s4;
	[sflag:s6] =	ssyncpa.u1 $0x0;
	s7 =	sadd.s32 s9, s7  }
0xc: {  	vm0 =	vmmov $0xffff;
	[sflag:s10] =	ssyncpa.u1 $0x0;
	s10 =	simm.s32 $0x0;
	s9 =	sadd.s32 $0x1, s7  }
.LBB2_4:
0xd: {  	v2 =	vnsel vm1, $0x0, v2  }
0xe: {  	vm1 =	vgt.s32 v0, $0x0;
	v2 =	vmin.u32 v2, $0xC34FF  }
0xf: {  	v0 =	vnsel vm1, $0x0, v0  }
0x10: {  	v0 =	vmin.u32 v0, $0xC34FF  }
0x11: {  	[tilespmem:s18], [sflag:$0x1] =	stream.indirect_vreg.gather [hbm4b:s2+s10], $0x1, v1, vm0, $0x4038;
	[tilespmem:$0x13880] =	vst v63  }
0x12: {  	(ifvalue) =	ssetifvalue $0x7FFFFFFF  }
0x13: {  	[tilespmem:s15], [sflag:$0x1] =	stream.indirect_vreg.gather [hbm4b:s2+s10], $0x1, v2, vm0, $0x4038;
	[tilespmem:$0x13880] =	vst v63  }
0x14: {  	s29 =	sadd.s32 $0x10, s15;
	(ifvalue) =	ssetifvalue $0x7FFFFFFF  }
0x15: {  	[tilespmem:s29], [sflag:$0x1] =	stream.indirect_vreg.gather [hbm4b:s2+s10], $0x1, v0, vm0, $0x4038;
	[tilespmem:$0x13880] =	vst v63  }
0x16: {  	_ =	swait.ge [sflag:s5], $0x4E20  }
0x17: {  	s30 =	sshrl.u32 s13, $0x3;
	[sflag:s5] =	ssyncset.done $0x0  }
0x18: {  	s31 =	sand.u32 $0x7, s13;
	s15 =	sadd.s32 s8, s30;
	[sflag:s5] =	ssyncadd.s32 $0xFFFFB1E0  }
0x19: {  	[hbm4b:s15+s31] =	stream.linear.scatter [tilespmem:s14], [sflag:$0x3], $0x4E20, $0x38;
	[tilespmem:$0x13880] =	vst v63  }
.LBB2_5:
0x1a: {  	s15 =	sadd.s32 $0x9C400, s11  }
0x1b: {  	p1 =	sgt.s32 s15, $0xC34FF  }
0x1c: {  	s15 =	smov.u32 @p1 s4;
	p1 =	sne.s32 s12, s9  }
.Ltmp1:
0x1d: {  	p0 =	slt.u32 s12, $0x2;
	(pc) =	sbr.rel @!p1 .LBB2_6-.Ltmp1, $4  }
0x1e: {  	s14 =	simm.s32 @!p0 $0x3  }
0x1f: {  	_ =	swait.ge @!p0 [sflag:s14], $0x4E20  }
0x20: {  	s16 =	sadd.s32 $0x1, s12;
	s13 =	smov.u32 s11;
	[sflag:s14] =	ssyncset.done @!p0 $0x0  }
0x21: {  	s12 =	smov.u32 s16;
	s11 =	smov.u32 s15;
	[sflag:s14] =	ssyncadd.s32 @!p0 $0xFFFFB1E0  }
.LBB2_1:
0x22: {  	p0 =	sge.u32 s12, s7  }
0x23: {  	s14 =	sxor.u32 @!p0 $0x1, s12  }
0x24: {  	s14 =	smul.u32 @!p0 $0x13880, s14  }
0x25: {  	s31 =	sadd.s32 $0xFFFFFFFF, s12;
	s15 =	sshrl.u32 @!p0 s11, $0x3  }
0x26: {  	s16 =	sand.u32 @!p0 $0x7, s11;
	s15 =	sadd.s32 @!p0 s3, s15;
	s14 =	sshra.s32 @!p0 s14, $0x2  }
0x27: {  	[tilespmem:s14], [sflag:$0x2] =	stream.linear.gather @!p0 [hbm4b:s15+s16], $0x4E20, $0x38;
	[tilespmem:$0x13880] =	vst v63  }
0x28: {  	p0 =	sge.u32 s31, s7  }
.Ltmp2:
0x29: {  	_ = 	snop;
	(pc) =	sbr.rel @p0 .LBB2_5-.Ltmp2, $1  }
0x2a: {  	_ =	sdelay $0x3  }
0x2b: {  	s14 =	sand.u32 $0x1, s12  }
0x2c: {  	_ =	swait.ge [sflag:s6], $0x4E20;
	p0 =	seq.s32 s14, $0x1;
	s14 =	simm.s32 $0x4E20  }
0x2d: {  	[sflag:s6] =	ssyncset.done $0x0;
	s14 =	simm.s32 @!p0 $0x0  }
0x2e: {  	[sflag:s6] =	ssyncadd.s32 $0xFFFFB1E0;
	(ifvalue) =	ssetifvalue $0x7FFFFFFF;
	v0 =	vld.msk [tilespmem:s14+$0x0 ss:$0x1], $0xffff;
	_ =	sdelay $0x4  }
0x2f: {  	s15 =	sadd.s32 $0x10, s14;
	vm1 =	vgt.s32 v0, $0x0  }
0x30: {  	v2 =	vld.msk [tilespmem:s15+$0x0 ss:$0x1], $0xffff;
	v1 =	vnsel vm1, $0x0, v0  }
0x31: {  	v1 =	vmin.u32 v1, $0xC34FF;
	_ =	sdelay $0x2  }
0x32: {  	s17 =	simm.s32 $0x20;
	s14 =	sadd.s32 $0x9C40, s14;
	s16 =	sadd.s32 $0x10, s15  }
0x33: {  	s15 =	sadd.s32 $0x10, s14;
	s18 =	smov.u32 s14;
	v0 =	vld.msk [tilespmem:s16+$0x0 ss:$0x1], $0xffff;
	vm1 =	vgt.s32 v2, $0x0;
	(ifvalue) =	ssetifvalue $0x7FFFFFFF  }
.LBB2_3:
0x34: {  	[tilespmem:s18], [sflag:$0x1] =	stream.indirect_vreg.gather [hbm4b:s2+s10], $0x1, v1, vm0, $0x4038;
	[tilespmem:$0x13880] =	vst v63  }
0x35: {  	s17 =	sadd.s32 $0x10, s17  }
0x36: {  	v2 =	vnsel vm1, $0x0, v2;
	p0 =	slt.u32 s17, $0x4E10  }
.Ltmp3:
0x37: {  	s18 =	smov.u32 s15;
	v1 =	vmin.u32 v2, $0xC34FF;
	(pc) =	sbr.rel @p0 .LBB2_3-.Ltmp3, $3  }
0x38: {  	_ =	sdelay $0x1  }
0x39: {  	s16 =	sadd.s32 $0x10, s16  }
0x3a: {  	vm1 =	vgt.s32 v0, $0x0;
	s15 =	sadd.s32 $0x10, s15;
	v2 =	vmov v0;
	(ifvalue) =	ssetifvalue $0x7FFFFFFF;
	v0 =	vld.msk [tilespmem:s16+$0x0 ss:$0x1], $0xffff  }
.Ltmp4:
0x3b: {  	_ = 	snop;
	(pc) =	sbr.rel .LBB2_4-.Ltmp4, $1  }
0x3c: {  	_ =	sdelay $0x3  }
.LBB2_6:
0x3d: {  	_ =	sfence.sel $0x180000  }
0x3e: {  	s2 =	simm.s32 $0x2;
	[bflag:$0x0] =	sbarrier.arrive $0xFFFF  }
0x3f: {  	s30 =	simm.s32 $0x3;
	[sflag:s2] =	ssyncpa.u1 $0x1  }
0x40: {  	s31 =	simm.s32 $0x1;
	[sflag:s30] =	ssyncpa.u1 $0x1  }
0x41: {  	[sflag:s31] =	ssyncpa.u1 $0x1  }
0x42: {  	p0 =	sne.s32 s1, $0x0;
	_ =	strace $0x9000004A  }
0x43: {  	s0 =	sadd.s32 @!p0 $0x100000, s0;
	[bflag:$0x2] =	sbarrier.arrive $0xFFFF  }
0x44: {  	[sflag:s0] =	ssyncadd.tile.s32 @!p0 $0x1;
	_ =	shalt  }
.Lfunc_end2:
_tile_overlayer_lowered:
.L_overlay_start_2:
0x45: {  	(tag) =	ssettag $0x2  }
0x46: {  	s0 =	rddreg [dreg:$0x0];
	s2 =	stileid.u32  }
0x47: {  	s1 =	rddreg [dreg:$0x1];
	p0 =	sne.s32 s2, $0x0  }
0x48: {  	s3 =	rddreg [dreg:$0x2];
	[bflag:$0x3] =	sbarrier.arrive $0xFFFF;
	s2 =	simm.s32 @!p0 $0x1C01  }
0x49: {  	[timem:s3], [sflag:s2] =	dma.local @!p0 [hbm:s0], s1  }
0x4a: {  	s0 =	simm.s32 @!p0 $0x1  }
0x4b: {  	_ =	swait.ge @!p0 [sflag:s0], s1  }
0x4c: {  	s1 =	ssub.s32 @!p0 $0x0, s1;
	[sflag:s0] =	ssyncset.done @!p0 $0x0  }
0x4d: {  	[sflag:s0] =	ssyncadd.s32 @!p0 s1  }
0x4e: {  	[bflag:$0x3] =	sbarrier.arrive $0xFFFF  }
0x4f: {  	_ =	shalt  }

// kernel: gather_offload_async_start
scs
__scs_entry_jumppad:
0x0: {  	(pc) =	sbr.rel $0x88, $3  }
0x1: {  	(tag) =	ssettag $0x0;
	lr =	simm.s32 $0x1  }
0x2: {  	[smem:$0x3F81] =	sst lr;
	_ =	strace $0xD0000000  }
0x3: {  	_ = 	snop  }
0x4: {  	_ = 	snop  }
0x5: {  	_ = 	snop  }
0x6: {  	_ = 	snop  }
0x7: {  	_ = 	snop  }
__scs_overlays_trampoline_lowered:
0x8: {  	[smem:$0x3F90] =	sst s0  }
0x9: {  	[smem:$0x3F91] =	sst s1  }
0xa: {  	[smem:$0x3F92] =	sst s2  }
0xb: {  	[smem:$0x3F93] =	sst s3  }
0xc: {  	[smem:$0x3F94] =	sst s4  }
0xd: {  	[smem:$0x3F95] =	sst s5  }
0xe: {  	[smem:$0x3F96] =	sst s6  }
0xf: {  	[smem:$0x3F97] =	sst s7  }
0x10: {  	[smem:$0x3F98] =	sst s8  }
0x11: {  	[smem:$0x3F99] =	sst s9;
	s0 =	simm.s32 @!p0 $0x0  }
0x12: {  	s1 =	sld [smem:$0x3F7F];
	s0 =	simm.s32 @p0 $0x1  }
0x13: {  	[smem:$0x3F9A] =	sst s0;
	s0 =	simm.s32 @!p1 $0x0  }
0x14: {  	s2 =	sld [smem:$0x3F7E];
	s0 =	simm.s32 @p1 $0x1  }
0x15: {  	[smem:$0x3F9B] =	sst s0;
	s0 =	simm.s32 @!p2 $0x0  }
0x16: {  	s3 =	sld [smem:$0x3FDB];
	s0 =	simm.s32 @p2 $0x1  }
0x17: {  	s4 =	simm.s32 $0x1BF5;
	[smem:$0x3F9D] =	sst s0  }
0x18: {  	s0 =	sld [smem:$0x3F80];
	_ =	swait.ge [sflag:s4], $0x0  }
0x19: {  	s7 =	sld [smem:$0x3F81]  }
0x1a: {  	s8 =	sadd.s32 $0xFFFFE003, lr  }
0x1b: {  	s9 =	sadd.s32 $0xFFFFFEF7, lr;
	s5 =	simm.s32 $0xFFFFFFFF;
	p2 =	slt.u32 s8, $0xFFFFF086  }
0x1c: {  	p1 =	slt.u32 s9, $0xF7A;
	s5 =	simm.s32 @!p2 $0x0  }
0x1d: {  	s5 =	simm.s32 @p1 $0x1;
	p0 =	seq.s32 s7, s2  }
0x1e: {  	s7 =	smul.u32 @!p0 $0xF7A, s2;
	p2 =	seq.s32 @!p0 s5, $0x0  }
0x1f: {  	s9 =	smul.u32 $0xF7A, s1;
	s8 =	simm.s32 @!p0 $0x1BF5;
	p2 =	por !p2, p0  }
0x20: {  	[sflag:s8] =	ssyncset.s32 @!p0 $0xFFFFF086;
	s6 =	sadd.s32 @!p0 s3, s7;
	s7 =	simm.s32 @!p0 $0x108  }
0x21: {  	s3 =	sadd.s32 s3, s9;
	s6 =	sadd.s32 @!p0 $0x88, s6;
	s7 =	simm.s32 @p2 $0x1082  }
0x22: {  	[simem:s7], [sflag:s8] =	dma.local @!p0 [hbm:s6], $0xF7A  }
0x23: {  	s9 =	sor.u32 $0xD0000000, s2;
	s6 =	simm.s32 $0x108;
	_ =	swait.ge @!p0 [sflag:s8], $0x0  }
0x24: {  	s3 =	sadd.s32 $0x88, s3;
	s6 =	simm.s32 @!p1 $0x1082;
	[sflag:s4] =	ssyncset.s32 $0xFFFFF086  }
0x25: {  	[simem:s6], [sflag:s4] =	dma.local [hbm:s3], $0xF7A  }
0x26: {  	[smem:$0x3F81] =	sst s1;
	(tag) =	ssettag s2;
	_ =	strace s9  }
0x27: {  	s1 =	sld [smem:$0x3F91]  }
0x28: {  	s2 =	sld [smem:$0x3F92]  }
0x29: {  	s4 =	sld [smem:$0x3F94]  }
0x2a: {  	p0 =	seq.s32 s5, $0x0;
	s5 =	sld [smem:$0x3F95]  }
0x2b: {  	s6 =	sld [smem:$0x3F96]  }
0x2c: {  	s7 =	sld [smem:$0x3F97]  }
0x2d: {  	s3 =	simm.s32 $0x108;
	s8 =	sld [smem:$0x3F98]  }
0x2e: {  	s3 =	simm.s32 @!p0 $0x1082;
	s9 =	sld [smem:$0x3F99]  }
0x2f: {  	lr =	sadd.s32 s0, s3;
	s0 =	sld [smem:$0x3F90]  }
0x30: {  	s3 =	sld [smem:$0x3F93]  }
0x31: {  	[smem:$0x3F9C] =	sst s10  }
0x32: {  	s10 =	sld [smem:$0x3F9A];
	_ =	sdelay $0x3  }
0x33: {  	p0 =	seq.s32 s10, $0x1;
	s10 =	sld [smem:$0x3F9C];
	_ =	sdelay $0x3  }
0x34: {  	[smem:$0x3F9C] =	sst s10  }
0x35: {  	s10 =	sld [smem:$0x3F9B];
	_ =	sdelay $0x3  }
0x36: {  	p1 =	seq.s32 s10, $0x1;
	s10 =	sld [smem:$0x3F9C];
	_ =	sdelay $0x3  }
0x37: {  	[smem:$0x3F9C] =	sst s10  }
0x38: {  	s10 =	sld [smem:$0x3F9D]  }
0x39: {  	_ = 	snop;
	(pc) =	sbr.ind lr, $3  }
0x3a: {  	_ = 	snop  }
0x3b: {  	_ = 	snop  }
0x3c: {  	p2 =	seq.s32 s10, $0x1;
	s10 =	sld [smem:$0x3F9C]  }
0x3d: {  	_ =	shalt  }
0x3e: {  	_ =	shalt  }
0x3f: {  	_ =	shalt  }
0x40: {  	_ =	shalt  }
0x41: {  	_ =	shalt  }
0x42: {  	_ =	shalt  }
0x43: {  	_ =	shalt  }
0x44: {  	_ =	shalt  }
0x45: {  	_ =	shalt  }
0x46: {  	_ =	shalt  }
0x47: {  	_ =	shalt  }
0x48: {  	_ =	shalt  }
0x49: {  	_ =	shalt  }
0x4a: {  	_ =	shalt  }
0x4b: {  	_ =	shalt  }
0x4c: {  	_ =	shalt  }
0x4d: {  	_ =	shalt  }
0x4e: {  	_ =	shalt  }
0x4f: {  	_ =	shalt  }
0x50: {  	_ =	shalt  }
0x51: {  	_ =	shalt  }
0x52: {  	_ =	shalt  }
0x53: {  	_ =	shalt  }
0x54: {  	_ =	shalt  }
0x55: {  	_ =	shalt  }
0x56: {  	_ =	shalt  }
0x57: {  	_ =	shalt  }
0x58: {  	_ =	shalt  }
0x59: {  	_ =	shalt  }
0x5a: {  	_ =	shalt  }
0x5b: {  	_ =	shalt  }
0x5c: {  	_ =	shalt  }
0x5d: {  	_ =	shalt  }
0x5e: {  	_ =	shalt  }
0x5f: {  	_ =	shalt  }
0x60: {  	_ =	shalt  }
0x61: {  	_ =	shalt  }
0x62: {  	_ =	shalt  }
0x63: {  	_ =	shalt  }
0x64: {  	_ =	shalt  }
0x65: {  	_ =	shalt  }
0x66: {  	_ =	shalt  }
0x67: {  	_ =	shalt  }
0x68: {  	_ =	shalt  }
0x69: {  	_ =	shalt  }
0x6a: {  	_ =	shalt  }
0x6b: {  	_ =	shalt  }
0x6c: {  	_ =	shalt  }
0x6d: {  	_ =	shalt  }
0x6e: {  	_ =	shalt  }
0x6f: {  	_ =	shalt  }
0x70: {  	_ =	shalt  }
0x71: {  	_ =	shalt  }
0x72: {  	_ =	shalt  }
0x73: {  	_ =	shalt  }
0x74: {  	_ =	shalt  }
0x75: {  	_ =	shalt  }
0x76: {  	_ =	shalt  }
0x77: {  	_ =	shalt  }
0x78: {  	_ =	shalt  }
0x79: {  	_ =	shalt  }
0x7a: {  	_ =	shalt  }
0x7b: {  	_ =	shalt  }
0x7c: {  	_ =	shalt  }
0x7d: {  	_ =	shalt  }
0x7e: {  	_ =	shalt  }
0x7f: {  	_ =	shalt  }
0x80: {  	_ =	shalt  }
0x81: {  	_ =	shalt  }
0x82: {  	_ =	shalt  }
0x83: {  	_ =	shalt  }
0x84: {  	_ =	shalt  }
0x85: {  	_ =	shalt  }
0x86: {  	_ =	shalt  }
0x87: {  	_ =	shalt  }
.Lfunc_end0:
.L_simem_size_0:
called_computation.4_lowered:
.L_overlay_start_0:
0x88: {  	s2 =	sld [smem:$0x3FD9]  }
0x89: {  	s3 =	sld [smem:$0x3FFE];
	_ =	sdelay $0x1  }
0x8a: {  	s1 =	srdreg.scid  }
0x8b: {  	s0 =	sand.u32 $0x1, s1  }
0x8c: {  	s16 =	sshll.u32 s0, $0xA;
	s2 =	sadd.s32 s3, s2  }
0x8d: {  	s2 =	sadd.s32 s2, s16  }
0x8e: {  	[smem:$0x3FA8] =	sst s2  }
0x8f: {  	_ = 	snop  }
0x90: {  	(tm) =	ssettm $0x1  }
0x91: {  	s17 =	sld [smem:$0x3FFB];
	_ =	sdelay $0x3  }
0x92: {  	_ =	strace s17  }
0x93: {  	s2 =	sld [smem:$0x3FFC];
	_ =	sdelay $0x3  }
0x94: {  	_ =	strace s2  }
0x95: {  	s2 =	sld [smem:$0x3FFD];
	_ =	sdelay $0x3  }
0x96: {  	_ =	strace s2  }
0x97: {  	_ =	strace $0x8FFFFFFF  }
0x98: {  	s18 =	sld [smem:$0x3FDB];
	_ =	sdelay $0x1  }
0x99: {  	s19 =	simm.s32 $_scs_section_size  }
0x9a: {  	s4 =	simm.s32 $_size__tile_overlayer_lowered;
	s5 =	simm.s32 $_tile_overlayer_lowered  }
0x9b: {  	s22 =	simm.s32 $0x1BFF;
	s21 =	sshll.u32 s5, $0x1;
	s2 =	sadd.s32 s19, s18  }
0x9c: {  	s6 =	simm.s32 $0x0;
	s20 =	sshll.u32 s4, $0x1;
	s4 =	sadd.s32 s21, s2  }
0x9d: {  	[timem:s6], [sflag:s22] =	dma.local [hbm:s4], s20  }
0x9e: {  	_ =	swait.ge [sflag:s22], s20  }
0x9f: {  	s3 =	ssub.s32 $0x0, s20;
	[sflag:s22] =	ssyncset.done $0x0  }
0xa0: {  	[sflag:s22] =	ssyncadd.s32 s3;
	_ =	sdelay $0x1  }
0xa1: {  	s23 =	simm.s32 $0x1B8B  }
0xa2: {  	_ =	swait.ge [sflag:s23], $0x1  }
0xa3: {  	[sflag:s23] =	ssyncset.done $0x0  }
0xa4: {  	s25 =	simm.s32 $0x1B8E;
	s24 =	sld [smem:$0x3FFE];
	[sflag:s23] =	ssyncadd.s32 $0xFFFFFFFF  }
0xa5: {  	s26 =	simm.s32 $execute0_lowered;
	[smem:$0x3FD2] =	sst s25  }
0xa6: {  	s4 =	sshll.u32 s26, $0x1;
	_ =	strace $0x80000046;
	[dreg:$0x1] =	wrdreg $0xFFFFFFFF  }
0xa7: {  	s28 =	simm.s32 $_size_execute0_lowered;
	s2 =	sadd.s32 s2, s4;
	[dreg:$0x0] =	wrdreg $0x0  }
0xa8: {  	s4 =	sshll.u32 s28, $0x1;
	[dreg:$0x2] =	wrdreg s2  }
0xa9: {  	[dreg:$0x3] =	wrdreg s4  }
0xaa: {  	[dreg:$0x4] =	wrdreg $0xC0  }
0xab: {  	_ =	task [dreg:s6], $0x5FFFF  }
0xac: {  	[dreg:$0x1] =	wrdreg $0xFFFFFFFF  }
0xad: {  	[dreg:$0x0] =	wrdreg $0x60  }
0xae: {  	[dreg:$0x2] =	wrdreg s24  }
0xaf: {  	[dreg:$0x3] =	wrdreg $0x9  }
0xb0: {  	_ =	task.clear_ibuf [dreg:s6], $0x4FFFF;
	_ =	strace $0x90000046  }
0xb1: {  	s29 =	simm.s32 $0x9;
	_ =	strace $0x80000048  }
0xb2: {  	_ =	swait.ge [sflag:s29], $0x1  }
0xb3: {  	[sflag:s29] =	ssyncadd.s32 $0xFFFFFFFF  }
0xb4: {  	_ =	strace $0x90000048  }
0xb5: {  	_ =	sfence  }
0xb6: {  	s30 =	sld [smem:$0x0];
	_ =	sdelay $0x2  }
0xb7: {  	s31 =	sshll.u32 s1, $0xD;
	s1 =	sshrl.u32 s1, $0x2  }
0xb8: {  	s3 =	sand.u32 $0x4000, s31;
	s1 =	sadd.s32 s1, s30  }
0xb9: {  	s0 =	sor.u32 s3, s0;
	s1 =	sshll.u32 s1, $0x11  }
0xba: {  	s0 =	sor.u32 s1, s0  }
0xbb: {  	s0 =	sadd.s32 $0x8F2B, s0  }
0xbc: {  	[sflag:s0] =	ssyncadd.remote.s32 $0x1  }
0xbd: {  	_ =	sfence.sel $0xFFFF  }
0xbe: {  	[dreg:$0x0] =	wrdreg $0xFFFFFFFF;
	(pc) =	sbr.abs _section_cstart, $3  }
0xbf: {  	[dreg:$0x1] =	wrdreg $0xFFFFFFFF  }
0xc0: {  	_ =	task.clear_ibuf [dreg:s6], $0x2FFFF;
	_ =	strace $0x9FFFFFFF  }
0xc1: {  	(tm) =	ssettm $0x7FFFFFFF  }
tec
execute0_lowered:
.L_overlay_start_1:
0x0: {  	(tag) =	ssettag $0x1  }
0x1: {  	s8 =	rddreg [dreg:$0x0];
	s1 =	stileid.u32  }
0x2: {  	s2 =	srdreg.scid;
	s0 =	rddreg [dreg:$0x1]  }
0x3: {  	_ =	strace $0x80000047;
	s5 =	simm.s32 $0x1;
	s9 =	simm.s32 $0x1  }
0x4: {  	s10 =	simm.s32 $0x3;
	s2 =	sand.u32 $0x1, s2;
	s3 =	sshll.u32 s1, $0x1  }
0x5: {  	s13 =	simm.s32 $0x0;
	s12 =	simm.s32 $0x0;
	s6 =	sor.u32 s3, s2  }
0x6: {  	[sflag:s5] =	ssyncpa.u1 $0x0;
	s2 =	sadd.s32 $0x5400, s8;
	s4 =	smul.u32 $0x4E20, s6  }
0x7: {  	s3 =	sadd.s32 $0x36400, s8;
	p0 =	slt.u32 s6, $0x9;
	s6 =	simm.s32 $0x9C400  }
.Ltmp0:
0x8: {  	s6 =	simm.s32 @!p0 $0x0;
	s7 =	ssub.s32 $0xC3500, s4;
	(pc) =	sbr.rel .LBB2_1-.Ltmp0, $4  }
0x9: {  	s9 =	simm.s32 @!p0 $0x0;
	p0 =	sne.s32 s7, s6;
	s7 =	simm.s32 $0x1  }
0xa: {  	s8 =	sadd.s32 $0x4EC00, s8;
	s6 =	simm.s32 $0x2;
	s7 =	simm.s32 @!p0 $0x0  }
0xb: {  	s11 =	smov.u32 s4;
	[sflag:s6] =	ssyncpa.u1 $0x0;
	s7 =	sadd.s32 s9, s7  }
0xc: {  	vm0 =	vmmov $0xffff;
	[sflag:s10] =	ssyncpa.u1 $0x0;
	s10 =	simm.s32 $0x0;
	s9 =	sadd.s32 $0x1, s7  }
.LBB2_4:
0xd: {  	v2 =	vnsel vm1, $0x0, v2  }
0xe: {  	vm1 =	vgt.s32 v0, $0x0;
	v2 =	vmin.u32 v2, $0xC34FF  }
0xf: {  	v0 =	vnsel vm1, $0x0, v0  }
0x10: {  	v0 =	vmin.u32 v0, $0xC34FF  }
0x11: {  	[tilespmem:s18], [sflag:$0x1] =	stream.indirect_vreg.gather [hbm4b:s2+s10], $0x1, v1, vm0, $0x4038;
	[tilespmem:$0x13880] =	vst v63  }
0x12: {  	(ifvalue) =	ssetifvalue $0x7FFFFFFF  }
0x13: {  	[tilespmem:s15], [sflag:$0x1] =	stream.indirect_vreg.gather [hbm4b:s2+s10], $0x1, v2, vm0, $0x4038;
	[tilespmem:$0x13880] =	vst v63  }
0x14: {  	s29 =	sadd.s32 $0x10, s15;
	(ifvalue) =	ssetifvalue $0x7FFFFFFF  }
0x15: {  	[tilespmem:s29], [sflag:$0x1] =	stream.indirect_vreg.gather [hbm4b:s2+s10], $0x1, v0, vm0, $0x4038;
	[tilespmem:$0x13880] =	vst v63  }
0x16: {  	_ =	swait.ge [sflag:s5], $0x4E20  }
0x17: {  	s30 =	sshrl.u32 s13, $0x3;
	[sflag:s5] =	ssyncset.done $0x0  }
0x18: {  	s31 =	sand.u32 $0x7, s13;
	s15 =	sadd.s32 s8, s30;
	[sflag:s5] =	ssyncadd.s32 $0xFFFFB1E0  }
0x19: {  	[hbm4b:s15+s31] =	stream.linear.scatter [tilespmem:s14], [sflag:$0x3], $0x4E20, $0x38;
	[tilespmem:$0x13880] =	vst v63  }
.LBB2_5:
0x1a: {  	s15 =	sadd.s32 $0x9C400, s11  }
0x1b: {  	p1 =	sgt.s32 s15, $0xC34FF  }
0x1c: {  	s15 =	smov.u32 @p1 s4;
	p1 =	sne.s32 s12, s9  }
.Ltmp1:
0x1d: {  	p0 =	slt.u32 s12, $0x2;
	(pc) =	sbr.rel @!p1 .LBB2_6-.Ltmp1, $4  }
0x1e: {  	s14 =	simm.s32 @!p0 $0x3  }
0x1f: {  	_ =	swait.ge @!p0 [sflag:s14], $0x4E20  }
0x20: {  	s16 =	sadd.s32 $0x1, s12;
	s13 =	smov.u32 s11;
	[sflag:s14] =	ssyncset.done @!p0 $0x0  }
0x21: {  	s12 =	smov.u32 s16;
	s11 =	smov.u32 s15;
	[sflag:s14] =	ssyncadd.s32 @!p0 $0xFFFFB1E0  }
.LBB2_1:
0x22: {  	p0 =	sge.u32 s12, s7  }
0x23: {  	s14 =	sxor.u32 @!p0 $0x1, s12  }
0x24: {  	s14 =	smul.u32 @!p0 $0x13880, s14  }
0x25: {  	s31 =	sadd.s32 $0xFFFFFFFF, s12;
	s15 =	sshrl.u32 @!p0 s11, $0x3  }
0x26: {  	s16 =	sand.u32 @!p0 $0x7, s11;
	s15 =	sadd.s32 @!p0 s3, s15;
	s14 =	sshra.s32 @!p0 s14, $0x2  }
0x27: {  	[tilespmem:s14], [sflag:$0x2] =	stream.linear.gather @!p0 [hbm4b:s15+s16], $0x4E20, $0x38;
	[tilespmem:$0x13880] =	vst v63  }
0x28: {  	p0 =	sge.u32 s31, s7  }
.Ltmp2:
0x29: {  	_ = 	snop;
	(pc) =	sbr.rel @p0 .LBB2_5-.Ltmp2, $1  }
0x2a: {  	_ =	sdelay $0x3  }
0x2b: {  	s14 =	sand.u32 $0x1, s12  }
0x2c: {  	_ =	swait.ge [sflag:s6], $0x4E20;
	p0 =	seq.s32 s14, $0x1;
	s14 =	simm.s32 $0x4E20  }
0x2d: {  	[sflag:s6] =	ssyncset.done $0x0;
	s14 =	simm.s32 @!p0 $0x0  }
0x2e: {  	[sflag:s6] =	ssyncadd.s32 $0xFFFFB1E0;
	(ifvalue) =	ssetifvalue $0x7FFFFFFF;
	v0 =	vld.msk [tilespmem:s14+$0x0 ss:$0x1], $0xffff;
	_ =	sdelay $0x4  }
0x2f: {  	s15 =	sadd.s32 $0x10, s14;
	vm1 =	vgt.s32 v0, $0x0  }
0x30: {  	v2 =	vld.msk [tilespmem:s15+$0x0 ss:$0x1], $0xffff;
	v1 =	vnsel vm1, $0x0, v0  }
0x31: {  	v1 =	vmin.u32 v1, $0xC34FF;
	_ =	sdelay $0x2  }
0x32: {  	s17 =	simm.s32 $0x20;
	s14 =	sadd.s32 $0x9C40, s14;
	s16 =	sadd.s32 $0x10, s15  }
0x33: {  	s15 =	sadd.s32 $0x10, s14;
	s18 =	smov.u32 s14;
	v0 =	vld.msk [tilespmem:s16+$0x0 ss:$0x1], $0xffff;
	vm1 =	vgt.s32 v2, $0x0;
	(ifvalue) =	ssetifvalue $0x7FFFFFFF  }
.LBB2_3:
0x34: {  	[tilespmem:s18], [sflag:$0x1] =	stream.indirect_vreg.gather [hbm4b:s2+s10], $0x1, v1, vm0, $0x4038;
	[tilespmem:$0x13880] =	vst v63  }
0x35: {  	s17 =	sadd.s32 $0x10, s17  }
0x36: {  	v2 =	vnsel vm1, $0x0, v2;
	p0 =	slt.u32 s17, $0x4E10  }
.Ltmp3:
0x37: {  	s18 =	smov.u32 s15;
	v1 =	vmin.u32 v2, $0xC34FF;
	(pc) =	sbr.rel @p0 .LBB2_3-.Ltmp3, $3  }
0x38: {  	_ =	sdelay $0x1  }
0x39: {  	s16 =	sadd.s32 $0x10, s16  }
0x3a: {  	vm1 =	vgt.s32 v0, $0x0;
	s15 =	sadd.s32 $0x10, s15;
	v2 =	vmov v0;
	(ifvalue) =	ssetifvalue $0x7FFFFFFF;
	v0 =	vld.msk [tilespmem:s16+$0x0 ss:$0x1], $0xffff  }
.Ltmp4:
0x3b: {  	_ = 	snop;
	(pc) =	sbr.rel .LBB2_4-.Ltmp4, $1  }
0x3c: {  	_ =	sdelay $0x3  }
.LBB2_6:
0x3d: {  	_ =	sfence.sel $0x180000  }
0x3e: {  	s2 =	simm.s32 $0x2;
	[bflag:$0x0] =	sbarrier.arrive $0xFFFF  }
0x3f: {  	s30 =	simm.s32 $0x3;
	[sflag:s2] =	ssyncpa.u1 $0x1  }
0x40: {  	s31 =	simm.s32 $0x1;
	[sflag:s30] =	ssyncpa.u1 $0x1  }
0x41: {  	[sflag:s31] =	ssyncpa.u1 $0x1  }
0x42: {  	p0 =	sne.s32 s1, $0x0;
	_ =	strace $0x90000047  }
0x43: {  	s0 =	sadd.s32 @!p0 $0x100000, s0;
	[bflag:$0x2] =	sbarrier.arrive $0xFFFF  }
0x44: {  	[sflag:s0] =	ssyncadd.tile.s32 @!p0 $0x1;
	_ =	shalt  }
.Lfunc_end2:
_tile_overlayer_lowered:
.L_overlay_start_2:
0x45: {  	(tag) =	ssettag $0x2  }
0x46: {  	s0 =	rddreg [dreg:$0x0];
	s2 =	stileid.u32  }
0x47: {  	s1 =	rddreg [dreg:$0x1];
	p0 =	sne.s32 s2, $0x0  }
0x48: {  	s3 =	rddreg [dreg:$0x2];
	[bflag:$0x3] =	sbarrier.arrive $0xFFFF;
	s2 =	simm.s32 @!p0 $0x1C01  }
0x49: {  	[timem:s3], [sflag:s2] =	dma.local @!p0 [hbm:s0], s1  }
0x4a: {  	s0 =	simm.s32 @!p0 $0x1  }
0x4b: {  	_ =	swait.ge @!p0 [sflag:s0], s1  }
0x4c: {  	s1 =	ssub.s32 @!p0 $0x0, s1;
	[sflag:s0] =	ssyncset.done @!p0 $0x0  }
0x4d: {  	[sflag:s0] =	ssyncadd.s32 @!p0 s1  }
0x4e: {  	[bflag:$0x3] =	sbarrier.arrive $0xFFFF  }
0x4f: {  	_ =	shalt  }

// kernel: scatter_offload_async_start.2
scs
__scs_entry_jumppad:
0x0: {  	(pc) =	sbr.rel $0x88, $3  }
0x1: {  	(tag) =	ssettag $0x0;
	lr =	simm.s32 $0x1  }
0x2: {  	[smem:$0x3F81] =	sst lr;
	_ =	strace $0xD0000000  }
0x3: {  	_ = 	snop  }
0x4: {  	_ = 	snop  }
0x5: {  	_ = 	snop  }
0x6: {  	_ = 	snop  }
0x7: {  	_ = 	snop  }
__scs_overlays_trampoline_lowered:
0x8: {  	[smem:$0x3F90] =	sst s0  }
0x9: {  	[smem:$0x3F91] =	sst s1  }
0xa: {  	[smem:$0x3F92] =	sst s2  }
0xb: {  	[smem:$0x3F93] =	sst s3  }
0xc: {  	[smem:$0x3F94] =	sst s4  }
0xd: {  	[smem:$0x3F95] =	sst s5  }
0xe: {  	[smem:$0x3F96] =	sst s6  }
0xf: {  	[smem:$0x3F97] =	sst s7  }
0x10: {  	[smem:$0x3F98] =	sst s8  }
0x11: {  	[smem:$0x3F99] =	sst s9;
	s0 =	simm.s32 @!p0 $0x0  }
0x12: {  	s1 =	sld [smem:$0x3F7F];
	s0 =	simm.s32 @p0 $0x1  }
0x13: {  	[smem:$0x3F9A] =	sst s0;
	s0 =	simm.s32 @!p1 $0x0  }
0x14: {  	s2 =	sld [smem:$0x3F7E];
	s0 =	simm.s32 @p1 $0x1  }
0x15: {  	[smem:$0x3F9B] =	sst s0;
	s0 =	simm.s32 @!p2 $0x0  }
0x16: {  	s3 =	sld [smem:$0x3FDB];
	s0 =	simm.s32 @p2 $0x1  }
0x17: {  	s4 =	simm.s32 $0x1BF5;
	[smem:$0x3F9D] =	sst s0  }
0x18: {  	s0 =	sld [smem:$0x3F80];
	_ =	swait.ge [sflag:s4], $0x0  }
0x19: {  	s7 =	sld [smem:$0x3F81]  }
0x1a: {  	s8 =	sadd.s32 $0xFFFFE003, lr  }
0x1b: {  	s9 =	sadd.s32 $0xFFFFFEF7, lr;
	s5 =	simm.s32 $0xFFFFFFFF;
	p2 =	slt.u32 s8, $0xFFFFF086  }
0x1c: {  	p1 =	slt.u32 s9, $0xF7A;
	s5 =	simm.s32 @!p2 $0x0  }
0x1d: {  	s5 =	simm.s32 @p1 $0x1;
	p0 =	seq.s32 s7, s2  }
0x1e: {  	s7 =	smul.u32 @!p0 $0xF7A, s2;
	p2 =	seq.s32 @!p0 s5, $0x0  }
0x1f: {  	s9 =	smul.u32 $0xF7A, s1;
	s8 =	simm.s32 @!p0 $0x1BF5;
	p2 =	por !p2, p0  }
0x20: {  	[sflag:s8] =	ssyncset.s32 @!p0 $0xFFFFF086;
	s6 =	sadd.s32 @!p0 s3, s7;
	s7 =	simm.s32 @!p0 $0x108  }
0x21: {  	s3 =	sadd.s32 s3, s9;
	s6 =	sadd.s32 @!p0 $0x88, s6;
	s7 =	simm.s32 @p2 $0x1082  }
0x22: {  	[simem:s7], [sflag:s8] =	dma.local @!p0 [hbm:s6], $0xF7A  }
0x23: {  	s9 =	sor.u32 $0xD0000000, s2;
	s6 =	simm.s32 $0x108;
	_ =	swait.ge @!p0 [sflag:s8], $0x0  }
0x24: {  	s3 =	sadd.s32 $0x88, s3;
	s6 =	simm.s32 @!p1 $0x1082;
	[sflag:s4] =	ssyncset.s32 $0xFFFFF086  }
0x25: {  	[simem:s6], [sflag:s4] =	dma.local [hbm:s3], $0xF7A  }
0x26: {  	[smem:$0x3F81] =	sst s1;
	(tag) =	ssettag s2;
	_ =	strace s9  }
0x27: {  	s1 =	sld [smem:$0x3F91]  }
0x28: {  	s2 =	sld [smem:$0x3F92]  }
0x29: {  	s4 =	sld [smem:$0x3F94]  }
0x2a: {  	p0 =	seq.s32 s5, $0x0;
	s5 =	sld [smem:$0x3F95]  }
0x2b: {  	s6 =	sld [smem:$0x3F96]  }
0x2c: {  	s7 =	sld [smem:$0x3F97]  }
0x2d: {  	s3 =	simm.s32 $0x108;
	s8 =	sld [smem:$0x3F98]  }
0x2e: {  	s3 =	simm.s32 @!p0 $0x1082;
	s9 =	sld [smem:$0x3F99]  }
0x2f: {  	lr =	sadd.s32 s0, s3;
	s0 =	sld [smem:$0x3F90]  }
0x30: {  	s3 =	sld [smem:$0x3F93]  }
0x31: {  	[smem:$0x3F9C] =	sst s10  }
0x32: {  	s10 =	sld [smem:$0x3F9A];
	_ =	sdelay $0x3  }
0x33: {  	p0 =	seq.s32 s10, $0x1;
	s10 =	sld [smem:$0x3F9C];
	_ =	sdelay $0x3  }
0x34: {  	[smem:$0x3F9C] =	sst s10  }
0x35: {  	s10 =	sld [smem:$0x3F9B];
	_ =	sdelay $0x3  }
0x36: {  	p1 =	seq.s32 s10, $0x1;
	s10 =	sld [smem:$0x3F9C];
	_ =	sdelay $0x3  }
0x37: {  	[smem:$0x3F9C] =	sst s10  }
0x38: {  	s10 =	sld [smem:$0x3F9D]  }
0x39: {  	_ = 	snop;
	(pc) =	sbr.ind lr, $3  }
0x3a: {  	_ = 	snop  }
0x3b: {  	_ = 	snop  }
0x3c: {  	p2 =	seq.s32 s10, $0x1;
	s10 =	sld [smem:$0x3F9C]  }
0x3d: {  	_ =	shalt  }
0x3e: {  	_ =	shalt  }
0x3f: {  	_ =	shalt  }
0x40: {  	_ =	shalt  }
0x41: {  	_ =	shalt  }
0x42: {  	_ =	shalt  }
0x43: {  	_ =	shalt  }
0x44: {  	_ =	shalt  }
0x45: {  	_ =	shalt  }
0x46: {  	_ =	shalt  }
0x47: {  	_ =	shalt  }
0x48: {  	_ =	shalt  }
0x49: {  	_ =	shalt  }
0x4a: {  	_ =	shalt  }
0x4b: {  	_ =	shalt  }
0x4c: {  	_ =	shalt  }
0x4d: {  	_ =	shalt  }
0x4e: {  	_ =	shalt  }
0x4f: {  	_ =	shalt  }
0x50: {  	_ =	shalt  }
0x51: {  	_ =	shalt  }
0x52: {  	_ =	shalt  }
0x53: {  	_ =	shalt  }
0x54: {  	_ =	shalt  }
0x55: {  	_ =	shalt  }
0x56: {  	_ =	shalt  }
0x57: {  	_ =	shalt  }
0x58: {  	_ =	shalt  }
0x59: {  	_ =	shalt  }
0x5a: {  	_ =	shalt  }
0x5b: {  	_ =	shalt  }
0x5c: {  	_ =	shalt  }
0x5d: {  	_ =	shalt  }
0x5e: {  	_ =	shalt  }
0x5f: {  	_ =	shalt  }
0x60: {  	_ =	shalt  }
0x61: {  	_ =	shalt  }
0x62: {  	_ =	shalt  }
0x63: {  	_ =	shalt  }
0x64: {  	_ =	shalt  }
0x65: {  	_ =	shalt  }
0x66: {  	_ =	shalt  }
0x67: {  	_ =	shalt  }
0x68: {  	_ =	shalt  }
0x69: {  	_ =	shalt  }
0x6a: {  	_ =	shalt  }
0x6b: {  	_ =	shalt  }
0x6c: {  	_ =	shalt  }
0x6d: {  	_ =	shalt  }
0x6e: {  	_ =	shalt  }
0x6f: {  	_ =	shalt  }
0x70: {  	_ =	shalt  }
0x71: {  	_ =	shalt  }
0x72: {  	_ =	shalt  }
0x73: {  	_ =	shalt  }
0x74: {  	_ =	shalt  }
0x75: {  	_ =	shalt  }
0x76: {  	_ =	shalt  }
0x77: {  	_ =	shalt  }
0x78: {  	_ =	shalt  }
0x79: {  	_ =	shalt  }
0x7a: {  	_ =	shalt  }
0x7b: {  	_ =	shalt  }
0x7c: {  	_ =	shalt  }
0x7d: {  	_ =	shalt  }
0x7e: {  	_ =	shalt  }
0x7f: {  	_ =	shalt  }
0x80: {  	_ =	shalt  }
0x81: {  	_ =	shalt  }
0x82: {  	_ =	shalt  }
0x83: {  	_ =	shalt  }
0x84: {  	_ =	shalt  }
0x85: {  	_ =	shalt  }
0x86: {  	_ =	shalt  }
0x87: {  	_ =	shalt  }
.Lfunc_end0:
.L_simem_size_0:
called_computation.2_lowered:
.L_overlay_start_0:
0x88: {  	s2 =	sld [smem:$0x3FD9]  }
0x89: {  	s3 =	sld [smem:$0x3FFE];
	_ =	sdelay $0x1  }
0x8a: {  	s1 =	srdreg.scid  }
0x8b: {  	s0 =	sand.u32 $0x1, s1  }
0x8c: {  	s15 =	sshll.u32 s0, $0xA;
	s2 =	sadd.s32 s3, s2  }
0x8d: {  	s2 =	sadd.s32 s2, s15  }
0x8e: {  	[smem:$0x3FA8] =	sst s2  }
0x8f: {  	_ = 	snop  }
0x90: {  	(tm) =	ssettm $0x1  }
0x91: {  	s16 =	sld [smem:$0x3FFB];
	_ =	sdelay $0x3  }
0x92: {  	_ =	strace s16  }
0x93: {  	s2 =	sld [smem:$0x3FFC];
	_ =	sdelay $0x3  }
0x94: {  	_ =	strace s2  }
0x95: {  	s2 =	sld [smem:$0x3FFD];
	_ =	sdelay $0x3  }
0x96: {  	_ =	strace s2  }
0x97: {  	_ =	strace $0x8FFFFFFF  }
0x98: {  	s17 =	sld [smem:$0x3FDB];
	_ =	sdelay $0x1  }
0x99: {  	s18 =	simm.s32 $_scs_section_size  }
0x9a: {  	s4 =	simm.s32 $_size__tile_overlayer_lowered;
	s5 =	simm.s32 $_tile_overlayer_lowered  }
0x9b: {  	s6 =	simm.s32 $0x1BFF;
	s19 =	sshll.u32 s5, $0x1;
	s3 =	sadd.s32 s18, s17  }
0x9c: {  	s20 =	simm.s32 $0x0;
	s4 =	sshll.u32 s4, $0x1;
	s5 =	sadd.s32 s19, s3  }
0x9d: {  	[timem:s20], [sflag:s6] =	dma.local [hbm:s5], s4  }
0x9e: {  	_ =	swait.ge [sflag:s6], s4  }
0x9f: {  	s4 =	ssub.s32 $0x0, s4;
	[sflag:s6] =	ssyncset.done $0x0  }
0xa0: {  	[sflag:s6] =	ssyncadd.s32 s4;
	_ =	sdelay $0x1  }
0xa1: {  	s21 =	simm.s32 $0x1B8B  }
0xa2: {  	_ =	swait.ge [sflag:s21], $0x1  }
0xa3: {  	[sflag:s21] =	ssyncset.done $0x0  }
0xa4: {  	s22 =	sld [smem:$0x3FFE];
	[sflag:s21] =	ssyncadd.s32 $0xFFFFFFFF  }
0xa5: {  	s24 =	simm.s32 $0x1B8E;
	s23 =	sld [smem:$0x0]  }
0xa6: {  	s25 =	simm.s32 $execute0_lowered;
	[smem:$0x3FD2] =	sst s24  }
0xa7: {  	s6 =	sshll.u32 s25, $0x1;
	_ =	strace $0x8000004C;
	[dreg:$0x1] =	wrdreg $0xFFFFFFFF  }
0xa8: {  	s7 =	simm.s32 $_size_execute0_lowered;
	s6 =	sadd.s32 s3, s6;
	[dreg:$0x0] =	wrdreg $0x0  }
0xa9: {  	s7 =	sshll.u32 s7, $0x1;
	[dreg:$0x2] =	wrdreg s6  }
0xaa: {  	[dreg:$0x3] =	wrdreg s7  }
0xab: {  	[dreg:$0x4] =	wrdreg $0xC0  }
0xac: {  	s26 =	simm.s32 $execute1_lowered;
	_ =	task [dreg:s20], $0x5FFFF  }
0xad: {  	s6 =	sshll.u32 s26, $0x1;
	[dreg:$0x1] =	wrdreg $0xFFFFFFFF  }
0xae: {  	s3 =	sadd.s32 s3, s6;
	[dreg:$0x0] =	wrdreg $0x60  }
0xaf: {  	[dreg:$0x2] =	wrdreg s3  }
0xb0: {  	[dreg:$0x3] =	wrdreg s22  }
0xb1: {  	[dreg:$0x4] =	wrdreg $0x9  }
0xb2: {  	_ =	task.clear_ibuf [dreg:s20], $0x5FFFF;
	_ =	strace $0x9000004C  }
0xb3: {  	s28 =	simm.s32 $0x9;
	_ =	strace $0x8000004E  }
0xb4: {  	_ =	swait.ge [sflag:s28], $0x1  }
0xb5: {  	[sflag:s28] =	ssyncadd.s32 $0xFFFFFFFF  }
0xb6: {  	_ =	strace $0x9000004E  }
0xb7: {  	s3 =	sld [smem:$0x0]  }
0xb8: {  	s6 =	sand.u32 $0xFFFFFFFE, s1  }
0xb9: {  	p0 =	sne.s32 s1, s6  }
0xba: {  	s6 =	sshll.u32 @p0 s6, $0xE  }
0xbb: {  	s6 =	sadd.s32 @p0 $0x11BF3, s6;
	s7 =	sshll.u32 @p0 s3, $0x11  }
0xbc: {  	s6 =	sor.u32 @p0 s7, s6  }
0xbd: {  	[sflag:s6] =	ssyncadd.remote.s32 @p0 $0x1;
	_ =	sdelay $0x1  }
0xbe: {  	s6 =	simm.s32 @p0 $0x1BF3  }
0xbf: {  	_ =	swait.eq @p0 [sflag:s6], $0x1  }
0xc0: {  	[sflag:s6] =	ssyncadd.s32 @p0 $0xFFFFFFFF  }
0xc1: {  	s7 =	sshll.u32 @!p0 s1, $0xE  }
0xc2: {  	s7 =	sor.u32 @!p0 $0x4000, s7;
	s6 =	simm.s32 @!p0 $0x1BF3  }
0xc3: {  	s3 =	sshll.u32 @!p0 s3, $0x11;
	s7 =	sadd.s32 @!p0 $0x11BF3, s7;
	_ =	swait.eq @!p0 [sflag:s6], $0x1  }
0xc4: {  	s3 =	sor.u32 @!p0 s3, s7;
	[sflag:s6] =	ssyncadd.s32 @!p0 $0xFFFFFFFF  }
0xc5: {  	[sflag:s3] =	ssyncadd.remote.s32 @!p0 $0x1  }
0xc6: {  	_ =	strace $0x8000004F;
	[dreg:$0x1] =	wrdreg $0xFFFFFFFF  }
0xc7: {  	[dreg:$0x0] =	wrdreg $0x2030  }
0xc8: {  	[dreg:$0x2] =	wrdreg s22  }
0xc9: {  	[dreg:$0x3] =	wrdreg s1  }
0xca: {  	[dreg:$0x4] =	wrdreg s23  }
0xcb: {  	[dreg:$0x5] =	wrdreg $0xA  }
0xcc: {  	_ =	task.clear_ibuf [dreg:s20], $0x6FFFF;
	_ =	strace $0x9000004F  }
0xcd: {  	s29 =	simm.s32 $0xA;
	_ =	strace $0x80000051  }
0xce: {  	_ =	swait.ge [sflag:s29], $0x1  }
0xcf: {  	[sflag:s29] =	ssyncadd.s32 $0xFFFFFFFF  }
0xd0: {  	_ =	strace $0x90000051  }
0xd1: {  	_ =	sfence  }
0xd2: {  	s30 =	sld [smem:$0x0];
	_ =	sdelay $0x2  }
0xd3: {  	s31 =	sshll.u32 s1, $0xD;
	s1 =	sshrl.u32 s1, $0x2  }
0xd4: {  	s4 =	sand.u32 $0x4000, s31;
	s1 =	sadd.s32 s1, s30  }
0xd5: {  	s0 =	sor.u32 s4, s0;
	s1 =	sshll.u32 s1, $0x11  }
0xd6: {  	s0 =	sor.u32 s1, s0  }
0xd7: {  	s0 =	sadd.s32 $0x8F2B, s0  }
0xd8: {  	[sflag:s0] =	ssyncadd.remote.s32 $0x1  }
0xd9: {  	_ =	sfence.sel $0xFFFF  }
0xda: {  	[dreg:$0x0] =	wrdreg $0xFFFFFFFF;
	(pc) =	sbr.abs _section_cstart, $3  }
0xdb: {  	[dreg:$0x1] =	wrdreg $0xFFFFFFFF  }
0xdc: {  	_ =	task.clear_ibuf [dreg:s20], $0x2FFFF;
	_ =	strace $0x9FFFFFFF  }
0xdd: {  	(tm) =	ssettm $0x7FFFFFFF  }
tec
execute0_lowered:
.L_overlay_start_1:
0x0: {  	(tag) =	ssettag $0x1  }
0x1: {  	s2 =	rddreg [dreg:$0x0]  }
0x2: {  	s5 =	rddreg [dreg:$0x1]  }
0x3: {  	s0 =	rddreg [dreg:$0x2];
	s3 =	stileid.u32;
	[bflag:$0x3] =	sbarrier.arrive $0xFFFF  }
0x4: {  	s1 =	simm.s32 $_size_execute1_lowered;
	s29 =	srdreg.scid;
	s31 =	simm.s32 $0x2  }
0x5: {  	s13 =	simm.s32 $0x0;
	s8 =	simm.s32 $0x20;
	p0 =	sne.s32 s3, $0x0  }
0x6: {  	s1 =	sshll.u32 s1, $0x1;
	s4 =	simm.s32 @!p0 $0x1C3F;
	s6 =	simm.s32 @!p0 $0x4060  }
0x7: {  	[timem:s6], [sflag:s4] =	dma.local @!p0 [hbm:s2], s1  }
0x8: {  	s9 =	simm.s32 $0x80;
	s11 =	simm.s32 $0x0;
	s2 =	sshll.u32 s29, $0x9  }
.Ltmp0:
0x9: {  	s3 =	sshll.u32 s3, $0xA;
	s30 =	sand.u32 $0x200, s2;
	(pc) =	sbr.rel .LBB2_1-.Ltmp0, $4  }
0xa: {  	s12 =	simm.s32 $0x0;
	_ =	strace $0x8000004D;
	s3 =	sor.u32 s3, s30  }
0xb: {  	s4 =	simm.s32 $0x1;
	s2 =	sadd.s32 $0xCB4C00, s5;
	s7 =	ssub.s32 $0x6000, s3  }
0xc: {  	s5 =	sadd.s32 $0xD16800, s5;
	[sflag:s4] =	ssyncpa.u1 $0x0;
	s6 =	sshrl.u32 s7, $0xE  }
0xd: {  	[sflag:s31] =	ssyncpa.u1 $0x0;
	s10 =	smov.u32 s3;
	s7 =	sor.u32 $0x2, s6  }
.LBB2_5:
0xe: {  	_ =	sdelay $0x3  }
0xf: {  	[tilespmem:v1+s16+$0x0 ss:$0x1] =	vst.idx.msk $0xffff, v2  }
.LBB2_6:
0x10: {  	s16 =	sand.u32 $0x1FFFFFF, s11  }
0x11: {  	s17 =	smulhi.u32 $0x14F8B59, s16;
	_ =	sdelay $0x1  }
0x12: {  	s17 =	sshrl.u32 s17, $0x7  }
0x13: {  	s17 =	smul.u32 $0x61A8, s17;
	_ =	sdelay $0x1  }
0x14: {  	s16 =	ssub.s32 s16, s17  }
0x15: {  	s16 =	sshll.u32 s16, $0x4  }
0x16: {  	s16 =	sadd.s32 s5, s16  }
0x17: {  	[hbm4b:s16+s8] =	stream.strided.scatter [tilespmem:s15], [sflag:$0x2], s14, s9, s8, $0x38;
	[tilespmem:$0x10000] =	vst v63  }
.LBB2_7:
0x18: {  	p1 =	slt.u32 s12, $0x2  }
0x19: {  	p2 =	sgt.s32 @!p1 s13, $0x5FA8  }
0x1a: {  	s14 =	smov.u32 s13;
	s15 =	sshra.s32 @!p1 s13, $0x1F;
	p2 =	por !p2, p1  }
0x1b: {  	s13 =	sand.u32 @!p1 s15, s13;
	s14 =	simm.s32 @p2 $0x5FA8  }
0x1c: {  	s13 =	ssub.s32 @!p1 s14, s13  }
0x1d: {  	s13 =	sadd.s32 @!p1 $0xFFFFA058, s13  }
0x1e: {  	s14 =	sshll.u32 @!p1 s13, $0x7  }
0x1f: {  	p2 =	sgt.s32 @!p1 s13, $0x1FF;
	s13 =	ssub.s32 @!p1 $0x10000, s14  }
0x20: {  	s15 =	sadd.s32 $0x4000, s10;
	p2 =	por !p2, p1;
	s13 =	sshrl.u32 @!p1 s13, $0x2  }
0x21: {  	s13 =	simm.s32 @!p2 $0x0;
	p2 =	sgt.s32 s15, $0x61A7  }
0x22: {  	s15 =	smov.u32 @p2 s3;
	p2 =	sne.s32 s12, s7  }
.Ltmp1:
0x23: {  	_ = 	snop;
	(pc) =	sbr.rel @!p2 .LBB2_8-.Ltmp1, $4  }
0x24: {  	s14 =	simm.s32 @!p1 $0x2  }
0x25: {  	_ =	swait.ge @!p1 [sflag:s14], s13;
	s16 =	ssub.s32 @!p1 $0x0, s13  }
0x26: {  	s13 =	smov.u32 s11;
	s12 =	sadd.s32 $0x1, s12;
	[sflag:s14] =	ssyncset.done @!p1 $0x0  }
0x27: {  	s11 =	smov.u32 s10;
	s10 =	smov.u32 s15;
	[sflag:s14] =	ssyncadd.s32 @!p1 s16  }
.LBB2_1:
0x28: {  	p1 =	sgt.u32 s12, s6  }
0x29: {  	s15 =	smov.u32 s10;
	p2 =	sgt.s32 @!p1 s10, $0x5FA8  }
0x2a: {  	s14 =	sand.u32 @!p1 $0x1FFFFFF, s10;
	s16 =	sshra.s32 @!p1 s10, $0x1F;
	p2 =	por !p2, p1  }
0x2b: {  	s17 =	smulhi.u32 @!p1 $0x14F8B59, s14;
	s16 =	sand.u32 @!p1 s16, s10;
	s15 =	simm.s32 @p2 $0x5FA8  }
0x2c: {  	s15 =	ssub.s32 @!p1 s15, s16  }
0x2d: {  	s16 =	sshrl.u32 @!p1 s17, $0x7;
	s15 =	sadd.s32 @!p1 $0xFFFFA058, s15  }
0x2e: {  	s17 =	sxor.u32 @!p1 $0xFFFFFFFF, s12;
	s16 =	smul.u32 @!p1 $0x61A8, s16;
	s18 =	sshll.u32 @!p1 s15, $0x7  }
0x2f: {  	s17 =	sshll.u32 @!p1 s17, $0xE;
	p2 =	sgt.s32 @!p1 s15, $0x1FF;
	s15 =	ssub.s32 @!p1 $0x10000, s18  }
0x30: {  	s14 =	ssub.s32 @!p1 s14, s16;
	p2 =	por !p2, p1;
	s16 =	sand.u32 @!p1 $0x4000, s17  }
0x31: {  	s17 =	simm.s32 @!p1 $0x20;
	s15 =	sshrl.u32 @!p1 s15, $0x2;
	s14 =	sshll.u32 @!p1 s14, $0x4  }
0x32: {  	s18 =	simm.s32 @!p1 $0x80;
	s15 =	simm.s32 @!p2 $0x0;
	s14 =	sadd.s32 @!p1 s2, s14  }
0x33: {  	[tilespmem:s16], [sflag:$0x1] =	stream.strided.gather @!p1 [hbm4b:s14+s17], s15, s18, s17, $0x38;
	[tilespmem:$0x10000] =	vst v63  }
0x34: {  	p1 =	seq.s32 s12, $0x0  }
0x35: {  	p2 =	sge.u32 @!p1 s12, s7  }
0x36: {  	p1 =	por p1, p2  }
.Ltmp2:
0x37: {  	_ = 	snop;
	(pc) =	sbr.rel @p1 .LBB2_7-.Ltmp2, $1  }
0x38: {  	_ =	sdelay $0x3  }
0x39: {  	p1 =	sgt.s32 s11, $0x5FA8;
	s14 =	smov.u32 s11;
	s15 =	sshra.s32 s11, $0x1F  }
0x3a: {  	s14 =	simm.s32 @!p1 $0x5FA8;
	s15 =	sand.u32 s15, s11  }
0x3b: {  	s14 =	ssub.s32 s14, s15  }
0x3c: {  	s14 =	sadd.s32 $0xFFFFA058, s14  }
0x3d: {  	s31 =	sshll.u32 s14, $0x7  }
0x3e: {  	s15 =	ssub.s32 $0x10000, s31  }
0x3f: {  	p1 =	sgt.s32 s14, $0x1FF;
	s14 =	sshrl.u32 s15, $0x2;
	s15 =	sadd.s32 $0x200, s11  }
0x40: {  	s14 =	simm.s32 @p1 $0x0;
	p1 =	slt.s32 s15, $0x61A8  }
0x41: {  	s15 =	simm.s32 @!p1 $0x61A8  }
0x42: {  	s17 =	ssub.s32 s15, s11  }
0x43: {  	p1 =	slt.s32 s17, $0x1  }
.Ltmp3:
0x44: {  	_ = 	snop;
	(pc) =	sbr.rel @p1 .LBB2_6-.Ltmp3, $4  }
0x45: {  	_ = 	snop  }
0x46: {  	s16 =	sshll.u32 s12, $0xE;
	_ =	swait.ge [sflag:s4], s14  }
0x47: {  	s16 =	sand.u32 $0x4000, s16;
	s18 =	ssub.s32 $0x0, s14;
	[sflag:s4] =	ssyncset.done $0x0  }
0x48: {  	s15 =	sor.u32 $0x8000, s16;
	[sflag:s4] =	ssyncadd.s32 s18  }
0x49: {  	v0 =	vmov s16;
	_ =	sdelay $0x2  }
0x4a: {  	s31 =	simm.s32 $0x0;
	p1 =	sne.s32 s17, $0x1  }
.Ltmp4:
0x4b: {  	s16 =	sand.u32 $0x3FE0, s31;
	(pc) =	sbr.rel @!p1 .LBB2_5-.Ltmp4, $2  }
0x4c: {  	v1 =	vmov s15;
	v2 =	vld.idx.msk [tilespmem:v0+s16+$0x0 ss:$0x1], $0xffff;
	_ =	sdelay $0x2  }
0x4d: {  	s17 =	sadd.s32 $0xFFFFFFFF, s17;
	s18 =	simm.s32 $0x20  }
.LBB2_4:
0x4e: {  	s19 =	sand.u32 $0x3FE0, s18;
	p1 =	sne.s32 s17, $0x1;
	s17 =	sadd.s32 $0xFFFFFFFF, s17  }
.Ltmp5:
0x4f: {  	[tilespmem:v1+s16+$0x0 ss:$0x1] =	vst.idx.msk $0xffff, v2;
	v2 =	vld.idx.msk [tilespmem:v0+s19+$0x0 ss:$0x1], $0xffff;
	s16 =	smov.u32 s19;
	(pc) =	sbr.rel @p1 .LBB2_4-.Ltmp5, $2  }
0x50: {  	_ =	sdelay $0x2  }
0x51: {  	s18 =	sadd.s32 $0x20, s18  }
.Ltmp6:
0x52: {  	_ = 	snop;
	(pc) =	sbr.rel .LBB2_5-.Ltmp6, $1  }
0x53: {  	_ =	sdelay $0x3  }
.LBB2_8:
0x54: {  	_ =	sfence.sel $0x180000  }
0x55: {  	s2 =	simm.s32 $0x1;
	[bflag:$0x0] =	sbarrier.arrive $0xFFFF  }
0x56: {  	s31 =	simm.s32 $0x2;
	[sflag:s2] =	ssyncpa.u1 $0x1  }
0x57: {  	[sflag:s31] =	ssyncpa.u1 $0x1  }
0x58: {  	_ =	strace $0x9000004D  }
0x59: {  	s0 =	sadd.s32 @!p0 $0x100000, s0;
	[bflag:$0x2] =	sbarrier.arrive $0xFFFF  }
0x5a: {  	[sflag:s0] =	ssyncadd.tile.s32 @!p0 $0x1;
	s0 =	simm.s32 @!p0 $0x3F  }
0x5b: {  	_ =	swait.ge @!p0 [sflag:s0], s1  }
0x5c: {  	s1 =	ssub.s32 @!p0 $0x0, s1;
	[sflag:s0] =	ssyncset.done @!p0 $0x0  }
0x5d: {  	[sflag:s0] =	ssyncadd.s32 @!p0 s1  }
0x5e: {  	[bflag:$0x3] =	sbarrier.arrive $0xFFFF  }
0x5f: {  	_ =	shalt  }
.Lfunc_end2:
execute1_lowered:
.L_overlay_start_2:
0x60: {  	(tag) =	ssettag $0x2  }
0x61: {  	s6 =	rddreg [dreg:$0x0];
	_ =	strace $0x80000050;
	s5 =	simm.s32 $0x1  }
0x62: {  	v0 =	vimm.s32 $0x0;
	[sflag:s5] =	ssyncpa.u1 $0x0  }
0x63: {  	[tilespmem:$0x28] =	vst v0  }
0x64: {  	[tilespmem:$0x38] =	vst v0  }
0x65: {  	[tilespmem:$0x48] =	vst v0  }
0x66: {  	[tilespmem:$0x58] =	vst v0  }
0x67: {  	[tilespmem:$0x68] =	vst v0  }
0x68: {  	[tilespmem:$0x78] =	vst v0  }
0x69: {  	[tilespmem:$0x88] =	vst v0  }
0x6a: {  	[tilespmem:$0x98] =	vst v0  }
0x6b: {  	[tilespmem:$0xA8] =	vst v0  }
0x6c: {  	[tilespmem:$0xB8] =	vst v0  }
0x6d: {  	[tilespmem:$0xC8] =	vst v0  }
0x6e: {  	[tilespmem:$0xD8] =	vst v0  }
0x6f: {  	[tilespmem:$0xE8] =	vst v0  }
0x70: {  	[tilespmem:$0xF8] =	vst v0  }
0x71: {  	[tilespmem:$0x108] =	vst v0  }
0x72: {  	[tilespmem:$0x118] =	vst v0  }
0x73: {  	[tilespmem:$0x128] =	vst v0  }
0x74: {  	[tilespmem:$0x138] =	vst v0  }
0x75: {  	[tilespmem:$0x148] =	vst v0  }
0x76: {  	[tilespmem:$0x158] =	vst v0  }
0x77: {  	[tilespmem:$0x168] =	vst v0  }
0x78: {  	[tilespmem:$0x178] =	vst v0  }
0x79: {  	[tilespmem:$0x188] =	vst v0  }
0x7a: {  	[tilespmem:$0x198] =	vst v0  }
0x7b: {  	[tilespmem:$0x1A8] =	vst v0  }
0x7c: {  	[tilespmem:$0x1B8] =	vst v0  }
0x7d: {  	[tilespmem:$0x1C8] =	vst v0  }
0x7e: {  	[tilespmem:$0x1D8] =	vst v0  }
0x7f: {  	[tilespmem:$0x1E8] =	vst v0  }
0x80: {  	[tilespmem:$0x1F8] =	vst v0  }
0x81: {  	[tilespmem:$0x208] =	vst v0  }
0x82: {  	[tilespmem:$0x218] =	vst v0  }
0x83: {  	[tilespmem:$0x228] =	vst v0  }
0x84: {  	[tilespmem:$0x238] =	vst v0  }
0x85: {  	[tilespmem:$0x248] =	vst v0  }
0x86: {  	[tilespmem:$0x258] =	vst v0  }
0x87: {  	[tilespmem:$0x268] =	vst v0  }
0x88: {  	[tilespmem:$0x278] =	vst v0  }
0x89: {  	[tilespmem:$0x288] =	vst v0  }
0x8a: {  	[tilespmem:$0x298] =	vst v0  }
0x8b: {  	[tilespmem:$0x2A8] =	vst v0  }
0x8c: {  	[tilespmem:$0x2B8] =	vst v0  }
0x8d: {  	[tilespmem:$0x2C8] =	vst v0  }
0x8e: {  	[tilespmem:$0x2D8] =	vst v0  }
0x8f: {  	[tilespmem:$0x2E8] =	vst v0  }
0x90: {  	[tilespmem:$0x2F8] =	vst v0  }
0x91: {  	[tilespmem:$0x308] =	vst v0  }
0x92: {  	[tilespmem:$0x318] =	vst v0  }
0x93: {  	[tilespmem:$0x328] =	vst v0  }
0x94: {  	[tilespmem:$0x338] =	vst v0  }
0x95: {  	[tilespmem:$0x348] =	vst v0  }
0x96: {  	[tilespmem:$0x358] =	vst v0  }
0x97: {  	[tilespmem:$0x368] =	vst v0  }
0x98: {  	[tilespmem:$0x378] =	vst v0  }
0x99: {  	[tilespmem:$0x388] =	vst v0  }
0x9a: {  	[tilespmem:$0x398] =	vst v0  }
0x9b: {  	[tilespmem:$0x3A8] =	vst v0  }
0x9c: {  	[tilespmem:$0x3B8] =	vst v0  }
0x9d: {  	[tilespmem:$0x3C8] =	vst v0  }
0x9e: {  	[tilespmem:$0x3D8] =	vst v0  }
0x9f: {  	[tilespmem:$0x3E8] =	vst v0  }
0xa0: {  	[tilespmem:$0x3F8] =	vst v0  }
0xa1: {  	[tilespmem:$0x408] =	vst v0  }
0xa2: {  	[tilespmem:$0x418] =	vst v0  }
0xa3: {  	[tilespmem:$0x428] =	vst v0  }
0xa4: {  	[tilespmem:$0x438] =	vst v0  }
0xa5: {  	[tilespmem:$0x448] =	vst v0  }
0xa6: {  	[tilespmem:$0x458] =	vst v0  }
0xa7: {  	[tilespmem:$0x468] =	vst v0  }
0xa8: {  	[tilespmem:$0x478] =	vst v0  }
0xa9: {  	[tilespmem:$0x488] =	vst v0  }
0xaa: {  	[tilespmem:$0x498] =	vst v0  }
0xab: {  	[tilespmem:$0x4A8] =	vst v0  }
0xac: {  	[tilespmem:$0x4B8] =	vst v0  }
0xad: {  	[tilespmem:$0x4C8] =	vst v0  }
0xae: {  	[tilespmem:$0x4D8] =	vst v0  }
0xaf: {  	[tilespmem:$0x4E8] =	vst v0  }
0xb0: {  	[tilespmem:$0x4F8] =	vst v0  }
0xb1: {  	[tilespmem:$0x508] =	vst v0  }
0xb2: {  	[tilespmem:$0x518] =	vst v0  }
0xb3: {  	[tilespmem:$0x528] =	vst v0  }
0xb4: {  	[tilespmem:$0x538] =	vst v0  }
0xb5: {  	[tilespmem:$0x548] =	vst v0  }
0xb6: {  	[tilespmem:$0x558] =	vst v0  }
0xb7: {  	[tilespmem:$0x568] =	vst v0  }
0xb8: {  	[tilespmem:$0x578] =	vst v0  }
0xb9: {  	[tilespmem:$0x588] =	vst v0  }
0xba: {  	[tilespmem:$0x598] =	vst v0  }
0xbb: {  	[tilespmem:$0x5A8] =	vst v0  }
0xbc: {  	[tilespmem:$0x5B8] =	vst v0  }
0xbd: {  	[tilespmem:$0x5C8] =	vst v0  }
0xbe: {  	[tilespmem:$0x5D8] =	vst v0  }
0xbf: {  	[tilespmem:$0x5E8] =	vst v0  }
0xc0: {  	[tilespmem:$0x5F8] =	vst v0  }
0xc1: {  	[tilespmem:$0x608] =	vst v0  }
0xc2: {  	[tilespmem:$0x618] =	vst v0  }
0xc3: {  	[tilespmem:$0x628] =	vst v0  }
0xc4: {  	[tilespmem:$0x638] =	vst v0  }
0xc5: {  	[tilespmem:$0x648] =	vst v0  }
0xc6: {  	[tilespmem:$0x658] =	vst v0  }
0xc7: {  	[tilespmem:$0x668] =	vst v0  }
0xc8: {  	[tilespmem:$0x678] =	vst v0  }
0xc9: {  	[tilespmem:$0x688] =	vst v0  }
0xca: {  	[tilespmem:$0x698] =	vst v0  }
0xcb: {  	[tilespmem:$0x6A8] =	vst v0  }
0xcc: {  	[tilespmem:$0x6B8] =	vst v0  }
0xcd: {  	[tilespmem:$0x6C8] =	vst v0  }
0xce: {  	[tilespmem:$0x6D8] =	vst v0  }
0xcf: {  	[tilespmem:$0x6E8] =	vst v0  }
0xd0: {  	[tilespmem:$0x6F8] =	vst v0  }
0xd1: {  	[tilespmem:$0x708] =	vst v0  }
0xd2: {  	[tilespmem:$0x718] =	vst v0  }
0xd3: {  	[tilespmem:$0x728] =	vst v0  }
0xd4: {  	[tilespmem:$0x738] =	vst v0  }
0xd5: {  	[tilespmem:$0x748] =	vst v0  }
0xd6: {  	[tilespmem:$0x758] =	vst v0  }
0xd7: {  	[tilespmem:$0x768] =	vst v0  }
0xd8: {  	[tilespmem:$0x778] =	vst v0  }
0xd9: {  	[tilespmem:$0x788] =	vst v0  }
0xda: {  	[tilespmem:$0x798] =	vst v0  }
0xdb: {  	[tilespmem:$0x7A8] =	vst v0  }
0xdc: {  	[tilespmem:$0x7B8] =	vst v0  }
0xdd: {  	[tilespmem:$0x7C8] =	vst v0  }
0xde: {  	[tilespmem:$0x7D8] =	vst v0  }
0xdf: {  	[tilespmem:$0x7E8] =	vst v0  }
0xe0: {  	[tilespmem:$0x7F8] =	vst v0  }
0xe1: {  	[tilespmem:$0x808] =	vst v0  }
0xe2: {  	[tilespmem:$0x818] =	vst v0  }
0xe3: {  	[tilespmem:$0x828] =	vst v0  }
0xe4: {  	[tilespmem:$0x838] =	vst v0  }
0xe5: {  	[tilespmem:$0x848] =	vst v0  }
0xe6: {  	[tilespmem:$0x858] =	vst v0  }
0xe7: {  	[tilespmem:$0x868] =	vst v0  }
0xe8: {  	[tilespmem:$0x878] =	vst v0  }
0xe9: {  	[tilespmem:$0x888] =	vst v0  }
0xea: {  	[tilespmem:$0x898] =	vst v0  }
0xeb: {  	[tilespmem:$0x8A8] =	vst v0  }
0xec: {  	[tilespmem:$0x8B8] =	vst v0  }
0xed: {  	[tilespmem:$0x8C8] =	vst v0  }
0xee: {  	[tilespmem:$0x8D8] =	vst v0  }
0xef: {  	[tilespmem:$0x8E8] =	vst v0  }
0xf0: {  	[tilespmem:$0x8F8] =	vst v0  }
0xf1: {  	[tilespmem:$0x908] =	vst v0  }
0xf2: {  	[tilespmem:$0x918] =	vst v0  }
0xf3: {  	[tilespmem:$0x928] =	vst v0  }
0xf4: {  	[tilespmem:$0x938] =	vst v0  }
0xf5: {  	[tilespmem:$0x948] =	vst v0  }
0xf6: {  	[tilespmem:$0x958] =	vst v0  }
0xf7: {  	[tilespmem:$0x968] =	vst v0  }
0xf8: {  	[tilespmem:$0x978] =	vst v0  }
0xf9: {  	[tilespmem:$0x988] =	vst v0  }
0xfa: {  	[tilespmem:$0x998] =	vst v0  }
0xfb: {  	[tilespmem:$0x9A8] =	vst v0  }
0xfc: {  	[tilespmem:$0x9B8] =	vst v0  }
0xfd: {  	[tilespmem:$0x9C8] =	vst v0  }
0xfe: {  	[tilespmem:$0x9D8] =	vst v0  }
0xff: {  	[tilespmem:$0x9E8] =	vst v0  }
0x100: {  	[tilespmem:$0x9F8] =	vst v0  }
0x101: {  	[tilespmem:$0xA08] =	vst v0  }
0x102: {  	[tilespmem:$0xA18] =	vst v0  }
0x103: {  	[tilespmem:$0xA28] =	vst v0  }
0x104: {  	[tilespmem:$0xA38] =	vst v0  }
0x105: {  	[tilespmem:$0xA48] =	vst v0  }
0x106: {  	[tilespmem:$0xA58] =	vst v0  }
0x107: {  	[tilespmem:$0xA68] =	vst v0  }
0x108: {  	[tilespmem:$0xA78] =	vst v0  }
0x109: {  	[tilespmem:$0xA88] =	vst v0  }
0x10a: {  	[tilespmem:$0xA98] =	vst v0  }
0x10b: {  	[tilespmem:$0xAA8] =	vst v0  }
0x10c: {  	[tilespmem:$0xAB8] =	vst v0  }
0x10d: {  	[tilespmem:$0xAC8] =	vst v0  }
0x10e: {  	[tilespmem:$0xAD8] =	vst v0  }
0x10f: {  	[tilespmem:$0xAE8] =	vst v0  }
0x110: {  	[tilespmem:$0xAF8] =	vst v0  }
0x111: {  	[tilespmem:$0xB08] =	vst v0  }
0x112: {  	[tilespmem:$0xB18] =	vst v0  }
0x113: {  	[tilespmem:$0xB28] =	vst v0  }
0x114: {  	[tilespmem:$0xB38] =	vst v0  }
0x115: {  	[tilespmem:$0xB48] =	vst v0  }
0x116: {  	[tilespmem:$0xB58] =	vst v0  }
0x117: {  	[tilespmem:$0xB68] =	vst v0  }
0x118: {  	[tilespmem:$0xB78] =	vst v0  }
0x119: {  	[tilespmem:$0xB88] =	vst v0  }
0x11a: {  	[tilespmem:$0xB98] =	vst v0  }
0x11b: {  	[tilespmem:$0xBA8] =	vst v0  }
0x11c: {  	[tilespmem:$0xBB8] =	vst v0  }
0x11d: {  	[tilespmem:$0xBC8] =	vst v0  }
0x11e: {  	[tilespmem:$0xBD8] =	vst v0  }
0x11f: {  	[tilespmem:$0xBE8] =	vst v0  }
0x120: {  	[tilespmem:$0xBF8] =	vst v0  }
0x121: {  	[tilespmem:$0xC08] =	vst v0  }
0x122: {  	[tilespmem:$0xC18] =	vst v0  }
0x123: {  	[tilespmem:$0xC28] =	vst v0  }
0x124: {  	[tilespmem:$0xC38] =	vst v0  }
0x125: {  	[tilespmem:$0xC48] =	vst v0  }
0x126: {  	[tilespmem:$0xC58] =	vst v0  }
0x127: {  	[tilespmem:$0xC68] =	vst v0  }
0x128: {  	[tilespmem:$0xC78] =	vst v0  }
0x129: {  	[tilespmem:$0xC88] =	vst v0  }
0x12a: {  	[tilespmem:$0xC98] =	vst v0  }
0x12b: {  	[tilespmem:$0xCA8] =	vst v0  }
0x12c: {  	[tilespmem:$0xCB8] =	vst v0  }
0x12d: {  	[tilespmem:$0xCC8] =	vst v0  }
0x12e: {  	[tilespmem:$0xCD8] =	vst v0  }
0x12f: {  	[tilespmem:$0xCE8] =	vst v0  }
0x130: {  	[tilespmem:$0xCF8] =	vst v0  }
0x131: {  	[tilespmem:$0xD08] =	vst v0  }
0x132: {  	[tilespmem:$0xD18] =	vst v0  }
0x133: {  	[tilespmem:$0xD28] =	vst v0  }
0x134: {  	[tilespmem:$0xD38] =	vst v0  }
0x135: {  	[tilespmem:$0xD48] =	vst v0  }
0x136: {  	[tilespmem:$0xD58] =	vst v0  }
0x137: {  	[tilespmem:$0xD68] =	vst v0  }
0x138: {  	[tilespmem:$0xD78] =	vst v0  }
0x139: {  	[tilespmem:$0xD88] =	vst v0  }
0x13a: {  	[tilespmem:$0xD98] =	vst v0  }
0x13b: {  	[tilespmem:$0xDA8] =	vst v0  }
0x13c: {  	[tilespmem:$0xDB8] =	vst v0  }
0x13d: {  	[tilespmem:$0xDC8] =	vst v0  }
0x13e: {  	[tilespmem:$0xDD8] =	vst v0  }
0x13f: {  	[tilespmem:$0xDE8] =	vst v0  }
0x140: {  	[tilespmem:$0xDF8] =	vst v0  }
0x141: {  	[tilespmem:$0xE08] =	vst v0  }
0x142: {  	[tilespmem:$0xE18] =	vst v0  }
0x143: {  	[tilespmem:$0xE28] =	vst v0  }
0x144: {  	[tilespmem:$0xE38] =	vst v0  }
0x145: {  	[tilespmem:$0xE48] =	vst v0  }
0x146: {  	[tilespmem:$0xE58] =	vst v0  }
0x147: {  	[tilespmem:$0xE68] =	vst v0  }
0x148: {  	[tilespmem:$0xE78] =	vst v0  }
0x149: {  	[tilespmem:$0xE88] =	vst v0  }
0x14a: {  	[tilespmem:$0xE98] =	vst v0  }
0x14b: {  	[tilespmem:$0xEA8] =	vst v0  }
0x14c: {  	[tilespmem:$0xEB8] =	vst v0  }
0x14d: {  	[tilespmem:$0xEC8] =	vst v0  }
0x14e: {  	[tilespmem:$0xED8] =	vst v0  }
0x14f: {  	[tilespmem:$0xEE8] =	vst v0  }
0x150: {  	[tilespmem:$0xEF8] =	vst v0  }
0x151: {  	[tilespmem:$0xF08] =	vst v0  }
0x152: {  	[tilespmem:$0xF18] =	vst v0  }
0x153: {  	[tilespmem:$0xF28] =	vst v0  }
0x154: {  	[tilespmem:$0xF38] =	vst v0  }
0x155: {  	[tilespmem:$0xF48] =	vst v0  }
0x156: {  	[tilespmem:$0xF58] =	vst v0  }
0x157: {  	[tilespmem:$0xF68] =	vst v0  }
0x158: {  	[tilespmem:$0xF78] =	vst v0  }
0x159: {  	[tilespmem:$0xF88] =	vst v0  }
0x15a: {  	[tilespmem:$0xF98] =	vst v0  }
0x15b: {  	[tilespmem:$0xFA8] =	vst v0  }
0x15c: {  	[tilespmem:$0xFB8] =	vst v0  }
0x15d: {  	[tilespmem:$0xFC8] =	vst v0  }
0x15e: {  	[tilespmem:$0xFD8] =	vst v0  }
0x15f: {  	[tilespmem:$0xFE8] =	vst v0  }
0x160: {  	[tilespmem:$0xFF8] =	vst v0  }
0x161: {  	[tilespmem:$0x1008] =	vst v0  }
0x162: {  	[tilespmem:$0x10E8] =	vst v0  }
0x163: {  	[tilespmem:$0x1C28] =	vst v0  }
0x164: {  	[tilespmem:$0x1C18] =	vst v0  }
0x165: {  	[tilespmem:$0x1C08] =	vst v0  }
0x166: {  	[tilespmem:$0x1BF8] =	vst v0  }
0x167: {  	[tilespmem:$0x1BE8] =	vst v0  }
0x168: {  	[tilespmem:$0x1BD8] =	vst v0  }
0x169: {  	[tilespmem:$0x1BC8] =	vst v0  }
0x16a: {  	[tilespmem:$0x1BB8] =	vst v0  }
0x16b: {  	[tilespmem:$0x1BA8] =	vst v0  }
0x16c: {  	[tilespmem:$0x1B98] =	vst v0  }
0x16d: {  	[tilespmem:$0x1B88] =	vst v0  }
0x16e: {  	[tilespmem:$0x1B78] =	vst v0  }
0x16f: {  	[tilespmem:$0x1B68] =	vst v0  }
0x170: {  	[tilespmem:$0x1B58] =	vst v0  }
0x171: {  	[tilespmem:$0x1B48] =	vst v0  }
0x172: {  	[tilespmem:$0x1B38] =	vst v0  }
0x173: {  	[tilespmem:$0x1B28] =	vst v0  }
0x174: {  	[tilespmem:$0x1B18] =	vst v0  }
0x175: {  	[tilespmem:$0x1B08] =	vst v0  }
0x176: {  	[tilespmem:$0x1AF8] =	vst v0  }
0x177: {  	[tilespmem:$0x1AE8] =	vst v0  }
0x178: {  	[tilespmem:$0x1AD8] =	vst v0  }
0x179: {  	[tilespmem:$0x1AC8] =	vst v0  }
0x17a: {  	[tilespmem:$0x1AB8] =	vst v0  }
0x17b: {  	[tilespmem:$0x1AA8] =	vst v0  }
0x17c: {  	[tilespmem:$0x1A98] =	vst v0  }
0x17d: {  	[tilespmem:$0x1A88] =	vst v0  }
0x17e: {  	[tilespmem:$0x1A78] =	vst v0  }
0x17f: {  	[tilespmem:$0x1A68] =	vst v0  }
0x180: {  	[tilespmem:$0x1A58] =	vst v0  }
0x181: {  	[tilespmem:$0x1A48] =	vst v0  }
0x182: {  	[tilespmem:$0x1A38] =	vst v0  }
0x183: {  	[tilespmem:$0x1A28] =	vst v0  }
0x184: {  	[tilespmem:$0x1A18] =	vst v0  }
0x185: {  	[tilespmem:$0x1A08] =	vst v0  }
0x186: {  	[tilespmem:$0x19F8] =	vst v0  }
0x187: {  	[tilespmem:$0x19E8] =	vst v0  }
0x188: {  	[tilespmem:$0x19D8] =	vst v0  }
0x189: {  	[tilespmem:$0x19C8] =	vst v0  }
0x18a: {  	[tilespmem:$0x19B8] =	vst v0  }
0x18b: {  	[tilespmem:$0x19A8] =	vst v0  }
0x18c: {  	[tilespmem:$0x1998] =	vst v0  }
0x18d: {  	[tilespmem:$0x1988] =	vst v0  }
0x18e: {  	[tilespmem:$0x1978] =	vst v0  }
0x18f: {  	[tilespmem:$0x1968] =	vst v0  }
0x190: {  	[tilespmem:$0x1958] =	vst v0  }
0x191: {  	[tilespmem:$0x1948] =	vst v0  }
0x192: {  	[tilespmem:$0x1938] =	vst v0  }
0x193: {  	[tilespmem:$0x1928] =	vst v0  }
0x194: {  	[tilespmem:$0x1918] =	vst v0  }
0x195: {  	[tilespmem:$0x1908] =	vst v0  }
0x196: {  	[tilespmem:$0x18F8] =	vst v0  }
0x197: {  	[tilespmem:$0x18E8] =	vst v0  }
0x198: {  	[tilespmem:$0x18D8] =	vst v0  }
0x199: {  	[tilespmem:$0x18C8] =	vst v0  }
0x19a: {  	[tilespmem:$0x18B8] =	vst v0  }
0x19b: {  	[tilespmem:$0x18A8] =	vst v0  }
0x19c: {  	[tilespmem:$0x1898] =	vst v0  }
0x19d: {  	[tilespmem:$0x1888] =	vst v0  }
0x19e: {  	[tilespmem:$0x1878] =	vst v0  }
0x19f: {  	[tilespmem:$0x1868] =	vst v0  }
0x1a0: {  	[tilespmem:$0x1858] =	vst v0  }
0x1a1: {  	[tilespmem:$0x1848] =	vst v0  }
0x1a2: {  	[tilespmem:$0x1838] =	vst v0  }
0x1a3: {  	[tilespmem:$0x1828] =	vst v0  }
0x1a4: {  	[tilespmem:$0x1818] =	vst v0  }
0x1a5: {  	[tilespmem:$0x1808] =	vst v0  }
0x1a6: {  	[tilespmem:$0x17F8] =	vst v0  }
0x1a7: {  	[tilespmem:$0x17E8] =	vst v0  }
0x1a8: {  	[tilespmem:$0x17D8] =	vst v0  }
0x1a9: {  	[tilespmem:$0x17C8] =	vst v0  }
0x1aa: {  	[tilespmem:$0x17B8] =	vst v0  }
0x1ab: {  	[tilespmem:$0x17A8] =	vst v0  }
0x1ac: {  	[tilespmem:$0x1798] =	vst v0  }
0x1ad: {  	[tilespmem:$0x1788] =	vst v0  }
0x1ae: {  	[tilespmem:$0x1778] =	vst v0  }
0x1af: {  	[tilespmem:$0x1768] =	vst v0  }
0x1b0: {  	[tilespmem:$0x1758] =	vst v0  }
0x1b1: {  	[tilespmem:$0x1748] =	vst v0  }
0x1b2: {  	[tilespmem:$0x1738] =	vst v0  }
0x1b3: {  	[tilespmem:$0x1728] =	vst v0  }
0x1b4: {  	[tilespmem:$0x1718] =	vst v0  }
0x1b5: {  	[tilespmem:$0x1708] =	vst v0  }
0x1b6: {  	[tilespmem:$0x16F8] =	vst v0  }
0x1b7: {  	[tilespmem:$0x16E8] =	vst v0  }
0x1b8: {  	[tilespmem:$0x16D8] =	vst v0  }
0x1b9: {  	[tilespmem:$0x16C8] =	vst v0  }
0x1ba: {  	[tilespmem:$0x16B8] =	vst v0  }
0x1bb: {  	[tilespmem:$0x16A8] =	vst v0  }
0x1bc: {  	[tilespmem:$0x1698] =	vst v0  }
0x1bd: {  	[tilespmem:$0x1688] =	vst v0  }
0x1be: {  	[tilespmem:$0x1678] =	vst v0  }
0x1bf: {  	[tilespmem:$0x1668] =	vst v0  }
0x1c0: {  	[tilespmem:$0x1658] =	vst v0  }
0x1c1: {  	[tilespmem:$0x1648] =	vst v0  }
0x1c2: {  	[tilespmem:$0x1638] =	vst v0  }
0x1c3: {  	[tilespmem:$0x1628] =	vst v0  }
0x1c4: {  	[tilespmem:$0x1618] =	vst v0  }
0x1c5: {  	[tilespmem:$0x1608] =	vst v0  }
0x1c6: {  	[tilespmem:$0x15F8] =	vst v0  }
0x1c7: {  	[tilespmem:$0x15E8] =	vst v0  }
0x1c8: {  	[tilespmem:$0x15D8] =	vst v0  }
0x1c9: {  	[tilespmem:$0x15C8] =	vst v0  }
0x1ca: {  	[tilespmem:$0x15B8] =	vst v0  }
0x1cb: {  	[tilespmem:$0x15A8] =	vst v0  }
0x1cc: {  	[tilespmem:$0x1598] =	vst v0  }
0x1cd: {  	[tilespmem:$0x1588] =	vst v0  }
0x1ce: {  	[tilespmem:$0x1578] =	vst v0  }
0x1cf: {  	[tilespmem:$0x1568] =	vst v0  }
0x1d0: {  	[tilespmem:$0x1558] =	vst v0  }
0x1d1: {  	[tilespmem:$0x1548] =	vst v0  }
0x1d2: {  	[tilespmem:$0x1538] =	vst v0  }
0x1d3: {  	[tilespmem:$0x1528] =	vst v0  }
0x1d4: {  	[tilespmem:$0x1518] =	vst v0  }
0x1d5: {  	[tilespmem:$0x1508] =	vst v0  }
0x1d6: {  	[tilespmem:$0x14F8] =	vst v0  }
0x1d7: {  	[tilespmem:$0x14E8] =	vst v0  }
0x1d8: {  	[tilespmem:$0x14D8] =	vst v0  }
0x1d9: {  	[tilespmem:$0x14C8] =	vst v0  }
0x1da: {  	[tilespmem:$0x14B8] =	vst v0  }
0x1db: {  	[tilespmem:$0x14A8] =	vst v0  }
0x1dc: {  	[tilespmem:$0x1498] =	vst v0  }
0x1dd: {  	[tilespmem:$0x1488] =	vst v0  }
0x1de: {  	[tilespmem:$0x1478] =	vst v0  }
0x1df: {  	[tilespmem:$0x1468] =	vst v0  }
0x1e0: {  	[tilespmem:$0x1458] =	vst v0  }
0x1e1: {  	[tilespmem:$0x1448] =	vst v0  }
0x1e2: {  	[tilespmem:$0x1438] =	vst v0  }
0x1e3: {  	[tilespmem:$0x1428] =	vst v0  }
0x1e4: {  	[tilespmem:$0x1418] =	vst v0  }
0x1e5: {  	[tilespmem:$0x1408] =	vst v0  }
0x1e6: {  	[tilespmem:$0x13F8] =	vst v0  }
0x1e7: {  	[tilespmem:$0x13E8] =	vst v0  }
0x1e8: {  	[tilespmem:$0x13D8] =	vst v0  }
0x1e9: {  	[tilespmem:$0x13C8] =	vst v0  }
0x1ea: {  	[tilespmem:$0x13B8] =	vst v0  }
0x1eb: {  	[tilespmem:$0x13A8] =	vst v0  }
0x1ec: {  	[tilespmem:$0x1398] =	vst v0  }
0x1ed: {  	[tilespmem:$0x1388] =	vst v0  }
0x1ee: {  	[tilespmem:$0x1378] =	vst v0  }
0x1ef: {  	[tilespmem:$0x1368] =	vst v0  }
0x1f0: {  	[tilespmem:$0x1358] =	vst v0  }
0x1f1: {  	[tilespmem:$0x1348] =	vst v0  }
0x1f2: {  	[tilespmem:$0x1338] =	vst v0  }
0x1f3: {  	[tilespmem:$0x1328] =	vst v0  }
0x1f4: {  	[tilespmem:$0x1318] =	vst v0  }
0x1f5: {  	[tilespmem:$0x1308] =	vst v0  }
0x1f6: {  	[tilespmem:$0x12F8] =	vst v0  }
0x1f7: {  	[tilespmem:$0x12E8] =	vst v0  }
0x1f8: {  	[tilespmem:$0x12D8] =	vst v0  }
0x1f9: {  	[tilespmem:$0x12C8] =	vst v0  }
0x1fa: {  	[tilespmem:$0x12B8] =	vst v0  }
0x1fb: {  	[tilespmem:$0x12A8] =	vst v0  }
0x1fc: {  	[tilespmem:$0x1298] =	vst v0  }
0x1fd: {  	[tilespmem:$0x1288] =	vst v0  }
0x1fe: {  	[tilespmem:$0x1278] =	vst v0  }
0x1ff: {  	[tilespmem:$0x1268] =	vst v0  }
0x200: {  	[tilespmem:$0x1258] =	vst v0  }
0x201: {  	[tilespmem:$0x1248] =	vst v0  }
0x202: {  	[tilespmem:$0x1238] =	vst v0  }
0x203: {  	[tilespmem:$0x1228] =	vst v0  }
0x204: {  	[tilespmem:$0x1218] =	vst v0  }
0x205: {  	[tilespmem:$0x1208] =	vst v0  }
0x206: {  	[tilespmem:$0x11F8] =	vst v0  }
0x207: {  	[tilespmem:$0x11E8] =	vst v0  }
0x208: {  	[tilespmem:$0x11D8] =	vst v0  }
0x209: {  	[tilespmem:$0x11C8] =	vst v0  }
0x20a: {  	[tilespmem:$0x11B8] =	vst v0  }
0x20b: {  	[tilespmem:$0x11A8] =	vst v0  }
0x20c: {  	[tilespmem:$0x1198] =	vst v0  }
0x20d: {  	[tilespmem:$0x1188] =	vst v0  }
0x20e: {  	[tilespmem:$0x1178] =	vst v0  }
0x20f: {  	[tilespmem:$0x1168] =	vst v0  }
0x210: {  	[tilespmem:$0x1158] =	vst v0  }
0x211: {  	s3 =	srdreg.scid;
	[tilespmem:$0x1148] =	vst v0  }
0x212: {  	s3 =	sshll.u32 s3, $0x4;
	[tilespmem:$0x1138] =	vst v0  }
0x213: {  	s4 =	stileid.u32;
	s3 =	sand.u32 $0x10, s3;
	[tilespmem:$0x1128] =	vst v0  }
0x214: {  	[tilespmem:$0x1118] =	vst v0;
	s3 =	sor.u32 s4, s3  }
0x215: {  	[tilespmem:$0x1108] =	vst v0;
	s7 =	smul.u32 $0x37, s3  }
0x216: {  	s8 =	smin.u32 s3, $0x1A;
	[tilespmem:$0x10F8] =	vst v0  }
0x217: {  	[tilespmem:$0x10C8] =	vst v0;
	s7 =	sadd.s32 s8, s7  }
0x218: {  	[tilespmem:$0x10D8] =	vst v0;
	p0 =	slt.u32 s3, $0x1A;
	s8 =	simm.s32 $0x6200;
	s7 =	smul.u32 $0x1C0, s7  }
0x219: {  	s8 =	simm.s32 @!p0 $0x6040;
	[tilespmem:$0x10B8] =	vst v0  }
0x21a: {  	[tilespmem:$0x1048] =	vst v0;
	s29 =	sadd.s32 s8, s7  }
0x21b: {  	[tilespmem:$0x10A8] =	vst v0;
	s8 =	smin.u32 s29, $0xC3580  }
0x21c: {  	[tilespmem:$0x1098] =	vst v0;
	s12 =	ssub.s32 s8, s7  }
0x21d: {  	[tilespmem:$0x1088] =	vst v0;
	p0 =	sgt.s32 s12, $0x0  }
0x21e: {  	[tilespmem:$0x1078] =	vst v0;
	s12 =	simm.s32 @!p0 $0x0  }
0x21f: {  	[tilespmem:$0x1068] =	vst v0;
	s30 =	smulhi.u32 $0x92492493, s12  }
0x220: {  	[tilespmem:$0x1058] =	vst v0  }
0x221: {  	s9 =	simm.s32 $0x2;
	[tilespmem:$0x1028] =	vst v0;
	s13 =	sshrl.u32 s30, $0x8  }
0x222: {  	s11 =	simm.s32 $0x9;
	s15 =	simm.s32 $0x0;
	[tilespmem:$0x1038] =	vst v0;
	s14 =	smul.u32 $0x1C0, s13  }
.Ltmp7:
0x223: {  	s31 =	sshll.u32 s4, $0x5;
	[tilespmem:$0x1018] =	vst v0;
	[sflag:s9] =	ssyncpa.u1 $0x0;
	v0 =	vimm.s32 $0xFFFFFFFF;
	(pc) =	sbr.rel .LBB3_1-.Ltmp7, $4  }
0x224: {  	s10 =	sadd.s32 $0x5400, s6;
	[dreg:$0x4] =	wrdreg s31;
	[tilespmem:$0x3848] =	vst v0;
	[sflag:s11] =	ssyncpa.u1 $0x0  }
0x225: {  	s3 =	sadd.s32 $0xD16800, s6;
	s6 =	sadd.s32 $0x7FC00, s6;
	p0 =	sne.s32 s12, s14  }
0x226: {  	s12 =	simm.s32 $0xA;
	s14 =	simm.s32 $0x0;
	s5 =	simm.s32 @!p0 $0x0  }
0x227: {  	v0 =	vlaneseq.u32;
	p0 =	por $0x0, $0x0;
	s5 =	sadd.s32 s5, s13;
	s13 =	smov.u32 s7  }
.LBB3_12:
0x228: {  	_ =	swait.ge [sflag:s9], $0x0  }
0x229: {  	s16 =	simm.s32 $0x0;
	[sflag:s9] =	ssyncset.done $0x0  }
.LBB3_13:
0x22a: {  	_ =	swait.ge [sflag:s12], s16  }
0x22b: {  	s0 =	ssub.s32 $0x0, s16;
	v1 =	vmov s17;
	vm0 =	veq.s32 v0, $0x0;
	[sflag:s12] =	ssyncset.done $0x0  }
0x22c: {  	vm15 =	veq.s32 v0, $0x2;
	v1 =	vsel vm0, s22, v1;
	[sflag:s12] =	ssyncadd.s32 s0  }
0x22d: {  	v1 =	vsel vm15, s15, v1;
	[sflag:s12] =	ssyncpa.u1 $0x1  }
0x22e: {  	[tilespmem:$0x3848] =	vst v1  }
.LBB3_14:
0x22f: {  	s0 =	sadd.s32 $0x1C0, s13  }
0x230: {  	s1 =	smov.u32 s7;
	p1 =	slt.s32 s0, s8  }
0x231: {  	s1 =	smov.u32 @p1 s0;
	p1 =	sne.s32 s14, s5  }
.Ltmp8:
0x232: {  	_ = 	snop;
	(pc) =	sbr.rel @!p1 .LBB3_15-.Ltmp8, $3  }
0x233: {  	_ =	sdelay $0x1  }
0x234: {  	s31 =	sadd.s32 $0x1, s14;
	s15 =	smov.u32 s13  }
0x235: {  	p0 =	por !p0, !p0;
	s14 =	smov.u32 s31;
	s13 =	smov.u32 s1  }
.LBB3_1:
0x236: {  	p1 =	sge.u32 s14, s5  }
0x237: {  	p2 =	sgt.s32 @!p1 s13, $0xC33C0  }
0x238: {  	s16 =	smov.u32 s13;
	s17 =	sshra.s32 @!p1 s13, $0x1F;
	p2 =	por !p2, p1  }
0x239: {  	s17 =	sand.u32 @!p1 s17, s13;
	s16 =	simm.s32 @p2 $0xC33C0  }
0x23a: {  	s16 =	ssub.s32 @!p1 s16, s17  }
0x23b: {  	s17 =	sxor.u32 @!p1 $0xFFFFFFFF, s14;
	s16 =	sadd.s32 @!p1 $0xFFF3CC40, s16  }
0x23c: {  	s17 =	sand.u32 @!p1 $0x1, s17;
	s18 =	sshll.u32 @!p1 s16, $0x2  }
0x23d: {  	p2 =	sgt.s32 @!p1 s16, $0x1BF;
	s16 =	ssub.s32 @!p1 $0x700, s18;
	s18 =	smul.u32 @!p1 $0x700, s17  }
0x23e: {  	s19 =	sshrl.u32 @!p1 s13, $0x3;
	s20 =	sand.u32 @!p1 $0x7, s13  }
0x23f: {  	p2 =	por !p2, p1;
	s16 =	sshrl.u32 @!p1 s16, $0x2;
	s18 =	sshrl.u32 @!p1 s18, $0x2  }
0x240: {  	s19 =	sadd.s32 @!p1 s10, s19;
	s16 =	simm.s32 @!p2 $0x0;
	s18 =	sadd.s32 @!p1 $0x3A88, s18  }
0x241: {  	[tilespmem:s18], [sflag:$0x9] =	stream.linear.gather @!p1 [hbm4b:s19+s20], s16, $0x38;
	[tilespmem:$0x1FE08] =	vst v63  }
0x242: {  	s16 =	ssub.s32 @!p1 $0xC3500, s13  }
0x243: {  	p2 =	sgt.s32 @!p1 s16, $0x0  }
0x244: {  	s17 =	smul.u32 @!p1 $0x38000, s17;
	p2 =	por !p2, p1  }
0x245: {  	s16 =	simm.s32 @p2 $0x0  }
0x246: {  	s17 =	sshrl.u32 @!p1 s17, $0x2;
	s18 =	sshll.u32 @!p1 s13, $0x4;
	s16 =	smin.u32 @!p1 s16, $0x1C0  }
0x247: {  	s17 =	sadd.s32 @!p1 $0x3E08, s17;
	s18 =	sadd.s32 @!p1 s6, s18;
	s16 =	sshll.u32 @!p1 s16, $0x7  }
0x248: {  	[tilespmem:s17], [sflag:$0x9] =	stream.linear.gather @!p1 [hbm:s18], s16, $0x38;
	[tilespmem:$0x1FE08] =	vst v63  }
0x249: {  	p1 =	seq.s32 s14, $0x0  }
.Ltmp9:
0x24a: {  	_ = 	snop;
	(pc) =	sbr.rel @p1 .LBB3_14-.Ltmp9, $1  }
0x24b: {  	_ =	sdelay $0x3  }
0x24c: {  	p1 =	sgt.s32 s15, $0xC33C0  }
0x24d: {  	s16 =	smov.u32 s15;
	s17 =	sshra.s32 s15, $0x1F;
	s21 =	ssub.s32 $0xC3500, s15  }
0x24e: {  	s16 =	simm.s32 @!p1 $0xC33C0;
	s17 =	sand.u32 s17, s15;
	p1 =	sgt.s32 s21, $0x0  }
0x24f: {  	s16 =	ssub.s32 s16, s17;
	s21 =	simm.s32 @!p1 $0x0  }
0x250: {  	s16 =	sadd.s32 $0xFFF3CC40, s16;
	s29 =	smin.u32 s21, $0x1C0  }
0x251: {  	s18 =	sshll.u32 s16, $0x2;
	s17 =	sshll.u32 s29, $0x7  }
0x252: {  	p1 =	sgt.s32 s16, $0x1BF;
	s30 =	ssub.s32 $0x700, s18;
	_ =	swait.ge [sflag:s11], s17  }
0x253: {  	s17 =	ssub.s32 $0x0, s17;
	[sflag:s11] =	ssyncset.done $0x0;
	s16 =	sshrl.u32 s30, $0x2  }
0x254: {  	[sflag:s11] =	ssyncadd.s32 s17;
	s16 =	simm.s32 @p1 $0x0  }
0x255: {  	_ =	swait.ge [sflag:s11], s16  }
0x256: {  	s16 =	ssub.s32 $0x0, s16;
	[sflag:s11] =	ssyncset.done $0x0  }
0x257: {  	[sflag:s11] =	ssyncadd.s32 s16  }
0x258: {  	v1 =	vld [tilespmem:$0x3848];
	_ =	sdelay $0x4  }
0x259: {  	(v2sf) =	vpush v1, $0x0  }
0x25a: {  	(v2sf) =	vpush v1, $0x1  }
0x25b: {  	(v2sf) =	vpush v1, $0x2;
	_ =	sdelay $0x3  }
0x25c: {  	s16 =	sadd.s32 $0x1C0, s15  }
0x25d: {  	p1 =	slt.s32 s8, s16  }
0x25e: {  	s16 =	smov.u32 @p1 s8  }
0x25f: {  	s20 =	ssub.s32 s16, s15  }
0x260: {  	p1 =	slt.s32 s21, s20  }
0x261: {  	s20 =	smov.u32 @p1 s21  }
0x262: {  	s18 =	simm.s32 $0x1;
	p1 =	slt.s32 s20, $0x1  }
.Ltmp10:
0x263: {  	s18 =	simm.s32 @!p0 $0x0;
	(pc) =	sbr.rel @p1 .LBB3_6-.Ltmp10, $4  }
0x264: {  	s31 =	smul.u32 $0x700, s18  }
0x265: {  	s19 =	spop (v2sf)  }
0x266: {  	s15 =	sshrl.u32 s31, $0x2;
	s21 =	spop (v2sf)  }
0x267: {  	s16 =	sadd.s32 $0x3A88, s15;
	s15 =	spop (v2sf)  }
0x268: {  	s17 =	smin.u32 s20, $0x10  }
0x269: {  	v1 =	vmov s17  }
0x26a: {  	p2 =	sgt.s32 s20, $0x10;
	vm1 =	vgt.u32 v1, v0  }
.Ltmp11:
0x26b: {  	_ = 	snop;
	(pc) =	sbr.rel @!p2 .LBB3_5-.Ltmp11, $2  }
0x26c: {  	_ =	sdelay $0x2  }
0x26d: {  	s22 =	simm.s32 $0x10;
	s23 =	sadd.s32 $0xFFFFFFF0, s20;
	s17 =	smov.u32 s16;
	vm0 =	vmmov vm1  }
.LBB3_4:
0x26e: {  	s24 =	smin.u32 s23, $0x10;
	s22 =	sadd.s32 $0x10, s22;
	v1 =	vld.msk [tilespmem:s17+$0x0 ss:$0x1], vm1  }
0x26f: {  	v2 =	vmov s24;
	p2 =	slt.s32 s22, s20  }
0x270: {  	vm1 =	vgt.u32 v2, v0  }
.Ltmp12:
0x271: {  	(pc) =	sbr.rel @p2 .LBB3_4-.Ltmp12, $3  }
0x272: {  	_ =	sdelay $0x1  }
0x273: {  	v1 =	vshll.u32 v1, $0x4  }
0x274: {  	s23 =	sadd.s32 $0xFFFFFFF0, s23;
	[tilespmem:s17+$0x0] =	vst.msk vm0, v1;
	s17 =	sadd.s32 $0x10, s17;
	vm0 =	vmmov vm1  }
.LBB3_5:
0x275: {  	_ =	sdelay $0x4  }
0x276: {  	v1 =	vld.msk [tilespmem:s17+$0x0 ss:$0x1], vm1;
	_ =	sdelay $0x4  }
0x277: {  	v1 =	vshll.u32 v1, $0x4  }
0x278: {  	[tilespmem:s17+$0x0] =	vst.msk vm0, v1  }
.LBB3_6:
0x279: {  	s17 =	sand.u32 $0x1, s14  }
0x27a: {  	s17 =	smul.u32 $0x1C0, s17  }
0x27b: {  	p2 =	sne.s32 s21, $0xFFFFFFFF  }
0x27c: {  	v1 =	vld.msk @!p2 [tilespmem:s17+$0x3A88], $0x1;
	_ =	sdelay $0x4  }
0x27d: {  	(v2sf) =	vpush @!p2 v1, $0x0;
	_ =	sdelay $0xc  }
.Ltmp13:
0x27e: {  	_ = 	snop;
	(pc) =	sbr.rel @p1 .LBB3_12-.Ltmp13, $4  }
0x27f: {  	_ = 	snop  }
0x280: {  	s22 =	spop @!p2 (v2sf)  }
0x281: {  	s15 =	simm.s32 @!p2 $0x0;
	s17 =	smov.u32 s22  }
0x282: {  	[sflag:s12] =	ssyncpa.u1 $0x0;
	s22 =	smov.u32 @p2 s19;
	s17 =	smov.u32 @p2 s21  }
0x283: {  	v1 =	vld.msk [tilespmem:s16+$0x0], $0x1;
	_ =	sdelay $0x4  }
0x284: {  	(v2sf) =	vpush v1, $0x0;
	_ =	sdelay $0xe  }
0x285: {  	s24 =	spop (v2sf)  }
0x286: {  	p1 =	seq.s32 s22, s24  }
0x287: {  	p2 =	sgt.s32 @!p1 s22, $0x0  }
0x288: {  	s23 =	smov.u32 s22;
	s21 =	sadd.s32 $0xFFFFFFFF, s20;
	p2 =	por !p2, p1  }
0x289: {  	s18 =	smul.u32 $0x38000, s18;
	s23 =	simm.s32 @p2 $0x0;
	p2 =	sne.s32 s21, $0x0  }
.Ltmp14:
0x28a: {  	_ = 	snop;
	(pc) =	sbr.rel @!p2 .LBB3_9-.Ltmp14, $4  }
0x28b: {  	s19 =	simm.s32 $0x0;
	s18 =	sshrl.u32 s18, $0x2  }
0x28c: {  	s18 =	sadd.s32 $0x3E08, s18;
	s25 =	simm.s32 @!p1 $0x1;
	s23 =	smin.u32 @!p1 s23, $0x61A7E  }
0x28d: {  	s26 =	simm.s32 @!p1 $0x1C38;
	s25 =	smov.u32 @p1 s19;
	s29 =	sand.u32 @!p1 $0x7FFF8, s23  }
0x28e: {  	s28 =	sand.u32 @!p1 $0x7, s23;
	s23 =	sadd.s32 $0x1, s16;
	s29 =	sadd.s32 @!p1 s3, s29  }
.LBB3_8:
0x28f: {  	s30 =	smov.u32 s25  }
0x290: {  	[tilespmem:s26], [sflag:$0x2] =	stream.linear.gather @!p1 [hbm4b:s29+s28], $0x10, $0x38;
	[tilespmem:$0x1FE08] =	vst v63  }
0x291: {  	s21 =	sadd.s32 $0xFFFFFFFF, s21;
	s28 =	smov.u32 s24;
	v1 =	vld.msk [tilespmem:s23+$0x0], $0x1  }
0x292: {  	p2 =	sne.s32 s21, $0x0;
	_ =	sdelay $0x3  }
0x293: {  	(v2sf) =	vpush v1, $0x0;
	_ =	sdelay $0xe  }
0x294: {  	s24 =	spop (v2sf)  }
0x295: {  	p1 =	seq.s32 s28, s24  }
0x296: {  	p3 =	sgt.s32 @!p1 s28, $0x0;
	s26 =	sshll.u32 @!p1 s25, $0x6;
	s25 =	sadd.s32 @!p1 $0x1, s25  }
.Ltmp15:
0x297: {  	p3 =	por !p3, p1;
	s26 =	sshra.s32 @!p1 s26, $0x2;
	(pc) =	sbr.rel @p2 .LBB3_8-.Ltmp15, $4  }
0x298: {  	s25 =	smov.u32 @p1 s30;
	s28 =	simm.s32 @p3 $0x0;
	s26 =	sadd.s32 @!p1 $0x1C38, s26  }
0x299: {  	s28 =	smin.u32 @!p1 s28, $0x61A7E  }
0x29a: {  	s29 =	sand.u32 @!p1 $0x7FFF8, s28;
	s28 =	sand.u32 @!p1 $0x7, s28  }
0x29b: {  	s23 =	sadd.s32 $0x1, s23;
	s29 =	sadd.s32 @!p1 s3, s29  }
.LBB3_9:
0x29c: {  	[tilespmem:s26], [sflag:$0x2] =	stream.linear.gather @!p1 [hbm4b:s29+s28], $0x10, $0x38;
	[tilespmem:$0x1FE08] =	vst v63  }
0x29d: {  	s21 =	sshll.u32 s25, $0x4  }
0x29e: {  	s21 =	sand.u32 $0x3FFFFFF0, s21  }
0x29f: {  	_ =	swait.ge [sflag:s9], s21  }
0x2a0: {  	s21 =	ssub.s32 $0x0, s21;
	[sflag:s9] =	ssyncset.done $0x0  }
0x2a1: {  	[sflag:s9] =	ssyncadd.s32 s21  }
0x2a2: {  	v1 =	vld.msk [tilespmem:s16+$0x0], $0x1;
	_ =	sdelay $0x4  }
0x2a3: {  	(v2sf) =	vpush v1, $0x0;
	_ =	sdelay $0xe  }
0x2a4: {  	s21 =	spop (v2sf)  }
0x2a5: {  	p1 =	sne.s32 s22, s21  }
0x2a6: {  	p3 =	sne.s32 @p1 s22, s17  }
0x2a7: {  	p2 =	por !p3, !p1  }
0x2a8: {  	s23 =	simm.s32 @!p2 $0x0  }
0x2a9: {  	v1 =	vld @!p2 [tilespmem:s23+$0x1C38]  }
0x2aa: {  	p4 =	sgt.u32 @!p2 s22, $0x61A7E  }
0x2ab: {  	s24 =	sshll.u32 @!p2 s15, $0x6;
	p5 =	por @p1 p4, !p3  }
0x2ac: {  	s24 =	sshra.s32 @!p2 s24, $0x2;
	p6 =	por p5, !p1;
	p5 =	por p3, !p1  }
0x2ad: {  	s25 =	sadd.s32 @!p2 $0x28, s24;
	s26 =	sand.u32 @!p6 $0x7FFF8, s22;
	s28 =	sshll.u32 @!p5 s15, $0x6  }
0x2ae: {  	s22 =	sand.u32 @!p6 $0x7, s22;
	[tilespmem:s24+$0x28] =	vst.add.f32.msk @!p2 $0xffff, v1;
	s24 =	sadd.s32 @!p6 s3, s26;
	s26 =	sshra.s32 @!p5 s28, $0x2  }
0x2af: {  	[hbm4b:s24+s22] =	stream.linear.scatter @!p6 [tilespmem:s25], [sflag:$0xA], $0x10, $0x38;
	[tilespmem:$0x1FE08] =	vst v63  }
0x2b0: {  	s23 =	rddreg [dreg:$0x4];
	s22 =	sadd.s32 @!p5 $0x28, s26;
	s24 =	simm.s32 @!p5 $0x1  }
0x2b1: {  	[spmem:s23] =	stream.linear.scatter @!p5 [tilespmem:s22], [sflag:$0x1], $0x10, $0x38;
	[tilespmem:$0x1FE08] =	vst v63  }
0x2b2: {  	s22 =	sadd.s32 @p1 $0x1, s15;
	_ =	swait.ge @!p5 [sflag:s24], $0x10  }
0x2b3: {  	s23 =	sshrl.u32 @p1 s22, $0x6;
	[sflag:s24] =	ssyncset.done @!p5 $0x0  }
0x2b4: {  	s23 =	smulhi.u32 @p1 $0x24924925, s23;
	[sflag:s24] =	ssyncadd.s32 @!p5 $0xFFFFFFF0  }
0x2b5: {  	s20 =	sadd.s32 $0xFFFFFFFF, s20;
	v1 =	vld @p1 [tilespmem:s18+$0x0]  }
0x2b6: {  	p4 =	por @p1 !p4, !p3;
	p3 =	sne.s32 s20, $0x0;
	s23 =	smul.u32 @p1 $0x1C0, s23  }
.Ltmp16:
0x2b7: {  	p4 =	por !p4, !p1;
	s24 =	simm.s32 @!p2 $0x0;
	(pc) =	sbr.rel @!p3 .LBB3_11-.Ltmp16, $4  }
0x2b8: {  	s25 =	sshll.u32 @!p1 s15, $0x6;
	s24 =	simm.s32 @!p4 $0x40;
	s22 =	ssub.s32 @p1 s22, s23  }
0x2b9: {  	s26 =	simm.s32 @p1 $0x1;
	s24 =	sadd.s32 @!p2 $0x0, s24;
	s23 =	sshll.u32 @p1 s22, $0x4  }
0x2ba: {  	s24 =	smov.u32 @p2 s19;
	s15 =	smov.u32 @p1 s22;
	s22 =	simm.s32 $0x0;
	[tilespmem:s23+$0x28] =	vst @p1 v1  }
0x2bb: {  	s19 =	smov.u32 @p1 s26;
	s22 =	smov.u32 @p1 s24;
	s23 =	sshra.s32 @!p1 s25, $0x2;
	v1 =	vld @!p1 [tilespmem:s18+$0x0]  }
.LBB3_10:
0x2bc: {  	_ =	sdelay $0x3  }
0x2bd: {  	s16 =	sadd.s32 $0x1, s16;
	[tilespmem:s23+$0x28] =	vst.add.f32.msk @!p1 $0xffff, v1  }
0x2be: {  	v1 =	vld.msk [tilespmem:s16+$0x0], $0x1;
	_ =	sdelay $0x4  }
0x2bf: {  	(v2sf) =	vpush v1, $0x0;
	_ =	sdelay $0xe  }
0x2c0: {  	s24 =	smov.u32 s21;
	s21 =	spop (v2sf)  }
0x2c1: {  	p1 =	sne.s32 s24, s21  }
0x2c2: {  	p4 =	sne.s32 @p1 s24, s17  }
0x2c3: {  	p3 =	por !p4, !p1  }
0x2c4: {  	s29 =	sshll.u32 @!p3 s19, $0x6  }
0x2c5: {  	s29 =	sshra.s32 @!p3 s29, $0x2  }
0x2c6: {  	p5 =	sgt.u32 @!p3 s24, $0x61A7E;
	v1 =	vld @!p3 [tilespmem:s29+$0x1C38]  }
0x2c7: {  	s30 =	sshll.u32 @!p3 s15, $0x6;
	p6 =	por @p1 p5, !p4;
	p5 =	por @p1 !p5, !p4  }
0x2c8: {  	s31 =	simm.s32 @!p3 $0x0;
	s30 =	sshra.s32 @!p3 s30, $0x2;
	p5 =	por !p5, !p1  }
0x2c9: {  	p4 =	por p4, !p1;
	s31 =	simm.s32 @!p5 $0x40;
	p5 =	por p6, !p1  }
0x2ca: {  	s29 =	sadd.s32 @!p3 $0x28, s30;
	s2 =	sshll.u32 @!p4 s15, $0x6;
	s1 =	sand.u32 @!p5 $0x7FFF8, s24  }
0x2cb: {  	s2 =	sshra.s32 @!p4 s2, $0x2;
	s24 =	sand.u32 @!p5 $0x7, s24;
	s1 =	sadd.s32 @!p5 s3, s1;
	[tilespmem:s30+$0x28] =	vst.add.f32.msk @!p3 $0xffff, v1  }
0x2cc: {  	[hbm4b:s1+s24] =	stream.linear.scatter @!p5 [tilespmem:s29], [sflag:$0xA], $0x10, $0x38;
	[tilespmem:$0x1FE08] =	vst v63  }
0x2cd: {  	s25 =	rddreg [dreg:$0x4];
	s1 =	sadd.s32 @!p4 $0x28, s2;
	s2 =	simm.s32 @!p4 $0x1  }
0x2ce: {  	[spmem:s25] =	stream.linear.scatter @!p4 [tilespmem:s1], [sflag:$0x1], $0x10, $0x38;
	[tilespmem:$0x1FE08] =	vst v63  }
0x2cf: {  	s26 =	sadd.s32 @p1 $0x1, s15;
	_ =	swait.ge @!p4 [sflag:s2], $0x10  }
0x2d0: {  	s28 =	sshrl.u32 @p1 s26, $0x6;
	[sflag:s2] =	ssyncset.done @!p4 $0x0  }
0x2d1: {  	s18 =	sadd.s32 $0x80, s18;
	s28 =	smulhi.u32 @p1 $0x24924925, s28;
	[sflag:s2] =	ssyncadd.s32 @!p4 $0xFFFFFFF0  }
0x2d2: {  	s20 =	sadd.s32 $0xFFFFFFFF, s20;
	v1 =	vld @p1 [tilespmem:s18+$0x0]  }
0x2d3: {  	p2 =	sne.s32 s20, $0x0;
	s28 =	smul.u32 @p1 $0x1C0, s28  }
.Ltmp17:
0x2d4: {  	_ = 	snop;
	(pc) =	sbr.rel @p2 .LBB3_10-.Ltmp17, $4  }
0x2d5: {  	s26 =	ssub.s32 @p1 s26, s28  }
0x2d6: {  	s23 =	sshll.u32 @!p1 s15, $0x6;
	s31 =	sadd.s32 @!p3 s31, s22;
	s24 =	sshll.u32 @p1 s26, $0x4  }
0x2d7: {  	s0 =	sadd.s32 @p1 $0x1, s19;
	s23 =	sshra.s32 @!p1 s23, $0x2;
	s31 =	smov.u32 @p3 s22;
	[tilespmem:s24+$0x28] =	vst @p1 v1  }
0x2d8: {  	s19 =	smov.u32 @p1 s0;
	s15 =	smov.u32 @p1 s26;
	s22 =	smov.u32 @p1 s31;
	v1 =	vld @!p1 [tilespmem:s18+$0x0]  }
.LBB3_11:
.Ltmp18:
0x2d9: {  	_ = 	snop;
	(pc) =	sbr.rel .LBB3_13-.Ltmp18, $2  }
0x2da: {  	_ =	sdelay $0x2  }
0x2db: {  	s16 =	sshrl.u32 s22, $0x2;
	s22 =	smov.u32 s21;
	[tilespmem:s23+$0x28] =	vst.add.f32.msk @!p1 $0xffff, v1  }
.LBB3_15:
0x2dc: {  	_ =	sfence.sel $0x180000  }
0x2dd: {  	s0 =	simm.s32 $0x9;
	[bflag:$0x0] =	sbarrier.arrive $0xFFFF  }
0x2de: {  	s26 =	simm.s32 $0x2;
	[sflag:s0] =	ssyncpa.u1 $0x1  }
0x2df: {  	[sflag:s26] =	ssyncpa.u1 $0x1  }
0x2e0: {  	v0 =	vld [tilespmem:$0x3848];
	_ =	sdelay $0x4  }
0x2e1: {  	(v2sf) =	vpush v0, $0x0  }
0x2e2: {  	(v2sf) =	vpush v0, $0x1;
	_ =	sdelay $0x1  }
0x2e3: {  	(v2sf) =	vpush v0, $0x2;
	_ =	sdelay $0xb  }
0x2e4: {  	s0 =	spop (v2sf)  }
0x2e5: {  	s1 =	spop (v2sf)  }
0x2e6: {  	s2 =	smov.u32 s0;
	p0 =	sne.s32 s0, s1  }
0x2e7: {  	s5 =	spop (v2sf);
	s2 =	simm.s32 @!p0 $0xFFFFFFFF  }
0x2e8: {  	v2 =	vimm.s32 $0x1;
	v3 =	vlaneseq.u32;
	p0 =	seq.s32 s5, $0xFFFFFFFF;
	v1 =	vmov s2  }
0x2e9: {  	v0 =	vperm.xlane v0, v2;
	p1 =	sne.s32 @!p0 s0, s1;
	v1 =	vperm.xlane v1, v3  }
0x2ea: {  	vm0 =	vcmask $0x3F04;
	s7 =	simm.s32 $0x3848;
	s0 =	simm.s32 @!p0 $0x1;
	p1 =	por !p1, p0  }
0x2eb: {  	s2 =	sshll.u32 s4, $0x1;
	s1 =	sshll.u32 @!p0 s5, $0x6;
	s0 =	simm.s32 @p1 $0x0;
	v0 =	vsel vm0, v1, v0  }
0x2ec: {  	s6 =	sor.u32 $0x200, s2;
	s1 =	sshra.s32 @!p0 s1, $0x2;
	s0 =	sor.u32 @!p0 s0, s2;
	[tilespmem:$0x3848] =	vst v0  }
0x2ed: {  	[spmem:s6] =	stream.linear.scatter [tilespmem:s7], [sflag:$0x1], $0x2, $0x38;
	[tilespmem:$0x1FE08] =	vst v63  }
0x2ee: {  	s1 =	sadd.s32 @!p0 $0x28, s1;
	s0 =	sshll.u32 @!p0 s0, $0x4  }
0x2ef: {  	[spmem:s0] =	stream.linear.scatter @!p0 [tilespmem:s1], [sflag:$0x1], $0x10, $0x38;
	[tilespmem:$0x1FE08] =	vst v63  }
0x2f0: {  	s0 =	simm.s32 @!p0 $0x12  }
0x2f1: {  	s28 =	simm.s32 $0x1;
	s0 =	simm.s32 @p0 $0x2  }
0x2f2: {  	_ =	swait.ge [sflag:s28], s0  }
0x2f3: {  	s0 =	ssub.s32 $0x0, s0;
	[sflag:s28] =	ssyncset.done $0x0  }
0x2f4: {  	[sflag:s28] =	ssyncadd.s32 s0  }
0x2f5: {  	p0 =	sne.s32 s4, $0x0;
	_ =	sfence.stream.spmem  }
.Ltmp19:
0x2f6: {  	s29 =	simm.s32 $0x3;
	[bflag:$0x0] =	sbarrier.arrive $0xFFFF;
	(pc) =	sbr.rel @p0 .LBB3_32-.Ltmp19, $4  }
0x2f7: {  	s30 =	simm.s32 $0x4;
	[sflag:s29] =	ssyncpa.u1 $0x1  }
0x2f8: {  	[sflag:s30] =	ssyncpa.u1 $0x1  }
0x2f9: {  	s31 =	simm.s32 $0x3C;
	s16 =	rddreg [dreg:$0x1]  }
0x2fa: {  	[sflag:s31] =	ssyncpa.u1 $0x1;
	s5 =	sand.u32 $0x1, s16  }
0x2fb: {  	_ =	sfence.stream.spmem;
	s0 =	simm.s32 $0x5  }
0x2fc: {  	s1 =	simm.s32 $0x200;
	s2 =	simm.s32 $0x3858;
	[sflag:s0] =	ssyncpa.u1 $0x0  }
0x2fd: {  	[tilespmem:s2], [sflag:$0x5] =	stream.linear.gather [spmem:s1], $0x20, $0x38;
	[tilespmem:$0x1FE08] =	vst v63  }
0x2fe: {  	s26 =	simm.s32 $0x0;
	s28 =	simm.s32 $0x3878  }
0x2ff: {  	[tilespmem:s28], [sflag:$0x5] =	stream.linear.gather [spmem:s26], $0x200, $0x38;
	[tilespmem:$0x1FE08] =	vst v63  }
0x300: {  	_ =	swait.ge [sflag:s0], $0x220  }
0x301: {  	[sflag:s0] =	ssyncset.done $0x0  }
0x302: {  	s29 =	simm.s32 $0x0;
	[sflag:s0] =	ssyncadd.s32 $0xFFFFFDE0  }
0x303: {  	v0 =	vld.msk [tilespmem:s29+$0x3858], $0x1;
	_ =	sdelay $0x1  }
0x304: {  	s30 =	simm.s32 $0x1  }
0x305: {  	v1 =	vld.msk [tilespmem:s30+$0x3858], $0x1;
	_ =	sdelay $0x1  }
0x306: {  	(v2sf) =	vpush v0, $0x0;
	_ =	sdelay $0x2  }
0x307: {  	(v2sf) =	vpush v1, $0x0;
	_ =	sdelay $0x2  }
0x308: {  	s31 =	simm.s32 $0x2  }
0x309: {  	v0 =	vld.msk [tilespmem:s31+$0x3858], $0x1;
	_ =	sdelay $0x2  }
0x30a: {  	s7 =	simm.s32 $0xFFFFFFFF;
	s6 =	simm.s32 $0xC;
	s8 =	simm.s32 $0xFFFFFFFF  }
.LBB3_17:
0x30b: {  	s0 =	smov.u32 s8;
	s1 =	smov.u32 s7  }
0x30c: {  	s2 =	sshra.s32 s6, $0x2;
	p1 =	sne.s32 s6, $0x7C;
	s6 =	sadd.s32 $0x4, s6;
	(v2sf) =	vpush v0, $0x0  }
0x30d: {  	v0 =	vld.msk [tilespmem:s2+$0x3858], $0x1  }
.Ltmp20:
0x30e: {  	(pc) =	sbr.rel @p1 .LBB3_17-.Ltmp20, $4  }
0x30f: {  	s8 =	spop (v2sf)  }
0x310: {  	p2 =	sne.s32 s7, $0xFFFFFFFF;
	s7 =	smov.u32 s8  }
0x311: {  	p3 =	seq.s32 s8, $0xFFFFFFFF;
	s7 =	smov.u32 @p2 s1  }
0x312: {  	s8 =	smov.u32 @p3 s0;
	s7 =	smov.u32 @p3 s1  }
0x313: {  	(v2sf) =	vpush v0, $0x0;
	_ =	sdelay $0x8  }
0x314: {  	s0 =	spop (v2sf)  }
0x315: {  	p1 =	sne.s32 s7, $0xFFFFFFFF;
	s1 =	smov.u32 s0  }
0x316: {  	s9 =	simm.s32 $0x6;
	p2 =	seq.s32 s0, $0xFFFFFFFF;
	s1 =	smov.u32 @p1 s7  }
0x317: {  	s10 =	simm.s32 $0x3838;
	s1 =	smov.u32 @p2 s7;
	s2 =	spop (v2sf)  }
0x318: {  	s0 =	smov.u32 @p2 s8;
	p1 =	sne.s32 s1, $0xFFFFFFFF;
	s6 =	smov.u32 s2  }
.Ltmp21:
0x319: {  	p2 =	seq.s32 s2, $0xFFFFFFFF;
	s6 =	smov.u32 @p1 s1;
	(pc) =	sbr.rel .LBB3_19-.Ltmp21, $4  }
0x31a: {  	s11 =	simm.s32 $0x0;
	s6 =	smov.u32 @p2 s1;
	s7 =	spop (v2sf)  }
0x31b: {  	[sflag:s9] =	ssyncpa.u1 $0x0;
	p1 =	sne.s32 s6, $0xFFFFFFFF;
	s8 =	smov.u32 s7  }
0x31c: {  	s2 =	smov.u32 @p2 s0;
	p2 =	seq.s32 s7, $0xFFFFFFFF;
	s8 =	smov.u32 @p1 s6  }
0x31d: {  	s7 =	smov.u32 @p2 s2;
	s8 =	smov.u32 @p2 s6;
	s6 =	simm.s32 $0x0  }
.LBB3_24:
0x31e: {  	p1 =	sgt.u32 s12, $0x61A7E  }
0x31f: {  	p2 =	seq.s32 @!p1 s12, s8  }
0x320: {  	p1 =	por p1, p2  }
0x321: {  	p2 =	sne.s32 @!p1 s12, s7  }
0x322: {  	p1 =	por p1, !p2  }
0x323: {  	s12 =	sshll.u32 @p1 s11, $0x6  }
0x324: {  	s0 =	sand.u32 @!p1 $0x7FFF8, s12  }
0x325: {  	s1 =	sand.u32 @!p1 $0x7, s12;
	s0 =	sadd.s32 @!p1 s3, s0  }
0x326: {  	[tilespmem:s10], [sflag:$0x6] =	stream.linear.gather @!p1 [hbm4b:s0+s1], $0x10, $0x38;
	[tilespmem:$0x1FE08] =	vst v63  }
0x327: {  	_ =	swait.ge @!p1 [sflag:s9], $0x10  }
0x328: {  	[sflag:s9] =	ssyncset.done @!p1 $0x0  }
0x329: {  	[sflag:s9] =	ssyncadd.s32 @!p1 $0xFFFFFFF0  }
0x32a: {  	v1 =	vld @!p1 [tilespmem:$0x3838];
	_ =	sdelay $0x2  }
0x32b: {  	s12 =	sshll.u32 @!p1 s11, $0x6  }
0x32c: {  	s0 =	sshrl.u32 @!p1 s12, $0x2  }
0x32d: {  	[tilespmem:s0+$0x3878] =	vst.add.f32.msk @!p1 $0xffff, v1  }
0x32e: {  	s30 =	sshrl.u32 s12, $0x2;
	[tilespmem:s6+$0x3858] =	vst.msk $0x1, v0  }
0x32f: {  	v0 =	vld [tilespmem:s30+$0x3878];
	_ =	sdelay $0x2  }
0x330: {  	s31 =	sshll.u32 s6, $0x6  }
0x331: {  	s0 =	sshra.s32 s31, $0x2  }
0x332: {  	s6 =	sadd.s32 $0x1, s6;
	[tilespmem:s0+$0x3878] =	vst v0  }
.LBB3_26:
0x333: {  	s11 =	sadd.s32 $0x1, s11  }
0x334: {  	p1 =	sne.s32 s11, $0x20  }
.Ltmp22:
0x335: {  	_ = 	snop;
	(pc) =	sbr.rel @!p1 .LBB3_27-.Ltmp22, $1  }
0x336: {  	_ =	sdelay $0x3  }
.LBB3_19:
0x337: {  	v0 =	vld.msk [tilespmem:s11+$0x3858], $0x1;
	_ =	sdelay $0x4  }
0x338: {  	(v2sf) =	vpush v0, $0x0;
	_ =	sdelay $0xe  }
0x339: {  	s12 =	spop (v2sf)  }
0x33a: {  	p1 =	seq.s32 s12, $0xFFFFFFFF  }
.Ltmp23:
0x33b: {  	_ = 	snop;
	(pc) =	sbr.rel @p1 .LBB3_26-.Ltmp23, $1  }
0x33c: {  	_ =	sdelay $0x3  }
0x33d: {  	p1 =	slt.s32 s6, $0x1  }
.Ltmp24:
0x33e: {  	_ = 	snop;
	(pc) =	sbr.rel @p1 .LBB3_24-.Ltmp24, $1  }
0x33f: {  	_ =	sdelay $0x3  }
0x340: {  	s13 =	simm.s32 $0x3858;
	p1 =	por $0x0, $0x0  }
0x341: {  	v1 =	vld.msk @!p1 [tilespmem:s13+$0x0], $0x1;
	_ =	sdelay $0x4  }
0x342: {  	(v2sf) =	vpush @!p1 v1, $0x0;
	_ =	sdelay $0xd  }
0x343: {  	p3 =	sne.s32 s6, $0x1  }
.Ltmp25:
0x344: {  	s0 =	spop @!p1 (v2sf);
	(pc) =	sbr.rel @!p3 .LBB3_23-.Ltmp25, $4  }
0x345: {  	p2 =	seq.s32 @!p1 s12, s0  }
0x346: {  	s14 =	simm.s32 $0x0;
	p2 =	por !p2, p1  }
0x347: {  	s0 =	simm.s32 $0xFFFFFFFF;
	s14 =	simm.s32 @p2 $0xFFFFFFFF  }
0x348: {  	s15 =	simm.s32 $0x1;
	s14 =	smov.u32 @p1 s0  }
.LBB3_22:
0x349: {  	s0 =	smov.u32 s14;
	p1 =	sne.s32 s14, $0xFFFFFFFF  }
0x34a: {  	s13 =	sadd.s32 $0x1, s13;
	s14 =	smov.u32 s15;
	s15 =	sadd.s32 $0x1, s15  }
0x34b: {  	p2 =	sne.s32 s6, s15;
	v1 =	vld.msk @!p1 [tilespmem:s13+$0x0], $0x1;
	_ =	sdelay $0x4  }
0x34c: {  	(v2sf) =	vpush @!p1 v1, $0x0;
	_ =	sdelay $0xe  }
.Ltmp26:
0x34d: {  	s1 =	spop @!p1 (v2sf);
	(pc) =	sbr.rel @p2 .LBB3_22-.Ltmp26, $4  }
0x34e: {  	p3 =	seq.s32 @!p1 s12, s1  }
0x34f: {  	p3 =	por !p3, p1  }
0x350: {  	s14 =	simm.s32 @p3 $0xFFFFFFFF  }
0x351: {  	s14 =	smov.u32 @p1 s0  }
.LBB3_23:
0x352: {  	p1 =	sne.s32 s14, $0xFFFFFFFF  }
.Ltmp27:
0x353: {  	_ = 	snop;
	(pc) =	sbr.rel @!p1 .LBB3_24-.Ltmp27, $1  }
0x354: {  	_ =	sdelay $0x3  }
0x355: {  	s0 =	sshll.u32 s11, $0x4  }
0x356: {  	s0 =	sand.u32 $0x3FFFFFF0, s0  }
0x357: {  	v0 =	vld [tilespmem:s0+$0x3878]  }
.Ltmp28:
0x358: {  	_ = 	snop;
	(pc) =	sbr.rel .LBB3_26-.Ltmp28, $4  }
0x359: {  	_ = 	snop  }
0x35a: {  	s31 =	sshll.u32 s14, $0x6  }
0x35b: {  	s0 =	sshra.s32 s31, $0x2  }
0x35c: {  	[tilespmem:s0+$0x3878] =	vst.add.f32.msk $0xffff, v0  }
.LBB3_27:
0x35d: {  	s0 =	simm.s32 $0x6;
	p1 =	seq.s32 s6, $0x0  }
0x35e: {  	[sflag:s0] =	ssyncpa.u1 $0x1;
	v0 =	vimm.s32 @p1 $0xFFFFFFFF  }
0x35f: {  	s9 =	sadd.s32 $0xFFFFFFFF, s6;
	[tilespmem:$0x3A78] =	vst @p1 v0  }
0x360: {  	v0 =	vld.msk @!p1 [tilespmem:s9+$0x3858], $0x1;
	_ =	sdelay $0x1  }
0x361: {  	v1 =	vld.msk @!p1 [tilespmem:$0x3858], $0x1;
	_ =	sdelay $0x2  }
0x362: {  	p2 =	seq.s32 @!p1 s9, $0x0;
	v0 =	vbroadcast @!p1 v0, $0x0  }
0x363: {  	vm0 =	vmmov @!p1 $0x1;
	p2 =	por !p2, p1  }
0x364: {  	v1 =	vnsel @!p1 vm0, $0xFFFFFFFF, v1;
	vm0 =	vcmask @!p1 $0x308;
	v0 =	vpsel !p2, $0xFFFFFFFF, v0  }
0x365: {  	p2 =	sne.s32 @!p1 s8, s7;
	v0 =	vsel @!p1 vm0, v1, v0  }
0x366: {  	s0 =	simm.s32 @!p1 $0x3878;
	s1 =	simm.s32 @!p1 $0x0;
	p3 =	por !p2, p1;
	[tilespmem:$0x3A78] =	vst @!p1 v0  }
0x367: {  	[spmem:s1] =	stream.linear.scatter @!p1 [tilespmem:s0], [sflag:$0x1], $0x10, $0x38;
	[tilespmem:$0x1FE08] =	vst v63  }
0x368: {  	s0 =	sshll.u32 @!p3 s9, $0x6  }
0x369: {  	s0 =	sshra.s32 @!p3 s0, $0x2  }
0x36a: {  	s1 =	simm.s32 @!p3 $0x10;
	s0 =	sadd.s32 @!p3 $0x3878, s0  }
0x36b: {  	[spmem:s1] =	stream.linear.scatter @!p3 [tilespmem:s0], [sflag:$0x1], $0x10, $0x38;
	[tilespmem:$0x1FE08] =	vst v63  }
0x36c: {  	s0 =	simm.s32 @!p3 $0x1  }
0x36d: {  	_ =	swait.ge @!p3 [sflag:s0], $0x20  }
0x36e: {  	p1 =	por p2, p1;
	[sflag:s0] =	ssyncset.done @!p3 $0x0  }
0x36f: {  	[sflag:s0] =	ssyncadd.s32 @!p3 $0xFFFFFFE0;
	s0 =	simm.s32 @!p1 $0x1  }
0x370: {  	_ =	swait.ge @!p1 [sflag:s0], $0x10  }
0x371: {  	s29 =	simm.s32 $0x3A78;
	[sflag:s0] =	ssyncset.done @!p1 $0x0  }
0x372: {  	s30 =	simm.s32 $0x200;
	s31 =	simm.s32 $0x1;
	[sflag:s0] =	ssyncadd.s32 @!p1 $0xFFFFFFF0  }
0x373: {  	[spmem:s30] =	stream.linear.scatter [tilespmem:s29], [sflag:$0x1], $0x10, $0x38;
	[tilespmem:$0x1FE08] =	vst v63  }
0x374: {  	_ =	swait.ge [sflag:s31], $0x10  }
0x375: {  	[sflag:s31] =	ssyncset.done $0x0  }
0x376: {  	p1 =	seq.s32 s5, $0x0;
	[sflag:s31] =	ssyncadd.s32 $0xFFFFFFF0  }
0x377: {  	s1 =	sshll.u32 @p1 s16, $0xE;
	s10 =	rddreg [dreg:$0x2]  }
0x378: {  	s0 =	sadd.s32 @p1 $0x15C3C, s1;
	s1 =	sshll.u32 @p1 s10, $0x11  }
0x379: {  	_ =	sfence.stream.spmem;
	s0 =	sor.u32 @p1 s1, s0  }
0x37a: {  	[sflag:s0] =	ssyncadd.remote.s32 @p1 $0x1;
	s0 =	simm.s32 @p1 $0x4  }
0x37b: {  	s2 =	simm.s32 @!p1 $0x3C;
	s1 =	sand.u32 $0xFFFFFFFE, s16;
	_ =	swait.ge @p1 [sflag:s0], $0x6  }
0x37c: {  	s7 =	simm.s32 @!p1 $0x0;
	s1 =	sadd.s32 @!p1 $0x4, s1;
	[sflag:s0] =	ssyncset.done @p1 $0x0  }
0x37d: {  	s8 =	simm.s32 @!p1 $0x20;
	[sflag:s0] =	ssyncadd.s32 @p1 $0xFFFFFFFA;
	s0 =	sshll.u32 @!p1 s1, $0x1A  }
0x37e: {  	s1 =	sshll.u32 @!p1 s1, $0xD;
	s0 =	sor.u32 @!p1 s0, s10;
	_ =	swait.eq @!p1 [sflag:s2], $0x1  }
0x37f: {  	s1 =	sor.u32 @!p1 $0x1C04, s1;
	s2 =	simm.s32 @!p1 $0x1C03;
	s0 =	sor.u32 @!p1 $0x80004000, s0  }
0x380: {  	[spmem:s8], [sflag:s1] =	dma.general @!p1 [spmem:s7], [sflag:s2], length:$0x4, [dreg:$0x0], stride_count:$0x0, ici_dest:s0, dma_misc:DstOpCode:WRITE  }
0x381: {  	p2 =	slt.s32 s9, $0x2;
	s7 =	simm.s32 @!p1 $0x40;
	s8 =	simm.s32 @!p1 $0x42  }
0x382: {  	[spmem:s8], [sflag:s1] =	dma.general @!p1 [spmem:s7], [sflag:s2], length:$0x2, [dreg:$0x0], stride_count:$0x0, ici_dest:s0, dma_misc:DstOpCode:WRITE  }
.Ltmp29:
0x383: {  	s0 =	simm.s32 @!p1 $0x3;
	(pc) =	sbr.rel @p2 .LBB3_31-.Ltmp29, $4  }
0x384: {  	s1 =	sshll.u32 @!p1 s16, $0xE;
	_ =	swait.ge @!p1 [sflag:s0], $0x6  }
0x385: {  	s2 =	sshll.u32 @!p1 s10, $0x11;
	s1 =	sadd.s32 @!p1 $0x11C3C, s1;
	[sflag:s0] =	ssyncset.done @!p1 $0x0  }
0x386: {  	[sflag:s0] =	ssyncadd.s32 @!p1 $0xFFFFFFFA;
	s0 =	sor.u32 @!p1 s2, s1  }
0x387: {  	s1 =	simm.s32 $0x0;
	[sflag:s0] =	ssyncadd.remote.s32 @!p1 $0xFFFFFFFF  }
0x388: {  	s0 =	simm.s32 $0x3859  }
0x389: {  	v0 =	vld.msk [tilespmem:s0+$0x0], $0x1;
	_ =	sdelay $0x4  }
0x38a: {  	(v2sf) =	vpush v0, $0x0;
	_ =	sdelay $0xc  }
0x38b: {  	s2 =	sadd.s32 $0xFFFFFFFE, s6  }
0x38c: {  	s2 =	sadd.s32 $0xFFFFFFFF, s2  }
0x38d: {  	p2 =	sne.s32 s2, $0x0;
	s0 =	spop (v2sf)  }
.Ltmp30:
0x38e: {  	p1 =	sgt.u32 s0, $0x61A7E;
	(pc) =	sbr.rel @!p2 .LBB3_30-.Ltmp30, $4  }
0x38f: {  	s1 =	simm.s32 $0x3888;
	s6 =	sand.u32 @!p1 $0x7FFF8, s0  }
0x390: {  	s8 =	simm.s32 $0x0;
	s0 =	sand.u32 @!p1 $0x7, s0;
	s6 =	sadd.s32 @!p1 s3, s6  }
0x391: {  	[hbm4b:s6+s0] =	stream.linear.scatter @!p1 [tilespmem:s1], [sflag:$0x5], $0x10, $0x38;
	[tilespmem:$0x1FE08] =	vst v63  }
0x392: {  	s7 =	simm.s32 $0x385A;
	s8 =	simm.s32 @!p1 $0x40;
	s6 =	simm.s32 $0x0  }
.LBB3_29:
0x393: {  	v0 =	vld.msk [tilespmem:s7+$0x0], $0x1;
	s2 =	sadd.s32 $0xFFFFFFFF, s2;
	s6 =	sadd.s32 s6, s8  }
0x394: {  	p1 =	sne.s32 s2, $0x0;
	_ =	sdelay $0x3  }
0x395: {  	(v2sf) =	vpush v0, $0x0;
	_ =	sdelay $0xe  }
.Ltmp31:
0x396: {  	s0 =	spop (v2sf);
	(pc) =	sbr.rel @p1 .LBB3_29-.Ltmp31, $4  }
0x397: {  	s8 =	simm.s32 $0x0;
	p2 =	sgt.u32 s0, $0x61A7E  }
0x398: {  	s1 =	sadd.s32 $0x10, s1;
	s8 =	simm.s32 @!p2 $0x40;
	s9 =	sand.u32 @!p2 $0x7FFF8, s0  }
0x399: {  	s7 =	sadd.s32 $0x1, s7;
	s0 =	sand.u32 @!p2 $0x7, s0;
	s9 =	sadd.s32 @!p2 s3, s9  }
0x39a: {  	[hbm4b:s9+s0] =	stream.linear.scatter @!p2 [tilespmem:s1], [sflag:$0x5], $0x10, $0x38;
	[tilespmem:$0x1FE08] =	vst v63  }
.LBB3_30:
0x39b: {  	s0 =	sadd.s32 s6, s8  }
0x39c: {  	s1 =	sshrl.u32 s0, $0x2  }
.LBB3_31:
0x39d: {  	s0 =	simm.s32 $0x5  }
0x39e: {  	_ =	swait.ge [sflag:s0], s1  }
0x39f: {  	s31 =	ssub.s32 $0x0, s1;
	[sflag:s0] =	ssyncset.done $0x0  }
0x3a0: {  	[sflag:s0] =	ssyncadd.s32 s31  }
0x3a1: {  	[sflag:s0] =	ssyncpa.u1 $0x1  }
.LBB3_32:
0x3a2: {  	s0 =	sor.u32 s5, s4  }
0x3a3: {  	p1 =	sne.s32 s0, $0x0  }
.Ltmp32:
0x3a4: {  	_ = 	snop;
	(pc) =	sbr.rel @p1 .LBB3_47-.Ltmp32, $3  }
0x3a5: {  	_ =	sdelay $0x1  }
0x3a6: {  	[bflag:$0x0] =	sbarrier.arrive $0xFFFF  }
0x3a7: {  	_ =	sfence  }
0x3a8: {  	s0 =	simm.s32 $0x7  }
0x3a9: {  	s1 =	simm.s32 $0x200;
	s2 =	simm.s32 $0x3858;
	[sflag:s0] =	ssyncpa.u1 $0x0  }
0x3aa: {  	[tilespmem:s2], [sflag:$0x7] =	stream.linear.gather [spmem:s1], $0x20, $0x38;
	[tilespmem:$0x1FE08] =	vst v63  }
0x3ab: {  	s30 =	simm.s32 $0x3878;
	s1 =	simm.s32 $0x0  }
0x3ac: {  	[tilespmem:s30], [sflag:$0x7] =	stream.linear.gather [spmem:s1], $0x200, $0x38;
	[tilespmem:$0x1FE08] =	vst v63  }
.Ltmp33:
0x3ad: {  	_ = 	snop;
	(pc) =	sbr.rel .LBB3_34-.Ltmp33, $4  }
0x3ae: {  	_ =	swait.ge [sflag:s0], $0x220  }
0x3af: {  	[sflag:s0] =	ssyncset.done $0x0  }
0x3b0: {  	s31 =	simm.s32 $0x8;
	[sflag:s0] =	ssyncadd.s32 $0xFFFFFDE0  }
0x3b1: {  	s2 =	simm.s32 $0x0;
	[sflag:s31] =	ssyncpa.u1 $0x0  }
.LBB3_39:
0x3b2: {  	p1 =	slt.u32 s4, $0x61A7F  }
0x3b3: {  	s0 =	sand.u32 @p1 $0x7FFF8, s4  }
0x3b4: {  	s4 =	sand.u32 @p1 $0x7, s4;
	s5 =	simm.s32 @p1 $0x3838;
	s0 =	sadd.s32 @p1 s3, s0  }
0x3b5: {  	[tilespmem:s5], [sflag:$0x8] =	stream.linear.gather @p1 [hbm4b:s0+s4], $0x10, $0x38;
	[tilespmem:$0x1FE08] =	vst v63  }
0x3b6: {  	s0 =	simm.s32 @p1 $0x8  }
0x3b7: {  	_ =	swait.ge @p1 [sflag:s0], $0x10  }
0x3b8: {  	[sflag:s0] =	ssyncset.done @p1 $0x0  }
0x3b9: {  	[sflag:s0] =	ssyncadd.s32 @p1 $0xFFFFFFF0  }
0x3ba: {  	v1 =	vld @p1 [tilespmem:$0x3838];
	_ =	sdelay $0x2  }
0x3bb: {  	s0 =	sshll.u32 @p1 s2, $0x6  }
0x3bc: {  	s5 =	sshll.u32 @!p1 s2, $0x6;
	s4 =	sshrl.u32 @p1 s0, $0x2  }
0x3bd: {  	s5 =	smov.u32 @p1 s0;
	[tilespmem:s4+$0x3878] =	vst.add.f32.msk @p1 $0xffff, v1  }
0x3be: {  	s0 =	sshrl.u32 s5, $0x2;
	[tilespmem:s1+$0x3858] =	vst.msk $0x1, v0  }
0x3bf: {  	v0 =	vld [tilespmem:s0+$0x3878];
	_ =	sdelay $0x2  }
0x3c0: {  	s31 =	sshll.u32 s1, $0x6  }
0x3c1: {  	s0 =	sshra.s32 s31, $0x2  }
0x3c2: {  	s1 =	sadd.s32 $0x1, s1;
	[tilespmem:s0+$0x3878] =	vst v0  }
.LBB3_41:
0x3c3: {  	s2 =	sadd.s32 $0x1, s2  }
0x3c4: {  	p1 =	sne.s32 s2, $0x20  }
.Ltmp34:
0x3c5: {  	_ = 	snop;
	(pc) =	sbr.rel @!p1 .LBB3_42-.Ltmp34, $1  }
0x3c6: {  	_ =	sdelay $0x3  }
.LBB3_34:
0x3c7: {  	v0 =	vld.msk [tilespmem:s2+$0x3858], $0x1;
	_ =	sdelay $0x4  }
0x3c8: {  	(v2sf) =	vpush v0, $0x0;
	_ =	sdelay $0xe  }
0x3c9: {  	s4 =	spop (v2sf)  }
0x3ca: {  	p1 =	seq.s32 s4, $0xFFFFFFFF  }
.Ltmp35:
0x3cb: {  	_ = 	snop;
	(pc) =	sbr.rel @p1 .LBB3_41-.Ltmp35, $1  }
0x3cc: {  	_ =	sdelay $0x3  }
0x3cd: {  	p1 =	slt.s32 s1, $0x1  }
.Ltmp36:
0x3ce: {  	_ = 	snop;
	(pc) =	sbr.rel @p1 .LBB3_39-.Ltmp36, $1  }
0x3cf: {  	_ =	sdelay $0x3  }
0x3d0: {  	s5 =	simm.s32 $0x3858;
	p1 =	por $0x0, $0x0  }
0x3d1: {  	v1 =	vld.msk @!p1 [tilespmem:s5+$0x0], $0x1;
	_ =	sdelay $0x4  }
0x3d2: {  	(v2sf) =	vpush @!p1 v1, $0x0;
	_ =	sdelay $0xd  }
0x3d3: {  	p3 =	sne.s32 s1, $0x1  }
.Ltmp37:
0x3d4: {  	s0 =	spop @!p1 (v2sf);
	(pc) =	sbr.rel @!p3 .LBB3_38-.Ltmp37, $4  }
0x3d5: {  	p2 =	seq.s32 @!p1 s4, s0  }
0x3d6: {  	s6 =	simm.s32 $0x0;
	p2 =	por !p2, p1  }
0x3d7: {  	s0 =	simm.s32 $0xFFFFFFFF;
	s6 =	simm.s32 @p2 $0xFFFFFFFF  }
0x3d8: {  	s7 =	simm.s32 $0x1;
	s6 =	smov.u32 @p1 s0  }
.LBB3_37:
0x3d9: {  	s0 =	smov.u32 s6;
	p1 =	sne.s32 s6, $0xFFFFFFFF  }
0x3da: {  	s5 =	sadd.s32 $0x1, s5;
	s6 =	smov.u32 s7;
	s7 =	sadd.s32 $0x1, s7  }
0x3db: {  	p2 =	sne.s32 s1, s7;
	v1 =	vld.msk @!p1 [tilespmem:s5+$0x0], $0x1;
	_ =	sdelay $0x4  }
0x3dc: {  	(v2sf) =	vpush @!p1 v1, $0x0;
	_ =	sdelay $0xe  }
.Ltmp38:
0x3dd: {  	s8 =	spop @!p1 (v2sf);
	(pc) =	sbr.rel @p2 .LBB3_37-.Ltmp38, $4  }
0x3de: {  	p3 =	seq.s32 @!p1 s4, s8  }
0x3df: {  	p3 =	por !p3, p1  }
0x3e0: {  	s6 =	simm.s32 @p3 $0xFFFFFFFF  }
0x3e1: {  	s6 =	smov.u32 @p1 s0  }
.LBB3_38:
0x3e2: {  	p1 =	sne.s32 s6, $0xFFFFFFFF  }
.Ltmp39:
0x3e3: {  	_ = 	snop;
	(pc) =	sbr.rel @!p1 .LBB3_39-.Ltmp39, $1  }
0x3e4: {  	_ =	sdelay $0x3  }
0x3e5: {  	s0 =	sshll.u32 s2, $0x4  }
0x3e6: {  	s0 =	sand.u32 $0x3FFFFFF0, s0  }
0x3e7: {  	v0 =	vld [tilespmem:s0+$0x3878]  }
.Ltmp40:
0x3e8: {  	_ = 	snop;
	(pc) =	sbr.rel .LBB3_41-.Ltmp40, $4  }
0x3e9: {  	_ = 	snop  }
0x3ea: {  	s31 =	sshll.u32 s6, $0x6  }
0x3eb: {  	s0 =	sshra.s32 s31, $0x2  }
0x3ec: {  	[tilespmem:s0+$0x3878] =	vst.add.f32.msk $0xffff, v0  }
.LBB3_42:
0x3ed: {  	p1 =	slt.s32 s1, $0x1  }
.Ltmp41:
0x3ee: {  	_ = 	snop;
	(pc) =	sbr.rel @p1 .LBB3_46-.Ltmp41, $3  }
0x3ef: {  	_ =	sdelay $0x1  }
0x3f0: {  	s0 =	simm.s32 $0x8  }
0x3f1: {  	s2 =	simm.s32 $0x0;
	[sflag:s0] =	ssyncpa.u1 $0x1  }
0x3f2: {  	s0 =	simm.s32 $0x3858  }
0x3f3: {  	v0 =	vld.msk [tilespmem:s0+$0x0], $0x1;
	_ =	sdelay $0x4  }
0x3f4: {  	(v2sf) =	vpush v0, $0x0;
	_ =	sdelay $0xd  }
0x3f5: {  	s1 =	sadd.s32 $0xFFFFFFFF, s1  }
0x3f6: {  	p2 =	sne.s32 s1, $0x0;
	s0 =	spop (v2sf)  }
.Ltmp42:
0x3f7: {  	p1 =	sgt.u32 s0, $0x61A7E;
	(pc) =	sbr.rel @!p2 .LBB3_45-.Ltmp42, $4  }
0x3f8: {  	s4 =	simm.s32 $0x3878;
	s5 =	sand.u32 @!p1 $0x7FFF8, s0  }
0x3f9: {  	s6 =	simm.s32 $0x0;
	s0 =	sand.u32 @!p1 $0x7, s0;
	s5 =	sadd.s32 @!p1 s3, s5  }
0x3fa: {  	[hbm4b:s5+s0] =	stream.linear.scatter @!p1 [tilespmem:s4], [sflag:$0x7], $0x10, $0x38;
	[tilespmem:$0x1FE08] =	vst v63  }
0x3fb: {  	s6 =	simm.s32 @!p1 $0x40;
	s5 =	simm.s32 $0x3859  }
.LBB3_44:
0x3fc: {  	v0 =	vld.msk [tilespmem:s5+$0x0], $0x1;
	s1 =	sadd.s32 $0xFFFFFFFF, s1;
	s2 =	sadd.s32 s2, s6  }
0x3fd: {  	p1 =	sne.s32 s1, $0x0;
	_ =	sdelay $0x3  }
0x3fe: {  	(v2sf) =	vpush v0, $0x0;
	_ =	sdelay $0xe  }
.Ltmp43:
0x3ff: {  	s0 =	spop (v2sf);
	(pc) =	sbr.rel @p1 .LBB3_44-.Ltmp43, $4  }
0x400: {  	s6 =	simm.s32 $0x0;
	p2 =	sgt.u32 s0, $0x61A7E  }
0x401: {  	s4 =	sadd.s32 $0x10, s4;
	s6 =	simm.s32 @!p2 $0x40;
	s7 =	sand.u32 @!p2 $0x7FFF8, s0  }
0x402: {  	s5 =	sadd.s32 $0x1, s5;
	s0 =	sand.u32 @!p2 $0x7, s0;
	s7 =	sadd.s32 @!p2 s3, s7  }
0x403: {  	[hbm4b:s7+s0] =	stream.linear.scatter @!p2 [tilespmem:s4], [sflag:$0x7], $0x10, $0x38;
	[tilespmem:$0x1FE08] =	vst v63  }
.LBB3_45:
0x404: {  	s0 =	sadd.s32 s2, s6  }
0x405: {  	s2 =	sshrl.u32 s0, $0x2  }
.LBB3_46:
0x406: {  	s0 =	simm.s32 $0x7  }
0x407: {  	_ =	swait.ge [sflag:s0], s2  }
0x408: {  	s1 =	ssub.s32 $0x0, s2;
	[sflag:s0] =	ssyncset.done $0x0  }
0x409: {  	[sflag:s0] =	ssyncadd.s32 s1  }
0x40a: {  	[sflag:s0] =	ssyncpa.u1 $0x1  }
.LBB3_47:
0x40b: {  	_ =	sfence;
	s0 =	simm.s32 $0x1  }
0x40c: {  	[sflag:s0] =	ssyncpa.u1 $0x1  }
0x40d: {  	_ =	strace $0x90000050  }
0x40e: {  	[bflag:$0x2] =	sbarrier.arrive $0xFFFF  }
0x40f: {  	s0 =	rddreg [dreg:$0x3]  }
0x410: {  	s0 =	sadd.s32 @!p0 $0x100000, s0  }
0x411: {  	[sflag:s0] =	ssyncadd.tile.s32 @!p0 $0x1;
	_ =	shalt  }
.Lfunc_end3:
_tile_overlayer_lowered:
.L_overlay_start_3:
0x412: {  	(tag) =	ssettag $0x3  }
0x413: {  	s0 =	rddreg [dreg:$0x0];
	s2 =	stileid.u32  }
0x414: {  	s1 =	rddreg [dreg:$0x1];
	p0 =	sne.s32 s2, $0x0  }
0x415: {  	s3 =	rddreg [dreg:$0x2];
	[bflag:$0x3] =	sbarrier.arrive $0xFFFF;
	s2 =	simm.s32 @!p0 $0x1C01  }
0x416: {  	[timem:s3], [sflag:s2] =	dma.local @!p0 [hbm:s0], s1  }
0x417: {  	s0 =	simm.s32 @!p0 $0x1  }
0x418: {  	_ =	swait.ge @!p0 [sflag:s0], s1  }
0x419: {  	s1 =	ssub.s32 @!p0 $0x0, s1;
	[sflag:s0] =	ssyncset.done @!p0 $0x0  }
0x41a: {  	[sflag:s0] =	ssyncadd.s32 @!p0 s1  }
0x41b: {  	[bflag:$0x3] =	sbarrier.arrive $0xFFFF  }
0x41c: {  	_ =	shalt  }

// kernel: scatter_offload_async_start.3
scs
__scs_entry_jumppad:
0x0: {  	(pc) =	sbr.rel $0x88, $3  }
0x1: {  	(tag) =	ssettag $0x0;
	lr =	simm.s32 $0x1  }
0x2: {  	[smem:$0x3F81] =	sst lr;
	_ =	strace $0xD0000000  }
0x3: {  	_ = 	snop  }
0x4: {  	_ = 	snop  }
0x5: {  	_ = 	snop  }
0x6: {  	_ = 	snop  }
0x7: {  	_ = 	snop  }
__scs_overlays_trampoline_lowered:
0x8: {  	[smem:$0x3F90] =	sst s0  }
0x9: {  	[smem:$0x3F91] =	sst s1  }
0xa: {  	[smem:$0x3F92] =	sst s2  }
0xb: {  	[smem:$0x3F93] =	sst s3  }
0xc: {  	[smem:$0x3F94] =	sst s4  }
0xd: {  	[smem:$0x3F95] =	sst s5  }
0xe: {  	[smem:$0x3F96] =	sst s6  }
0xf: {  	[smem:$0x3F97] =	sst s7  }
0x10: {  	[smem:$0x3F98] =	sst s8  }
0x11: {  	[smem:$0x3F99] =	sst s9;
	s0 =	simm.s32 @!p0 $0x0  }
0x12: {  	s1 =	sld [smem:$0x3F7F];
	s0 =	simm.s32 @p0 $0x1  }
0x13: {  	[smem:$0x3F9A] =	sst s0;
	s0 =	simm.s32 @!p1 $0x0  }
0x14: {  	s2 =	sld [smem:$0x3F7E];
	s0 =	simm.s32 @p1 $0x1  }
0x15: {  	[smem:$0x3F9B] =	sst s0;
	s0 =	simm.s32 @!p2 $0x0  }
0x16: {  	s3 =	sld [smem:$0x3FDB];
	s0 =	simm.s32 @p2 $0x1  }
0x17: {  	s4 =	simm.s32 $0x1BF5;
	[smem:$0x3F9D] =	sst s0  }
0x18: {  	s0 =	sld [smem:$0x3F80];
	_ =	swait.ge [sflag:s4], $0x0  }
0x19: {  	s7 =	sld [smem:$0x3F81]  }
0x1a: {  	s8 =	sadd.s32 $0xFFFFE003, lr  }
0x1b: {  	s9 =	sadd.s32 $0xFFFFFEF7, lr;
	s5 =	simm.s32 $0xFFFFFFFF;
	p2 =	slt.u32 s8, $0xFFFFF086  }
0x1c: {  	p1 =	slt.u32 s9, $0xF7A;
	s5 =	simm.s32 @!p2 $0x0  }
0x1d: {  	s5 =	simm.s32 @p1 $0x1;
	p0 =	seq.s32 s7, s2  }
0x1e: {  	s7 =	smul.u32 @!p0 $0xF7A, s2;
	p2 =	seq.s32 @!p0 s5, $0x0  }
0x1f: {  	s9 =	smul.u32 $0xF7A, s1;
	s8 =	simm.s32 @!p0 $0x1BF5;
	p2 =	por !p2, p0  }
0x20: {  	[sflag:s8] =	ssyncset.s32 @!p0 $0xFFFFF086;
	s6 =	sadd.s32 @!p0 s3, s7;
	s7 =	simm.s32 @!p0 $0x108  }
0x21: {  	s3 =	sadd.s32 s3, s9;
	s6 =	sadd.s32 @!p0 $0x88, s6;
	s7 =	simm.s32 @p2 $0x1082  }
0x22: {  	[simem:s7], [sflag:s8] =	dma.local @!p0 [hbm:s6], $0xF7A  }
0x23: {  	s9 =	sor.u32 $0xD0000000, s2;
	s6 =	simm.s32 $0x108;
	_ =	swait.ge @!p0 [sflag:s8], $0x0  }
0x24: {  	s3 =	sadd.s32 $0x88, s3;
	s6 =	simm.s32 @!p1 $0x1082;
	[sflag:s4] =	ssyncset.s32 $0xFFFFF086  }
0x25: {  	[simem:s6], [sflag:s4] =	dma.local [hbm:s3], $0xF7A  }
0x26: {  	[smem:$0x3F81] =	sst s1;
	(tag) =	ssettag s2;
	_ =	strace s9  }
0x27: {  	s1 =	sld [smem:$0x3F91]  }
0x28: {  	s2 =	sld [smem:$0x3F92]  }
0x29: {  	s4 =	sld [smem:$0x3F94]  }
0x2a: {  	p0 =	seq.s32 s5, $0x0;
	s5 =	sld [smem:$0x3F95]  }
0x2b: {  	s6 =	sld [smem:$0x3F96]  }
0x2c: {  	s7 =	sld [smem:$0x3F97]  }
0x2d: {  	s3 =	simm.s32 $0x108;
	s8 =	sld [smem:$0x3F98]  }
0x2e: {  	s3 =	simm.s32 @!p0 $0x1082;
	s9 =	sld [smem:$0x3F99]  }
0x2f: {  	lr =	sadd.s32 s0, s3;
	s0 =	sld [smem:$0x3F90]  }
0x30: {  	s3 =	sld [smem:$0x3F93]  }
0x31: {  	[smem:$0x3F9C] =	sst s10  }
0x32: {  	s10 =	sld [smem:$0x3F9A];
	_ =	sdelay $0x3  }
0x33: {  	p0 =	seq.s32 s10, $0x1;
	s10 =	sld [smem:$0x3F9C];
	_ =	sdelay $0x3  }
0x34: {  	[smem:$0x3F9C] =	sst s10  }
0x35: {  	s10 =	sld [smem:$0x3F9B];
	_ =	sdelay $0x3  }
0x36: {  	p1 =	seq.s32 s10, $0x1;
	s10 =	sld [smem:$0x3F9C];
	_ =	sdelay $0x3  }
0x37: {  	[smem:$0x3F9C] =	sst s10  }
0x38: {  	s10 =	sld [smem:$0x3F9D]  }
0x39: {  	_ = 	snop;
	(pc) =	sbr.ind lr, $3  }
0x3a: {  	_ = 	snop  }
0x3b: {  	_ = 	snop  }
0x3c: {  	p2 =	seq.s32 s10, $0x1;
	s10 =	sld [smem:$0x3F9C]  }
0x3d: {  	_ =	shalt  }
0x3e: {  	_ =	shalt  }
0x3f: {  	_ =	shalt  }
0x40: {  	_ =	shalt  }
0x41: {  	_ =	shalt  }
0x42: {  	_ =	shalt  }
0x43: {  	_ =	shalt  }
0x44: {  	_ =	shalt  }
0x45: {  	_ =	shalt  }
0x46: {  	_ =	shalt  }
0x47: {  	_ =	shalt  }
0x48: {  	_ =	shalt  }
0x49: {  	_ =	shalt  }
0x4a: {  	_ =	shalt  }
0x4b: {  	_ =	shalt  }
0x4c: {  	_ =	shalt  }
0x4d: {  	_ =	shalt  }
0x4e: {  	_ =	shalt  }
0x4f: {  	_ =	shalt  }
0x50: {  	_ =	shalt  }
0x51: {  	_ =	shalt  }
0x52: {  	_ =	shalt  }
0x53: {  	_ =	shalt  }
0x54: {  	_ =	shalt  }
0x55: {  	_ =	shalt  }
0x56: {  	_ =	shalt  }
0x57: {  	_ =	shalt  }
0x58: {  	_ =	shalt  }
0x59: {  	_ =	shalt  }
0x5a: {  	_ =	shalt  }
0x5b: {  	_ =	shalt  }
0x5c: {  	_ =	shalt  }
0x5d: {  	_ =	shalt  }
0x5e: {  	_ =	shalt  }
0x5f: {  	_ =	shalt  }
0x60: {  	_ =	shalt  }
0x61: {  	_ =	shalt  }
0x62: {  	_ =	shalt  }
0x63: {  	_ =	shalt  }
0x64: {  	_ =	shalt  }
0x65: {  	_ =	shalt  }
0x66: {  	_ =	shalt  }
0x67: {  	_ =	shalt  }
0x68: {  	_ =	shalt  }
0x69: {  	_ =	shalt  }
0x6a: {  	_ =	shalt  }
0x6b: {  	_ =	shalt  }
0x6c: {  	_ =	shalt  }
0x6d: {  	_ =	shalt  }
0x6e: {  	_ =	shalt  }
0x6f: {  	_ =	shalt  }
0x70: {  	_ =	shalt  }
0x71: {  	_ =	shalt  }
0x72: {  	_ =	shalt  }
0x73: {  	_ =	shalt  }
0x74: {  	_ =	shalt  }
0x75: {  	_ =	shalt  }
0x76: {  	_ =	shalt  }
0x77: {  	_ =	shalt  }
0x78: {  	_ =	shalt  }
0x79: {  	_ =	shalt  }
0x7a: {  	_ =	shalt  }
0x7b: {  	_ =	shalt  }
0x7c: {  	_ =	shalt  }
0x7d: {  	_ =	shalt  }
0x7e: {  	_ =	shalt  }
0x7f: {  	_ =	shalt  }
0x80: {  	_ =	shalt  }
0x81: {  	_ =	shalt  }
0x82: {  	_ =	shalt  }
0x83: {  	_ =	shalt  }
0x84: {  	_ =	shalt  }
0x85: {  	_ =	shalt  }
0x86: {  	_ =	shalt  }
0x87: {  	_ =	shalt  }
.Lfunc_end0:
.L_simem_size_0:
called_computation.3_lowered:
.L_overlay_start_0:
0x88: {  	s2 =	sld [smem:$0x3FD9]  }
0x89: {  	s3 =	sld [smem:$0x3FFE];
	_ =	sdelay $0x1  }
0x8a: {  	s1 =	srdreg.scid  }
0x8b: {  	s0 =	sand.u32 $0x1, s1  }
0x8c: {  	s12 =	sshll.u32 s0, $0xA;
	s2 =	sadd.s32 s3, s2  }
0x8d: {  	s2 =	sadd.s32 s2, s12  }
0x8e: {  	[smem:$0x3FA8] =	sst s2  }
0x8f: {  	_ = 	snop  }
0x90: {  	(tm) =	ssettm $0x1  }
0x91: {  	s13 =	sld [smem:$0x3FFB];
	_ =	sdelay $0x3  }
0x92: {  	_ =	strace s13  }
0x93: {  	s2 =	sld [smem:$0x3FFC];
	_ =	sdelay $0x3  }
0x94: {  	_ =	strace s2  }
0x95: {  	s2 =	sld [smem:$0x3FFD];
	_ =	sdelay $0x3  }
0x96: {  	_ =	strace s2  }
0x97: {  	_ =	strace $0x8FFFFFFF  }
0x98: {  	s14 =	sld [smem:$0x3FDB];
	_ =	sdelay $0x1  }
0x99: {  	s15 =	simm.s32 $_scs_section_size  }
0x9a: {  	s4 =	simm.s32 $_size__tile_overlayer_lowered;
	s5 =	simm.s32 $_tile_overlayer_lowered  }
0x9b: {  	s19 =	simm.s32 $0x1BFF;
	s17 =	sshll.u32 s5, $0x1;
	s6 =	sadd.s32 s15, s14  }
0x9c: {  	s20 =	simm.s32 $0x0;
	s16 =	sshll.u32 s4, $0x1;
	s18 =	sadd.s32 s17, s6  }
0x9d: {  	[timem:s20], [sflag:s19] =	dma.local [hbm:s18], s16  }
0x9e: {  	_ =	swait.ge [sflag:s19], s16  }
0x9f: {  	s3 =	ssub.s32 $0x0, s16;
	[sflag:s19] =	ssyncset.done $0x0  }
0xa0: {  	[sflag:s19] =	ssyncadd.s32 s3;
	_ =	sdelay $0x1  }
0xa1: {  	s21 =	simm.s32 $0x1B8B  }
0xa2: {  	_ =	swait.ge [sflag:s21], $0x1  }
0xa3: {  	[sflag:s21] =	ssyncset.done $0x0  }
0xa4: {  	[sflag:s21] =	ssyncadd.s32 $0xFFFFFFFF  }
0xa5: {  	s3 =	sld [smem:$0x0]  }
0xa6: {  	s4 =	sand.u32 $0xFFFFFFFE, s1  }
0xa7: {  	p0 =	sne.s32 s1, s4  }
0xa8: {  	s4 =	sshll.u32 @p0 s4, $0xE  }
0xa9: {  	s5 =	sadd.s32 @p0 $0x11B8D, s4;
	s7 =	sshll.u32 @p0 s3, $0x11  }
0xaa: {  	s5 =	sor.u32 @p0 s7, s5  }
0xab: {  	[sflag:s5] =	ssyncadd.remote.s32 @p0 $0x1;
	_ =	sdelay $0x1  }
0xac: {  	s5 =	simm.s32 @p0 $0x1B8D  }
0xad: {  	_ =	swait.eq @p0 [sflag:s5], $0x1  }
0xae: {  	[sflag:s5] =	ssyncadd.s32 @p0 $0xFFFFFFFF  }
0xaf: {  	s7 =	sshll.u32 @!p0 s1, $0xE  }
0xb0: {  	s7 =	sor.u32 @!p0 $0x4000, s7;
	s5 =	simm.s32 @!p0 $0x1B8D  }
0xb1: {  	s9 =	sshll.u32 @!p0 s3, $0x11;
	s8 =	sadd.s32 @!p0 $0x11B8D, s7;
	_ =	swait.eq @!p0 [sflag:s5], $0x1  }
0xb2: {  	[sflag:s5] =	ssyncadd.s32 @!p0 $0xFFFFFFFF;
	s5 =	sor.u32 @!p0 s9, s8  }
0xb3: {  	s23 =	simm.s32 $0x1B8E;
	s22 =	sld [smem:$0x3FFE];
	[sflag:s5] =	ssyncadd.remote.s32 @!p0 $0x1  }
0xb4: {  	s24 =	simm.s32 $execute0_lowered;
	[smem:$0x3FD2] =	sst s23  }
0xb5: {  	s8 =	sshll.u32 s24, $0x1;
	_ =	strace $0x80000052;
	[dreg:$0x1] =	wrdreg $0xFFFFFFFF  }
0xb6: {  	s25 =	simm.s32 $_size_execute0_lowered;
	s8 =	sadd.s32 s6, s8;
	[dreg:$0x0] =	wrdreg $0x0  }
0xb7: {  	s9 =	sshll.u32 s25, $0x1;
	[dreg:$0x2] =	wrdreg s8  }
0xb8: {  	[dreg:$0x3] =	wrdreg s9  }
0xb9: {  	[dreg:$0x4] =	wrdreg $0xC0  }
0xba: {  	s26 =	simm.s32 $execute1_lowered;
	_ =	task [dreg:s20], $0x5FFFF  }
0xbb: {  	s8 =	sshll.u32 s26, $0x1;
	[dreg:$0x1] =	wrdreg $0xFFFFFFFF  }
0xbc: {  	s6 =	sadd.s32 s6, s8;
	[dreg:$0x0] =	wrdreg $0x60  }
0xbd: {  	[dreg:$0x2] =	wrdreg s6  }
0xbe: {  	[dreg:$0x3] =	wrdreg s22  }
0xbf: {  	[dreg:$0x4] =	wrdreg $0xB  }
0xc0: {  	_ =	task.clear_ibuf [dreg:s20], $0x5FFFF;
	_ =	strace $0x90000052  }
0xc1: {  	s28 =	simm.s32 $0xB;
	_ =	strace $0x80000054  }
0xc2: {  	_ =	swait.ge [sflag:s28], $0x1  }
0xc3: {  	[sflag:s28] =	ssyncadd.s32 $0xFFFFFFFF  }
0xc4: {  	_ =	strace $0x90000054  }
0xc5: {  	s6 =	sld [smem:$0x0];
	_ =	sdelay $0x3  }
0xc6: {  	s4 =	sadd.s32 @p0 $0x11BF3, s4;
	s8 =	sshll.u32 @p0 s6, $0x11  }
0xc7: {  	s4 =	sor.u32 @p0 s8, s4  }
0xc8: {  	[sflag:s4] =	ssyncadd.remote.s32 @p0 $0x1;
	_ =	sdelay $0x1  }
0xc9: {  	s4 =	simm.s32 @p0 $0x1BF3  }
0xca: {  	_ =	swait.eq @p0 [sflag:s4], $0x1  }
0xcb: {  	[sflag:s4] =	ssyncadd.s32 @p0 $0xFFFFFFFF;
	_ =	sdelay $0x1  }
0xcc: {  	s4 =	simm.s32 @!p0 $0x1BF3  }
0xcd: {  	s7 =	sadd.s32 @!p0 $0x11BF3, s7;
	s6 =	sshll.u32 @!p0 s6, $0x11;
	_ =	swait.eq @!p0 [sflag:s4], $0x1  }
0xce: {  	[sflag:s4] =	ssyncadd.s32 @!p0 $0xFFFFFFFF;
	s4 =	sor.u32 @!p0 s6, s7  }
0xcf: {  	[sflag:s4] =	ssyncadd.remote.s32 @!p0 $0x1  }
0xd0: {  	_ =	strace $0x80000055;
	[dreg:$0x1] =	wrdreg $0xFFFFFFFF  }
0xd1: {  	[dreg:$0x0] =	wrdreg $0x2030  }
0xd2: {  	[dreg:$0x2] =	wrdreg s22  }
0xd3: {  	[dreg:$0x3] =	wrdreg s1  }
0xd4: {  	[dreg:$0x4] =	wrdreg s3  }
0xd5: {  	[dreg:$0x5] =	wrdreg $0xC  }
0xd6: {  	_ =	task.clear_ibuf [dreg:s20], $0x6FFFF;
	_ =	strace $0x90000055  }
0xd7: {  	s29 =	simm.s32 $0xC;
	_ =	strace $0x80000057  }
0xd8: {  	_ =	swait.ge [sflag:s29], $0x1  }
0xd9: {  	[sflag:s29] =	ssyncadd.s32 $0xFFFFFFFF  }
0xda: {  	_ =	strace $0x90000057  }
0xdb: {  	_ =	sfence  }
0xdc: {  	s30 =	sld [smem:$0x0];
	_ =	sdelay $0x2  }
0xdd: {  	s31 =	sshll.u32 s1, $0xD;
	s1 =	sshrl.u32 s1, $0x2  }
0xde: {  	s4 =	sand.u32 $0x4000, s31;
	s1 =	sadd.s32 s1, s30  }
0xdf: {  	s0 =	sor.u32 s4, s0;
	s1 =	sshll.u32 s1, $0x11  }
0xe0: {  	s0 =	sor.u32 s1, s0  }
0xe1: {  	s0 =	sadd.s32 $0x8F2B, s0  }
0xe2: {  	[sflag:s0] =	ssyncadd.remote.s32 $0x1  }
0xe3: {  	_ =	sfence.sel $0xFFFF  }
0xe4: {  	[dreg:$0x0] =	wrdreg $0xFFFFFFFF;
	(pc) =	sbr.abs _section_cstart, $3  }
0xe5: {  	[dreg:$0x1] =	wrdreg $0xFFFFFFFF  }
0xe6: {  	_ =	task.clear_ibuf [dreg:s20], $0x2FFFF;
	_ =	strace $0x9FFFFFFF  }
0xe7: {  	(tm) =	ssettm $0x7FFFFFFF  }
tec
execute0_lowered:
.L_overlay_start_1:
0x0: {  	(tag) =	ssettag $0x1  }
0x1: {  	s2 =	rddreg [dreg:$0x0]  }
0x2: {  	s5 =	rddreg [dreg:$0x1]  }
0x3: {  	s0 =	rddreg [dreg:$0x2];
	s3 =	stileid.u32;
	[bflag:$0x3] =	sbarrier.arrive $0xFFFF  }
0x4: {  	s1 =	simm.s32 $_size_execute1_lowered;
	s29 =	srdreg.scid;
	s31 =	simm.s32 $0x2  }
0x5: {  	s13 =	simm.s32 $0x0;
	s8 =	simm.s32 $0x20;
	p0 =	sne.s32 s3, $0x0  }
0x6: {  	s1 =	sshll.u32 s1, $0x1;
	s4 =	simm.s32 @!p0 $0x1C3F;
	s6 =	simm.s32 @!p0 $0x4060  }
0x7: {  	[timem:s6], [sflag:s4] =	dma.local @!p0 [hbm:s2], s1  }
0x8: {  	s9 =	simm.s32 $0x80;
	s11 =	simm.s32 $0x0;
	s2 =	sshll.u32 s29, $0x9  }
.Ltmp0:
0x9: {  	s3 =	sshll.u32 s3, $0xA;
	s30 =	sand.u32 $0x200, s2;
	(pc) =	sbr.rel .LBB2_1-.Ltmp0, $4  }
0xa: {  	s12 =	simm.s32 $0x0;
	_ =	strace $0x80000053;
	s3 =	sor.u32 s3, s30  }
0xb: {  	s4 =	simm.s32 $0x1;
	s2 =	sadd.s32 $0xCB4C00, s5;
	s7 =	ssub.s32 $0x6000, s3  }
0xc: {  	s5 =	sadd.s32 $0xD78400, s5;
	[sflag:s4] =	ssyncpa.u1 $0x0;
	s6 =	sshrl.u32 s7, $0xE  }
0xd: {  	[sflag:s31] =	ssyncpa.u1 $0x0;
	s10 =	smov.u32 s3;
	s7 =	sor.u32 $0x2, s6  }
.LBB2_5:
0xe: {  	_ =	sdelay $0x3  }
0xf: {  	[tilespmem:v1+s16+$0x0 ss:$0x1] =	vst.idx.msk $0xffff, v2  }
.LBB2_6:
0x10: {  	s16 =	sand.u32 $0x1FFFFFF, s11  }
0x11: {  	s17 =	smulhi.u32 $0x14F8B59, s16;
	_ =	sdelay $0x1  }
0x12: {  	s17 =	sshrl.u32 s17, $0x7  }
0x13: {  	s17 =	smul.u32 $0x61A8, s17;
	_ =	sdelay $0x1  }
0x14: {  	s16 =	ssub.s32 s16, s17  }
0x15: {  	s16 =	sshll.u32 s16, $0x4  }
0x16: {  	s16 =	sadd.s32 s5, s16  }
0x17: {  	[hbm4b:s16+s8] =	stream.strided.scatter [tilespmem:s15], [sflag:$0x2], s14, s9, s8, $0x38;
	[tilespmem:$0x10000] =	vst v63  }
.LBB2_7:
0x18: {  	p1 =	slt.u32 s12, $0x2  }
0x19: {  	p2 =	sgt.s32 @!p1 s13, $0x5FA8  }
0x1a: {  	s14 =	smov.u32 s13;
	s15 =	sshra.s32 @!p1 s13, $0x1F;
	p2 =	por !p2, p1  }
0x1b: {  	s13 =	sand.u32 @!p1 s15, s13;
	s14 =	simm.s32 @p2 $0x5FA8  }
0x1c: {  	s13 =	ssub.s32 @!p1 s14, s13  }
0x1d: {  	s13 =	sadd.s32 @!p1 $0xFFFFA058, s13  }
0x1e: {  	s14 =	sshll.u32 @!p1 s13, $0x7  }
0x1f: {  	p2 =	sgt.s32 @!p1 s13, $0x1FF;
	s13 =	ssub.s32 @!p1 $0x10000, s14  }
0x20: {  	s15 =	sadd.s32 $0x4000, s10;
	p2 =	por !p2, p1;
	s13 =	sshrl.u32 @!p1 s13, $0x2  }
0x21: {  	s13 =	simm.s32 @!p2 $0x0;
	p2 =	sgt.s32 s15, $0x61A7  }
0x22: {  	s15 =	smov.u32 @p2 s3;
	p2 =	sne.s32 s12, s7  }
.Ltmp1:
0x23: {  	_ = 	snop;
	(pc) =	sbr.rel @!p2 .LBB2_8-.Ltmp1, $4  }
0x24: {  	s14 =	simm.s32 @!p1 $0x2  }
0x25: {  	_ =	swait.ge @!p1 [sflag:s14], s13;
	s16 =	ssub.s32 @!p1 $0x0, s13  }
0x26: {  	s13 =	smov.u32 s11;
	s12 =	sadd.s32 $0x1, s12;
	[sflag:s14] =	ssyncset.done @!p1 $0x0  }
0x27: {  	s11 =	smov.u32 s10;
	s10 =	smov.u32 s15;
	[sflag:s14] =	ssyncadd.s32 @!p1 s16  }
.LBB2_1:
0x28: {  	p1 =	sgt.u32 s12, s6  }
0x29: {  	s15 =	smov.u32 s10;
	p2 =	sgt.s32 @!p1 s10, $0x5FA8  }
0x2a: {  	s14 =	sand.u32 @!p1 $0x1FFFFFF, s10;
	s16 =	sshra.s32 @!p1 s10, $0x1F;
	p2 =	por !p2, p1  }
0x2b: {  	s17 =	smulhi.u32 @!p1 $0x14F8B59, s14;
	s16 =	sand.u32 @!p1 s16, s10;
	s15 =	simm.s32 @p2 $0x5FA8  }
0x2c: {  	s15 =	ssub.s32 @!p1 s15, s16  }
0x2d: {  	s16 =	sshrl.u32 @!p1 s17, $0x7;
	s15 =	sadd.s32 @!p1 $0xFFFFA058, s15  }
0x2e: {  	s17 =	sxor.u32 @!p1 $0xFFFFFFFF, s12;
	s16 =	smul.u32 @!p1 $0x61A8, s16;
	s18 =	sshll.u32 @!p1 s15, $0x7  }
0x2f: {  	s17 =	sshll.u32 @!p1 s17, $0xE;
	p2 =	sgt.s32 @!p1 s15, $0x1FF;
	s15 =	ssub.s32 @!p1 $0x10000, s18  }
0x30: {  	s14 =	ssub.s32 @!p1 s14, s16;
	p2 =	por !p2, p1;
	s16 =	sand.u32 @!p1 $0x4000, s17  }
0x31: {  	s17 =	simm.s32 @!p1 $0x20;
	s15 =	sshrl.u32 @!p1 s15, $0x2;
	s14 =	sshll.u32 @!p1 s14, $0x4  }
0x32: {  	s18 =	simm.s32 @!p1 $0x80;
	s15 =	simm.s32 @!p2 $0x0;
	s14 =	sadd.s32 @!p1 s2, s14  }
0x33: {  	[tilespmem:s16], [sflag:$0x1] =	stream.strided.gather @!p1 [hbm4b:s14+s17], s15, s18, s17, $0x38;
	[tilespmem:$0x10000] =	vst v63  }
0x34: {  	p1 =	seq.s32 s12, $0x0  }
0x35: {  	p2 =	sge.u32 @!p1 s12, s7  }
0x36: {  	p1 =	por p1, p2  }
.Ltmp2:
0x37: {  	_ = 	snop;
	(pc) =	sbr.rel @p1 .LBB2_7-.Ltmp2, $1  }
0x38: {  	_ =	sdelay $0x3  }
0x39: {  	p1 =	sgt.s32 s11, $0x5FA8;
	s14 =	smov.u32 s11;
	s15 =	sshra.s32 s11, $0x1F  }
0x3a: {  	s14 =	simm.s32 @!p1 $0x5FA8;
	s15 =	sand.u32 s15, s11  }
0x3b: {  	s14 =	ssub.s32 s14, s15  }
0x3c: {  	s14 =	sadd.s32 $0xFFFFA058, s14  }
0x3d: {  	s31 =	sshll.u32 s14, $0x7  }
0x3e: {  	s15 =	ssub.s32 $0x10000, s31  }
0x3f: {  	p1 =	sgt.s32 s14, $0x1FF;
	s14 =	sshrl.u32 s15, $0x2;
	s15 =	sadd.s32 $0x200, s11  }
0x40: {  	s14 =	simm.s32 @p1 $0x0;
	p1 =	slt.s32 s15, $0x61A8  }
0x41: {  	s15 =	simm.s32 @!p1 $0x61A8  }
0x42: {  	s17 =	ssub.s32 s15, s11  }
0x43: {  	p1 =	slt.s32 s17, $0x1  }
.Ltmp3:
0x44: {  	_ = 	snop;
	(pc) =	sbr.rel @p1 .LBB2_6-.Ltmp3, $4  }
0x45: {  	_ = 	snop  }
0x46: {  	s16 =	sshll.u32 s12, $0xE;
	_ =	swait.ge [sflag:s4], s14  }
0x47: {  	s16 =	sand.u32 $0x4000, s16;
	s18 =	ssub.s32 $0x0, s14;
	[sflag:s4] =	ssyncset.done $0x0  }
0x48: {  	s15 =	sor.u32 $0x8000, s16;
	[sflag:s4] =	ssyncadd.s32 s18  }
0x49: {  	v0 =	vmov s16;
	_ =	sdelay $0x2  }
0x4a: {  	s31 =	simm.s32 $0x0;
	p1 =	sne.s32 s17, $0x1  }
.Ltmp4:
0x4b: {  	s16 =	sand.u32 $0x3FE0, s31;
	(pc) =	sbr.rel @!p1 .LBB2_5-.Ltmp4, $2  }
0x4c: {  	v1 =	vmov s15;
	v2 =	vld.idx.msk [tilespmem:v0+s16+$0x0 ss:$0x1], $0xffff;
	_ =	sdelay $0x2  }
0x4d: {  	s17 =	sadd.s32 $0xFFFFFFFF, s17;
	s18 =	simm.s32 $0x20  }
.LBB2_4:
0x4e: {  	s19 =	sand.u32 $0x3FE0, s18;
	p1 =	sne.s32 s17, $0x1;
	s17 =	sadd.s32 $0xFFFFFFFF, s17  }
.Ltmp5:
0x4f: {  	[tilespmem:v1+s16+$0x0 ss:$0x1] =	vst.idx.msk $0xffff, v2;
	v2 =	vld.idx.msk [tilespmem:v0+s19+$0x0 ss:$0x1], $0xffff;
	s16 =	smov.u32 s19;
	(pc) =	sbr.rel @p1 .LBB2_4-.Ltmp5, $2  }
0x50: {  	_ =	sdelay $0x2  }
0x51: {  	s18 =	sadd.s32 $0x20, s18  }
.Ltmp6:
0x52: {  	_ = 	snop;
	(pc) =	sbr.rel .LBB2_5-.Ltmp6, $1  }
0x53: {  	_ =	sdelay $0x3  }
.LBB2_8:
0x54: {  	_ =	sfence.sel $0x180000  }
0x55: {  	s2 =	simm.s32 $0x1;
	[bflag:$0x0] =	sbarrier.arrive $0xFFFF  }
0x56: {  	s31 =	simm.s32 $0x2;
	[sflag:s2] =	ssyncpa.u1 $0x1  }
0x57: {  	[sflag:s31] =	ssyncpa.u1 $0x1  }
0x58: {  	_ =	strace $0x90000053  }
0x59: {  	s0 =	sadd.s32 @!p0 $0x100000, s0;
	[bflag:$0x2] =	sbarrier.arrive $0xFFFF  }
0x5a: {  	[sflag:s0] =	ssyncadd.tile.s32 @!p0 $0x1;
	s0 =	simm.s32 @!p0 $0x3F  }
0x5b: {  	_ =	swait.ge @!p0 [sflag:s0], s1  }
0x5c: {  	s1 =	ssub.s32 @!p0 $0x0, s1;
	[sflag:s0] =	ssyncset.done @!p0 $0x0  }
0x5d: {  	[sflag:s0] =	ssyncadd.s32 @!p0 s1  }
0x5e: {  	[bflag:$0x3] =	sbarrier.arrive $0xFFFF  }
0x5f: {  	_ =	shalt  }
.Lfunc_end2:
execute1_lowered:
.L_overlay_start_2:
0x60: {  	(tag) =	ssettag $0x2  }
0x61: {  	s6 =	rddreg [dreg:$0x0];
	_ =	strace $0x80000056;
	s5 =	simm.s32 $0x1  }
0x62: {  	v0 =	vimm.s32 $0x0;
	[sflag:s5] =	ssyncpa.u1 $0x0  }
0x63: {  	[tilespmem:$0x28] =	vst v0  }
0x64: {  	[tilespmem:$0x38] =	vst v0  }
0x65: {  	[tilespmem:$0x48] =	vst v0  }
0x66: {  	[tilespmem:$0x58] =	vst v0  }
0x67: {  	[tilespmem:$0x68] =	vst v0  }
0x68: {  	[tilespmem:$0x78] =	vst v0  }
0x69: {  	[tilespmem:$0x88] =	vst v0  }
0x6a: {  	[tilespmem:$0x98] =	vst v0  }
0x6b: {  	[tilespmem:$0xA8] =	vst v0  }
0x6c: {  	[tilespmem:$0xB8] =	vst v0  }
0x6d: {  	[tilespmem:$0xC8] =	vst v0  }
0x6e: {  	[tilespmem:$0xD8] =	vst v0  }
0x6f: {  	[tilespmem:$0xE8] =	vst v0  }
0x70: {  	[tilespmem:$0xF8] =	vst v0  }
0x71: {  	[tilespmem:$0x108] =	vst v0  }
0x72: {  	[tilespmem:$0x118] =	vst v0  }
0x73: {  	[tilespmem:$0x128] =	vst v0  }
0x74: {  	[tilespmem:$0x138] =	vst v0  }
0x75: {  	[tilespmem:$0x148] =	vst v0  }
0x76: {  	[tilespmem:$0x158] =	vst v0  }
0x77: {  	[tilespmem:$0x168] =	vst v0  }
0x78: {  	[tilespmem:$0x178] =	vst v0  }
0x79: {  	[tilespmem:$0x188] =	vst v0  }
0x7a: {  	[tilespmem:$0x198] =	vst v0  }
0x7b: {  	[tilespmem:$0x1A8] =	vst v0  }
0x7c: {  	[tilespmem:$0x1B8] =	vst v0  }
0x7d: {  	[tilespmem:$0x1C8] =	vst v0  }
0x7e: {  	[tilespmem:$0x1D8] =	vst v0  }
0x7f: {  	[tilespmem:$0x1E8] =	vst v0  }
0x80: {  	[tilespmem:$0x1F8] =	vst v0  }
0x81: {  	[tilespmem:$0x208] =	vst v0  }
0x82: {  	[tilespmem:$0x218] =	vst v0  }
0x83: {  	[tilespmem:$0x228] =	vst v0  }
0x84: {  	[tilespmem:$0x238] =	vst v0  }
0x85: {  	[tilespmem:$0x248] =	vst v0  }
0x86: {  	[tilespmem:$0x258] =	vst v0  }
0x87: {  	[tilespmem:$0x268] =	vst v0  }
0x88: {  	[tilespmem:$0x278] =	vst v0  }
0x89: {  	[tilespmem:$0x288] =	vst v0  }
0x8a: {  	[tilespmem:$0x298] =	vst v0  }
0x8b: {  	[tilespmem:$0x2A8] =	vst v0  }
0x8c: {  	[tilespmem:$0x2B8] =	vst v0  }
0x8d: {  	[tilespmem:$0x2C8] =	vst v0  }
0x8e: {  	[tilespmem:$0x2D8] =	vst v0  }
0x8f: {  	[tilespmem:$0x2E8] =	vst v0  }
0x90: {  	[tilespmem:$0x2F8] =	vst v0  }
0x91: {  	[tilespmem:$0x308] =	vst v0  }
0x92: {  	[tilespmem:$0x318] =	vst v0  }
0x93: {  	[tilespmem:$0x328] =	vst v0  }
0x94: {  	[tilespmem:$0x338] =	vst v0  }
0x95: {  	[tilespmem:$0x348] =	vst v0  }
0x96: {  	[tilespmem:$0x358] =	vst v0  }
0x97: {  	[tilespmem:$0x368] =	vst v0  }
0x98: {  	[tilespmem:$0x378] =	vst v0  }
0x99: {  	[tilespmem:$0x388] =	vst v0  }
0x9a: {  	[tilespmem:$0x398] =	vst v0  }
0x9b: {  	[tilespmem:$0x3A8] =	vst v0  }
0x9c: {  	[tilespmem:$0x3B8] =	vst v0  }
0x9d: {  	[tilespmem:$0x3C8] =	vst v0  }
0x9e: {  	[tilespmem:$0x3D8] =	vst v0  }
0x9f: {  	[tilespmem:$0x3E8] =	vst v0  }
0xa0: {  	[tilespmem:$0x3F8] =	vst v0  }
0xa1: {  	[tilespmem:$0x408] =	vst v0  }
0xa2: {  	[tilespmem:$0x418] =	vst v0  }
0xa3: {  	[tilespmem:$0x428] =	vst v0  }
0xa4: {  	[tilespmem:$0x438] =	vst v0  }
0xa5: {  	[tilespmem:$0x448] =	vst v0  }
0xa6: {  	[tilespmem:$0x458] =	vst v0  }
0xa7: {  	[tilespmem:$0x468] =	vst v0  }
0xa8: {  	[tilespmem:$0x478] =	vst v0  }
0xa9: {  	[tilespmem:$0x488] =	vst v0  }
0xaa: {  	[tilespmem:$0x498] =	vst v0  }
0xab: {  	[tilespmem:$0x4A8] =	vst v0  }
0xac: {  	[tilespmem:$0x4B8] =	vst v0  }
0xad: {  	[tilespmem:$0x4C8] =	vst v0  }
0xae: {  	[tilespmem:$0x4D8] =	vst v0  }
0xaf: {  	[tilespmem:$0x4E8] =	vst v0  }
0xb0: {  	[tilespmem:$0x4F8] =	vst v0  }
0xb1: {  	[tilespmem:$0x508] =	vst v0  }
0xb2: {  	[tilespmem:$0x518] =	vst v0  }
0xb3: {  	[tilespmem:$0x528] =	vst v0  }
0xb4: {  	[tilespmem:$0x538] =	vst v0  }
0xb5: {  	[tilespmem:$0x548] =	vst v0  }
0xb6: {  	[tilespmem:$0x558] =	vst v0  }
0xb7: {  	[tilespmem:$0x568] =	vst v0  }
0xb8: {  	[tilespmem:$0x578] =	vst v0  }
0xb9: {  	[tilespmem:$0x588] =	vst v0  }
0xba: {  	[tilespmem:$0x598] =	vst v0  }
0xbb: {  	[tilespmem:$0x5A8] =	vst v0  }
0xbc: {  	[tilespmem:$0x5B8] =	vst v0  }
0xbd: {  	[tilespmem:$0x5C8] =	vst v0  }
0xbe: {  	[tilespmem:$0x5D8] =	vst v0  }
0xbf: {  	[tilespmem:$0x5E8] =	vst v0  }
0xc0: {  	[tilespmem:$0x5F8] =	vst v0  }
0xc1: {  	[tilespmem:$0x608] =	vst v0  }
0xc2: {  	[tilespmem:$0x618] =	vst v0  }
0xc3: {  	[tilespmem:$0x628] =	vst v0  }
0xc4: {  	[tilespmem:$0x638] =	vst v0  }
0xc5: {  	[tilespmem:$0x648] =	vst v0  }
0xc6: {  	[tilespmem:$0x658] =	vst v0  }
0xc7: {  	[tilespmem:$0x668] =	vst v0  }
0xc8: {  	[tilespmem:$0x678] =	vst v0  }
0xc9: {  	[tilespmem:$0x688] =	vst v0  }
0xca: {  	[tilespmem:$0x698] =	vst v0  }
0xcb: {  	[tilespmem:$0x6A8] =	vst v0  }
0xcc: {  	[tilespmem:$0x6B8] =	vst v0  }
0xcd: {  	[tilespmem:$0x6C8] =	vst v0  }
0xce: {  	[tilespmem:$0x6D8] =	vst v0  }
0xcf: {  	[tilespmem:$0x6E8] =	vst v0  }
0xd0: {  	[tilespmem:$0x6F8] =	vst v0  }
0xd1: {  	[tilespmem:$0x708] =	vst v0  }
0xd2: {  	[tilespmem:$0x718] =	vst v0  }
0xd3: {  	[tilespmem:$0x728] =	vst v0  }
0xd4: {  	[tilespmem:$0x738] =	vst v0  }
0xd5: {  	[tilespmem:$0x748] =	vst v0  }
0xd6: {  	[tilespmem:$0x758] =	vst v0  }
0xd7: {  	[tilespmem:$0x768] =	vst v0  }
0xd8: {  	[tilespmem:$0x778] =	vst v0  }
0xd9: {  	[tilespmem:$0x788] =	vst v0  }
0xda: {  	[tilespmem:$0x798] =	vst v0  }
0xdb: {  	[tilespmem:$0x7A8] =	vst v0  }
0xdc: {  	[tilespmem:$0x7B8] =	vst v0  }
0xdd: {  	[tilespmem:$0x7C8] =	vst v0  }
0xde: {  	[tilespmem:$0x7D8] =	vst v0  }
0xdf: {  	[tilespmem:$0x7E8] =	vst v0  }
0xe0: {  	[tilespmem:$0x7F8] =	vst v0  }
0xe1: {  	[tilespmem:$0x808] =	vst v0  }
0xe2: {  	[tilespmem:$0x818] =	vst v0  }
0xe3: {  	[tilespmem:$0x828] =	vst v0  }
0xe4: {  	[tilespmem:$0x838] =	vst v0  }
0xe5: {  	[tilespmem:$0x848] =	vst v0  }
0xe6: {  	[tilespmem:$0x858] =	vst v0  }
0xe7: {  	[tilespmem:$0x868] =	vst v0  }
0xe8: {  	[tilespmem:$0x878] =	vst v0  }
0xe9: {  	[tilespmem:$0x888] =	vst v0  }
0xea: {  	[tilespmem:$0x898] =	vst v0  }
0xeb: {  	[tilespmem:$0x8A8] =	vst v0  }
0xec: {  	[tilespmem:$0x8B8] =	vst v0  }
0xed: {  	[tilespmem:$0x8C8] =	vst v0  }
0xee: {  	[tilespmem:$0x8D8] =	vst v0  }
0xef: {  	[tilespmem:$0x8E8] =	vst v0  }
0xf0: {  	[tilespmem:$0x8F8] =	vst v0  }
0xf1: {  	[tilespmem:$0x908] =	vst v0  }
0xf2: {  	[tilespmem:$0x918] =	vst v0  }
0xf3: {  	[tilespmem:$0x928] =	vst v0  }
0xf4: {  	[tilespmem:$0x938] =	vst v0  }
0xf5: {  	[tilespmem:$0x948] =	vst v0  }
0xf6: {  	[tilespmem:$0x958] =	vst v0  }
0xf7: {  	[tilespmem:$0x968] =	vst v0  }
0xf8: {  	[tilespmem:$0x978] =	vst v0  }
0xf9: {  	[tilespmem:$0x988] =	vst v0  }
0xfa: {  	[tilespmem:$0x998] =	vst v0  }
0xfb: {  	[tilespmem:$0x9A8] =	vst v0  }
0xfc: {  	[tilespmem:$0x9B8] =	vst v0  }
0xfd: {  	[tilespmem:$0x9C8] =	vst v0  }
0xfe: {  	[tilespmem:$0x9D8] =	vst v0  }
0xff: {  	[tilespmem:$0x9E8] =	vst v0  }
0x100: {  	[tilespmem:$0x9F8] =	vst v0  }
0x101: {  	[tilespmem:$0xA08] =	vst v0  }
0x102: {  	[tilespmem:$0xA18] =	vst v0  }
0x103: {  	[tilespmem:$0xA28] =	vst v0  }
0x104: {  	[tilespmem:$0xA38] =	vst v0  }
0x105: {  	[tilespmem:$0xA48] =	vst v0  }
0x106: {  	[tilespmem:$0xA58] =	vst v0  }
0x107: {  	[tilespmem:$0xA68] =	vst v0  }
0x108: {  	[tilespmem:$0xA78] =	vst v0  }
0x109: {  	[tilespmem:$0xA88] =	vst v0  }
0x10a: {  	[tilespmem:$0xA98] =	vst v0  }
0x10b: {  	[tilespmem:$0xAA8] =	vst v0  }
0x10c: {  	[tilespmem:$0xAB8] =	vst v0  }
0x10d: {  	[tilespmem:$0xAC8] =	vst v0  }
0x10e: {  	[tilespmem:$0xAD8] =	vst v0  }
0x10f: {  	[tilespmem:$0xAE8] =	vst v0  }
0x110: {  	[tilespmem:$0xAF8] =	vst v0  }
0x111: {  	[tilespmem:$0xB08] =	vst v0  }
0x112: {  	[tilespmem:$0xB18] =	vst v0  }
0x113: {  	[tilespmem:$0xB28] =	vst v0  }
0x114: {  	[tilespmem:$0xB38] =	vst v0  }
0x115: {  	[tilespmem:$0xB48] =	vst v0  }
0x116: {  	[tilespmem:$0xB58] =	vst v0  }
0x117: {  	[tilespmem:$0xB68] =	vst v0  }
0x118: {  	[tilespmem:$0xB78] =	vst v0  }
0x119: {  	[tilespmem:$0xB88] =	vst v0  }
0x11a: {  	[tilespmem:$0xB98] =	vst v0  }
0x11b: {  	[tilespmem:$0xBA8] =	vst v0  }
0x11c: {  	[tilespmem:$0xBB8] =	vst v0  }
0x11d: {  	[tilespmem:$0xBC8] =	vst v0  }
0x11e: {  	[tilespmem:$0xBD8] =	vst v0  }
0x11f: {  	[tilespmem:$0xBE8] =	vst v0  }
0x120: {  	[tilespmem:$0xBF8] =	vst v0  }
0x121: {  	[tilespmem:$0xC08] =	vst v0  }
0x122: {  	[tilespmem:$0xC18] =	vst v0  }
0x123: {  	[tilespmem:$0xC28] =	vst v0  }
0x124: {  	[tilespmem:$0xC38] =	vst v0  }
0x125: {  	[tilespmem:$0xC48] =	vst v0  }
0x126: {  	[tilespmem:$0xC58] =	vst v0  }
0x127: {  	[tilespmem:$0xC68] =	vst v0  }
0x128: {  	[tilespmem:$0xC78] =	vst v0  }
0x129: {  	[tilespmem:$0xC88] =	vst v0  }
0x12a: {  	[tilespmem:$0xC98] =	vst v0  }
0x12b: {  	[tilespmem:$0xCA8] =	vst v0  }
0x12c: {  	[tilespmem:$0xCB8] =	vst v0  }
0x12d: {  	[tilespmem:$0xCC8] =	vst v0  }
0x12e: {  	[tilespmem:$0xCD8] =	vst v0  }
0x12f: {  	[tilespmem:$0xCE8] =	vst v0  }
0x130: {  	[tilespmem:$0xCF8] =	vst v0  }
0x131: {  	[tilespmem:$0xD08] =	vst v0  }
0x132: {  	[tilespmem:$0xD18] =	vst v0  }
0x133: {  	[tilespmem:$0xD28] =	vst v0  }
0x134: {  	[tilespmem:$0xD38] =	vst v0  }
0x135: {  	[tilespmem:$0xD48] =	vst v0  }
0x136: {  	[tilespmem:$0xD58] =	vst v0  }
0x137: {  	[tilespmem:$0xD68] =	vst v0  }
0x138: {  	[tilespmem:$0xD78] =	vst v0  }
0x139: {  	[tilespmem:$0xD88] =	vst v0  }
0x13a: {  	[tilespmem:$0xD98] =	vst v0  }
0x13b: {  	[tilespmem:$0xDA8] =	vst v0  }
0x13c: {  	[tilespmem:$0xDB8] =	vst v0  }
0x13d: {  	[tilespmem:$0xDC8] =	vst v0  }
0x13e: {  	[tilespmem:$0xDD8] =	vst v0  }
0x13f: {  	[tilespmem:$0xDE8] =	vst v0  }
0x140: {  	[tilespmem:$0xDF8] =	vst v0  }
0x141: {  	[tilespmem:$0xE08] =	vst v0  }
0x142: {  	[tilespmem:$0xE18] =	vst v0  }
0x143: {  	[tilespmem:$0xE28] =	vst v0  }
0x144: {  	[tilespmem:$0xE38] =	vst v0  }
0x145: {  	[tilespmem:$0xE48] =	vst v0  }
0x146: {  	[tilespmem:$0xE58] =	vst v0  }
0x147: {  	[tilespmem:$0xE68] =	vst v0  }
0x148: {  	[tilespmem:$0xE78] =	vst v0  }
0x149: {  	[tilespmem:$0xE88] =	vst v0  }
0x14a: {  	[tilespmem:$0xE98] =	vst v0  }
0x14b: {  	[tilespmem:$0xEA8] =	vst v0  }
0x14c: {  	[tilespmem:$0xEB8] =	vst v0  }
0x14d: {  	[tilespmem:$0xEC8] =	vst v0  }
0x14e: {  	[tilespmem:$0xED8] =	vst v0  }
0x14f: {  	[tilespmem:$0xEE8] =	vst v0  }
0x150: {  	[tilespmem:$0xEF8] =	vst v0  }
0x151: {  	[tilespmem:$0xF08] =	vst v0  }
0x152: {  	[tilespmem:$0xF18] =	vst v0  }
0x153: {  	[tilespmem:$0xF28] =	vst v0  }
0x154: {  	[tilespmem:$0xF38] =	vst v0  }
0x155: {  	[tilespmem:$0xF48] =	vst v0  }
0x156: {  	[tilespmem:$0xF58] =	vst v0  }
0x157: {  	[tilespmem:$0xF68] =	vst v0  }
0x158: {  	[tilespmem:$0xF78] =	vst v0  }
0x159: {  	[tilespmem:$0xF88] =	vst v0  }
0x15a: {  	[tilespmem:$0xF98] =	vst v0  }
0x15b: {  	[tilespmem:$0xFA8] =	vst v0  }
0x15c: {  	[tilespmem:$0xFB8] =	vst v0  }
0x15d: {  	[tilespmem:$0xFC8] =	vst v0  }
0x15e: {  	[tilespmem:$0xFD8] =	vst v0  }
0x15f: {  	[tilespmem:$0xFE8] =	vst v0  }
0x160: {  	[tilespmem:$0xFF8] =	vst v0  }
0x161: {  	[tilespmem:$0x1008] =	vst v0  }
0x162: {  	[tilespmem:$0x10E8] =	vst v0  }
0x163: {  	[tilespmem:$0x1C28] =	vst v0  }
0x164: {  	[tilespmem:$0x1C18] =	vst v0  }
0x165: {  	[tilespmem:$0x1C08] =	vst v0  }
0x166: {  	[tilespmem:$0x1BF8] =	vst v0  }
0x167: {  	[tilespmem:$0x1BE8] =	vst v0  }
0x168: {  	[tilespmem:$0x1BD8] =	vst v0  }
0x169: {  	[tilespmem:$0x1BC8] =	vst v0  }
0x16a: {  	[tilespmem:$0x1BB8] =	vst v0  }
0x16b: {  	[tilespmem:$0x1BA8] =	vst v0  }
0x16c: {  	[tilespmem:$0x1B98] =	vst v0  }
0x16d: {  	[tilespmem:$0x1B88] =	vst v0  }
0x16e: {  	[tilespmem:$0x1B78] =	vst v0  }
0x16f: {  	[tilespmem:$0x1B68] =	vst v0  }
0x170: {  	[tilespmem:$0x1B58] =	vst v0  }
0x171: {  	[tilespmem:$0x1B48] =	vst v0  }
0x172: {  	[tilespmem:$0x1B38] =	vst v0  }
0x173: {  	[tilespmem:$0x1B28] =	vst v0  }
0x174: {  	[tilespmem:$0x1B18] =	vst v0  }
0x175: {  	[tilespmem:$0x1B08] =	vst v0  }
0x176: {  	[tilespmem:$0x1AF8] =	vst v0  }
0x177: {  	[tilespmem:$0x1AE8] =	vst v0  }
0x178: {  	[tilespmem:$0x1AD8] =	vst v0  }
0x179: {  	[tilespmem:$0x1AC8] =	vst v0  }
0x17a: {  	[tilespmem:$0x1AB8] =	vst v0  }
0x17b: {  	[tilespmem:$0x1AA8] =	vst v0  }
0x17c: {  	[tilespmem:$0x1A98] =	vst v0  }
0x17d: {  	[tilespmem:$0x1A88] =	vst v0  }
0x17e: {  	[tilespmem:$0x1A78] =	vst v0  }
0x17f: {  	[tilespmem:$0x1A68] =	vst v0  }
0x180: {  	[tilespmem:$0x1A58] =	vst v0  }
0x181: {  	[tilespmem:$0x1A48] =	vst v0  }
0x182: {  	[tilespmem:$0x1A38] =	vst v0  }
0x183: {  	[tilespmem:$0x1A28] =	vst v0  }
0x184: {  	[tilespmem:$0x1A18] =	vst v0  }
0x185: {  	[tilespmem:$0x1A08] =	vst v0  }
0x186: {  	[tilespmem:$0x19F8] =	vst v0  }
0x187: {  	[tilespmem:$0x19E8] =	vst v0  }
0x188: {  	[tilespmem:$0x19D8] =	vst v0  }
0x189: {  	[tilespmem:$0x19C8] =	vst v0  }
0x18a: {  	[tilespmem:$0x19B8] =	vst v0  }
0x18b: {  	[tilespmem:$0x19A8] =	vst v0  }
0x18c: {  	[tilespmem:$0x1998] =	vst v0  }
0x18d: {  	[tilespmem:$0x1988] =	vst v0  }
0x18e: {  	[tilespmem:$0x1978] =	vst v0  }
0x18f: {  	[tilespmem:$0x1968] =	vst v0  }
0x190: {  	[tilespmem:$0x1958] =	vst v0  }
0x191: {  	[tilespmem:$0x1948] =	vst v0  }
0x192: {  	[tilespmem:$0x1938] =	vst v0  }
0x193: {  	[tilespmem:$0x1928] =	vst v0  }
0x194: {  	[tilespmem:$0x1918] =	vst v0  }
0x195: {  	[tilespmem:$0x1908] =	vst v0  }
0x196: {  	[tilespmem:$0x18F8] =	vst v0  }
0x197: {  	[tilespmem:$0x18E8] =	vst v0  }
0x198: {  	[tilespmem:$0x18D8] =	vst v0  }
0x199: {  	[tilespmem:$0x18C8] =	vst v0  }
0x19a: {  	[tilespmem:$0x18B8] =	vst v0  }
0x19b: {  	[tilespmem:$0x18A8] =	vst v0  }
0x19c: {  	[tilespmem:$0x1898] =	vst v0  }
0x19d: {  	[tilespmem:$0x1888] =	vst v0  }
0x19e: {  	[tilespmem:$0x1878] =	vst v0  }
0x19f: {  	[tilespmem:$0x1868] =	vst v0  }
0x1a0: {  	[tilespmem:$0x1858] =	vst v0  }
0x1a1: {  	[tilespmem:$0x1848] =	vst v0  }
0x1a2: {  	[tilespmem:$0x1838] =	vst v0  }
0x1a3: {  	[tilespmem:$0x1828] =	vst v0  }
0x1a4: {  	[tilespmem:$0x1818] =	vst v0  }
0x1a5: {  	[tilespmem:$0x1808] =	vst v0  }
0x1a6: {  	[tilespmem:$0x17F8] =	vst v0  }
0x1a7: {  	[tilespmem:$0x17E8] =	vst v0  }
0x1a8: {  	[tilespmem:$0x17D8] =	vst v0  }
0x1a9: {  	[tilespmem:$0x17C8] =	vst v0  }
0x1aa: {  	[tilespmem:$0x17B8] =	vst v0  }
0x1ab: {  	[tilespmem:$0x17A8] =	vst v0  }
0x1ac: {  	[tilespmem:$0x1798] =	vst v0  }
0x1ad: {  	[tilespmem:$0x1788] =	vst v0  }
0x1ae: {  	[tilespmem:$0x1778] =	vst v0  }
0x1af: {  	[tilespmem:$0x1768] =	vst v0  }
0x1b0: {  	[tilespmem:$0x1758] =	vst v0  }
0x1b1: {  	[tilespmem:$0x1748] =	vst v0  }
0x1b2: {  	[tilespmem:$0x1738] =	vst v0  }
0x1b3: {  	[tilespmem:$0x1728] =	vst v0  }
0x1b4: {  	[tilespmem:$0x1718] =	vst v0  }
0x1b5: {  	[tilespmem:$0x1708] =	vst v0  }
0x1b6: {  	[tilespmem:$0x16F8] =	vst v0  }
0x1b7: {  	[tilespmem:$0x16E8] =	vst v0  }
0x1b8: {  	[tilespmem:$0x16D8] =	vst v0  }
0x1b9: {  	[tilespmem:$0x16C8] =	vst v0  }
0x1ba: {  	[tilespmem:$0x16B8] =	vst v0  }
0x1bb: {  	[tilespmem:$0x16A8] =	vst v0  }
0x1bc: {  	[tilespmem:$0x1698] =	vst v0  }
0x1bd: {  	[tilespmem:$0x1688] =	vst v0  }
0x1be: {  	[tilespmem:$0x1678] =	vst v0  }
0x1bf: {  	[tilespmem:$0x1668] =	vst v0  }
0x1c0: {  	[tilespmem:$0x1658] =	vst v0  }
0x1c1: {  	[tilespmem:$0x1648] =	vst v0  }
0x1c2: {  	[tilespmem:$0x1638] =	vst v0  }
0x1c3: {  	[tilespmem:$0x1628] =	vst v0  }
0x1c4: {  	[tilespmem:$0x1618] =	vst v0  }
0x1c5: {  	[tilespmem:$0x1608] =	vst v0  }
0x1c6: {  	[tilespmem:$0x15F8] =	vst v0  }
0x1c7: {  	[tilespmem:$0x15E8] =	vst v0  }
0x1c8: {  	[tilespmem:$0x15D8] =	vst v0  }
0x1c9: {  	[tilespmem:$0x15C8] =	vst v0  }
0x1ca: {  	[tilespmem:$0x15B8] =	vst v0  }
0x1cb: {  	[tilespmem:$0x15A8] =	vst v0  }
0x1cc: {  	[tilespmem:$0x1598] =	vst v0  }
0x1cd: {  	[tilespmem:$0x1588] =	vst v0  }
0x1ce: {  	[tilespmem:$0x1578] =	vst v0  }
0x1cf: {  	[tilespmem:$0x1568] =	vst v0  }
0x1d0: {  	[tilespmem:$0x1558] =	vst v0  }
0x1d1: {  	[tilespmem:$0x1548] =	vst v0  }
0x1d2: {  	[tilespmem:$0x1538] =	vst v0  }
0x1d3: {  	[tilespmem:$0x1528] =	vst v0  }
0x1d4: {  	[tilespmem:$0x1518] =	vst v0  }
0x1d5: {  	[tilespmem:$0x1508] =	vst v0  }
0x1d6: {  	[tilespmem:$0x14F8] =	vst v0  }
0x1d7: {  	[tilespmem:$0x14E8] =	vst v0  }
0x1d8: {  	[tilespmem:$0x14D8] =	vst v0  }
0x1d9: {  	[tilespmem:$0x14C8] =	vst v0  }
0x1da: {  	[tilespmem:$0x14B8] =	vst v0  }
0x1db: {  	[tilespmem:$0x14A8] =	vst v0  }
0x1dc: {  	[tilespmem:$0x1498] =	vst v0  }
0x1dd: {  	[tilespmem:$0x1488] =	vst v0  }
0x1de: {  	[tilespmem:$0x1478] =	vst v0  }
0x1df: {  	[tilespmem:$0x1468] =	vst v0  }
0x1e0: {  	[tilespmem:$0x1458] =	vst v0  }
0x1e1: {  	[tilespmem:$0x1448] =	vst v0  }
0x1e2: {  	[tilespmem:$0x1438] =	vst v0  }
0x1e3: {  	[tilespmem:$0x1428] =	vst v0  }
0x1e4: {  	[tilespmem:$0x1418] =	vst v0  }
0x1e5: {  	[tilespmem:$0x1408] =	vst v0  }
0x1e6: {  	[tilespmem:$0x13F8] =	vst v0  }
0x1e7: {  	[tilespmem:$0x13E8] =	vst v0  }
0x1e8: {  	[tilespmem:$0x13D8] =	vst v0  }
0x1e9: {  	[tilespmem:$0x13C8] =	vst v0  }
0x1ea: {  	[tilespmem:$0x13B8] =	vst v0  }
0x1eb: {  	[tilespmem:$0x13A8] =	vst v0  }
0x1ec: {  	[tilespmem:$0x1398] =	vst v0  }
0x1ed: {  	[tilespmem:$0x1388] =	vst v0  }
0x1ee: {  	[tilespmem:$0x1378] =	vst v0  }
0x1ef: {  	[tilespmem:$0x1368] =	vst v0  }
0x1f0: {  	[tilespmem:$0x1358] =	vst v0  }
0x1f1: {  	[tilespmem:$0x1348] =	vst v0  }
0x1f2: {  	[tilespmem:$0x1338] =	vst v0  }
0x1f3: {  	[tilespmem:$0x1328] =	vst v0  }
0x1f4: {  	[tilespmem:$0x1318] =	vst v0  }
0x1f5: {  	[tilespmem:$0x1308] =	vst v0  }
0x1f6: {  	[tilespmem:$0x12F8] =	vst v0  }
0x1f7: {  	[tilespmem:$0x12E8] =	vst v0  }
0x1f8: {  	[tilespmem:$0x12D8] =	vst v0  }
0x1f9: {  	[tilespmem:$0x12C8] =	vst v0  }
0x1fa: {  	[tilespmem:$0x12B8] =	vst v0  }
0x1fb: {  	[tilespmem:$0x12A8] =	vst v0  }
0x1fc: {  	[tilespmem:$0x1298] =	vst v0  }
0x1fd: {  	[tilespmem:$0x1288] =	vst v0  }
0x1fe: {  	[tilespmem:$0x1278] =	vst v0  }
0x1ff: {  	[tilespmem:$0x1268] =	vst v0  }
0x200: {  	[tilespmem:$0x1258] =	vst v0  }
0x201: {  	[tilespmem:$0x1248] =	vst v0  }
0x202: {  	[tilespmem:$0x1238] =	vst v0  }
0x203: {  	[tilespmem:$0x1228] =	vst v0  }
0x204: {  	[tilespmem:$0x1218] =	vst v0  }
0x205: {  	[tilespmem:$0x1208] =	vst v0  }
0x206: {  	[tilespmem:$0x11F8] =	vst v0  }
0x207: {  	[tilespmem:$0x11E8] =	vst v0  }
0x208: {  	[tilespmem:$0x11D8] =	vst v0  }
0x209: {  	[tilespmem:$0x11C8] =	vst v0  }
0x20a: {  	[tilespmem:$0x11B8] =	vst v0  }
0x20b: {  	[tilespmem:$0x11A8] =	vst v0  }
0x20c: {  	[tilespmem:$0x1198] =	vst v0  }
0x20d: {  	[tilespmem:$0x1188] =	vst v0  }
0x20e: {  	[tilespmem:$0x1178] =	vst v0  }
0x20f: {  	[tilespmem:$0x1168] =	vst v0  }
0x210: {  	[tilespmem:$0x1158] =	vst v0  }
0x211: {  	s3 =	srdreg.scid;
	[tilespmem:$0x1148] =	vst v0  }
0x212: {  	s3 =	sshll.u32 s3, $0x4;
	[tilespmem:$0x1138] =	vst v0  }
0x213: {  	s4 =	stileid.u32;
	s3 =	sand.u32 $0x10, s3;
	[tilespmem:$0x1128] =	vst v0  }
0x214: {  	[tilespmem:$0x1118] =	vst v0;
	s3 =	sor.u32 s4, s3  }
0x215: {  	[tilespmem:$0x1108] =	vst v0;
	s7 =	smul.u32 $0x37, s3  }
0x216: {  	s8 =	smin.u32 s3, $0x1A;
	[tilespmem:$0x10F8] =	vst v0  }
0x217: {  	[tilespmem:$0x10C8] =	vst v0;
	s7 =	sadd.s32 s8, s7  }
0x218: {  	[tilespmem:$0x10D8] =	vst v0;
	p0 =	slt.u32 s3, $0x1A;
	s8 =	simm.s32 $0x6200;
	s7 =	smul.u32 $0x1C0, s7  }
0x219: {  	s8 =	simm.s32 @!p0 $0x6040;
	[tilespmem:$0x10B8] =	vst v0  }
0x21a: {  	[tilespmem:$0x1048] =	vst v0;
	s29 =	sadd.s32 s8, s7  }
0x21b: {  	[tilespmem:$0x10A8] =	vst v0;
	s8 =	smin.u32 s29, $0xC3580  }
0x21c: {  	[tilespmem:$0x1098] =	vst v0;
	s12 =	ssub.s32 s8, s7  }
0x21d: {  	[tilespmem:$0x1088] =	vst v0;
	p0 =	sgt.s32 s12, $0x0  }
0x21e: {  	[tilespmem:$0x1078] =	vst v0;
	s12 =	simm.s32 @!p0 $0x0  }
0x21f: {  	[tilespmem:$0x1068] =	vst v0;
	s30 =	smulhi.u32 $0x92492493, s12  }
0x220: {  	[tilespmem:$0x1058] =	vst v0  }
0x221: {  	s9 =	simm.s32 $0x2;
	[tilespmem:$0x1028] =	vst v0;
	s13 =	sshrl.u32 s30, $0x8  }
0x222: {  	s11 =	simm.s32 $0x9;
	s15 =	simm.s32 $0x0;
	[tilespmem:$0x1038] =	vst v0;
	s14 =	smul.u32 $0x1C0, s13  }
.Ltmp7:
0x223: {  	s31 =	sshll.u32 s4, $0x5;
	[tilespmem:$0x1018] =	vst v0;
	[sflag:s9] =	ssyncpa.u1 $0x0;
	v0 =	vimm.s32 $0xFFFFFFFF;
	(pc) =	sbr.rel .LBB3_1-.Ltmp7, $4  }
0x224: {  	s10 =	sadd.s32 $0x1DC00, s6;
	[dreg:$0x4] =	wrdreg s31;
	[tilespmem:$0x3848] =	vst v0;
	[sflag:s11] =	ssyncpa.u1 $0x0  }
0x225: {  	s3 =	sadd.s32 $0xD78400, s6;
	s6 =	sadd.s32 $0x7FC00, s6;
	p0 =	sne.s32 s12, s14  }
0x226: {  	s12 =	simm.s32 $0xA;
	s14 =	simm.s32 $0x0;
	s5 =	simm.s32 @!p0 $0x0  }
0x227: {  	v0 =	vlaneseq.u32;
	p0 =	por $0x0, $0x0;
	s5 =	sadd.s32 s5, s13;
	s13 =	smov.u32 s7  }
.LBB3_12:
0x228: {  	_ =	swait.ge [sflag:s9], $0x0  }
0x229: {  	s16 =	simm.s32 $0x0;
	[sflag:s9] =	ssyncset.done $0x0  }
.LBB3_13:
0x22a: {  	_ =	swait.ge [sflag:s12], s16  }
0x22b: {  	s0 =	ssub.s32 $0x0, s16;
	v1 =	vmov s17;
	vm0 =	veq.s32 v0, $0x0;
	[sflag:s12] =	ssyncset.done $0x0  }
0x22c: {  	vm15 =	veq.s32 v0, $0x2;
	v1 =	vsel vm0, s22, v1;
	[sflag:s12] =	ssyncadd.s32 s0  }
0x22d: {  	v1 =	vsel vm15, s15, v1;
	[sflag:s12] =	ssyncpa.u1 $0x1  }
0x22e: {  	[tilespmem:$0x3848] =	vst v1  }
.LBB3_14:
0x22f: {  	s0 =	sadd.s32 $0x1C0, s13  }
0x230: {  	s1 =	smov.u32 s7;
	p1 =	slt.s32 s0, s8  }
0x231: {  	s1 =	smov.u32 @p1 s0;
	p1 =	sne.s32 s14, s5  }
.Ltmp8:
0x232: {  	_ = 	snop;
	(pc) =	sbr.rel @!p1 .LBB3_15-.Ltmp8, $3  }
0x233: {  	_ =	sdelay $0x1  }
0x234: {  	s31 =	sadd.s32 $0x1, s14;
	s15 =	smov.u32 s13  }
0x235: {  	p0 =	por !p0, !p0;
	s14 =	smov.u32 s31;
	s13 =	smov.u32 s1  }
.LBB3_1:
0x236: {  	p1 =	sge.u32 s14, s5  }
0x237: {  	p2 =	sgt.s32 @!p1 s13, $0xC33C0  }
0x238: {  	s16 =	smov.u32 s13;
	s17 =	sshra.s32 @!p1 s13, $0x1F;
	p2 =	por !p2, p1  }
0x239: {  	s17 =	sand.u32 @!p1 s17, s13;
	s16 =	simm.s32 @p2 $0xC33C0  }
0x23a: {  	s16 =	ssub.s32 @!p1 s16, s17  }
0x23b: {  	s17 =	sxor.u32 @!p1 $0xFFFFFFFF, s14;
	s16 =	sadd.s32 @!p1 $0xFFF3CC40, s16  }
0x23c: {  	s17 =	sand.u32 @!p1 $0x1, s17;
	s18 =	sshll.u32 @!p1 s16, $0x2  }
0x23d: {  	p2 =	sgt.s32 @!p1 s16, $0x1BF;
	s16 =	ssub.s32 @!p1 $0x700, s18;
	s18 =	smul.u32 @!p1 $0x700, s17  }
0x23e: {  	s19 =	sshrl.u32 @!p1 s13, $0x3;
	s20 =	sand.u32 @!p1 $0x7, s13  }
0x23f: {  	p2 =	por !p2, p1;
	s16 =	sshrl.u32 @!p1 s16, $0x2;
	s18 =	sshrl.u32 @!p1 s18, $0x2  }
0x240: {  	s19 =	sadd.s32 @!p1 s10, s19;
	s16 =	simm.s32 @!p2 $0x0;
	s18 =	sadd.s32 @!p1 $0x3A88, s18  }
0x241: {  	[tilespmem:s18], [sflag:$0x9] =	stream.linear.gather @!p1 [hbm4b:s19+s20], s16, $0x38;
	[tilespmem:$0x1FE08] =	vst v63  }
0x242: {  	s16 =	ssub.s32 @!p1 $0xC3500, s13  }
0x243: {  	p2 =	sgt.s32 @!p1 s16, $0x0  }
0x244: {  	s17 =	smul.u32 @!p1 $0x38000, s17;
	p2 =	por !p2, p1  }
0x245: {  	s16 =	simm.s32 @p2 $0x0  }
0x246: {  	s17 =	sshrl.u32 @!p1 s17, $0x2;
	s18 =	sshll.u32 @!p1 s13, $0x4;
	s16 =	smin.u32 @!p1 s16, $0x1C0  }
0x247: {  	s17 =	sadd.s32 @!p1 $0x3E08, s17;
	s18 =	sadd.s32 @!p1 s6, s18;
	s16 =	sshll.u32 @!p1 s16, $0x7  }
0x248: {  	[tilespmem:s17], [sflag:$0x9] =	stream.linear.gather @!p1 [hbm:s18], s16, $0x38;
	[tilespmem:$0x1FE08] =	vst v63  }
0x249: {  	p1 =	seq.s32 s14, $0x0  }
.Ltmp9:
0x24a: {  	_ = 	snop;
	(pc) =	sbr.rel @p1 .LBB3_14-.Ltmp9, $1  }
0x24b: {  	_ =	sdelay $0x3  }
0x24c: {  	p1 =	sgt.s32 s15, $0xC33C0  }
0x24d: {  	s16 =	smov.u32 s15;
	s17 =	sshra.s32 s15, $0x1F;
	s21 =	ssub.s32 $0xC3500, s15  }
0x24e: {  	s16 =	simm.s32 @!p1 $0xC33C0;
	s17 =	sand.u32 s17, s15;
	p1 =	sgt.s32 s21, $0x0  }
0x24f: {  	s16 =	ssub.s32 s16, s17;
	s21 =	simm.s32 @!p1 $0x0  }
0x250: {  	s16 =	sadd.s32 $0xFFF3CC40, s16;
	s29 =	smin.u32 s21, $0x1C0  }
0x251: {  	s18 =	sshll.u32 s16, $0x2;
	s17 =	sshll.u32 s29, $0x7  }
0x252: {  	p1 =	sgt.s32 s16, $0x1BF;
	s30 =	ssub.s32 $0x700, s18;
	_ =	swait.ge [sflag:s11], s17  }
0x253: {  	s17 =	ssub.s32 $0x0, s17;
	[sflag:s11] =	ssyncset.done $0x0;
	s16 =	sshrl.u32 s30, $0x2  }
0x254: {  	[sflag:s11] =	ssyncadd.s32 s17;
	s16 =	simm.s32 @p1 $0x0  }
0x255: {  	_ =	swait.ge [sflag:s11], s16  }
0x256: {  	s16 =	ssub.s32 $0x0, s16;
	[sflag:s11] =	ssyncset.done $0x0  }
0x257: {  	[sflag:s11] =	ssyncadd.s32 s16  }
0x258: {  	v1 =	vld [tilespmem:$0x3848];
	_ =	sdelay $0x4  }
0x259: {  	(v2sf) =	vpush v1, $0x0  }
0x25a: {  	(v2sf) =	vpush v1, $0x1  }
0x25b: {  	(v2sf) =	vpush v1, $0x2;
	_ =	sdelay $0x3  }
0x25c: {  	s16 =	sadd.s32 $0x1C0, s15  }
0x25d: {  	p1 =	slt.s32 s8, s16  }
0x25e: {  	s16 =	smov.u32 @p1 s8  }
0x25f: {  	s20 =	ssub.s32 s16, s15  }
0x260: {  	p1 =	slt.s32 s21, s20  }
0x261: {  	s20 =	smov.u32 @p1 s21  }
0x262: {  	s18 =	simm.s32 $0x1;
	p1 =	slt.s32 s20, $0x1  }
.Ltmp10:
0x263: {  	s18 =	simm.s32 @!p0 $0x0;
	(pc) =	sbr.rel @p1 .LBB3_6-.Ltmp10, $4  }
0x264: {  	s31 =	smul.u32 $0x700, s18  }
0x265: {  	s19 =	spop (v2sf)  }
0x266: {  	s15 =	sshrl.u32 s31, $0x2;
	s21 =	spop (v2sf)  }
0x267: {  	s16 =	sadd.s32 $0x3A88, s15;
	s15 =	spop (v2sf)  }
0x268: {  	s17 =	smin.u32 s20, $0x10  }
0x269: {  	v1 =	vmov s17  }
0x26a: {  	p2 =	sgt.s32 s20, $0x10;
	vm1 =	vgt.u32 v1, v0  }
.Ltmp11:
0x26b: {  	_ = 	snop;
	(pc) =	sbr.rel @!p2 .LBB3_5-.Ltmp11, $2  }
0x26c: {  	_ =	sdelay $0x2  }
0x26d: {  	s22 =	simm.s32 $0x10;
	s23 =	sadd.s32 $0xFFFFFFF0, s20;
	s17 =	smov.u32 s16;
	vm0 =	vmmov vm1  }
.LBB3_4:
0x26e: {  	s24 =	smin.u32 s23, $0x10;
	s22 =	sadd.s32 $0x10, s22;
	v1 =	vld.msk [tilespmem:s17+$0x0 ss:$0x1], vm1  }
0x26f: {  	v2 =	vmov s24;
	p2 =	slt.s32 s22, s20  }
0x270: {  	vm1 =	vgt.u32 v2, v0  }
.Ltmp12:
0x271: {  	(pc) =	sbr.rel @p2 .LBB3_4-.Ltmp12, $3  }
0x272: {  	_ =	sdelay $0x1  }
0x273: {  	v1 =	vshll.u32 v1, $0x4  }
0x274: {  	s23 =	sadd.s32 $0xFFFFFFF0, s23;
	[tilespmem:s17+$0x0] =	vst.msk vm0, v1;
	s17 =	sadd.s32 $0x10, s17;
	vm0 =	vmmov vm1  }
.LBB3_5:
0x275: {  	_ =	sdelay $0x4  }
0x276: {  	v1 =	vld.msk [tilespmem:s17+$0x0 ss:$0x1], vm1;
	_ =	sdelay $0x4  }
0x277: {  	v1 =	vshll.u32 v1, $0x4  }
0x278: {  	[tilespmem:s17+$0x0] =	vst.msk vm0, v1  }
.LBB3_6:
0x279: {  	s17 =	sand.u32 $0x1, s14  }
0x27a: {  	s17 =	smul.u32 $0x1C0, s17  }
0x27b: {  	p2 =	sne.s32 s21, $0xFFFFFFFF  }
0x27c: {  	v1 =	vld.msk @!p2 [tilespmem:s17+$0x3A88], $0x1;
	_ =	sdelay $0x4  }
0x27d: {  	(v2sf) =	vpush @!p2 v1, $0x0;
	_ =	sdelay $0xc  }
.Ltmp13:
0x27e: {  	_ = 	snop;
	(pc) =	sbr.rel @p1 .LBB3_12-.Ltmp13, $4  }
0x27f: {  	_ = 	snop  }
0x280: {  	s22 =	spop @!p2 (v2sf)  }
0x281: {  	s15 =	simm.s32 @!p2 $0x0;
	s17 =	smov.u32 s22  }
0x282: {  	[sflag:s12] =	ssyncpa.u1 $0x0;
	s22 =	smov.u32 @p2 s19;
	s17 =	smov.u32 @p2 s21  }
0x283: {  	v1 =	vld.msk [tilespmem:s16+$0x0], $0x1;
	_ =	sdelay $0x4  }
0x284: {  	(v2sf) =	vpush v1, $0x0;
	_ =	sdelay $0xe  }
0x285: {  	s24 =	spop (v2sf)  }
0x286: {  	p1 =	seq.s32 s22, s24  }
0x287: {  	p2 =	sgt.s32 @!p1 s22, $0x0  }
0x288: {  	s23 =	smov.u32 s22;
	s21 =	sadd.s32 $0xFFFFFFFF, s20;
	p2 =	por !p2, p1  }
0x289: {  	s18 =	smul.u32 $0x38000, s18;
	s23 =	simm.s32 @p2 $0x0;
	p2 =	sne.s32 s21, $0x0  }
.Ltmp14:
0x28a: {  	_ = 	snop;
	(pc) =	sbr.rel @!p2 .LBB3_9-.Ltmp14, $4  }
0x28b: {  	s19 =	simm.s32 $0x0;
	s18 =	sshrl.u32 s18, $0x2  }
0x28c: {  	s18 =	sadd.s32 $0x3E08, s18;
	s25 =	simm.s32 @!p1 $0x1;
	s23 =	smin.u32 @!p1 s23, $0x61A7E  }
0x28d: {  	s26 =	simm.s32 @!p1 $0x1C38;
	s25 =	smov.u32 @p1 s19;
	s29 =	sand.u32 @!p1 $0x7FFF8, s23  }
0x28e: {  	s28 =	sand.u32 @!p1 $0x7, s23;
	s23 =	sadd.s32 $0x1, s16;
	s29 =	sadd.s32 @!p1 s3, s29  }
.LBB3_8:
0x28f: {  	s30 =	smov.u32 s25  }
0x290: {  	[tilespmem:s26], [sflag:$0x2] =	stream.linear.gather @!p1 [hbm4b:s29+s28], $0x10, $0x38;
	[tilespmem:$0x1FE08] =	vst v63  }
0x291: {  	s21 =	sadd.s32 $0xFFFFFFFF, s21;
	s28 =	smov.u32 s24;
	v1 =	vld.msk [tilespmem:s23+$0x0], $0x1  }
0x292: {  	p2 =	sne.s32 s21, $0x0;
	_ =	sdelay $0x3  }
0x293: {  	(v2sf) =	vpush v1, $0x0;
	_ =	sdelay $0xe  }
0x294: {  	s24 =	spop (v2sf)  }
0x295: {  	p1 =	seq.s32 s28, s24  }
0x296: {  	p3 =	sgt.s32 @!p1 s28, $0x0;
	s26 =	sshll.u32 @!p1 s25, $0x6;
	s25 =	sadd.s32 @!p1 $0x1, s25  }
.Ltmp15:
0x297: {  	p3 =	por !p3, p1;
	s26 =	sshra.s32 @!p1 s26, $0x2;
	(pc) =	sbr.rel @p2 .LBB3_8-.Ltmp15, $4  }
0x298: {  	s25 =	smov.u32 @p1 s30;
	s28 =	simm.s32 @p3 $0x0;
	s26 =	sadd.s32 @!p1 $0x1C38, s26  }
0x299: {  	s28 =	smin.u32 @!p1 s28, $0x61A7E  }
0x29a: {  	s29 =	sand.u32 @!p1 $0x7FFF8, s28;
	s28 =	sand.u32 @!p1 $0x7, s28  }
0x29b: {  	s23 =	sadd.s32 $0x1, s23;
	s29 =	sadd.s32 @!p1 s3, s29  }
.LBB3_9:
0x29c: {  	[tilespmem:s26], [sflag:$0x2] =	stream.linear.gather @!p1 [hbm4b:s29+s28], $0x10, $0x38;
	[tilespmem:$0x1FE08] =	vst v63  }
0x29d: {  	s21 =	sshll.u32 s25, $0x4  }
0x29e: {  	s21 =	sand.u32 $0x3FFFFFF0, s21  }
0x29f: {  	_ =	swait.ge [sflag:s9], s21  }
0x2a0: {  	s21 =	ssub.s32 $0x0, s21;
	[sflag:s9] =	ssyncset.done $0x0  }
0x2a1: {  	[sflag:s9] =	ssyncadd.s32 s21  }
0x2a2: {  	v1 =	vld.msk [tilespmem:s16+$0x0], $0x1;
	_ =	sdelay $0x4  }
0x2a3: {  	(v2sf) =	vpush v1, $0x0;
	_ =	sdelay $0xe  }
0x2a4: {  	s21 =	spop (v2sf)  }
0x2a5: {  	p1 =	sne.s32 s22, s21  }
0x2a6: {  	p3 =	sne.s32 @p1 s22, s17  }
0x2a7: {  	p2 =	por !p3, !p1  }
0x2a8: {  	s23 =	simm.s32 @!p2 $0x0  }
0x2a9: {  	v1 =	vld @!p2 [tilespmem:s23+$0x1C38]  }
0x2aa: {  	p4 =	sgt.u32 @!p2 s22, $0x61A7E  }
0x2ab: {  	s24 =	sshll.u32 @!p2 s15, $0x6;
	p5 =	por @p1 p4, !p3  }
0x2ac: {  	s24 =	sshra.s32 @!p2 s24, $0x2;
	p6 =	por p5, !p1;
	p5 =	por p3, !p1  }
0x2ad: {  	s25 =	sadd.s32 @!p2 $0x28, s24;
	s26 =	sand.u32 @!p6 $0x7FFF8, s22;
	s28 =	sshll.u32 @!p5 s15, $0x6  }
0x2ae: {  	s22 =	sand.u32 @!p6 $0x7, s22;
	[tilespmem:s24+$0x28] =	vst.add.f32.msk @!p2 $0xffff, v1;
	s24 =	sadd.s32 @!p6 s3, s26;
	s26 =	sshra.s32 @!p5 s28, $0x2  }
0x2af: {  	[hbm4b:s24+s22] =	stream.linear.scatter @!p6 [tilespmem:s25], [sflag:$0xA], $0x10, $0x38;
	[tilespmem:$0x1FE08] =	vst v63  }
0x2b0: {  	s23 =	rddreg [dreg:$0x4];
	s22 =	sadd.s32 @!p5 $0x28, s26;
	s24 =	simm.s32 @!p5 $0x1  }
0x2b1: {  	[spmem:s23] =	stream.linear.scatter @!p5 [tilespmem:s22], [sflag:$0x1], $0x10, $0x38;
	[tilespmem:$0x1FE08] =	vst v63  }
0x2b2: {  	s22 =	sadd.s32 @p1 $0x1, s15;
	_ =	swait.ge @!p5 [sflag:s24], $0x10  }
0x2b3: {  	s23 =	sshrl.u32 @p1 s22, $0x6;
	[sflag:s24] =	ssyncset.done @!p5 $0x0  }
0x2b4: {  	s23 =	smulhi.u32 @p1 $0x24924925, s23;
	[sflag:s24] =	ssyncadd.s32 @!p5 $0xFFFFFFF0  }
0x2b5: {  	s20 =	sadd.s32 $0xFFFFFFFF, s20;
	v1 =	vld @p1 [tilespmem:s18+$0x0]  }
0x2b6: {  	p4 =	por @p1 !p4, !p3;
	p3 =	sne.s32 s20, $0x0;
	s23 =	smul.u32 @p1 $0x1C0, s23  }
.Ltmp16:
0x2b7: {  	p4 =	por !p4, !p1;
	s24 =	simm.s32 @!p2 $0x0;
	(pc) =	sbr.rel @!p3 .LBB3_11-.Ltmp16, $4  }
0x2b8: {  	s25 =	sshll.u32 @!p1 s15, $0x6;
	s24 =	simm.s32 @!p4 $0x40;
	s22 =	ssub.s32 @p1 s22, s23  }
0x2b9: {  	s26 =	simm.s32 @p1 $0x1;
	s24 =	sadd.s32 @!p2 $0x0, s24;
	s23 =	sshll.u32 @p1 s22, $0x4  }
0x2ba: {  	s24 =	smov.u32 @p2 s19;
	s15 =	smov.u32 @p1 s22;
	s22 =	simm.s32 $0x0;
	[tilespmem:s23+$0x28] =	vst @p1 v1  }
0x2bb: {  	s19 =	smov.u32 @p1 s26;
	s22 =	smov.u32 @p1 s24;
	s23 =	sshra.s32 @!p1 s25, $0x2;
	v1 =	vld @!p1 [tilespmem:s18+$0x0]  }
.LBB3_10:
0x2bc: {  	_ =	sdelay $0x3  }
0x2bd: {  	s16 =	sadd.s32 $0x1, s16;
	[tilespmem:s23+$0x28] =	vst.add.f32.msk @!p1 $0xffff, v1  }
0x2be: {  	v1 =	vld.msk [tilespmem:s16+$0x0], $0x1;
	_ =	sdelay $0x4  }
0x2bf: {  	(v2sf) =	vpush v1, $0x0;
	_ =	sdelay $0xe  }
0x2c0: {  	s24 =	smov.u32 s21;
	s21 =	spop (v2sf)  }
0x2c1: {  	p1 =	sne.s32 s24, s21  }
0x2c2: {  	p4 =	sne.s32 @p1 s24, s17  }
0x2c3: {  	p3 =	por !p4, !p1  }
0x2c4: {  	s29 =	sshll.u32 @!p3 s19, $0x6  }
0x2c5: {  	s29 =	sshra.s32 @!p3 s29, $0x2  }
0x2c6: {  	p5 =	sgt.u32 @!p3 s24, $0x61A7E;
	v1 =	vld @!p3 [tilespmem:s29+$0x1C38]  }
0x2c7: {  	s30 =	sshll.u32 @!p3 s15, $0x6;
	p6 =	por @p1 p5, !p4;
	p5 =	por @p1 !p5, !p4  }
0x2c8: {  	s31 =	simm.s32 @!p3 $0x0;
	s30 =	sshra.s32 @!p3 s30, $0x2;
	p5 =	por !p5, !p1  }
0x2c9: {  	p4 =	por p4, !p1;
	s31 =	simm.s32 @!p5 $0x40;
	p5 =	por p6, !p1  }
0x2ca: {  	s29 =	sadd.s32 @!p3 $0x28, s30;
	s2 =	sshll.u32 @!p4 s15, $0x6;
	s1 =	sand.u32 @!p5 $0x7FFF8, s24  }
0x2cb: {  	s2 =	sshra.s32 @!p4 s2, $0x2;
	s24 =	sand.u32 @!p5 $0x7, s24;
	s1 =	sadd.s32 @!p5 s3, s1;
	[tilespmem:s30+$0x28] =	vst.add.f32.msk @!p3 $0xffff, v1  }
0x2cc: {  	[hbm4b:s1+s24] =	stream.linear.scatter @!p5 [tilespmem:s29], [sflag:$0xA], $0x10, $0x38;
	[tilespmem:$0x1FE08] =	vst v63  }
0x2cd: {  	s25 =	rddreg [dreg:$0x4];
	s1 =	sadd.s32 @!p4 $0x28, s2;
	s2 =	simm.s32 @!p4 $0x1  }
0x2ce: {  	[spmem:s25] =	stream.linear.scatter @!p4 [tilespmem:s1], [sflag:$0x1], $0x10, $0x38;
	[tilespmem:$0x1FE08] =	vst v63  }
0x2cf: {  	s26 =	sadd.s32 @p1 $0x1, s15;
	_ =	swait.ge @!p4 [sflag:s2], $0x10  }
0x2d0: {  	s28 =	sshrl.u32 @p1 s26, $0x6;
	[sflag:s2] =	ssyncset.done @!p4 $0x0  }
0x2d1: {  	s18 =	sadd.s32 $0x80, s18;
	s28 =	smulhi.u32 @p1 $0x24924925, s28;
	[sflag:s2] =	ssyncadd.s32 @!p4 $0xFFFFFFF0  }
0x2d2: {  	s20 =	sadd.s32 $0xFFFFFFFF, s20;
	v1 =	vld @p1 [tilespmem:s18+$0x0]  }
0x2d3: {  	p2 =	sne.s32 s20, $0x0;
	s28 =	smul.u32 @p1 $0x1C0, s28  }
.Ltmp17:
0x2d4: {  	_ = 	snop;
	(pc) =	sbr.rel @p2 .LBB3_10-.Ltmp17, $4  }
0x2d5: {  	s26 =	ssub.s32 @p1 s26, s28  }
0x2d6: {  	s23 =	sshll.u32 @!p1 s15, $0x6;
	s31 =	sadd.s32 @!p3 s31, s22;
	s24 =	sshll.u32 @p1 s26, $0x4  }
0x2d7: {  	s0 =	sadd.s32 @p1 $0x1, s19;
	s23 =	sshra.s32 @!p1 s23, $0x2;
	s31 =	smov.u32 @p3 s22;
	[tilespmem:s24+$0x28] =	vst @p1 v1  }
0x2d8: {  	s19 =	smov.u32 @p1 s0;
	s15 =	smov.u32 @p1 s26;
	s22 =	smov.u32 @p1 s31;
	v1 =	vld @!p1 [tilespmem:s18+$0x0]  }
.LBB3_11:
.Ltmp18:
0x2d9: {  	_ = 	snop;
	(pc) =	sbr.rel .LBB3_13-.Ltmp18, $2  }
0x2da: {  	_ =	sdelay $0x2  }
0x2db: {  	s16 =	sshrl.u32 s22, $0x2;
	s22 =	smov.u32 s21;
	[tilespmem:s23+$0x28] =	vst.add.f32.msk @!p1 $0xffff, v1  }
.LBB3_15:
0x2dc: {  	_ =	sfence.sel $0x180000  }
0x2dd: {  	s0 =	simm.s32 $0x9;
	[bflag:$0x0] =	sbarrier.arrive $0xFFFF  }
0x2de: {  	s26 =	simm.s32 $0x2;
	[sflag:s0] =	ssyncpa.u1 $0x1  }
0x2df: {  	[sflag:s26] =	ssyncpa.u1 $0x1  }
0x2e0: {  	v0 =	vld [tilespmem:$0x3848];
	_ =	sdelay $0x4  }
0x2e1: {  	(v2sf) =	vpush v0, $0x0  }
0x2e2: {  	(v2sf) =	vpush v0, $0x1;
	_ =	sdelay $0x1  }
0x2e3: {  	(v2sf) =	vpush v0, $0x2;
	_ =	sdelay $0xb  }
0x2e4: {  	s0 =	spop (v2sf)  }
0x2e5: {  	s1 =	spop (v2sf)  }
0x2e6: {  	s2 =	smov.u32 s0;
	p0 =	sne.s32 s0, s1  }
0x2e7: {  	s5 =	spop (v2sf);
	s2 =	simm.s32 @!p0 $0xFFFFFFFF  }
0x2e8: {  	v2 =	vimm.s32 $0x1;
	v3 =	vlaneseq.u32;
	p0 =	seq.s32 s5, $0xFFFFFFFF;
	v1 =	vmov s2  }
0x2e9: {  	v0 =	vperm.xlane v0, v2;
	p1 =	sne.s32 @!p0 s0, s1;
	v1 =	vperm.xlane v1, v3  }
0x2ea: {  	vm0 =	vcmask $0x3F04;
	s7 =	simm.s32 $0x3848;
	s0 =	simm.s32 @!p0 $0x1;
	p1 =	por !p1, p0  }
0x2eb: {  	s2 =	sshll.u32 s4, $0x1;
	s1 =	sshll.u32 @!p0 s5, $0x6;
	s0 =	simm.s32 @p1 $0x0;
	v0 =	vsel vm0, v1, v0  }
0x2ec: {  	s6 =	sor.u32 $0x200, s2;
	s1 =	sshra.s32 @!p0 s1, $0x2;
	s0 =	sor.u32 @!p0 s0, s2;
	[tilespmem:$0x3848] =	vst v0  }
0x2ed: {  	[spmem:s6] =	stream.linear.scatter [tilespmem:s7], [sflag:$0x1], $0x2, $0x38;
	[tilespmem:$0x1FE08] =	vst v63  }
0x2ee: {  	s1 =	sadd.s32 @!p0 $0x28, s1;
	s0 =	sshll.u32 @!p0 s0, $0x4  }
0x2ef: {  	[spmem:s0] =	stream.linear.scatter @!p0 [tilespmem:s1], [sflag:$0x1], $0x10, $0x38;
	[tilespmem:$0x1FE08] =	vst v63  }
0x2f0: {  	s0 =	simm.s32 @!p0 $0x12  }
0x2f1: {  	s28 =	simm.s32 $0x1;
	s0 =	simm.s32 @p0 $0x2  }
0x2f2: {  	_ =	swait.ge [sflag:s28], s0  }
0x2f3: {  	s0 =	ssub.s32 $0x0, s0;
	[sflag:s28] =	ssyncset.done $0x0  }
0x2f4: {  	[sflag:s28] =	ssyncadd.s32 s0  }
0x2f5: {  	p0 =	sne.s32 s4, $0x0;
	_ =	sfence.stream.spmem  }
.Ltmp19:
0x2f6: {  	s29 =	simm.s32 $0x3;
	[bflag:$0x0] =	sbarrier.arrive $0xFFFF;
	(pc) =	sbr.rel @p0 .LBB3_32-.Ltmp19, $4  }
0x2f7: {  	s30 =	simm.s32 $0x4;
	[sflag:s29] =	ssyncpa.u1 $0x1  }
0x2f8: {  	[sflag:s30] =	ssyncpa.u1 $0x1  }
0x2f9: {  	s31 =	simm.s32 $0x3C;
	s16 =	rddreg [dreg:$0x1]  }
0x2fa: {  	[sflag:s31] =	ssyncpa.u1 $0x1;
	s5 =	sand.u32 $0x1, s16  }
0x2fb: {  	_ =	sfence.stream.spmem;
	s0 =	simm.s32 $0x5  }
0x2fc: {  	s1 =	simm.s32 $0x200;
	s2 =	simm.s32 $0x3858;
	[sflag:s0] =	ssyncpa.u1 $0x0  }
0x2fd: {  	[tilespmem:s2], [sflag:$0x5] =	stream.linear.gather [spmem:s1], $0x20, $0x38;
	[tilespmem:$0x1FE08] =	vst v63  }
0x2fe: {  	s26 =	simm.s32 $0x0;
	s28 =	simm.s32 $0x3878  }
0x2ff: {  	[tilespmem:s28], [sflag:$0x5] =	stream.linear.gather [spmem:s26], $0x200, $0x38;
	[tilespmem:$0x1FE08] =	vst v63  }
0x300: {  	_ =	swait.ge [sflag:s0], $0x220  }
0x301: {  	[sflag:s0] =	ssyncset.done $0x0  }
0x302: {  	s29 =	simm.s32 $0x0;
	[sflag:s0] =	ssyncadd.s32 $0xFFFFFDE0  }
0x303: {  	v0 =	vld.msk [tilespmem:s29+$0x3858], $0x1;
	_ =	sdelay $0x1  }
0x304: {  	s30 =	simm.s32 $0x1  }
0x305: {  	v1 =	vld.msk [tilespmem:s30+$0x3858], $0x1;
	_ =	sdelay $0x1  }
0x306: {  	(v2sf) =	vpush v0, $0x0;
	_ =	sdelay $0x2  }
0x307: {  	(v2sf) =	vpush v1, $0x0;
	_ =	sdelay $0x2  }
0x308: {  	s31 =	simm.s32 $0x2  }
0x309: {  	v0 =	vld.msk [tilespmem:s31+$0x3858], $0x1;
	_ =	sdelay $0x2  }
0x30a: {  	s7 =	simm.s32 $0xFFFFFFFF;
	s6 =	simm.s32 $0xC;
	s8 =	simm.s32 $0xFFFFFFFF  }
.LBB3_17:
0x30b: {  	s0 =	smov.u32 s8;
	s1 =	smov.u32 s7  }
0x30c: {  	s2 =	sshra.s32 s6, $0x2;
	p1 =	sne.s32 s6, $0x7C;
	s6 =	sadd.s32 $0x4, s6;
	(v2sf) =	vpush v0, $0x0  }
0x30d: {  	v0 =	vld.msk [tilespmem:s2+$0x3858], $0x1  }
.Ltmp20:
0x30e: {  	(pc) =	sbr.rel @p1 .LBB3_17-.Ltmp20, $4  }
0x30f: {  	s8 =	spop (v2sf)  }
0x310: {  	p2 =	sne.s32 s7, $0xFFFFFFFF;
	s7 =	smov.u32 s8  }
0x311: {  	p3 =	seq.s32 s8, $0xFFFFFFFF;
	s7 =	smov.u32 @p2 s1  }
0x312: {  	s8 =	smov.u32 @p3 s0;
	s7 =	smov.u32 @p3 s1  }
0x313: {  	(v2sf) =	vpush v0, $0x0;
	_ =	sdelay $0x8  }
0x314: {  	s0 =	spop (v2sf)  }
0x315: {  	p1 =	sne.s32 s7, $0xFFFFFFFF;
	s1 =	smov.u32 s0  }
0x316: {  	s9 =	simm.s32 $0x6;
	p2 =	seq.s32 s0, $0xFFFFFFFF;
	s1 =	smov.u32 @p1 s7  }
0x317: {  	s10 =	simm.s32 $0x3838;
	s1 =	smov.u32 @p2 s7;
	s2 =	spop (v2sf)  }
0x318: {  	s0 =	smov.u32 @p2 s8;
	p1 =	sne.s32 s1, $0xFFFFFFFF;
	s6 =	smov.u32 s2  }
.Ltmp21:
0x319: {  	p2 =	seq.s32 s2, $0xFFFFFFFF;
	s6 =	smov.u32 @p1 s1;
	(pc) =	sbr.rel .LBB3_19-.Ltmp21, $4  }
0x31a: {  	s11 =	simm.s32 $0x0;
	s6 =	smov.u32 @p2 s1;
	s7 =	spop (v2sf)  }
0x31b: {  	[sflag:s9] =	ssyncpa.u1 $0x0;
	p1 =	sne.s32 s6, $0xFFFFFFFF;
	s8 =	smov.u32 s7  }
0x31c: {  	s2 =	smov.u32 @p2 s0;
	p2 =	seq.s32 s7, $0xFFFFFFFF;
	s8 =	smov.u32 @p1 s6  }
0x31d: {  	s7 =	smov.u32 @p2 s2;
	s8 =	smov.u32 @p2 s6;
	s6 =	simm.s32 $0x0  }
.LBB3_24:
0x31e: {  	p1 =	sgt.u32 s12, $0x61A7E  }
0x31f: {  	p2 =	seq.s32 @!p1 s12, s8  }
0x320: {  	p1 =	por p1, p2  }
0x321: {  	p2 =	sne.s32 @!p1 s12, s7  }
0x322: {  	p1 =	por p1, !p2  }
0x323: {  	s12 =	sshll.u32 @p1 s11, $0x6  }
0x324: {  	s0 =	sand.u32 @!p1 $0x7FFF8, s12  }
0x325: {  	s1 =	sand.u32 @!p1 $0x7, s12;
	s0 =	sadd.s32 @!p1 s3, s0  }
0x326: {  	[tilespmem:s10], [sflag:$0x6] =	stream.linear.gather @!p1 [hbm4b:s0+s1], $0x10, $0x38;
	[tilespmem:$0x1FE08] =	vst v63  }
0x327: {  	_ =	swait.ge @!p1 [sflag:s9], $0x10  }
0x328: {  	[sflag:s9] =	ssyncset.done @!p1 $0x0  }
0x329: {  	[sflag:s9] =	ssyncadd.s32 @!p1 $0xFFFFFFF0  }
0x32a: {  	v1 =	vld @!p1 [tilespmem:$0x3838];
	_ =	sdelay $0x2  }
0x32b: {  	s12 =	sshll.u32 @!p1 s11, $0x6  }
0x32c: {  	s0 =	sshrl.u32 @!p1 s12, $0x2  }
0x32d: {  	[tilespmem:s0+$0x3878] =	vst.add.f32.msk @!p1 $0xffff, v1  }
0x32e: {  	s30 =	sshrl.u32 s12, $0x2;
	[tilespmem:s6+$0x3858] =	vst.msk $0x1, v0  }
0x32f: {  	v0 =	vld [tilespmem:s30+$0x3878];
	_ =	sdelay $0x2  }
0x330: {  	s31 =	sshll.u32 s6, $0x6  }
0x331: {  	s0 =	sshra.s32 s31, $0x2  }
0x332: {  	s6 =	sadd.s32 $0x1, s6;
	[tilespmem:s0+$0x3878] =	vst v0  }
.LBB3_26:
0x333: {  	s11 =	sadd.s32 $0x1, s11  }
0x334: {  	p1 =	sne.s32 s11, $0x20  }
.Ltmp22:
0x335: {  	_ = 	snop;
	(pc) =	sbr.rel @!p1 .LBB3_27-.Ltmp22, $1  }
0x336: {  	_ =	sdelay $0x3  }
.LBB3_19:
0x337: {  	v0 =	vld.msk [tilespmem:s11+$0x3858], $0x1;
	_ =	sdelay $0x4  }
0x338: {  	(v2sf) =	vpush v0, $0x0;
	_ =	sdelay $0xe  }
0x339: {  	s12 =	spop (v2sf)  }
0x33a: {  	p1 =	seq.s32 s12, $0xFFFFFFFF  }
.Ltmp23:
0x33b: {  	_ = 	snop;
	(pc) =	sbr.rel @p1 .LBB3_26-.Ltmp23, $1  }
0x33c: {  	_ =	sdelay $0x3  }
0x33d: {  	p1 =	slt.s32 s6, $0x1  }
.Ltmp24:
0x33e: {  	_ = 	snop;
	(pc) =	sbr.rel @p1 .LBB3_24-.Ltmp24, $1  }
0x33f: {  	_ =	sdelay $0x3  }
0x340: {  	s13 =	simm.s32 $0x3858;
	p1 =	por $0x0, $0x0  }
0x341: {  	v1 =	vld.msk @!p1 [tilespmem:s13+$0x0], $0x1;
	_ =	sdelay $0x4  }
0x342: {  	(v2sf) =	vpush @!p1 v1, $0x0;
	_ =	sdelay $0xd  }
0x343: {  	p3 =	sne.s32 s6, $0x1  }
.Ltmp25:
0x344: {  	s0 =	spop @!p1 (v2sf);
	(pc) =	sbr.rel @!p3 .LBB3_23-.Ltmp25, $4  }
0x345: {  	p2 =	seq.s32 @!p1 s12, s0  }
0x346: {  	s14 =	simm.s32 $0x0;
	p2 =	por !p2, p1  }
0x347: {  	s0 =	simm.s32 $0xFFFFFFFF;
	s14 =	simm.s32 @p2 $0xFFFFFFFF  }
0x348: {  	s15 =	simm.s32 $0x1;
	s14 =	smov.u32 @p1 s0  }
.LBB3_22:
0x349: {  	s0 =	smov.u32 s14;
	p1 =	sne.s32 s14, $0xFFFFFFFF  }
0x34a: {  	s13 =	sadd.s32 $0x1, s13;
	s14 =	smov.u32 s15;
	s15 =	sadd.s32 $0x1, s15  }
0x34b: {  	p2 =	sne.s32 s6, s15;
	v1 =	vld.msk @!p1 [tilespmem:s13+$0x0], $0x1;
	_ =	sdelay $0x4  }
0x34c: {  	(v2sf) =	vpush @!p1 v1, $0x0;
	_ =	sdelay $0xe  }
.Ltmp26:
0x34d: {  	s1 =	spop @!p1 (v2sf);
	(pc) =	sbr.rel @p2 .LBB3_22-.Ltmp26, $4  }
0x34e: {  	p3 =	seq.s32 @!p1 s12, s1  }
0x34f: {  	p3 =	por !p3, p1  }
0x350: {  	s14 =	simm.s32 @p3 $0xFFFFFFFF  }
0x351: {  	s14 =	smov.u32 @p1 s0  }
.LBB3_23:
0x352: {  	p1 =	sne.s32 s14, $0xFFFFFFFF  }
.Ltmp27:
0x353: {  	_ = 	snop;
	(pc) =	sbr.rel @!p1 .LBB3_24-.Ltmp27, $1  }
0x354: {  	_ =	sdelay $0x3  }
0x355: {  	s0 =	sshll.u32 s11, $0x4  }
0x356: {  	s0 =	sand.u32 $0x3FFFFFF0, s0  }
0x357: {  	v0 =	vld [tilespmem:s0+$0x3878]  }
.Ltmp28:
0x358: {  	_ = 	snop;
	(pc) =	sbr.rel .LBB3_26-.Ltmp28, $4  }
0x359: {  	_ = 	snop  }
0x35a: {  	s31 =	sshll.u32 s14, $0x6  }
0x35b: {  	s0 =	sshra.s32 s31, $0x2  }
0x35c: {  	[tilespmem:s0+$0x3878] =	vst.add.f32.msk $0xffff, v0  }
.LBB3_27:
0x35d: {  	s0 =	simm.s32 $0x6;
	p1 =	seq.s32 s6, $0x0  }
0x35e: {  	[sflag:s0] =	ssyncpa.u1 $0x1;
	v0 =	vimm.s32 @p1 $0xFFFFFFFF  }
0x35f: {  	s9 =	sadd.s32 $0xFFFFFFFF, s6;
	[tilespmem:$0x3A78] =	vst @p1 v0  }
0x360: {  	v0 =	vld.msk @!p1 [tilespmem:s9+$0x3858], $0x1;
	_ =	sdelay $0x1  }
0x361: {  	v1 =	vld.msk @!p1 [tilespmem:$0x3858], $0x1;
	_ =	sdelay $0x2  }
0x362: {  	p2 =	seq.s32 @!p1 s9, $0x0;
	v0 =	vbroadcast @!p1 v0, $0x0  }
0x363: {  	vm0 =	vmmov @!p1 $0x1;
	p2 =	por !p2, p1  }
0x364: {  	v1 =	vnsel @!p1 vm0, $0xFFFFFFFF, v1;
	vm0 =	vcmask @!p1 $0x308;
	v0 =	vpsel !p2, $0xFFFFFFFF, v0  }
0x365: {  	p2 =	sne.s32 @!p1 s8, s7;
	v0 =	vsel @!p1 vm0, v1, v0  }
0x366: {  	s0 =	simm.s32 @!p1 $0x3878;
	s1 =	simm.s32 @!p1 $0x0;
	p3 =	por !p2, p1;
	[tilespmem:$0x3A78] =	vst @!p1 v0  }
0x367: {  	[spmem:s1] =	stream.linear.scatter @!p1 [tilespmem:s0], [sflag:$0x1], $0x10, $0x38;
	[tilespmem:$0x1FE08] =	vst v63  }
0x368: {  	s0 =	sshll.u32 @!p3 s9, $0x6  }
0x369: {  	s0 =	sshra.s32 @!p3 s0, $0x2  }
0x36a: {  	s1 =	simm.s32 @!p3 $0x10;
	s0 =	sadd.s32 @!p3 $0x3878, s0  }
0x36b: {  	[spmem:s1] =	stream.linear.scatter @!p3 [tilespmem:s0], [sflag:$0x1], $0x10, $0x38;
	[tilespmem:$0x1FE08] =	vst v63  }
0x36c: {  	s0 =	simm.s32 @!p3 $0x1  }
0x36d: {  	_ =	swait.ge @!p3 [sflag:s0], $0x20  }
0x36e: {  	p1 =	por p2, p1;
	[sflag:s0] =	ssyncset.done @!p3 $0x0  }
0x36f: {  	[sflag:s0] =	ssyncadd.s32 @!p3 $0xFFFFFFE0;
	s0 =	simm.s32 @!p1 $0x1  }
0x370: {  	_ =	swait.ge @!p1 [sflag:s0], $0x10  }
0x371: {  	s29 =	simm.s32 $0x3A78;
	[sflag:s0] =	ssyncset.done @!p1 $0x0  }
0x372: {  	s30 =	simm.s32 $0x200;
	s31 =	simm.s32 $0x1;
	[sflag:s0] =	ssyncadd.s32 @!p1 $0xFFFFFFF0  }
0x373: {  	[spmem:s30] =	stream.linear.scatter [tilespmem:s29], [sflag:$0x1], $0x10, $0x38;
	[tilespmem:$0x1FE08] =	vst v63  }
0x374: {  	_ =	swait.ge [sflag:s31], $0x10  }
0x375: {  	[sflag:s31] =	ssyncset.done $0x0  }
0x376: {  	p1 =	seq.s32 s5, $0x0;
	[sflag:s31] =	ssyncadd.s32 $0xFFFFFFF0  }
0x377: {  	s1 =	sshll.u32 @p1 s16, $0xE;
	s10 =	rddreg [dreg:$0x2]  }
0x378: {  	s0 =	sadd.s32 @p1 $0x15C3C, s1;
	s1 =	sshll.u32 @p1 s10, $0x11  }
0x379: {  	_ =	sfence.stream.spmem;
	s0 =	sor.u32 @p1 s1, s0  }
0x37a: {  	[sflag:s0] =	ssyncadd.remote.s32 @p1 $0x1;
	s0 =	simm.s32 @p1 $0x4  }
0x37b: {  	s2 =	simm.s32 @!p1 $0x3C;
	s1 =	sand.u32 $0xFFFFFFFE, s16;
	_ =	swait.ge @p1 [sflag:s0], $0x6  }
0x37c: {  	s7 =	simm.s32 @!p1 $0x0;
	s1 =	sadd.s32 @!p1 $0x4, s1;
	[sflag:s0] =	ssyncset.done @p1 $0x0  }
0x37d: {  	s8 =	simm.s32 @!p1 $0x20;
	[sflag:s0] =	ssyncadd.s32 @p1 $0xFFFFFFFA;
	s0 =	sshll.u32 @!p1 s1, $0x1A  }
0x37e: {  	s1 =	sshll.u32 @!p1 s1, $0xD;
	s0 =	sor.u32 @!p1 s0, s10;
	_ =	swait.eq @!p1 [sflag:s2], $0x1  }
0x37f: {  	s1 =	sor.u32 @!p1 $0x1C04, s1;
	s2 =	simm.s32 @!p1 $0x1C03;
	s0 =	sor.u32 @!p1 $0x80004000, s0  }
0x380: {  	[spmem:s8], [sflag:s1] =	dma.general @!p1 [spmem:s7], [sflag:s2], length:$0x4, [dreg:$0x0], stride_count:$0x0, ici_dest:s0, dma_misc:DstOpCode:WRITE  }
0x381: {  	p2 =	slt.s32 s9, $0x2;
	s7 =	simm.s32 @!p1 $0x40;
	s8 =	simm.s32 @!p1 $0x42  }
0x382: {  	[spmem:s8], [sflag:s1] =	dma.general @!p1 [spmem:s7], [sflag:s2], length:$0x2, [dreg:$0x0], stride_count:$0x0, ici_dest:s0, dma_misc:DstOpCode:WRITE  }
.Ltmp29:
0x383: {  	s0 =	simm.s32 @!p1 $0x3;
	(pc) =	sbr.rel @p2 .LBB3_31-.Ltmp29, $4  }
0x384: {  	s1 =	sshll.u32 @!p1 s16, $0xE;
	_ =	swait.ge @!p1 [sflag:s0], $0x6  }
0x385: {  	s2 =	sshll.u32 @!p1 s10, $0x11;
	s1 =	sadd.s32 @!p1 $0x11C3C, s1;
	[sflag:s0] =	ssyncset.done @!p1 $0x0  }
0x386: {  	[sflag:s0] =	ssyncadd.s32 @!p1 $0xFFFFFFFA;
	s0 =	sor.u32 @!p1 s2, s1  }
0x387: {  	s1 =	simm.s32 $0x0;
	[sflag:s0] =	ssyncadd.remote.s32 @!p1 $0xFFFFFFFF  }
0x388: {  	s0 =	simm.s32 $0x3859  }
0x389: {  	v0 =	vld.msk [tilespmem:s0+$0x0], $0x1;
	_ =	sdelay $0x4  }
0x38a: {  	(v2sf) =	vpush v0, $0x0;
	_ =	sdelay $0xc  }
0x38b: {  	s2 =	sadd.s32 $0xFFFFFFFE, s6  }
0x38c: {  	s2 =	sadd.s32 $0xFFFFFFFF, s2  }
0x38d: {  	p2 =	sne.s32 s2, $0x0;
	s0 =	spop (v2sf)  }
.Ltmp30:
0x38e: {  	p1 =	sgt.u32 s0, $0x61A7E;
	(pc) =	sbr.rel @!p2 .LBB3_30-.Ltmp30, $4  }
0x38f: {  	s1 =	simm.s32 $0x3888;
	s6 =	sand.u32 @!p1 $0x7FFF8, s0  }
0x390: {  	s8 =	simm.s32 $0x0;
	s0 =	sand.u32 @!p1 $0x7, s0;
	s6 =	sadd.s32 @!p1 s3, s6  }
0x391: {  	[hbm4b:s6+s0] =	stream.linear.scatter @!p1 [tilespmem:s1], [sflag:$0x5], $0x10, $0x38;
	[tilespmem:$0x1FE08] =	vst v63  }
0x392: {  	s7 =	simm.s32 $0x385A;
	s8 =	simm.s32 @!p1 $0x40;
	s6 =	simm.s32 $0x0  }
.LBB3_29:
0x393: {  	v0 =	vld.msk [tilespmem:s7+$0x0], $0x1;
	s2 =	sadd.s32 $0xFFFFFFFF, s2;
	s6 =	sadd.s32 s6, s8  }
0x394: {  	p1 =	sne.s32 s2, $0x0;
	_ =	sdelay $0x3  }
0x395: {  	(v2sf) =	vpush v0, $0x0;
	_ =	sdelay $0xe  }
.Ltmp31:
0x396: {  	s0 =	spop (v2sf);
	(pc) =	sbr.rel @p1 .LBB3_29-.Ltmp31, $4  }
0x397: {  	s8 =	simm.s32 $0x0;
	p2 =	sgt.u32 s0, $0x61A7E  }
0x398: {  	s1 =	sadd.s32 $0x10, s1;
	s8 =	simm.s32 @!p2 $0x40;
	s9 =	sand.u32 @!p2 $0x7FFF8, s0  }
0x399: {  	s7 =	sadd.s32 $0x1, s7;
	s0 =	sand.u32 @!p2 $0x7, s0;
	s9 =	sadd.s32 @!p2 s3, s9  }
0x39a: {  	[hbm4b:s9+s0] =	stream.linear.scatter @!p2 [tilespmem:s1], [sflag:$0x5], $0x10, $0x38;
	[tilespmem:$0x1FE08] =	vst v63  }
.LBB3_30:
0x39b: {  	s0 =	sadd.s32 s6, s8  }
0x39c: {  	s1 =	sshrl.u32 s0, $0x2  }
.LBB3_31:
0x39d: {  	s0 =	simm.s32 $0x5  }
0x39e: {  	_ =	swait.ge [sflag:s0], s1  }
0x39f: {  	s31 =	ssub.s32 $0x0, s1;
	[sflag:s0] =	ssyncset.done $0x0  }
0x3a0: {  	[sflag:s0] =	ssyncadd.s32 s31  }
0x3a1: {  	[sflag:s0] =	ssyncpa.u1 $0x1  }
.LBB3_32:
0x3a2: {  	s0 =	sor.u32 s5, s4  }
0x3a3: {  	p1 =	sne.s32 s0, $0x0  }
.Ltmp32:
0x3a4: {  	_ = 	snop;
	(pc) =	sbr.rel @p1 .LBB3_47-.Ltmp32, $3  }
0x3a5: {  	_ =	sdelay $0x1  }
0x3a6: {  	[bflag:$0x0] =	sbarrier.arrive $0xFFFF  }
0x3a7: {  	_ =	sfence  }
0x3a8: {  	s0 =	simm.s32 $0x7  }
0x3a9: {  	s1 =	simm.s32 $0x200;
	s2 =	simm.s32 $0x3858;
	[sflag:s0] =	ssyncpa.u1 $0x0  }
0x3aa: {  	[tilespmem:s2], [sflag:$0x7] =	stream.linear.gather [spmem:s1], $0x20, $0x38;
	[tilespmem:$0x1FE08] =	vst v63  }
0x3ab: {  	s30 =	simm.s32 $0x3878;
	s1 =	simm.s32 $0x0  }
0x3ac: {  	[tilespmem:s30], [sflag:$0x7] =	stream.linear.gather [spmem:s1], $0x200, $0x38;
	[tilespmem:$0x1FE08] =	vst v63  }
.Ltmp33:
0x3ad: {  	_ = 	snop;
	(pc) =	sbr.rel .LBB3_34-.Ltmp33, $4  }
0x3ae: {  	_ =	swait.ge [sflag:s0], $0x220  }
0x3af: {  	[sflag:s0] =	ssyncset.done $0x0  }
0x3b0: {  	s31 =	simm.s32 $0x8;
	[sflag:s0] =	ssyncadd.s32 $0xFFFFFDE0  }
0x3b1: {  	s2 =	simm.s32 $0x0;
	[sflag:s31] =	ssyncpa.u1 $0x0  }
.LBB3_39:
0x3b2: {  	p1 =	slt.u32 s4, $0x61A7F  }
0x3b3: {  	s0 =	sand.u32 @p1 $0x7FFF8, s4  }
0x3b4: {  	s4 =	sand.u32 @p1 $0x7, s4;
	s5 =	simm.s32 @p1 $0x3838;
	s0 =	sadd.s32 @p1 s3, s0  }
0x3b5: {  	[tilespmem:s5], [sflag:$0x8] =	stream.linear.gather @p1 [hbm4b:s0+s4], $0x10, $0x38;
	[tilespmem:$0x1FE08] =	vst v63  }
0x3b6: {  	s0 =	simm.s32 @p1 $0x8  }
0x3b7: {  	_ =	swait.ge @p1 [sflag:s0], $0x10  }
0x3b8: {  	[sflag:s0] =	ssyncset.done @p1 $0x0  }
0x3b9: {  	[sflag:s0] =	ssyncadd.s32 @p1 $0xFFFFFFF0  }
0x3ba: {  	v1 =	vld @p1 [tilespmem:$0x3838];
	_ =	sdelay $0x2  }
0x3bb: {  	s0 =	sshll.u32 @p1 s2, $0x6  }
0x3bc: {  	s5 =	sshll.u32 @!p1 s2, $0x6;
	s4 =	sshrl.u32 @p1 s0, $0x2  }
0x3bd: {  	s5 =	smov.u32 @p1 s0;
	[tilespmem:s4+$0x3878] =	vst.add.f32.msk @p1 $0xffff, v1  }
0x3be: {  	s0 =	sshrl.u32 s5, $0x2;
	[tilespmem:s1+$0x3858] =	vst.msk $0x1, v0  }
0x3bf: {  	v0 =	vld [tilespmem:s0+$0x3878];
	_ =	sdelay $0x2  }
0x3c0: {  	s31 =	sshll.u32 s1, $0x6  }
0x3c1: {  	s0 =	sshra.s32 s31, $0x2  }
0x3c2: {  	s1 =	sadd.s32 $0x1, s1;
	[tilespmem:s0+$0x3878] =	vst v0  }
.LBB3_41:
0x3c3: {  	s2 =	sadd.s32 $0x1, s2  }
0x3c4: {  	p1 =	sne.s32 s2, $0x20  }
.Ltmp34:
0x3c5: {  	_ = 	snop;
	(pc) =	sbr.rel @!p1 .LBB3_42-.Ltmp34, $1  }
0x3c6: {  	_ =	sdelay $0x3  }
.LBB3_34:
0x3c7: {  	v0 =	vld.msk [tilespmem:s2+$0x3858], $0x1;
	_ =	sdelay $0x4  }
0x3c8: {  	(v2sf) =	vpush v0, $0x0;
	_ =	sdelay $0xe  }
0x3c9: {  	s4 =	spop (v2sf)  }
0x3ca: {  	p1 =	seq.s32 s4, $0xFFFFFFFF  }
.Ltmp35:
0x3cb: {  	_ = 	snop;
	(pc) =	sbr.rel @p1 .LBB3_41-.Ltmp35, $1  }
0x3cc: {  	_ =	sdelay $0x3  }
0x3cd: {  	p1 =	slt.s32 s1, $0x1  }
.Ltmp36:
0x3ce: {  	_ = 	snop;
	(pc) =	sbr.rel @p1 .LBB3_39-.Ltmp36, $1  }
0x3cf: {  	_ =	sdelay $0x3  }
0x3d0: {  	s5 =	simm.s32 $0x3858;
	p1 =	por $0x0, $0x0  }
0x3d1: {  	v1 =	vld.msk @!p1 [tilespmem:s5+$0x0], $0x1;
	_ =	sdelay $0x4  }
0x3d2: {  	(v2sf) =	vpush @!p1 v1, $0x0;
	_ =	sdelay $0xd  }
0x3d3: {  	p3 =	sne.s32 s1, $0x1  }
.Ltmp37:
0x3d4: {  	s0 =	spop @!p1 (v2sf);
	(pc) =	sbr.rel @!p3 .LBB3_38-.Ltmp37, $4  }
0x3d5: {  	p2 =	seq.s32 @!p1 s4, s0  }
0x3d6: {  	s6 =	simm.s32 $0x0;
	p2 =	por !p2, p1  }
0x3d7: {  	s0 =	simm.s32 $0xFFFFFFFF;
	s6 =	simm.s32 @p2 $0xFFFFFFFF  }
0x3d8: {  	s7 =	simm.s32 $0x1;
	s6 =	smov.u32 @p1 s0  }
.LBB3_37:
0x3d9: {  	s0 =	smov.u32 s6;
	p1 =	sne.s32 s6, $0xFFFFFFFF  }
0x3da: {  	s5 =	sadd.s32 $0x1, s5;
	s6 =	smov.u32 s7;
	s7 =	sadd.s32 $0x1, s7  }
0x3db: {  	p2 =	sne.s32 s1, s7;
	v1 =	vld.msk @!p1 [tilespmem:s5+$0x0], $0x1;
	_ =	sdelay $0x4  }
0x3dc: {  	(v2sf) =	vpush @!p1 v1, $0x0;
	_ =	sdelay $0xe  }
.Ltmp38:
0x3dd: {  	s8 =	spop @!p1 (v2sf);
	(pc) =	sbr.rel @p2 .LBB3_37-.Ltmp38, $4  }
0x3de: {  	p3 =	seq.s32 @!p1 s4, s8  }
0x3df: {  	p3 =	por !p3, p1  }
0x3e0: {  	s6 =	simm.s32 @p3 $0xFFFFFFFF  }
0x3e1: {  	s6 =	smov.u32 @p1 s0  }
.LBB3_38:
0x3e2: {  	p1 =	sne.s32 s6, $0xFFFFFFFF  }
.Ltmp39:
0x3e3: {  	_ = 	snop;
	(pc) =	sbr.rel @!p1 .LBB3_39-.Ltmp39, $1  }
0x3e4: {  	_ =	sdelay $0x3  }
0x3e5: {  	s0 =	sshll.u32 s2, $0x4  }
0x3e6: {  	s0 =	sand.u32 $0x3FFFFFF0, s0  }
0x3e7: {  	v0 =	vld [tilespmem:s0+$0x3878]  }
.Ltmp40:
0x3e8: {  	_ = 	snop;
	(pc) =	sbr.rel .LBB3_41-.Ltmp40, $4  }
0x3e9: {  	_ = 	snop  }
0x3ea: {  	s31 =	sshll.u32 s6, $0x6  }
0x3eb: {  	s0 =	sshra.s32 s31, $0x2  }
0x3ec: {  	[tilespmem:s0+$0x3878] =	vst.add.f32.msk $0xffff, v0  }
.LBB3_42:
0x3ed: {  	p1 =	slt.s32 s1, $0x1  }
.Ltmp41:
0x3ee: {  	_ = 	snop;
	(pc) =	sbr.rel @p1 .LBB3_46-.Ltmp41, $3  }
0x3ef: {  	_ =	sdelay $0x1  }
0x3f0: {  	s0 =	simm.s32 $0x8  }
0x3f1: {  	s2 =	simm.s32 $0x0;
	[sflag:s0] =	ssyncpa.u1 $0x1  }
0x3f2: {  	s0 =	simm.s32 $0x3858  }
0x3f3: {  	v0 =	vld.msk [tilespmem:s0+$0x0], $0x1;
	_ =	sdelay $0x4  }
0x3f4: {  	(v2sf) =	vpush v0, $0x0;
	_ =	sdelay $0xd  }
0x3f5: {  	s1 =	sadd.s32 $0xFFFFFFFF, s1  }
0x3f6: {  	p2 =	sne.s32 s1, $0x0;
	s0 =	spop (v2sf)  }
.Ltmp42:
0x3f7: {  	p1 =	sgt.u32 s0, $0x61A7E;
	(pc) =	sbr.rel @!p2 .LBB3_45-.Ltmp42, $4  }
0x3f8: {  	s4 =	simm.s32 $0x3878;
	s5 =	sand.u32 @!p1 $0x7FFF8, s0  }
0x3f9: {  	s6 =	simm.s32 $0x0;
	s0 =	sand.u32 @!p1 $0x7, s0;
	s5 =	sadd.s32 @!p1 s3, s5  }
0x3fa: {  	[hbm4b:s5+s0] =	stream.linear.scatter @!p1 [tilespmem:s4], [sflag:$0x7], $0x10, $0x38;
	[tilespmem:$0x1FE08] =	vst v63  }
0x3fb: {  	s6 =	simm.s32 @!p1 $0x40;
	s5 =	simm.s32 $0x3859  }
.LBB3_44:
0x3fc: {  	v0 =	vld.msk [tilespmem:s5+$0x0], $0x1;
	s1 =	sadd.s32 $0xFFFFFFFF, s1;
	s2 =	sadd.s32 s2, s6  }
0x3fd: {  	p1 =	sne.s32 s1, $0x0;
	_ =	sdelay $0x3  }
0x3fe: {  	(v2sf) =	vpush v0, $0x0;
	_ =	sdelay $0xe  }
.Ltmp43:
0x3ff: {  	s0 =	spop (v2sf);
	(pc) =	sbr.rel @p1 .LBB3_44-.Ltmp43, $4  }
0x400: {  	s6 =	simm.s32 $0x0;
	p2 =	sgt.u32 s0, $0x61A7E  }
0x401: {  	s4 =	sadd.s32 $0x10, s4;
	s6 =	simm.s32 @!p2 $0x40;
	s7 =	sand.u32 @!p2 $0x7FFF8, s0  }
0x402: {  	s5 =	sadd.s32 $0x1, s5;
	s0 =	sand.u32 @!p2 $0x7, s0;
	s7 =	sadd.s32 @!p2 s3, s7  }
0x403: {  	[hbm4b:s7+s0] =	stream.linear.scatter @!p2 [tilespmem:s4], [sflag:$0x7], $0x10, $0x38;
	[tilespmem:$0x1FE08] =	vst v63  }
.LBB3_45:
0x404: {  	s0 =	sadd.s32 s2, s6  }
0x405: {  	s2 =	sshrl.u32 s0, $0x2  }
.LBB3_46:
0x406: {  	s0 =	simm.s32 $0x7  }
0x407: {  	_ =	swait.ge [sflag:s0], s2  }
0x408: {  	s1 =	ssub.s32 $0x0, s2;
	[sflag:s0] =	ssyncset.done $0x0  }
0x409: {  	[sflag:s0] =	ssyncadd.s32 s1  }
0x40a: {  	[sflag:s0] =	ssyncpa.u1 $0x1  }
.LBB3_47:
0x40b: {  	_ =	sfence;
	s0 =	simm.s32 $0x1  }
0x40c: {  	[sflag:s0] =	ssyncpa.u1 $0x1  }
0x40d: {  	_ =	strace $0x90000056  }
0x40e: {  	[bflag:$0x2] =	sbarrier.arrive $0xFFFF  }
0x40f: {  	s0 =	rddreg [dreg:$0x3]  }
0x410: {  	s0 =	sadd.s32 @!p0 $0x100000, s0  }
0x411: {  	[sflag:s0] =	ssyncadd.tile.s32 @!p0 $0x1;
	_ =	shalt  }
.Lfunc_end3:
_tile_overlayer_lowered:
.L_overlay_start_3:
0x412: {  	(tag) =	ssettag $0x3  }
0x413: {  	s0 =	rddreg [dreg:$0x0];
	s2 =	stileid.u32  }
0x414: {  	s1 =	rddreg [dreg:$0x1];
	p0 =	sne.s32 s2, $0x0  }
0x415: {  	s3 =	rddreg [dreg:$0x2];
	[bflag:$0x3] =	sbarrier.arrive $0xFFFF;
	s2 =	simm.s32 @!p0 $0x1C01  }
0x416: {  	[timem:s3], [sflag:s2] =	dma.local @!p0 [hbm:s0], s1  }
0x417: {  	s0 =	simm.s32 @!p0 $0x1  }
0x418: {  	_ =	swait.ge @!p0 [sflag:s0], s1  }
0x419: {  	s1 =	ssub.s32 @!p0 $0x0, s1;
	[sflag:s0] =	ssyncset.done @!p0 $0x0  }
0x41a: {  	[sflag:s0] =	ssyncadd.s32 @!p0 s1  }
0x41b: {  	[bflag:$0x3] =	sbarrier.arrive $0xFFFF  }
0x41c: {  	_ =	shalt  }

// kernel: scatter_offload_async_start.6
scs
__scs_entry_jumppad:
0x0: {  	(pc) =	sbr.rel $0x88, $3  }
0x1: {  	(tag) =	ssettag $0x0;
	lr =	simm.s32 $0x1  }
0x2: {  	[smem:$0x3F81] =	sst lr;
	_ =	strace $0xD0000000  }
0x3: {  	_ = 	snop  }
0x4: {  	_ = 	snop  }
0x5: {  	_ = 	snop  }
0x6: {  	_ = 	snop  }
0x7: {  	_ = 	snop  }
__scs_overlays_trampoline_lowered:
0x8: {  	[smem:$0x3F90] =	sst s0  }
0x9: {  	[smem:$0x3F91] =	sst s1  }
0xa: {  	[smem:$0x3F92] =	sst s2  }
0xb: {  	[smem:$0x3F93] =	sst s3  }
0xc: {  	[smem:$0x3F94] =	sst s4  }
0xd: {  	[smem:$0x3F95] =	sst s5  }
0xe: {  	[smem:$0x3F96] =	sst s6  }
0xf: {  	[smem:$0x3F97] =	sst s7  }
0x10: {  	[smem:$0x3F98] =	sst s8  }
0x11: {  	[smem:$0x3F99] =	sst s9;
	s0 =	simm.s32 @!p0 $0x0  }
0x12: {  	s1 =	sld [smem:$0x3F7F];
	s0 =	simm.s32 @p0 $0x1  }
0x13: {  	[smem:$0x3F9A] =	sst s0;
	s0 =	simm.s32 @!p1 $0x0  }
0x14: {  	s2 =	sld [smem:$0x3F7E];
	s0 =	simm.s32 @p1 $0x1  }
0x15: {  	[smem:$0x3F9B] =	sst s0;
	s0 =	simm.s32 @!p2 $0x0  }
0x16: {  	s3 =	sld [smem:$0x3FDB];
	s0 =	simm.s32 @p2 $0x1  }
0x17: {  	s4 =	simm.s32 $0x1BF5;
	[smem:$0x3F9D] =	sst s0  }
0x18: {  	s0 =	sld [smem:$0x3F80];
	_ =	swait.ge [sflag:s4], $0x0  }
0x19: {  	s7 =	sld [smem:$0x3F81]  }
0x1a: {  	s8 =	sadd.s32 $0xFFFFE003, lr  }
0x1b: {  	s9 =	sadd.s32 $0xFFFFFEF7, lr;
	s5 =	simm.s32 $0xFFFFFFFF;
	p2 =	slt.u32 s8, $0xFFFFF086  }
0x1c: {  	p1 =	slt.u32 s9, $0xF7A;
	s5 =	simm.s32 @!p2 $0x0  }
0x1d: {  	s5 =	simm.s32 @p1 $0x1;
	p0 =	seq.s32 s7, s2  }
0x1e: {  	s7 =	smul.u32 @!p0 $0xF7A, s2;
	p2 =	seq.s32 @!p0 s5, $0x0  }
0x1f: {  	s9 =	smul.u32 $0xF7A, s1;
	s8 =	simm.s32 @!p0 $0x1BF5;
	p2 =	por !p2, p0  }
0x20: {  	[sflag:s8] =	ssyncset.s32 @!p0 $0xFFFFF086;
	s6 =	sadd.s32 @!p0 s3, s7;
	s7 =	simm.s32 @!p0 $0x108  }
0x21: {  	s3 =	sadd.s32 s3, s9;
	s6 =	sadd.s32 @!p0 $0x88, s6;
	s7 =	simm.s32 @p2 $0x1082  }
0x22: {  	[simem:s7], [sflag:s8] =	dma.local @!p0 [hbm:s6], $0xF7A  }
0x23: {  	s9 =	sor.u32 $0xD0000000, s2;
	s6 =	simm.s32 $0x108;
	_ =	swait.ge @!p0 [sflag:s8], $0x0  }
0x24: {  	s3 =	sadd.s32 $0x88, s3;
	s6 =	simm.s32 @!p1 $0x1082;
	[sflag:s4] =	ssyncset.s32 $0xFFFFF086  }
0x25: {  	[simem:s6], [sflag:s4] =	dma.local [hbm:s3], $0xF7A  }
0x26: {  	[smem:$0x3F81] =	sst s1;
	(tag) =	ssettag s2;
	_ =	strace s9  }
0x27: {  	s1 =	sld [smem:$0x3F91]  }
0x28: {  	s2 =	sld [smem:$0x3F92]  }
0x29: {  	s4 =	sld [smem:$0x3F94]  }
0x2a: {  	p0 =	seq.s32 s5, $0x0;
	s5 =	sld [smem:$0x3F95]  }
0x2b: {  	s6 =	sld [smem:$0x3F96]  }
0x2c: {  	s7 =	sld [smem:$0x3F97]  }
0x2d: {  	s3 =	simm.s32 $0x108;
	s8 =	sld [smem:$0x3F98]  }
0x2e: {  	s3 =	simm.s32 @!p0 $0x1082;
	s9 =	sld [smem:$0x3F99]  }
0x2f: {  	lr =	sadd.s32 s0, s3;
	s0 =	sld [smem:$0x3F90]  }
0x30: {  	s3 =	sld [smem:$0x3F93]  }
0x31: {  	[smem:$0x3F9C] =	sst s10  }
0x32: {  	s10 =	sld [smem:$0x3F9A];
	_ =	sdelay $0x3  }
0x33: {  	p0 =	seq.s32 s10, $0x1;
	s10 =	sld [smem:$0x3F9C];
	_ =	sdelay $0x3  }
0x34: {  	[smem:$0x3F9C] =	sst s10  }
0x35: {  	s10 =	sld [smem:$0x3F9B];
	_ =	sdelay $0x3  }
0x36: {  	p1 =	seq.s32 s10, $0x1;
	s10 =	sld [smem:$0x3F9C];
	_ =	sdelay $0x3  }
0x37: {  	[smem:$0x3F9C] =	sst s10  }
0x38: {  	s10 =	sld [smem:$0x3F9D]  }
0x39: {  	_ = 	snop;
	(pc) =	sbr.ind lr, $3  }
0x3a: {  	_ = 	snop  }
0x3b: {  	_ = 	snop  }
0x3c: {  	p2 =	seq.s32 s10, $0x1;
	s10 =	sld [smem:$0x3F9C]  }
0x3d: {  	_ =	shalt  }
0x3e: {  	_ =	shalt  }
0x3f: {  	_ =	shalt  }
0x40: {  	_ =	shalt  }
0x41: {  	_ =	shalt  }
0x42: {  	_ =	shalt  }
0x43: {  	_ =	shalt  }
0x44: {  	_ =	shalt  }
0x45: {  	_ =	shalt  }
0x46: {  	_ =	shalt  }
0x47: {  	_ =	shalt  }
0x48: {  	_ =	shalt  }
0x49: {  	_ =	shalt  }
0x4a: {  	_ =	shalt  }
0x4b: {  	_ =	shalt  }
0x4c: {  	_ =	shalt  }
0x4d: {  	_ =	shalt  }
0x4e: {  	_ =	shalt  }
0x4f: {  	_ =	shalt  }
0x50: {  	_ =	shalt  }
0x51: {  	_ =	shalt  }
0x52: {  	_ =	shalt  }
0x53: {  	_ =	shalt  }
0x54: {  	_ =	shalt  }
0x55: {  	_ =	shalt  }
0x56: {  	_ =	shalt  }
0x57: {  	_ =	shalt  }
0x58: {  	_ =	shalt  }
0x59: {  	_ =	shalt  }
0x5a: {  	_ =	shalt  }
0x5b: {  	_ =	shalt  }
0x5c: {  	_ =	shalt  }
0x5d: {  	_ =	shalt  }
0x5e: {  	_ =	shalt  }
0x5f: {  	_ =	shalt  }
0x60: {  	_ =	shalt  }
0x61: {  	_ =	shalt  }
0x62: {  	_ =	shalt  }
0x63: {  	_ =	shalt  }
0x64: {  	_ =	shalt  }
0x65: {  	_ =	shalt  }
0x66: {  	_ =	shalt  }
0x67: {  	_ =	shalt  }
0x68: {  	_ =	shalt  }
0x69: {  	_ =	shalt  }
0x6a: {  	_ =	shalt  }
0x6b: {  	_ =	shalt  }
0x6c: {  	_ =	shalt  }
0x6d: {  	_ =	shalt  }
0x6e: {  	_ =	shalt  }
0x6f: {  	_ =	shalt  }
0x70: {  	_ =	shalt  }
0x71: {  	_ =	shalt  }
0x72: {  	_ =	shalt  }
0x73: {  	_ =	shalt  }
0x74: {  	_ =	shalt  }
0x75: {  	_ =	shalt  }
0x76: {  	_ =	shalt  }
0x77: {  	_ =	shalt  }
0x78: {  	_ =	shalt  }
0x79: {  	_ =	shalt  }
0x7a: {  	_ =	shalt  }
0x7b: {  	_ =	shalt  }
0x7c: {  	_ =	shalt  }
0x7d: {  	_ =	shalt  }
0x7e: {  	_ =	shalt  }
0x7f: {  	_ =	shalt  }
0x80: {  	_ =	shalt  }
0x81: {  	_ =	shalt  }
0x82: {  	_ =	shalt  }
0x83: {  	_ =	shalt  }
0x84: {  	_ =	shalt  }
0x85: {  	_ =	shalt  }
0x86: {  	_ =	shalt  }
0x87: {  	_ =	shalt  }
.Lfunc_end0:
.L_simem_size_0:
called_computation_lowered:
.L_overlay_start_0:
0x88: {  	s2 =	sld [smem:$0x3FD9]  }
0x89: {  	s3 =	sld [smem:$0x3FFE];
	_ =	sdelay $0x1  }
0x8a: {  	s1 =	srdreg.scid  }
0x8b: {  	s0 =	sand.u32 $0x1, s1  }
0x8c: {  	s15 =	sshll.u32 s0, $0xA;
	s2 =	sadd.s32 s3, s2  }
0x8d: {  	s2 =	sadd.s32 s2, s15  }
0x8e: {  	[smem:$0x3FA8] =	sst s2  }
0x8f: {  	_ = 	snop  }
0x90: {  	(tm) =	ssettm $0x1  }
0x91: {  	s16 =	sld [smem:$0x3FFB];
	_ =	sdelay $0x3  }
0x92: {  	_ =	strace s16  }
0x93: {  	s2 =	sld [smem:$0x3FFC];
	_ =	sdelay $0x3  }
0x94: {  	_ =	strace s2  }
0x95: {  	s2 =	sld [smem:$0x3FFD];
	_ =	sdelay $0x3  }
0x96: {  	_ =	strace s2  }
0x97: {  	_ =	strace $0x8FFFFFFF  }
0x98: {  	s17 =	sld [smem:$0x3FDB];
	_ =	sdelay $0x1  }
0x99: {  	s18 =	simm.s32 $_scs_section_size  }
0x9a: {  	s4 =	simm.s32 $_size__tile_overlayer_lowered;
	s5 =	simm.s32 $_tile_overlayer_lowered  }
0x9b: {  	s6 =	simm.s32 $0x1BFF;
	s19 =	sshll.u32 s5, $0x1;
	s3 =	sadd.s32 s18, s17  }
0x9c: {  	s20 =	simm.s32 $0x0;
	s4 =	sshll.u32 s4, $0x1;
	s5 =	sadd.s32 s19, s3  }
0x9d: {  	[timem:s20], [sflag:s6] =	dma.local [hbm:s5], s4  }
0x9e: {  	_ =	swait.ge [sflag:s6], s4  }
0x9f: {  	s4 =	ssub.s32 $0x0, s4;
	[sflag:s6] =	ssyncset.done $0x0  }
0xa0: {  	[sflag:s6] =	ssyncadd.s32 s4;
	_ =	sdelay $0x1  }
0xa1: {  	s21 =	simm.s32 $0x1B8B  }
0xa2: {  	_ =	swait.ge [sflag:s21], $0x1  }
0xa3: {  	[sflag:s21] =	ssyncset.done $0x0  }
0xa4: {  	s22 =	sld [smem:$0x3FFE];
	[sflag:s21] =	ssyncadd.s32 $0xFFFFFFFF  }
0xa5: {  	s24 =	simm.s32 $0x1B8E;
	s23 =	sld [smem:$0x0]  }
0xa6: {  	s25 =	simm.s32 $execute0_lowered;
	[smem:$0x3FD2] =	sst s24  }
0xa7: {  	s6 =	sshll.u32 s25, $0x1;
	_ =	strace $0x80000058;
	[dreg:$0x1] =	wrdreg $0xFFFFFFFF  }
0xa8: {  	s7 =	simm.s32 $_size_execute0_lowered;
	s6 =	sadd.s32 s3, s6;
	[dreg:$0x0] =	wrdreg $0x0  }
0xa9: {  	s7 =	sshll.u32 s7, $0x1;
	[dreg:$0x2] =	wrdreg s6  }
0xaa: {  	[dreg:$0x3] =	wrdreg s7  }
0xab: {  	[dreg:$0x4] =	wrdreg $0xC0  }
0xac: {  	s26 =	simm.s32 $execute1_lowered;
	_ =	task [dreg:s20], $0x5FFFF  }
0xad: {  	s6 =	sshll.u32 s26, $0x1;
	[dreg:$0x1] =	wrdreg $0xFFFFFFFF  }
0xae: {  	s3 =	sadd.s32 s3, s6;
	[dreg:$0x0] =	wrdreg $0x60  }
0xaf: {  	[dreg:$0x2] =	wrdreg s3  }
0xb0: {  	[dreg:$0x3] =	wrdreg s22  }
0xb1: {  	[dreg:$0x4] =	wrdreg $0x9  }
0xb2: {  	_ =	task.clear_ibuf [dreg:s20], $0x5FFFF;
	_ =	strace $0x90000058  }
0xb3: {  	s28 =	simm.s32 $0x9;
	_ =	strace $0x8000005A  }
0xb4: {  	_ =	swait.ge [sflag:s28], $0x1  }
0xb5: {  	[sflag:s28] =	ssyncadd.s32 $0xFFFFFFFF  }
0xb6: {  	_ =	strace $0x9000005A  }
0xb7: {  	s3 =	sld [smem:$0x0]  }
0xb8: {  	s6 =	sand.u32 $0xFFFFFFFE, s1  }
0xb9: {  	p0 =	sne.s32 s1, s6  }
0xba: {  	s6 =	sshll.u32 @p0 s6, $0xE  }
0xbb: {  	s6 =	sadd.s32 @p0 $0x11BF3, s6;
	s7 =	sshll.u32 @p0 s3, $0x11  }
0xbc: {  	s6 =	sor.u32 @p0 s7, s6  }
0xbd: {  	[sflag:s6] =	ssyncadd.remote.s32 @p0 $0x1;
	_ =	sdelay $0x1  }
0xbe: {  	s6 =	simm.s32 @p0 $0x1BF3  }
0xbf: {  	_ =	swait.eq @p0 [sflag:s6], $0x1  }
0xc0: {  	[sflag:s6] =	ssyncadd.s32 @p0 $0xFFFFFFFF  }
0xc1: {  	s7 =	sshll.u32 @!p0 s1, $0xE  }
0xc2: {  	s7 =	sor.u32 @!p0 $0x4000, s7;
	s6 =	simm.s32 @!p0 $0x1BF3  }
0xc3: {  	s3 =	sshll.u32 @!p0 s3, $0x11;
	s7 =	sadd.s32 @!p0 $0x11BF3, s7;
	_ =	swait.eq @!p0 [sflag:s6], $0x1  }
0xc4: {  	s3 =	sor.u32 @!p0 s3, s7;
	[sflag:s6] =	ssyncadd.s32 @!p0 $0xFFFFFFFF  }
0xc5: {  	[sflag:s3] =	ssyncadd.remote.s32 @!p0 $0x1  }
0xc6: {  	_ =	strace $0x8000005B;
	[dreg:$0x1] =	wrdreg $0xFFFFFFFF  }
0xc7: {  	[dreg:$0x0] =	wrdreg $0x2030  }
0xc8: {  	[dreg:$0x2] =	wrdreg s22  }
0xc9: {  	[dreg:$0x3] =	wrdreg s1  }
0xca: {  	[dreg:$0x4] =	wrdreg s23  }
0xcb: {  	[dreg:$0x5] =	wrdreg $0xA  }
0xcc: {  	_ =	task.clear_ibuf [dreg:s20], $0x6FFFF;
	_ =	strace $0x9000005B  }
0xcd: {  	s29 =	simm.s32 $0xA;
	_ =	strace $0x8000005D  }
0xce: {  	_ =	swait.ge [sflag:s29], $0x1  }
0xcf: {  	[sflag:s29] =	ssyncadd.s32 $0xFFFFFFFF  }
0xd0: {  	_ =	strace $0x9000005D  }
0xd1: {  	_ =	sfence  }
0xd2: {  	s30 =	sld [smem:$0x0];
	_ =	sdelay $0x2  }
0xd3: {  	s31 =	sshll.u32 s1, $0xD;
	s1 =	sshrl.u32 s1, $0x2  }
0xd4: {  	s4 =	sand.u32 $0x4000, s31;
	s1 =	sadd.s32 s1, s30  }
0xd5: {  	s0 =	sor.u32 s4, s0;
	s1 =	sshll.u32 s1, $0x11  }
0xd6: {  	s0 =	sor.u32 s1, s0  }
0xd7: {  	s0 =	sadd.s32 $0x8F2B, s0  }
0xd8: {  	[sflag:s0] =	ssyncadd.remote.s32 $0x1  }
0xd9: {  	_ =	sfence.sel $0xFFFF  }
0xda: {  	[dreg:$0x0] =	wrdreg $0xFFFFFFFF;
	(pc) =	sbr.abs _section_cstart, $3  }
0xdb: {  	[dreg:$0x1] =	wrdreg $0xFFFFFFFF  }
0xdc: {  	_ =	task.clear_ibuf [dreg:s20], $0x2FFFF;
	_ =	strace $0x9FFFFFFF  }
0xdd: {  	(tm) =	ssettm $0x7FFFFFFF  }
tec
execute0_lowered:
.L_overlay_start_1:
0x0: {  	(tag) =	ssettag $0x1  }
0x1: {  	s2 =	rddreg [dreg:$0x0]  }
0x2: {  	s5 =	rddreg [dreg:$0x1]  }
0x3: {  	s0 =	rddreg [dreg:$0x2];
	s3 =	stileid.u32;
	[bflag:$0x3] =	sbarrier.arrive $0xFFFF  }
0x4: {  	s1 =	simm.s32 $_size_execute1_lowered;
	s29 =	srdreg.scid;
	s31 =	simm.s32 $0x2  }
0x5: {  	s13 =	simm.s32 $0x0;
	s8 =	simm.s32 $0x40;
	p0 =	sne.s32 s3, $0x0  }
0x6: {  	s1 =	sshll.u32 s1, $0x1;
	s4 =	simm.s32 @!p0 $0x1C3F;
	s6 =	simm.s32 @!p0 $0x4060  }
0x7: {  	[timem:s6], [sflag:s4] =	dma.local @!p0 [hbm:s2], s1  }
0x8: {  	s9 =	simm.s32 $0x80;
	s11 =	simm.s32 $0x0;
	s2 =	sshll.u32 s29, $0x8  }
.Ltmp0:
0x9: {  	s3 =	sshll.u32 s3, $0x9;
	s30 =	sand.u32 $0x100, s2;
	(pc) =	sbr.rel .LBB2_1-.Ltmp0, $4  }
0xa: {  	s12 =	simm.s32 $0x0;
	_ =	strace $0x80000059;
	s3 =	sor.u32 s3, s30  }
0xb: {  	s4 =	simm.s32 $0x1;
	s2 =	sadd.s32 $0x2CA400, s5;
	s7 =	ssub.s32 $0x6100, s3  }
0xc: {  	s5 =	sadd.s32 $0x32C000, s5;
	[sflag:s4] =	ssyncpa.u1 $0x0;
	s6 =	sshrl.u32 s7, $0xD  }
0xd: {  	[sflag:s31] =	ssyncpa.u1 $0x0;
	s10 =	smov.u32 s3;
	s7 =	sadd.s32 $0x2, s6  }
.LBB2_5:
0xe: {  	_ =	sdelay $0x3  }
0xf: {  	[tilespmem:v3+s18+$0x0 ss:$0x1] =	vst.idx.msk $0xffff, v1  }
0x10: {  	[tilespmem:v3+s17+$0x0 ss:$0x1] =	vst.idx.msk $0xffff, v2  }
0x11: {  	[tilespmem:v3+s16+$0x0 ss:$0x1] =	vst.idx.msk $0xffff, v4  }
0x12: {  	[tilespmem:v3+s19+$0x0 ss:$0x1] =	vst.idx.msk $0xffff, v5  }
.LBB2_6:
0x13: {  	s16 =	sand.u32 $0x1FFFFFF, s11  }
0x14: {  	s17 =	smulhi.u32 $0x14F8B59, s16;
	_ =	sdelay $0x1  }
0x15: {  	s17 =	sshrl.u32 s17, $0x7  }
0x16: {  	s17 =	smul.u32 $0x61A8, s17;
	_ =	sdelay $0x1  }
0x17: {  	s16 =	ssub.s32 s16, s17  }
0x18: {  	s16 =	sshll.u32 s16, $0x4  }
0x19: {  	s16 =	sadd.s32 s5, s16  }
0x1a: {  	[hbm4b:s16+s8] =	stream.strided.scatter [tilespmem:s15], [sflag:$0x2], s14, s9, s8, $0x38;
	[tilespmem:$0x10000] =	vst v63  }
.LBB2_7:
0x1b: {  	p1 =	slt.u32 s12, $0x2  }
0x1c: {  	p2 =	sgt.s32 @!p1 s13, $0x60A8  }
0x1d: {  	s14 =	smov.u32 s13;
	s15 =	sshra.s32 @!p1 s13, $0x1F;
	p2 =	por !p2, p1  }
0x1e: {  	s13 =	sand.u32 @!p1 s15, s13;
	s14 =	simm.s32 @p2 $0x60A8  }
0x1f: {  	s13 =	ssub.s32 @!p1 s14, s13  }
0x20: {  	s13 =	sadd.s32 @!p1 $0xFFFF9F58, s13  }
0x21: {  	s14 =	sshll.u32 @!p1 s13, $0x8  }
0x22: {  	p2 =	sgt.s32 @!p1 s13, $0xFF;
	s13 =	ssub.s32 @!p1 $0x10000, s14  }
0x23: {  	s15 =	sadd.s32 $0x2000, s10;
	p2 =	por !p2, p1;
	s13 =	sshrl.u32 @!p1 s13, $0x2  }
0x24: {  	s13 =	simm.s32 @!p2 $0x0;
	p2 =	sgt.s32 s15, $0x61A7  }
0x25: {  	s15 =	smov.u32 @p2 s3;
	p2 =	sne.s32 s12, s7  }
.Ltmp1:
0x26: {  	_ = 	snop;
	(pc) =	sbr.rel @!p2 .LBB2_8-.Ltmp1, $4  }
0x27: {  	s14 =	simm.s32 @!p1 $0x2  }
0x28: {  	_ =	swait.ge @!p1 [sflag:s14], s13;
	s16 =	ssub.s32 @!p1 $0x0, s13  }
0x29: {  	s13 =	smov.u32 s11;
	s12 =	sadd.s32 $0x1, s12;
	[sflag:s14] =	ssyncset.done @!p1 $0x0  }
0x2a: {  	s11 =	smov.u32 s10;
	s10 =	smov.u32 s15;
	[sflag:s14] =	ssyncadd.s32 @!p1 s16  }
.LBB2_1:
0x2b: {  	p1 =	sgt.u32 s12, s6  }
0x2c: {  	s15 =	smov.u32 s10;
	p2 =	sgt.s32 @!p1 s10, $0x60A8  }
0x2d: {  	s14 =	sand.u32 @!p1 $0x1FFFFFF, s10;
	s16 =	sshra.s32 @!p1 s10, $0x1F;
	p2 =	por !p2, p1  }
0x2e: {  	s17 =	smulhi.u32 @!p1 $0x14F8B59, s14;
	s16 =	sand.u32 @!p1 s16, s10;
	s15 =	simm.s32 @p2 $0x60A8  }
0x2f: {  	s15 =	ssub.s32 @!p1 s15, s16  }
0x30: {  	s16 =	sshrl.u32 @!p1 s17, $0x7;
	s15 =	sadd.s32 @!p1 $0xFFFF9F58, s15  }
0x31: {  	s17 =	sxor.u32 @!p1 $0xFFFFFFFF, s12;
	s16 =	smul.u32 @!p1 $0x61A8, s16;
	s18 =	sshll.u32 @!p1 s15, $0x8  }
0x32: {  	s17 =	sshll.u32 @!p1 s17, $0xE;
	p2 =	sgt.s32 @!p1 s15, $0xFF;
	s15 =	ssub.s32 @!p1 $0x10000, s18  }
0x33: {  	s14 =	ssub.s32 @!p1 s14, s16;
	p2 =	por !p2, p1;
	s16 =	sand.u32 @!p1 $0x4000, s17  }
0x34: {  	s17 =	simm.s32 @!p1 $0x40;
	s15 =	sshrl.u32 @!p1 s15, $0x2;
	s14 =	sshll.u32 @!p1 s14, $0x4  }
0x35: {  	s18 =	simm.s32 @!p1 $0x80;
	s15 =	simm.s32 @!p2 $0x0;
	s14 =	sadd.s32 @!p1 s2, s14  }
0x36: {  	[tilespmem:s16], [sflag:$0x1] =	stream.strided.gather @!p1 [hbm4b:s14+s17], s15, s18, s17, $0x38;
	[tilespmem:$0x10000] =	vst v63  }
0x37: {  	p1 =	seq.s32 s12, $0x0  }
0x38: {  	p2 =	sge.u32 @!p1 s12, s7  }
0x39: {  	p1 =	por p1, p2  }
.Ltmp2:
0x3a: {  	_ = 	snop;
	(pc) =	sbr.rel @p1 .LBB2_7-.Ltmp2, $1  }
0x3b: {  	_ =	sdelay $0x3  }
0x3c: {  	p1 =	sgt.s32 s11, $0x60A8;
	s14 =	smov.u32 s11;
	s15 =	sshra.s32 s11, $0x1F  }
0x3d: {  	s14 =	simm.s32 @!p1 $0x60A8;
	s15 =	sand.u32 s15, s11  }
0x3e: {  	s14 =	ssub.s32 s14, s15  }
0x3f: {  	s14 =	sadd.s32 $0xFFFF9F58, s14  }
0x40: {  	s31 =	sshll.u32 s14, $0x8  }
0x41: {  	s15 =	ssub.s32 $0x10000, s31  }
0x42: {  	p1 =	sgt.s32 s14, $0xFF;
	s14 =	sshrl.u32 s15, $0x2;
	s15 =	sadd.s32 $0x100, s11  }
0x43: {  	s14 =	simm.s32 @p1 $0x0;
	p1 =	slt.s32 s15, $0x61A8  }
0x44: {  	s15 =	simm.s32 @!p1 $0x61A8  }
0x45: {  	s20 =	ssub.s32 s15, s11  }
0x46: {  	p1 =	slt.s32 s20, $0x1  }
.Ltmp3:
0x47: {  	_ = 	snop;
	(pc) =	sbr.rel @p1 .LBB2_6-.Ltmp3, $4  }
0x48: {  	_ = 	snop  }
0x49: {  	s16 =	sshll.u32 s12, $0xE;
	_ =	swait.ge [sflag:s4], s14  }
0x4a: {  	s16 =	sand.u32 $0x4000, s16;
	s17 =	ssub.s32 $0x0, s14;
	[sflag:s4] =	ssyncset.done $0x0  }
0x4b: {  	s15 =	sor.u32 $0x8000, s16;
	[sflag:s4] =	ssyncadd.s32 s17  }
0x4c: {  	v0 =	vmov s16;
	_ =	sdelay $0x2  }
0x4d: {  	s31 =	simm.s32 $0x0;
	p1 =	sne.s32 s20, $0x1  }
.Ltmp4:
0x4e: {  	s18 =	sand.u32 $0x3FC0, s31;
	(pc) =	sbr.rel @!p1 .LBB2_5-.Ltmp4, $4  }
0x4f: {  	s17 =	sor.u32 $0x30, s18;
	v1 =	vld.idx.msk [tilespmem:v0+s18+$0x0 ss:$0x1], $0xffff  }
0x50: {  	v3 =	vmov s15;
	s16 =	sor.u32 $0x10, s18;
	v2 =	vld.idx.msk [tilespmem:v0+s17+$0x0 ss:$0x1], $0xffff  }
0x51: {  	s19 =	sor.u32 $0x20, s18;
	v4 =	vld.idx.msk [tilespmem:v0+s16+$0x0 ss:$0x1], $0xffff  }
0x52: {  	s20 =	sadd.s32 $0xFFFFFFFF, s20;
	s21 =	simm.s32 $0x40;
	v5 =	vld.idx.msk [tilespmem:v0+s19+$0x0 ss:$0x1], $0xffff  }
.LBB2_4:
0x53: {  	s22 =	sand.u32 $0x3FC0, s21  }
0x54: {  	p1 =	sne.s32 s20, $0x1;
	s20 =	sadd.s32 $0xFFFFFFFF, s20;
	s23 =	sor.u32 $0x10, s22  }
.Ltmp5:
0x55: {  	s24 =	sor.u32 $0x20, s22;
	s25 =	sor.u32 $0x30, s22;
	[tilespmem:v3+s18+$0x0 ss:$0x1] =	vst.idx.msk $0xffff, v1;
	v1 =	vld.idx.msk [tilespmem:v0+s22+$0x0 ss:$0x1], $0xffff;
	(pc) =	sbr.rel @p1 .LBB2_4-.Ltmp5, $4  }
0x56: {  	s18 =	smov.u32 s22;
	[tilespmem:v3+s17+$0x0 ss:$0x1] =	vst.idx.msk $0xffff, v2;
	v2 =	vld.idx.msk [tilespmem:v0+s25+$0x0 ss:$0x1], $0xffff;
	s17 =	smov.u32 s25  }
0x57: {  	[tilespmem:v3+s16+$0x0 ss:$0x1] =	vst.idx.msk $0xffff, v4;
	v4 =	vld.idx.msk [tilespmem:v0+s23+$0x0 ss:$0x1], $0xffff;
	s16 =	smov.u32 s23  }
0x58: {  	[tilespmem:v3+s19+$0x0 ss:$0x1] =	vst.idx.msk $0xffff, v5;
	v5 =	vld.idx.msk [tilespmem:v0+s24+$0x0 ss:$0x1], $0xffff;
	s19 =	smov.u32 s24  }
0x59: {  	s21 =	sadd.s32 $0x40, s21  }
.Ltmp6:
0x5a: {  	_ = 	snop;
	(pc) =	sbr.rel .LBB2_5-.Ltmp6, $1  }
0x5b: {  	_ =	sdelay $0x3  }
.LBB2_8:
0x5c: {  	_ =	sfence.sel $0x180000  }
0x5d: {  	s2 =	simm.s32 $0x1;
	[bflag:$0x0] =	sbarrier.arrive $0xFFFF  }
0x5e: {  	s31 =	simm.s32 $0x2;
	[sflag:s2] =	ssyncpa.u1 $0x1  }
0x5f: {  	[sflag:s31] =	ssyncpa.u1 $0x1  }
0x60: {  	_ =	strace $0x90000059  }
0x61: {  	s0 =	sadd.s32 @!p0 $0x100000, s0;
	[bflag:$0x2] =	sbarrier.arrive $0xFFFF  }
0x62: {  	[sflag:s0] =	ssyncadd.tile.s32 @!p0 $0x1;
	s0 =	simm.s32 @!p0 $0x3F  }
0x63: {  	_ =	swait.ge @!p0 [sflag:s0], s1  }
0x64: {  	s1 =	ssub.s32 @!p0 $0x0, s1;
	[sflag:s0] =	ssyncset.done @!p0 $0x0  }
0x65: {  	[sflag:s0] =	ssyncadd.s32 @!p0 s1  }
0x66: {  	[bflag:$0x3] =	sbarrier.arrive $0xFFFF  }
0x67: {  	_ =	shalt  }
.Lfunc_end2:
execute1_lowered:
.L_overlay_start_2:
0x68: {  	(tag) =	ssettag $0x2  }
0x69: {  	s2 =	rddreg [dreg:$0x0]  }
0x6a: {  	s4 =	rddreg [dreg:$0x1]  }
0x6b: {  	s3 =	rddreg [dreg:$0x2];
	_ =	strace $0x8000005C;
	s1 =	simm.s32 $0x1  }
0x6c: {  	s9 =	simm.s32 $0x88;
	v0 =	vimm.s32 $0x0;
	[sflag:s1] =	ssyncpa.u1 $0x0  }
0x6d: {  	[tilespmem:s9+$0x30] =	vst v0  }
0x6e: {  	s1 =	sadd.s32 $0x32C000, s2;
	[tilespmem:s9+$0x20] =	vst v0  }
0x6f: {  	s5 =	sadd.s32 $0xDDA000, s2;
	s6 =	sadd.s32 $0xDF2800, s2;
	s2 =	simm.s32 $0x40;
	[tilespmem:s9+$0x10] =	vst v0  }
.LBB3_1:
0x70: {  	s2 =	sadd.s32 $0x40, s2  }
0x71: {  	[tilespmem:s9+$0x0] =	vst v0;
	s9 =	sadd.s32 $0x40, s9;
	p0 =	slt.u32 s2, $0x5040  }
.Ltmp7:
0x72: {  	(pc) =	sbr.rel @p0 .LBB3_1-.Ltmp7, $4  }
0x73: {  	_ = 	snop  }
0x74: {  	[tilespmem:s9+$0x30] =	vst v0  }
0x75: {  	[tilespmem:s9+$0x20] =	vst v0  }
0x76: {  	[tilespmem:s9+$0x10] =	vst v0  }
0x77: {  	s2 =	srdreg.scid  }
0x78: {  	s7 =	sshll.u32 s2, $0x4  }
0x79: {  	s2 =	stileid.u32;
	s7 =	sand.u32 $0x10, s7  }
0x7a: {  	s8 =	sor.u32 s2, s7  }
0x7b: {  	s7 =	smul.u32 $0x4E, s8  }
0x7c: {  	s10 =	smin.u32 s8, $0x4  }
0x7d: {  	s7 =	sadd.s32 s10, s7  }
0x7e: {  	p0 =	slt.u32 s8, $0x4;
	s8 =	simm.s32 $0x62C0;
	s7 =	smul.u32 $0x140, s7  }
0x7f: {  	s8 =	simm.s32 @!p0 $0x6180  }
0x80: {  	s8 =	sadd.s32 s8, s7  }
0x81: {  	s8 =	smin.u32 s8, $0xC3500  }
0x82: {  	s11 =	ssub.s32 s8, s7  }
0x83: {  	p0 =	sgt.s32 s11, $0x0  }
0x84: {  	s11 =	simm.s32 @!p0 $0x0  }
0x85: {  	s31 =	smulhi.u32 $0x66666667, s11;
	_ =	sdelay $0x1  }
0x86: {  	s12 =	sshrl.u32 s31, $0x7  }
0x87: {  	[tilespmem:s9+$0x0] =	vst v0;
	s9 =	simm.s32 $0x2;
	s13 =	smul.u32 $0x140, s12  }
.Ltmp8:
0x88: {  	s17 =	simm.s32 $0x0;
	s14 =	simm.s32 $0xA;
	(pc) =	sbr.rel .LBB3_3-.Ltmp8, $4  }
0x89: {  	v0 =	vimm.s32 $0xFFFFFFFF;
	s16 =	simm.s32 $0x0;
	[sflag:s9] =	ssyncpa.u1 $0x0;
	s10 =	simm.s32 $0x9  }
0x8a: {  	[tilespmem:$0xA108] =	vst v0;
	[sflag:s10] =	ssyncpa.u1 $0x0;
	p0 =	sne.s32 s11, s13;
	s13 =	simm.s32 $0x1  }
0x8b: {  	s15 =	smov.u32 s7;
	s11 =	simm.s32 $0x1;
	s13 =	simm.s32 @!p0 $0x0  }
0x8c: {  	v0 =	vlaneseq.u32;
	p0 =	por $0x0, $0x0;
	s12 =	sadd.s32 s13, s12;
	s13 =	sshll.u32 s2, $0x7  }
.LBB3_18:
0x8d: {  	s18 =	sshrl.u32 s25, $0x2  }
.LBB3_20:
0x8e: {  	_ =	swait.ge [sflag:s14], s18  }
0x8f: {  	s0 =	ssub.s32 $0x0, s18;
	v1 =	vmov s20;
	vm0 =	veq.s32 v0, $0x0;
	[sflag:s14] =	ssyncset.done $0x0  }
0x90: {  	vm15 =	veq.s32 v0, $0x2;
	v1 =	vsel vm0, s24, v1;
	[sflag:s14] =	ssyncadd.s32 s0  }
0x91: {  	v1 =	vsel vm15, s17, v1;
	[sflag:s14] =	ssyncpa.u1 $0x1  }
0x92: {  	[tilespmem:$0xA108] =	vst v1  }
.LBB3_21:
0x93: {  	s0 =	sadd.s32 $0x140, s15  }
0x94: {  	s18 =	smov.u32 s7;
	p1 =	slt.s32 s0, s8  }
0x95: {  	s18 =	smov.u32 @p1 s0;
	p1 =	sne.s32 s16, s12  }
.Ltmp9:
0x96: {  	_ = 	snop;
	(pc) =	sbr.rel @!p1 .LBB3_22-.Ltmp9, $3  }
0x97: {  	_ =	sdelay $0x1  }
0x98: {  	s31 =	sadd.s32 $0x1, s16;
	s17 =	smov.u32 s15  }
0x99: {  	p0 =	por !p0, !p0;
	s16 =	smov.u32 s31;
	s15 =	smov.u32 s18  }
.LBB3_3:
0x9a: {  	p1 =	sge.u32 s16, s12  }
0x9b: {  	p2 =	sgt.s32 @!p1 s15, $0xC33C0  }
0x9c: {  	s18 =	smov.u32 s15;
	s19 =	sshra.s32 @!p1 s15, $0x1F;
	p2 =	por !p2, p1  }
0x9d: {  	s19 =	sand.u32 @!p1 s19, s15;
	s18 =	simm.s32 @p2 $0xC33C0  }
0x9e: {  	s18 =	ssub.s32 @!p1 s18, s19  }
0x9f: {  	s19 =	sxor.u32 @!p1 $0xFFFFFFFF, s16;
	s18 =	sadd.s32 @!p1 $0xFFF3CC40, s18  }
0xa0: {  	s19 =	sand.u32 @!p1 $0x1, s19;
	s20 =	sshll.u32 @!p1 s18, $0x2  }
0xa1: {  	p2 =	sgt.s32 @!p1 s18, $0x13F;
	s18 =	ssub.s32 @!p1 $0x500, s20;
	s20 =	smul.u32 @!p1 $0x500, s19  }
0xa2: {  	s21 =	sshrl.u32 @!p1 s15, $0x3;
	s22 =	sand.u32 @!p1 $0x7, s15  }
0xa3: {  	p2 =	por !p2, p1;
	s18 =	sshrl.u32 @!p1 s18, $0x2;
	s20 =	sshrl.u32 @!p1 s20, $0x2  }
0xa4: {  	s21 =	sadd.s32 @!p1 s5, s21;
	s18 =	simm.s32 @!p2 $0x0;
	s20 =	sadd.s32 @!p1 $0xA948, s20  }
0xa5: {  	[tilespmem:s20], [sflag:$0x9] =	stream.linear.gather @!p1 [hbm4b:s21+s22], s18, $0x38;
	[tilespmem:$0x1EBC8] =	vst v63  }
0xa6: {  	s18 =	ssub.s32 @!p1 $0xC3500, s15  }
0xa7: {  	p2 =	sgt.s32 @!p1 s18, $0x0  }
0xa8: {  	s19 =	smul.u32 @!p1 $0x28000, s19;
	p2 =	por !p2, p1  }
0xa9: {  	s18 =	simm.s32 @p2 $0x0  }
0xaa: {  	s19 =	sshrl.u32 @!p1 s19, $0x2;
	s20 =	sshll.u32 @!p1 s15, $0x4;
	s18 =	smin.u32 @!p1 s18, $0x140  }
0xab: {  	s19 =	sadd.s32 @!p1 $0xABC8, s19;
	s20 =	sadd.s32 @!p1 s6, s20;
	s18 =	sshll.u32 @!p1 s18, $0x7  }
0xac: {  	[tilespmem:s19], [sflag:$0x9] =	stream.linear.gather @!p1 [hbm:s20], s18, $0x38;
	[tilespmem:$0x1EBC8] =	vst v63  }
0xad: {  	p1 =	seq.s32 s16, $0x0  }
.Ltmp10:
0xae: {  	_ = 	snop;
	(pc) =	sbr.rel @p1 .LBB3_21-.Ltmp10, $1  }
0xaf: {  	_ =	sdelay $0x3  }
0xb0: {  	p1 =	sgt.s32 s17, $0xC33C0  }
0xb1: {  	s18 =	smov.u32 s17;
	s19 =	sshra.s32 s17, $0x1F;
	s20 =	ssub.s32 $0xC3500, s17  }
0xb2: {  	s18 =	simm.s32 @!p1 $0xC33C0;
	s19 =	sand.u32 s19, s17;
	p1 =	sgt.s32 s20, $0x0  }
0xb3: {  	s18 =	ssub.s32 s18, s19;
	s20 =	simm.s32 @!p1 $0x0  }
0xb4: {  	s18 =	sadd.s32 $0xFFF3CC40, s18;
	s29 =	smin.u32 s20, $0x140  }
0xb5: {  	s21 =	sshll.u32 s18, $0x2;
	s19 =	sshll.u32 s29, $0x7  }
0xb6: {  	p1 =	sgt.s32 s18, $0x13F;
	s30 =	ssub.s32 $0x500, s21;
	_ =	swait.ge [sflag:s10], s19  }
0xb7: {  	s19 =	ssub.s32 $0x0, s19;
	[sflag:s10] =	ssyncset.done $0x0;
	s18 =	sshrl.u32 s30, $0x2  }
0xb8: {  	[sflag:s10] =	ssyncadd.s32 s19;
	s18 =	simm.s32 @p1 $0x0  }
0xb9: {  	_ =	swait.ge [sflag:s10], s18  }
0xba: {  	s18 =	ssub.s32 $0x0, s18;
	[sflag:s10] =	ssyncset.done $0x0  }
0xbb: {  	[sflag:s10] =	ssyncadd.s32 s18  }
0xbc: {  	v1 =	vld [tilespmem:$0xA108];
	_ =	sdelay $0x4  }
0xbd: {  	(v2sf) =	vpush v1, $0x0  }
0xbe: {  	(v2sf) =	vpush v1, $0x1  }
0xbf: {  	(v2sf) =	vpush v1, $0x2;
	_ =	sdelay $0x3  }
0xc0: {  	s18 =	sadd.s32 $0x140, s17  }
0xc1: {  	p1 =	slt.s32 s8, s18  }
0xc2: {  	s18 =	smov.u32 @p1 s8  }
0xc3: {  	s18 =	ssub.s32 s18, s17  }
0xc4: {  	p1 =	slt.s32 s20, s18  }
0xc5: {  	s18 =	smov.u32 @p1 s20  }
0xc6: {  	s21 =	simm.s32 $0x1;
	p1 =	slt.s32 s18, $0x1  }
.Ltmp11:
0xc7: {  	s21 =	simm.s32 @!p0 $0x0;
	(pc) =	sbr.rel @p1 .LBB3_8-.Ltmp11, $4  }
0xc8: {  	s31 =	smul.u32 $0x500, s21  }
0xc9: {  	s22 =	spop (v2sf)  }
0xca: {  	s17 =	sshrl.u32 s31, $0x2;
	s24 =	spop (v2sf)  }
0xcb: {  	s19 =	sadd.s32 $0xA948, s17;
	s17 =	spop (v2sf)  }
0xcc: {  	s20 =	smin.u32 s18, $0x10  }
0xcd: {  	v1 =	vmov s20  }
0xce: {  	p2 =	sgt.s32 s18, $0x10;
	vm1 =	vgt.u32 v1, v0  }
.Ltmp12:
0xcf: {  	_ = 	snop;
	(pc) =	sbr.rel @!p2 .LBB3_7-.Ltmp12, $2  }
0xd0: {  	_ =	sdelay $0x2  }
0xd1: {  	s23 =	simm.s32 $0x10;
	s25 =	sadd.s32 $0xFFFFFFF0, s18;
	s20 =	smov.u32 s19;
	vm0 =	vmmov vm1  }
.LBB3_6:
0xd2: {  	s26 =	smin.u32 s25, $0x10;
	s23 =	sadd.s32 $0x10, s23;
	v1 =	vld.msk [tilespmem:s20+$0x0 ss:$0x1], vm1  }
0xd3: {  	v2 =	vmov s26;
	p2 =	slt.s32 s23, s18  }
0xd4: {  	vm1 =	vgt.u32 v2, v0  }
.Ltmp13:
0xd5: {  	(pc) =	sbr.rel @p2 .LBB3_6-.Ltmp13, $3  }
0xd6: {  	_ =	sdelay $0x1  }
0xd7: {  	v1 =	vshll.u32 v1, $0x4  }
0xd8: {  	s25 =	sadd.s32 $0xFFFFFFF0, s25;
	[tilespmem:s20+$0x0] =	vst.msk vm0, v1;
	s20 =	sadd.s32 $0x10, s20;
	vm0 =	vmmov vm1  }
.LBB3_7:
0xd9: {  	_ =	sdelay $0x4  }
0xda: {  	v1 =	vld.msk [tilespmem:s20+$0x0 ss:$0x1], vm1;
	_ =	sdelay $0x4  }
0xdb: {  	v1 =	vshll.u32 v1, $0x4  }
0xdc: {  	[tilespmem:s20+$0x0] =	vst.msk vm0, v1  }
.LBB3_8:
0xdd: {  	s20 =	sand.u32 $0x1, s16  }
0xde: {  	s20 =	smul.u32 $0x140, s20  }
0xdf: {  	p2 =	sne.s32 s24, $0xFFFFFFFF  }
0xe0: {  	v1 =	vld.msk @!p2 [tilespmem:s20+$0xA948], $0x1;
	_ =	sdelay $0x4  }
0xe1: {  	(v2sf) =	vpush @!p2 v1, $0x0;
	_ =	sdelay $0xc  }
.Ltmp14:
0xe2: {  	_ = 	snop;
	(pc) =	sbr.rel @p1 .LBB3_19-.Ltmp14, $4  }
0xe3: {  	_ = 	snop  }
0xe4: {  	s23 =	spop @!p2 (v2sf)  }
0xe5: {  	s17 =	simm.s32 @!p2 $0x0;
	s20 =	smov.u32 s23  }
0xe6: {  	[sflag:s14] =	ssyncpa.u1 $0x0;
	s23 =	smov.u32 @p2 s22;
	s20 =	smov.u32 @p2 s24  }
0xe7: {  	v1 =	vld.msk [tilespmem:s19+$0x0], $0x1;
	_ =	sdelay $0x4  }
0xe8: {  	(v2sf) =	vpush v1, $0x0;
	_ =	sdelay $0xe  }
0xe9: {  	s26 =	spop (v2sf)  }
0xea: {  	p1 =	seq.s32 s23, s26  }
0xeb: {  	p2 =	sgt.s32 @!p1 s23, $0x0  }
0xec: {  	s25 =	smov.u32 s23;
	s24 =	sadd.s32 $0xFFFFFFFF, s18;
	p2 =	por !p2, p1  }
0xed: {  	s21 =	smul.u32 $0x28000, s21;
	s25 =	simm.s32 @p2 $0x0;
	p2 =	sne.s32 s24, $0x0  }
.Ltmp15:
0xee: {  	_ = 	snop;
	(pc) =	sbr.rel @!p2 .LBB3_11-.Ltmp15, $4  }
0xef: {  	s22 =	simm.s32 $0x0;
	s21 =	sshrl.u32 s21, $0x2  }
0xf0: {  	s21 =	sadd.s32 $0xABE8, s21;
	s28 =	simm.s32 @!p1 $0x1;
	s25 =	smin.u32 @!p1 s25, $0x61A78  }
0xf1: {  	s29 =	simm.s32 @!p1 $0x50C8;
	s28 =	smov.u32 @p1 s22;
	s31 =	sand.u32 @!p1 $0x7FFF8, s25  }
0xf2: {  	s30 =	sand.u32 @!p1 $0x7, s25;
	s25 =	sadd.s32 $0x1, s19;
	s31 =	sadd.s32 @!p1 s1, s31  }
.LBB3_10:
0xf3: {  	s0 =	smov.u32 s28  }
0xf4: {  	[tilespmem:s29], [sflag:$0x2] =	stream.linear.gather @!p1 [hbm4b:s31+s30], $0x40, $0x38;
	[tilespmem:$0x1EBC8] =	vst v63  }
0xf5: {  	s24 =	sadd.s32 $0xFFFFFFFF, s24;
	s30 =	smov.u32 s26;
	v1 =	vld.msk [tilespmem:s25+$0x0], $0x1  }
0xf6: {  	p2 =	sne.s32 s24, $0x0;
	_ =	sdelay $0x3  }
0xf7: {  	(v2sf) =	vpush v1, $0x0;
	_ =	sdelay $0xe  }
0xf8: {  	s26 =	spop (v2sf)  }
0xf9: {  	p1 =	seq.s32 s30, s26  }
0xfa: {  	p3 =	sgt.s32 @!p1 s30, $0x0;
	s29 =	sshll.u32 @!p1 s28, $0x8;
	s28 =	sadd.s32 @!p1 $0x1, s28  }
.Ltmp16:
0xfb: {  	p3 =	por !p3, p1;
	s29 =	sshra.s32 @!p1 s29, $0x2;
	(pc) =	sbr.rel @p2 .LBB3_10-.Ltmp16, $4  }
0xfc: {  	s28 =	smov.u32 @p1 s0;
	s30 =	simm.s32 @p3 $0x0;
	s29 =	sadd.s32 @!p1 $0x50C8, s29  }
0xfd: {  	s0 =	smin.u32 @!p1 s30, $0x61A78  }
0xfe: {  	s31 =	sand.u32 @!p1 $0x7FFF8, s0;
	s30 =	sand.u32 @!p1 $0x7, s0  }
0xff: {  	s25 =	sadd.s32 $0x1, s25;
	s31 =	sadd.s32 @!p1 s1, s31  }
.LBB3_11:
0x100: {  	[tilespmem:s29], [sflag:$0x2] =	stream.linear.gather @!p1 [hbm4b:s31+s30], $0x40, $0x38;
	[tilespmem:$0x1EBC8] =	vst v63  }
.Ltmp17:
0x101: {  	s0 =	sshll.u32 s28, $0x6;
	(pc) =	sbr.rel .LBB3_12-.Ltmp17, $4  }
0x102: {  	s0 =	sand.u32 $0x3FFFFFC0, s0  }
0x103: {  	_ =	swait.ge [sflag:s9], s0  }
0x104: {  	s0 =	ssub.s32 $0x0, s0;
	[sflag:s9] =	ssyncset.done $0x0  }
0x105: {  	s25 =	simm.s32 $0x0;
	[sflag:s9] =	ssyncadd.s32 s0  }
.LBB3_13:
0x106: {  	v1 =	vld [tilespmem:s21+$0xFFFFFFE0];
	_ =	sdelay $0x3  }
0x107: {  	s0 =	sshra.s32 s26, $0x2  }
0x108: {  	[tilespmem:s0+$0x88] =	vst.add.f32.msk $0xffff, v1  }
0x109: {  	v1 =	vld [tilespmem:s21+$0xFFFFFFF0];
	_ =	sdelay $0x4  }
0x10a: {  	[tilespmem:s0+$0x98] =	vst.add.f32.msk $0xffff, v1  }
0x10b: {  	v1 =	vld [tilespmem:s21+$0x0];
	_ =	sdelay $0x4  }
0x10c: {  	[tilespmem:s0+$0xA8] =	vst.add.f32.msk $0xffff, v1  }
0x10d: {  	v1 =	vld [tilespmem:s21+$0x10];
	_ =	sdelay $0x4  }
0x10e: {  	[tilespmem:s0+$0xB8] =	vst.add.f32.msk $0xffff, v1  }
.LBB3_17:
0x10f: {  	s18 =	sadd.s32 $0xFFFFFFFF, s18  }
0x110: {  	p1 =	sne.s32 s18, $0x0  }
.Ltmp18:
0x111: {  	_ = 	snop;
	(pc) =	sbr.rel @!p1 .LBB3_18-.Ltmp18, $2  }
0x112: {  	_ =	sdelay $0x2  }
0x113: {  	s21 =	sadd.s32 $0x80, s21;
	s19 =	sadd.s32 $0x1, s19;
	s23 =	smov.u32 s24  }
.LBB3_12:
0x114: {  	v1 =	vld.msk [tilespmem:s19+$0x0], $0x1;
	_ =	sdelay $0x4  }
0x115: {  	(v2sf) =	vpush v1, $0x0;
	_ =	sdelay $0xe  }
0x116: {  	s24 =	spop (v2sf)  }
0x117: {  	p1 =	sne.s32 s23, s24  }
.Ltmp19:
0x118: {  	_ = 	snop;
	(pc) =	sbr.rel @!p1 .LBB3_13-.Ltmp19, $2  }
0x119: {  	_ =	sdelay $0x2  }
0x11a: {  	s26 =	sshll.u32 s17, $0x8  }
0x11b: {  	p1 =	seq.s32 s23, s20  }
.Ltmp20:
0x11c: {  	_ = 	snop;
	(pc) =	sbr.rel @!p1 .LBB3_15-.Ltmp20, $1  }
0x11d: {  	_ =	sdelay $0x3  }
0x11e: {  	s0 =	sshra.s32 s26, $0x2  }
.Ltmp21:
0x11f: {  	s0 =	sadd.s32 $0x88, s0;
	(pc) =	sbr.rel .LBB3_16-.Ltmp21, $4  }
0x120: {  	[spmem:s13] =	stream.linear.scatter [tilespmem:s0], [sflag:$0x1], $0x40, $0x38;
	[tilespmem:$0x1EBC8] =	vst v63  }
0x121: {  	_ =	swait.ge [sflag:s11], $0x40  }
0x122: {  	[sflag:s11] =	ssyncset.done $0x0  }
0x123: {  	[sflag:s11] =	ssyncadd.s32 $0xFFFFFFC0  }
.LBB3_15:
0x124: {  	s0 =	sshll.u32 s22, $0x8  }
0x125: {  	s0 =	sshra.s32 s0, $0x2  }
0x126: {  	v1 =	vld [tilespmem:s0+$0x50C8];
	_ =	sdelay $0x3  }
0x127: {  	s26 =	sshra.s32 s26, $0x2  }
0x128: {  	[tilespmem:s26+$0x88] =	vst.add.f32.msk $0xffff, v1  }
0x129: {  	v1 =	vld [tilespmem:s0+$0x50D8];
	_ =	sdelay $0x4  }
0x12a: {  	[tilespmem:s26+$0x98] =	vst.add.f32.msk $0xffff, v1  }
0x12b: {  	v1 =	vld [tilespmem:s0+$0x50E8];
	_ =	sdelay $0x4  }
0x12c: {  	[tilespmem:s26+$0xA8] =	vst.add.f32.msk $0xffff, v1  }
0x12d: {  	v1 =	vld [tilespmem:s0+$0x50F8];
	_ =	sdelay $0x2  }
0x12e: {  	p1 =	sgt.u32 s23, $0x61A78  }
0x12f: {  	s0 =	sand.u32 @!p1 $0x7FFF8, s23  }
0x130: {  	s28 =	sadd.s32 $0x88, s26;
	s23 =	sand.u32 @!p1 $0x7, s23;
	s0 =	sadd.s32 @!p1 s1, s0;
	[tilespmem:s26+$0xB8] =	vst.add.f32.msk $0xffff, v1  }
0x131: {  	[hbm4b:s0+s23] =	stream.linear.scatter @!p1 [tilespmem:s28], [sflag:$0xA], $0x40, $0x38;
	[tilespmem:$0x1EBC8] =	vst v63  }
0x132: {  	s23 =	simm.s32 $0x0  }
0x133: {  	s23 =	simm.s32 @!p1 $0x100  }
0x134: {  	s25 =	sadd.s32 s23, s25  }
.LBB3_16:
0x135: {  	s0 =	sadd.s32 $0x1, s17  }
0x136: {  	s17 =	smulhi.u32 $0xCCCCCCCD, s0;
	_ =	sdelay $0x1  }
0x137: {  	v1 =	vld [tilespmem:s21+$0xFFFFFFE0];
	s17 =	sshrl.u32 s17, $0x8  }
0x138: {  	s17 =	smul.u32 $0x140, s17;
	_ =	sdelay $0x1  }
0x139: {  	s17 =	ssub.s32 s0, s17  }
0x13a: {  	s0 =	sshll.u32 s17, $0x6  }
0x13b: {  	[tilespmem:s0+$0x88] =	vst v1  }
0x13c: {  	v1 =	vld [tilespmem:s21+$0xFFFFFFF0];
	_ =	sdelay $0x4  }
0x13d: {  	[tilespmem:s0+$0x98] =	vst v1  }
0x13e: {  	v1 =	vld [tilespmem:s21+$0x0];
	_ =	sdelay $0x4  }
0x13f: {  	[tilespmem:s0+$0xA8] =	vst v1  }
0x140: {  	v1 =	vld [tilespmem:s21+$0x10]  }
.Ltmp22:
0x141: {  	_ = 	snop;
	(pc) =	sbr.rel .LBB3_17-.Ltmp22, $2  }
0x142: {  	_ =	sdelay $0x2  }
0x143: {  	s22 =	sadd.s32 $0x1, s22;
	[tilespmem:s0+$0xB8] =	vst v1  }
.LBB3_19:
.Ltmp23:
0x144: {  	(pc) =	sbr.rel .LBB3_20-.Ltmp23, $3  }
0x145: {  	_ =	sdelay $0x1  }
0x146: {  	_ =	swait.ge [sflag:s9], $0x0  }
0x147: {  	s18 =	simm.s32 $0x0;
	s24 =	smov.u32 s23;
	[sflag:s9] =	ssyncset.done $0x0  }
.LBB3_22:
0x148: {  	_ =	sfence.sel $0x180000  }
0x149: {  	s0 =	simm.s32 $0x9;
	[bflag:$0x0] =	sbarrier.arrive $0xFFFF  }
0x14a: {  	s26 =	simm.s32 $0x2;
	[sflag:s0] =	ssyncpa.u1 $0x1  }
0x14b: {  	[sflag:s26] =	ssyncpa.u1 $0x1  }
0x14c: {  	v0 =	vld [tilespmem:$0xA108];
	_ =	sdelay $0x4  }
0x14d: {  	(v2sf) =	vpush v0, $0x0  }
0x14e: {  	(v2sf) =	vpush v0, $0x1;
	_ =	sdelay $0x1  }
0x14f: {  	(v2sf) =	vpush v0, $0x2;
	_ =	sdelay $0xb  }
0x150: {  	s0 =	spop (v2sf)  }
0x151: {  	s5 =	spop (v2sf)  }
0x152: {  	s6 =	smov.u32 s0;
	p0 =	sne.s32 s0, s5  }
0x153: {  	s7 =	spop (v2sf);
	s6 =	simm.s32 @!p0 $0xFFFFFFFF  }
0x154: {  	v2 =	vimm.s32 $0x1;
	v3 =	vlaneseq.u32;
	p0 =	seq.s32 s7, $0xFFFFFFFF;
	v1 =	vmov s6  }
0x155: {  	v0 =	vperm.xlane v0, v2;
	p1 =	sne.s32 @!p0 s0, s5;
	v1 =	vperm.xlane v1, v3  }
0x156: {  	vm0 =	vcmask $0x3F04;
	s9 =	simm.s32 $0xA108;
	s0 =	simm.s32 @!p0 $0x1;
	p1 =	por !p1, p0  }
0x157: {  	s6 =	sshll.u32 s2, $0x1;
	s5 =	sshll.u32 @!p0 s7, $0x8;
	s0 =	simm.s32 @p1 $0x0;
	v0 =	vsel vm0, v1, v0  }
0x158: {  	s8 =	sor.u32 $0x800, s6;
	s5 =	sshra.s32 @!p0 s5, $0x2;
	s0 =	sor.u32 @!p0 s0, s6;
	[tilespmem:$0xA108] =	vst v0  }
0x159: {  	[spmem:s8] =	stream.linear.scatter [tilespmem:s9], [sflag:$0x1], $0x2, $0x38;
	[tilespmem:$0x1EBC8] =	vst v63  }
0x15a: {  	s5 =	sadd.s32 @!p0 $0x88, s5;
	s0 =	sshll.u32 @!p0 s0, $0x6  }
0x15b: {  	[spmem:s0] =	stream.linear.scatter @!p0 [tilespmem:s5], [sflag:$0x1], $0x40, $0x38;
	[tilespmem:$0x1EBC8] =	vst v63  }
0x15c: {  	s0 =	simm.s32 @!p0 $0x42  }
0x15d: {  	s28 =	simm.s32 $0x1;
	s0 =	simm.s32 @p0 $0x2  }
0x15e: {  	_ =	swait.ge [sflag:s28], s0  }
0x15f: {  	s0 =	ssub.s32 $0x0, s0;
	[sflag:s28] =	ssyncset.done $0x0  }
0x160: {  	p0 =	sne.s32 s2, $0x0;
	[sflag:s28] =	ssyncadd.s32 s0  }
.Ltmp24:
0x161: {  	_ =	sfence.stream.spmem;
	(pc) =	sbr.rel @p0 .LBB3_39-.Ltmp24, $4  }
0x162: {  	s29 =	simm.s32 $0x3;
	[bflag:$0x0] =	sbarrier.arrive $0xFFFF  }
0x163: {  	s30 =	simm.s32 $0x4;
	[sflag:s29] =	ssyncpa.u1 $0x1  }
0x164: {  	s31 =	simm.s32 $0x3C;
	[sflag:s30] =	ssyncpa.u1 $0x1  }
0x165: {  	s5 =	sand.u32 $0x1, s4;
	[sflag:s31] =	ssyncpa.u1 $0x1  }
0x166: {  	_ =	sfence.stream.spmem;
	s0 =	simm.s32 $0x5  }
0x167: {  	s6 =	simm.s32 $0x800;
	s7 =	simm.s32 $0xA118;
	[sflag:s0] =	ssyncpa.u1 $0x0  }
0x168: {  	[tilespmem:s7], [sflag:$0x5] =	stream.linear.gather [spmem:s6], $0x20, $0x38;
	[tilespmem:$0x1EBC8] =	vst v63  }
0x169: {  	s26 =	simm.s32 $0x0;
	s28 =	simm.s32 $0xA138  }
0x16a: {  	[tilespmem:s28], [sflag:$0x5] =	stream.linear.gather [spmem:s26], $0x800, $0x38;
	[tilespmem:$0x1EBC8] =	vst v63  }
0x16b: {  	_ =	swait.ge [sflag:s0], $0x820  }
0x16c: {  	[sflag:s0] =	ssyncset.done $0x0  }
0x16d: {  	s29 =	simm.s32 $0x0;
	[sflag:s0] =	ssyncadd.s32 $0xFFFFF7E0  }
0x16e: {  	v0 =	vld.msk [tilespmem:s29+$0xA118], $0x1;
	_ =	sdelay $0x1  }
0x16f: {  	s30 =	simm.s32 $0x1  }
0x170: {  	v1 =	vld.msk [tilespmem:s30+$0xA118], $0x1;
	_ =	sdelay $0x1  }
0x171: {  	(v2sf) =	vpush v0, $0x0;
	_ =	sdelay $0x2  }
0x172: {  	(v2sf) =	vpush v1, $0x0;
	_ =	sdelay $0x2  }
0x173: {  	s31 =	simm.s32 $0x2  }
0x174: {  	v0 =	vld.msk [tilespmem:s31+$0xA118], $0x1;
	_ =	sdelay $0x2  }
0x175: {  	s8 =	simm.s32 $0xFFFFFFFF;
	s7 =	simm.s32 $0xFFFFFFFF;
	s6 =	simm.s32 $0xC  }
.LBB3_24:
0x176: {  	s0 =	smov.u32 s8;
	s9 =	smov.u32 s7  }
0x177: {  	s7 =	sshra.s32 s6, $0x2;
	p1 =	sne.s32 s6, $0x7C;
	s6 =	sadd.s32 $0x4, s6;
	(v2sf) =	vpush v0, $0x0  }
0x178: {  	v0 =	vld.msk [tilespmem:s7+$0xA118], $0x1  }
.Ltmp25:
0x179: {  	(pc) =	sbr.rel @p1 .LBB3_24-.Ltmp25, $4  }
0x17a: {  	s8 =	spop (v2sf)  }
0x17b: {  	p2 =	sne.s32 s9, $0xFFFFFFFF;
	s7 =	smov.u32 s8  }
0x17c: {  	p3 =	seq.s32 s8, $0xFFFFFFFF;
	s7 =	smov.u32 @p2 s9  }
0x17d: {  	s8 =	smov.u32 @p3 s0;
	s7 =	smov.u32 @p3 s9  }
0x17e: {  	(v2sf) =	vpush v0, $0x0;
	_ =	sdelay $0x8  }
0x17f: {  	s0 =	spop (v2sf)  }
0x180: {  	p1 =	sne.s32 s7, $0xFFFFFFFF;
	s6 =	smov.u32 s0  }
0x181: {  	s9 =	simm.s32 $0x6;
	p2 =	seq.s32 s0, $0xFFFFFFFF;
	s6 =	smov.u32 @p1 s7  }
0x182: {  	[sflag:s9] =	ssyncpa.u1 $0x0;
	s6 =	smov.u32 @p2 s7;
	s10 =	spop (v2sf)  }
0x183: {  	s0 =	smov.u32 @p2 s8;
	p1 =	sne.s32 s6, $0xFFFFFFFF;
	s11 =	smov.u32 s10  }
.Ltmp26:
0x184: {  	p2 =	seq.s32 s10, $0xFFFFFFFF;
	s11 =	smov.u32 @p1 s6;
	(pc) =	sbr.rel .LBB3_26-.Ltmp26, $4  }
0x185: {  	s10 =	smov.u32 @p2 s0;
	s11 =	smov.u32 @p2 s6;
	s7 =	spop (v2sf)  }
0x186: {  	p1 =	sne.s32 s11, $0xFFFFFFFF;
	s8 =	smov.u32 s7;
	p2 =	seq.s32 s7, $0xFFFFFFFF  }
0x187: {  	s6 =	simm.s32 $0x0;
	s8 =	smov.u32 @p1 s11;
	s7 =	smov.u32 @p2 s10  }
0x188: {  	s10 =	simm.s32 $0xA0C8;
	s8 =	smov.u32 @p2 s11;
	s11 =	simm.s32 $0x0  }
.LBB3_32:
0x189: {  	p1 =	sgt.u32 s12, $0x61A78  }
0x18a: {  	p2 =	seq.s32 @!p1 s12, s8  }
0x18b: {  	p1 =	por p1, p2  }
0x18c: {  	p2 =	sne.s32 @!p1 s12, s7  }
0x18d: {  	p1 =	por p1, !p2  }
0x18e: {  	s12 =	sshll.u32 @p1 s11, $0x8  }
0x18f: {  	s0 =	sand.u32 @!p1 $0x7FFF8, s12  }
0x190: {  	s12 =	sand.u32 @!p1 $0x7, s12;
	s0 =	sadd.s32 @!p1 s1, s0  }
0x191: {  	[tilespmem:s10], [sflag:$0x6] =	stream.linear.gather @!p1 [hbm4b:s0+s12], $0x40, $0x38;
	[tilespmem:$0x1EBC8] =	vst v63  }
0x192: {  	_ =	swait.ge @!p1 [sflag:s9], $0x40  }
0x193: {  	[sflag:s9] =	ssyncset.done @!p1 $0x0  }
0x194: {  	[sflag:s9] =	ssyncadd.s32 @!p1 $0xFFFFFFC0  }
0x195: {  	v1 =	vld @!p1 [tilespmem:$0xA0C8];
	_ =	sdelay $0x2  }
0x196: {  	s12 =	sshll.u32 @!p1 s11, $0x8  }
0x197: {  	s0 =	sshrl.u32 @!p1 s12, $0x2  }
0x198: {  	[tilespmem:s0+$0xA138] =	vst.add.f32.msk @!p1 $0xffff, v1  }
0x199: {  	v1 =	vld @!p1 [tilespmem:$0xA0D8];
	_ =	sdelay $0x4  }
0x19a: {  	[tilespmem:s0+$0xA148] =	vst.add.f32.msk @!p1 $0xffff, v1  }
0x19b: {  	v1 =	vld @!p1 [tilespmem:$0xA0E8];
	_ =	sdelay $0x4  }
0x19c: {  	[tilespmem:s0+$0xA158] =	vst.add.f32.msk @!p1 $0xffff, v1  }
0x19d: {  	v1 =	vld @!p1 [tilespmem:$0xA0F8];
	_ =	sdelay $0x4  }
0x19e: {  	[tilespmem:s0+$0xA168] =	vst.add.f32.msk @!p1 $0xffff, v1  }
0x19f: {  	s30 =	sshrl.u32 s12, $0x2;
	[tilespmem:s6+$0xA118] =	vst.msk $0x1, v0  }
0x1a0: {  	v0 =	vld [tilespmem:s30+$0xA138];
	_ =	sdelay $0x2  }
0x1a1: {  	s31 =	sshll.u32 s6, $0x8  }
0x1a2: {  	s12 =	sshra.s32 s31, $0x2  }
0x1a3: {  	[tilespmem:s12+$0xA138] =	vst v0  }
0x1a4: {  	v0 =	vld [tilespmem:s30+$0xA148];
	_ =	sdelay $0x4  }
0x1a5: {  	[tilespmem:s12+$0xA148] =	vst v0  }
0x1a6: {  	v0 =	vld [tilespmem:s30+$0xA158];
	_ =	sdelay $0x4  }
0x1a7: {  	[tilespmem:s12+$0xA158] =	vst v0  }
0x1a8: {  	v0 =	vld [tilespmem:s30+$0xA168];
	_ =	sdelay $0x4  }
0x1a9: {  	s6 =	sadd.s32 $0x1, s6;
	[tilespmem:s12+$0xA168] =	vst v0  }
.LBB3_33:
0x1aa: {  	s11 =	sadd.s32 $0x1, s11  }
0x1ab: {  	p1 =	sne.s32 s11, $0x20  }
.Ltmp27:
0x1ac: {  	_ = 	snop;
	(pc) =	sbr.rel @!p1 .LBB3_34-.Ltmp27, $1  }
0x1ad: {  	_ =	sdelay $0x3  }
.LBB3_26:
0x1ae: {  	v0 =	vld.msk [tilespmem:s11+$0xA118], $0x1;
	_ =	sdelay $0x4  }
0x1af: {  	(v2sf) =	vpush v0, $0x0;
	_ =	sdelay $0xe  }
0x1b0: {  	s12 =	spop (v2sf)  }
0x1b1: {  	p1 =	seq.s32 s12, $0xFFFFFFFF  }
.Ltmp28:
0x1b2: {  	_ = 	snop;
	(pc) =	sbr.rel @p1 .LBB3_33-.Ltmp28, $1  }
0x1b3: {  	_ =	sdelay $0x3  }
0x1b4: {  	p1 =	slt.s32 s6, $0x1  }
.Ltmp29:
0x1b5: {  	_ = 	snop;
	(pc) =	sbr.rel @p1 .LBB3_32-.Ltmp29, $1  }
0x1b6: {  	_ =	sdelay $0x3  }
0x1b7: {  	s13 =	simm.s32 $0xA118;
	p1 =	por $0x0, $0x0  }
0x1b8: {  	v1 =	vld.msk @!p1 [tilespmem:s13+$0x0], $0x1;
	_ =	sdelay $0x4  }
0x1b9: {  	(v2sf) =	vpush @!p1 v1, $0x0;
	_ =	sdelay $0xd  }
0x1ba: {  	p3 =	sne.s32 s6, $0x1  }
.Ltmp30:
0x1bb: {  	s0 =	spop @!p1 (v2sf);
	(pc) =	sbr.rel @!p3 .LBB3_30-.Ltmp30, $4  }
0x1bc: {  	p2 =	seq.s32 @!p1 s12, s0  }
0x1bd: {  	s14 =	simm.s32 $0x0;
	p2 =	por !p2, p1  }
0x1be: {  	s0 =	simm.s32 $0xFFFFFFFF;
	s14 =	simm.s32 @p2 $0xFFFFFFFF  }
0x1bf: {  	s15 =	simm.s32 $0x1;
	s14 =	smov.u32 @p1 s0  }
.LBB3_29:
0x1c0: {  	s0 =	smov.u32 s14;
	p1 =	sne.s32 s14, $0xFFFFFFFF  }
0x1c1: {  	s13 =	sadd.s32 $0x1, s13;
	s14 =	smov.u32 s15;
	s15 =	sadd.s32 $0x1, s15  }
0x1c2: {  	p2 =	sne.s32 s6, s15;
	v1 =	vld.msk @!p1 [tilespmem:s13+$0x0], $0x1;
	_ =	sdelay $0x4  }
0x1c3: {  	(v2sf) =	vpush @!p1 v1, $0x0;
	_ =	sdelay $0xe  }
.Ltmp31:
0x1c4: {  	s16 =	spop @!p1 (v2sf);
	(pc) =	sbr.rel @p2 .LBB3_29-.Ltmp31, $4  }
0x1c5: {  	p3 =	seq.s32 @!p1 s12, s16  }
0x1c6: {  	p3 =	por !p3, p1  }
0x1c7: {  	s14 =	simm.s32 @p3 $0xFFFFFFFF  }
0x1c8: {  	s14 =	smov.u32 @p1 s0  }
.LBB3_30:
0x1c9: {  	p1 =	seq.s32 s14, $0xFFFFFFFF  }
.Ltmp32:
0x1ca: {  	_ = 	snop;
	(pc) =	sbr.rel @p1 .LBB3_32-.Ltmp32, $1  }
0x1cb: {  	_ =	sdelay $0x3  }
0x1cc: {  	s0 =	sshll.u32 s11, $0x6  }
0x1cd: {  	s0 =	sand.u32 $0x3FFFFFC0, s0  }
0x1ce: {  	v0 =	vld [tilespmem:s0+$0xA138];
	_ =	sdelay $0x2  }
0x1cf: {  	s12 =	sshll.u32 s14, $0x8  }
0x1d0: {  	s12 =	sshra.s32 s12, $0x2  }
0x1d1: {  	[tilespmem:s12+$0xA138] =	vst.add.f32.msk $0xffff, v0  }
0x1d2: {  	v0 =	vld [tilespmem:s0+$0xA148];
	_ =	sdelay $0x4  }
0x1d3: {  	[tilespmem:s12+$0xA148] =	vst.add.f32.msk $0xffff, v0  }
0x1d4: {  	v0 =	vld [tilespmem:s0+$0xA158];
	_ =	sdelay $0x4  }
0x1d5: {  	[tilespmem:s12+$0xA158] =	vst.add.f32.msk $0xffff, v0  }
0x1d6: {  	v0 =	vld [tilespmem:s0+$0xA168]  }
.Ltmp33:
0x1d7: {  	_ = 	snop;
	(pc) =	sbr.rel .LBB3_33-.Ltmp33, $2  }
0x1d8: {  	_ =	sdelay $0x2  }
0x1d9: {  	[tilespmem:s12+$0xA168] =	vst.add.f32.msk $0xffff, v0  }
.LBB3_34:
0x1da: {  	s0 =	simm.s32 $0x6;
	p1 =	seq.s32 s6, $0x0  }
0x1db: {  	[sflag:s0] =	ssyncpa.u1 $0x1;
	v0 =	vimm.s32 @p1 $0xFFFFFFFF  }
0x1dc: {  	s9 =	sadd.s32 $0xFFFFFFFF, s6;
	[tilespmem:$0xA938] =	vst @p1 v0  }
0x1dd: {  	v0 =	vld.msk @!p1 [tilespmem:s9+$0xA118], $0x1;
	_ =	sdelay $0x1  }
0x1de: {  	v1 =	vld.msk @!p1 [tilespmem:$0xA118], $0x1;
	_ =	sdelay $0x2  }
0x1df: {  	p2 =	seq.s32 @!p1 s9, $0x0;
	v0 =	vbroadcast @!p1 v0, $0x0  }
0x1e0: {  	vm0 =	vmmov @!p1 $0x1;
	p2 =	por !p2, p1  }
0x1e1: {  	v1 =	vnsel @!p1 vm0, $0xFFFFFFFF, v1;
	vm0 =	vcmask @!p1 $0x308;
	v0 =	vpsel !p2, $0xFFFFFFFF, v0  }
0x1e2: {  	p2 =	sne.s32 @!p1 s8, s7;
	v0 =	vsel @!p1 vm0, v1, v0  }
0x1e3: {  	s0 =	simm.s32 @!p1 $0xA138;
	s7 =	simm.s32 @!p1 $0x0;
	p3 =	por !p2, p1;
	[tilespmem:$0xA938] =	vst @!p1 v0  }
0x1e4: {  	[spmem:s7] =	stream.linear.scatter @!p1 [tilespmem:s0], [sflag:$0x1], $0x40, $0x38;
	[tilespmem:$0x1EBC8] =	vst v63  }
0x1e5: {  	s0 =	sshll.u32 @!p3 s9, $0x8  }
0x1e6: {  	s0 =	sshra.s32 @!p3 s0, $0x2  }
0x1e7: {  	s7 =	simm.s32 @!p3 $0x40;
	s0 =	sadd.s32 @!p3 $0xA138, s0  }
0x1e8: {  	[spmem:s7] =	stream.linear.scatter @!p3 [tilespmem:s0], [sflag:$0x1], $0x40, $0x38;
	[tilespmem:$0x1EBC8] =	vst v63  }
0x1e9: {  	s0 =	simm.s32 @!p3 $0x1  }
0x1ea: {  	_ =	swait.ge @!p3 [sflag:s0], $0x80  }
0x1eb: {  	p1 =	por p2, p1;
	[sflag:s0] =	ssyncset.done @!p3 $0x0  }
0x1ec: {  	[sflag:s0] =	ssyncadd.s32 @!p3 $0xFFFFFF80;
	s0 =	simm.s32 @!p1 $0x1  }
0x1ed: {  	_ =	swait.ge @!p1 [sflag:s0], $0x40  }
0x1ee: {  	s29 =	simm.s32 $0xA938;
	[sflag:s0] =	ssyncset.done @!p1 $0x0  }
0x1ef: {  	s30 =	simm.s32 $0x800;
	s31 =	simm.s32 $0x1;
	[sflag:s0] =	ssyncadd.s32 @!p1 $0xFFFFFFC0  }
0x1f0: {  	[spmem:s30] =	stream.linear.scatter [tilespmem:s29], [sflag:$0x1], $0x10, $0x38;
	[tilespmem:$0x1EBC8] =	vst v63  }
0x1f1: {  	p1 =	seq.s32 s5, $0x0;
	_ =	swait.ge [sflag:s31], $0x10  }
0x1f2: {  	s7 =	sshll.u32 @p1 s4, $0xE;
	[sflag:s31] =	ssyncset.done $0x0  }
0x1f3: {  	s0 =	sadd.s32 @p1 $0x15C3C, s7;
	s7 =	sshll.u32 @p1 s3, $0x11;
	[sflag:s31] =	ssyncadd.s32 $0xFFFFFFF0  }
0x1f4: {  	s0 =	sor.u32 @p1 s7, s0;
	_ =	sfence.stream.spmem  }
0x1f5: {  	[sflag:s0] =	ssyncadd.remote.s32 @p1 $0x1;
	s0 =	simm.s32 @p1 $0x4  }
0x1f6: {  	s8 =	simm.s32 @!p1 $0x3C;
	s7 =	sand.u32 $0xFFFFFFFE, s4;
	_ =	swait.ge @p1 [sflag:s0], $0x12  }
0x1f7: {  	s10 =	simm.s32 @!p1 $0x0;
	s7 =	sadd.s32 @!p1 $0x4, s7;
	[sflag:s0] =	ssyncset.done @p1 $0x0  }
0x1f8: {  	s11 =	simm.s32 @!p1 $0x80;
	[sflag:s0] =	ssyncadd.s32 @p1 $0xFFFFFFEE;
	s0 =	sshll.u32 @!p1 s7, $0x1A  }
0x1f9: {  	s7 =	sshll.u32 @!p1 s7, $0xD;
	s0 =	sor.u32 @!p1 s0, s3;
	_ =	swait.eq @!p1 [sflag:s8], $0x1  }
0x1fa: {  	s7 =	sor.u32 @!p1 $0x1C04, s7;
	s8 =	simm.s32 @!p1 $0x1C03;
	s0 =	sor.u32 @!p1 $0x80004000, s0  }
0x1fb: {  	[spmem:s11], [sflag:s7] =	dma.general @!p1 [spmem:s10], [sflag:s8], length:$0x10, [dreg:$0x0], stride_count:$0x0, ici_dest:s0, dma_misc:DstOpCode:WRITE  }
0x1fc: {  	p2 =	slt.s32 s9, $0x2;
	s10 =	simm.s32 @!p1 $0x100;
	s11 =	simm.s32 @!p1 $0x102  }
0x1fd: {  	[spmem:s11], [sflag:s7] =	dma.general @!p1 [spmem:s10], [sflag:s8], length:$0x2, [dreg:$0x0], stride_count:$0x0, ici_dest:s0, dma_misc:DstOpCode:WRITE  }
.Ltmp34:
0x1fe: {  	s0 =	simm.s32 @!p1 $0x3;
	(pc) =	sbr.rel @p2 .LBB3_38-.Ltmp34, $4  }
0x1ff: {  	s4 =	sshll.u32 @!p1 s4, $0xE;
	_ =	swait.ge @!p1 [sflag:s0], $0x12  }
0x200: {  	s4 =	sadd.s32 @!p1 $0x11C3C, s4;
	s3 =	sshll.u32 @!p1 s3, $0x11;
	[sflag:s0] =	ssyncset.done @!p1 $0x0  }
0x201: {  	[sflag:s0] =	ssyncadd.s32 @!p1 $0xFFFFFFEE;
	s0 =	sor.u32 @!p1 s3, s4  }
0x202: {  	s3 =	simm.s32 $0x0;
	[sflag:s0] =	ssyncadd.remote.s32 @!p1 $0xFFFFFFFF  }
0x203: {  	s0 =	simm.s32 $0xA119  }
0x204: {  	v0 =	vld.msk [tilespmem:s0+$0x0], $0x1;
	_ =	sdelay $0x4  }
0x205: {  	(v2sf) =	vpush v0, $0x0;
	_ =	sdelay $0xc  }
0x206: {  	s4 =	sadd.s32 $0xFFFFFFFE, s6  }
0x207: {  	s4 =	sadd.s32 $0xFFFFFFFF, s4  }
0x208: {  	p2 =	sne.s32 s4, $0x0;
	s0 =	spop (v2sf)  }
.Ltmp35:
0x209: {  	p1 =	sgt.u32 s0, $0x61A78;
	(pc) =	sbr.rel @!p2 .LBB3_37-.Ltmp35, $4  }
0x20a: {  	s3 =	simm.s32 $0xA178;
	s6 =	sand.u32 @!p1 $0x7FFF8, s0  }
0x20b: {  	s8 =	simm.s32 $0x0;
	s0 =	sand.u32 @!p1 $0x7, s0;
	s6 =	sadd.s32 @!p1 s1, s6  }
0x20c: {  	[hbm4b:s6+s0] =	stream.linear.scatter @!p1 [tilespmem:s3], [sflag:$0x5], $0x40, $0x38;
	[tilespmem:$0x1EBC8] =	vst v63  }
0x20d: {  	s7 =	simm.s32 $0xA11A;
	s8 =	simm.s32 @!p1 $0x100;
	s6 =	simm.s32 $0x0  }
.LBB3_36:
0x20e: {  	v0 =	vld.msk [tilespmem:s7+$0x0], $0x1;
	s4 =	sadd.s32 $0xFFFFFFFF, s4;
	s6 =	sadd.s32 s6, s8  }
0x20f: {  	p1 =	sne.s32 s4, $0x0;
	_ =	sdelay $0x3  }
0x210: {  	(v2sf) =	vpush v0, $0x0;
	_ =	sdelay $0xe  }
.Ltmp36:
0x211: {  	s0 =	spop (v2sf);
	(pc) =	sbr.rel @p1 .LBB3_36-.Ltmp36, $4  }
0x212: {  	s8 =	simm.s32 $0x0;
	p2 =	sgt.u32 s0, $0x61A78  }
0x213: {  	s3 =	sadd.s32 $0x40, s3;
	s8 =	simm.s32 @!p2 $0x100;
	s9 =	sand.u32 @!p2 $0x7FFF8, s0  }
0x214: {  	s7 =	sadd.s32 $0x1, s7;
	s0 =	sand.u32 @!p2 $0x7, s0;
	s9 =	sadd.s32 @!p2 s1, s9  }
0x215: {  	[hbm4b:s9+s0] =	stream.linear.scatter @!p2 [tilespmem:s3], [sflag:$0x5], $0x40, $0x38;
	[tilespmem:$0x1EBC8] =	vst v63  }
.LBB3_37:
0x216: {  	s0 =	sadd.s32 s6, s8  }
0x217: {  	s3 =	sshrl.u32 s0, $0x2  }
.LBB3_38:
0x218: {  	s0 =	simm.s32 $0x5  }
0x219: {  	_ =	swait.ge [sflag:s0], s3  }
0x21a: {  	s31 =	ssub.s32 $0x0, s3;
	[sflag:s0] =	ssyncset.done $0x0  }
0x21b: {  	[sflag:s0] =	ssyncadd.s32 s31  }
0x21c: {  	[sflag:s0] =	ssyncpa.u1 $0x1  }
.LBB3_39:
0x21d: {  	s0 =	sor.u32 s5, s2  }
0x21e: {  	p1 =	sne.s32 s0, $0x0  }
.Ltmp37:
0x21f: {  	_ = 	snop;
	(pc) =	sbr.rel @p1 .LBB3_54-.Ltmp37, $3  }
0x220: {  	_ =	sdelay $0x1  }
0x221: {  	[bflag:$0x0] =	sbarrier.arrive $0xFFFF  }
0x222: {  	_ =	sfence  }
0x223: {  	s0 =	simm.s32 $0x7  }
0x224: {  	s2 =	simm.s32 $0x800;
	s3 =	simm.s32 $0xA118;
	[sflag:s0] =	ssyncpa.u1 $0x0  }
0x225: {  	[tilespmem:s3], [sflag:$0x7] =	stream.linear.gather [spmem:s2], $0x20, $0x38;
	[tilespmem:$0x1EBC8] =	vst v63  }
0x226: {  	s30 =	simm.s32 $0xA138;
	s2 =	simm.s32 $0x0  }
0x227: {  	[tilespmem:s30], [sflag:$0x7] =	stream.linear.gather [spmem:s2], $0x800, $0x38;
	[tilespmem:$0x1EBC8] =	vst v63  }
.Ltmp38:
0x228: {  	_ = 	snop;
	(pc) =	sbr.rel .LBB3_41-.Ltmp38, $4  }
0x229: {  	_ =	swait.ge [sflag:s0], $0x820  }
0x22a: {  	[sflag:s0] =	ssyncset.done $0x0  }
0x22b: {  	s31 =	simm.s32 $0x8;
	[sflag:s0] =	ssyncadd.s32 $0xFFFFF7E0  }
0x22c: {  	s3 =	simm.s32 $0x0;
	[sflag:s31] =	ssyncpa.u1 $0x0  }
.LBB3_47:
0x22d: {  	p1 =	slt.u32 s4, $0x61A79  }
0x22e: {  	s0 =	sand.u32 @p1 $0x7FFF8, s4  }
0x22f: {  	s4 =	sand.u32 @p1 $0x7, s4;
	s5 =	simm.s32 @p1 $0xA0C8;
	s0 =	sadd.s32 @p1 s1, s0  }
0x230: {  	[tilespmem:s5], [sflag:$0x8] =	stream.linear.gather @p1 [hbm4b:s0+s4], $0x40, $0x38;
	[tilespmem:$0x1EBC8] =	vst v63  }
0x231: {  	s0 =	simm.s32 @p1 $0x8  }
0x232: {  	_ =	swait.ge @p1 [sflag:s0], $0x40  }
0x233: {  	[sflag:s0] =	ssyncset.done @p1 $0x0  }
0x234: {  	[sflag:s0] =	ssyncadd.s32 @p1 $0xFFFFFFC0  }
0x235: {  	v1 =	vld @p1 [tilespmem:$0xA0C8];
	_ =	sdelay $0x2  }
0x236: {  	s0 =	sshll.u32 @p1 s3, $0x8  }
0x237: {  	s4 =	sshrl.u32 @p1 s0, $0x2  }
0x238: {  	[tilespmem:s4+$0xA138] =	vst.add.f32.msk @p1 $0xffff, v1  }
0x239: {  	v1 =	vld @p1 [tilespmem:$0xA0D8];
	_ =	sdelay $0x4  }
0x23a: {  	[tilespmem:s4+$0xA148] =	vst.add.f32.msk @p1 $0xffff, v1  }
0x23b: {  	v1 =	vld @p1 [tilespmem:$0xA0E8];
	_ =	sdelay $0x4  }
0x23c: {  	[tilespmem:s4+$0xA158] =	vst.add.f32.msk @p1 $0xffff, v1  }
0x23d: {  	v1 =	vld @p1 [tilespmem:$0xA0F8];
	_ =	sdelay $0x3  }
0x23e: {  	s5 =	sshll.u32 @!p1 s3, $0x8  }
0x23f: {  	s5 =	smov.u32 @p1 s0;
	[tilespmem:s4+$0xA168] =	vst.add.f32.msk @p1 $0xffff, v1  }
0x240: {  	s0 =	sshrl.u32 s5, $0x2;
	[tilespmem:s2+$0xA118] =	vst.msk $0x1, v0  }
0x241: {  	v0 =	vld [tilespmem:s0+$0xA138];
	_ =	sdelay $0x2  }
0x242: {  	s31 =	sshll.u32 s2, $0x8  }
0x243: {  	s4 =	sshra.s32 s31, $0x2  }
0x244: {  	[tilespmem:s4+$0xA138] =	vst v0  }
0x245: {  	v0 =	vld [tilespmem:s0+$0xA148];
	_ =	sdelay $0x4  }
0x246: {  	[tilespmem:s4+$0xA148] =	vst v0  }
0x247: {  	v0 =	vld [tilespmem:s0+$0xA158];
	_ =	sdelay $0x4  }
0x248: {  	[tilespmem:s4+$0xA158] =	vst v0  }
0x249: {  	v0 =	vld [tilespmem:s0+$0xA168];
	_ =	sdelay $0x4  }
0x24a: {  	s2 =	sadd.s32 $0x1, s2;
	[tilespmem:s4+$0xA168] =	vst v0  }
.LBB3_48:
0x24b: {  	s3 =	sadd.s32 $0x1, s3  }
0x24c: {  	p1 =	sne.s32 s3, $0x20  }
.Ltmp39:
0x24d: {  	_ = 	snop;
	(pc) =	sbr.rel @!p1 .LBB3_49-.Ltmp39, $1  }
0x24e: {  	_ =	sdelay $0x3  }
.LBB3_41:
0x24f: {  	v0 =	vld.msk [tilespmem:s3+$0xA118], $0x1;
	_ =	sdelay $0x4  }
0x250: {  	(v2sf) =	vpush v0, $0x0;
	_ =	sdelay $0xe  }
0x251: {  	s4 =	spop (v2sf)  }
0x252: {  	p1 =	seq.s32 s4, $0xFFFFFFFF  }
.Ltmp40:
0x253: {  	_ = 	snop;
	(pc) =	sbr.rel @p1 .LBB3_48-.Ltmp40, $1  }
0x254: {  	_ =	sdelay $0x3  }
0x255: {  	p1 =	slt.s32 s2, $0x1  }
.Ltmp41:
0x256: {  	_ = 	snop;
	(pc) =	sbr.rel @p1 .LBB3_47-.Ltmp41, $1  }
0x257: {  	_ =	sdelay $0x3  }
0x258: {  	s5 =	simm.s32 $0xA118;
	p1 =	por $0x0, $0x0  }
0x259: {  	v1 =	vld.msk @!p1 [tilespmem:s5+$0x0], $0x1;
	_ =	sdelay $0x4  }
0x25a: {  	(v2sf) =	vpush @!p1 v1, $0x0;
	_ =	sdelay $0xd  }
0x25b: {  	p3 =	sne.s32 s2, $0x1  }
.Ltmp42:
0x25c: {  	s0 =	spop @!p1 (v2sf);
	(pc) =	sbr.rel @!p3 .LBB3_45-.Ltmp42, $4  }
0x25d: {  	p2 =	seq.s32 @!p1 s4, s0  }
0x25e: {  	s6 =	simm.s32 $0x0;
	p2 =	por !p2, p1  }
0x25f: {  	s0 =	simm.s32 $0xFFFFFFFF;
	s6 =	simm.s32 @p2 $0xFFFFFFFF  }
0x260: {  	s7 =	simm.s32 $0x1;
	s6 =	smov.u32 @p1 s0  }
.LBB3_44:
0x261: {  	s0 =	smov.u32 s6;
	p1 =	sne.s32 s6, $0xFFFFFFFF  }
0x262: {  	s5 =	sadd.s32 $0x1, s5;
	s6 =	smov.u32 s7;
	s7 =	sadd.s32 $0x1, s7  }
0x263: {  	p2 =	sne.s32 s2, s7;
	v1 =	vld.msk @!p1 [tilespmem:s5+$0x0], $0x1;
	_ =	sdelay $0x4  }
0x264: {  	(v2sf) =	vpush @!p1 v1, $0x0;
	_ =	sdelay $0xe  }
.Ltmp43:
0x265: {  	s8 =	spop @!p1 (v2sf);
	(pc) =	sbr.rel @p2 .LBB3_44-.Ltmp43, $4  }
0x266: {  	p3 =	seq.s32 @!p1 s4, s8  }
0x267: {  	p3 =	por !p3, p1  }
0x268: {  	s6 =	simm.s32 @p3 $0xFFFFFFFF  }
0x269: {  	s6 =	smov.u32 @p1 s0  }
.LBB3_45:
0x26a: {  	p1 =	seq.s32 s6, $0xFFFFFFFF  }
.Ltmp44:
0x26b: {  	_ = 	snop;
	(pc) =	sbr.rel @p1 .LBB3_47-.Ltmp44, $1  }
0x26c: {  	_ =	sdelay $0x3  }
0x26d: {  	s0 =	sshll.u32 s3, $0x6  }
0x26e: {  	s0 =	sand.u32 $0x3FFFFFC0, s0  }
0x26f: {  	v0 =	vld [tilespmem:s0+$0xA138];
	_ =	sdelay $0x2  }
0x270: {  	s4 =	sshll.u32 s6, $0x8  }
0x271: {  	s4 =	sshra.s32 s4, $0x2  }
0x272: {  	[tilespmem:s4+$0xA138] =	vst.add.f32.msk $0xffff, v0  }
0x273: {  	v0 =	vld [tilespmem:s0+$0xA148];
	_ =	sdelay $0x4  }
0x274: {  	[tilespmem:s4+$0xA148] =	vst.add.f32.msk $0xffff, v0  }
0x275: {  	v0 =	vld [tilespmem:s0+$0xA158];
	_ =	sdelay $0x4  }
0x276: {  	[tilespmem:s4+$0xA158] =	vst.add.f32.msk $0xffff, v0  }
0x277: {  	v0 =	vld [tilespmem:s0+$0xA168]  }
.Ltmp45:
0x278: {  	_ = 	snop;
	(pc) =	sbr.rel .LBB3_48-.Ltmp45, $2  }
0x279: {  	_ =	sdelay $0x2  }
0x27a: {  	[tilespmem:s4+$0xA168] =	vst.add.f32.msk $0xffff, v0  }
.LBB3_49:
0x27b: {  	p1 =	slt.s32 s2, $0x1  }
.Ltmp46:
0x27c: {  	_ = 	snop;
	(pc) =	sbr.rel @p1 .LBB3_53-.Ltmp46, $3  }
0x27d: {  	_ =	sdelay $0x1  }
0x27e: {  	s0 =	simm.s32 $0x8  }
0x27f: {  	s3 =	simm.s32 $0x0;
	[sflag:s0] =	ssyncpa.u1 $0x1  }
0x280: {  	s0 =	simm.s32 $0xA118  }
0x281: {  	v0 =	vld.msk [tilespmem:s0+$0x0], $0x1;
	_ =	sdelay $0x4  }
0x282: {  	(v2sf) =	vpush v0, $0x0;
	_ =	sdelay $0xd  }
0x283: {  	s2 =	sadd.s32 $0xFFFFFFFF, s2  }
0x284: {  	p2 =	sne.s32 s2, $0x0;
	s0 =	spop (v2sf)  }
.Ltmp47:
0x285: {  	p1 =	sgt.u32 s0, $0x61A78;
	(pc) =	sbr.rel @!p2 .LBB3_52-.Ltmp47, $4  }
0x286: {  	s4 =	simm.s32 $0xA138;
	s5 =	sand.u32 @!p1 $0x7FFF8, s0  }
0x287: {  	s6 =	simm.s32 $0x0;
	s0 =	sand.u32 @!p1 $0x7, s0;
	s5 =	sadd.s32 @!p1 s1, s5  }
0x288: {  	[hbm4b:s5+s0] =	stream.linear.scatter @!p1 [tilespmem:s4], [sflag:$0x7], $0x40, $0x38;
	[tilespmem:$0x1EBC8] =	vst v63  }
0x289: {  	s6 =	simm.s32 @!p1 $0x100;
	s5 =	simm.s32 $0xA119  }
.LBB3_51:
0x28a: {  	v0 =	vld.msk [tilespmem:s5+$0x0], $0x1;
	s2 =	sadd.s32 $0xFFFFFFFF, s2;
	s3 =	sadd.s32 s3, s6  }
0x28b: {  	p1 =	sne.s32 s2, $0x0;
	_ =	sdelay $0x3  }
0x28c: {  	(v2sf) =	vpush v0, $0x0;
	_ =	sdelay $0xe  }
.Ltmp48:
0x28d: {  	s0 =	spop (v2sf);
	(pc) =	sbr.rel @p1 .LBB3_51-.Ltmp48, $4  }
0x28e: {  	s6 =	simm.s32 $0x0;
	p2 =	sgt.u32 s0, $0x61A78  }
0x28f: {  	s4 =	sadd.s32 $0x40, s4;
	s6 =	simm.s32 @!p2 $0x100;
	s7 =	sand.u32 @!p2 $0x7FFF8, s0  }
0x290: {  	s5 =	sadd.s32 $0x1, s5;
	s0 =	sand.u32 @!p2 $0x7, s0;
	s7 =	sadd.s32 @!p2 s1, s7  }
0x291: {  	[hbm4b:s7+s0] =	stream.linear.scatter @!p2 [tilespmem:s4], [sflag:$0x7], $0x40, $0x38;
	[tilespmem:$0x1EBC8] =	vst v63  }
.LBB3_52:
0x292: {  	s0 =	sadd.s32 s3, s6  }
0x293: {  	s3 =	sshrl.u32 s0, $0x2  }
.LBB3_53:
0x294: {  	s0 =	simm.s32 $0x7  }
0x295: {  	_ =	swait.ge [sflag:s0], s3  }
0x296: {  	s1 =	ssub.s32 $0x0, s3;
	[sflag:s0] =	ssyncset.done $0x0  }
0x297: {  	[sflag:s0] =	ssyncadd.s32 s1  }
0x298: {  	[sflag:s0] =	ssyncpa.u1 $0x1  }
.LBB3_54:
0x299: {  	_ =	sfence;
	s0 =	simm.s32 $0x1  }
0x29a: {  	[sflag:s0] =	ssyncpa.u1 $0x1  }
0x29b: {  	_ =	strace $0x9000005C  }
0x29c: {  	[bflag:$0x2] =	sbarrier.arrive $0xFFFF  }
0x29d: {  	s0 =	rddreg [dreg:$0x3]  }
0x29e: {  	s0 =	sadd.s32 @!p0 $0x100000, s0  }
0x29f: {  	[sflag:s0] =	ssyncadd.tile.s32 @!p0 $0x1;
	_ =	shalt  }
.Lfunc_end3:
_tile_overlayer_lowered:
.L_overlay_start_3:
0x2a0: {  	(tag) =	ssettag $0x3  }
0x2a1: {  	s0 =	rddreg [dreg:$0x0];
	s2 =	stileid.u32  }
0x2a2: {  	s1 =	rddreg [dreg:$0x1];
	p0 =	sne.s32 s2, $0x0  }
0x2a3: {  	s3 =	rddreg [dreg:$0x2];
	[bflag:$0x3] =	sbarrier.arrive $0xFFFF;
	s2 =	simm.s32 @!p0 $0x1C01  }
0x2a4: {  	[timem:s3], [sflag:s2] =	dma.local @!p0 [hbm:s0], s1  }
0x2a5: {  	s0 =	simm.s32 @!p0 $0x1  }
0x2a6: {  	_ =	swait.ge @!p0 [sflag:s0], s1  }
0x2a7: {  	s1 =	ssub.s32 @!p0 $0x0, s1;
	[sflag:s0] =	ssyncset.done @!p0 $0x0  }
0x2a8: {  	[sflag:s0] =	ssyncadd.s32 @!p0 s1  }
0x2a9: {  	[bflag:$0x3] =	sbarrier.arrive $0xFFFF  }
0x2aa: {  	_ =	shalt  }

// kernel: scatter_offload_async_start.7
scs
__scs_entry_jumppad:
0x0: {  	(pc) =	sbr.rel $0x88, $3  }
0x1: {  	(tag) =	ssettag $0x0;
	lr =	simm.s32 $0x1  }
0x2: {  	[smem:$0x3F81] =	sst lr;
	_ =	strace $0xD0000000  }
0x3: {  	_ = 	snop  }
0x4: {  	_ = 	snop  }
0x5: {  	_ = 	snop  }
0x6: {  	_ = 	snop  }
0x7: {  	_ = 	snop  }
__scs_overlays_trampoline_lowered:
0x8: {  	[smem:$0x3F90] =	sst s0  }
0x9: {  	[smem:$0x3F91] =	sst s1  }
0xa: {  	[smem:$0x3F92] =	sst s2  }
0xb: {  	[smem:$0x3F93] =	sst s3  }
0xc: {  	[smem:$0x3F94] =	sst s4  }
0xd: {  	[smem:$0x3F95] =	sst s5  }
0xe: {  	[smem:$0x3F96] =	sst s6  }
0xf: {  	[smem:$0x3F97] =	sst s7  }
0x10: {  	[smem:$0x3F98] =	sst s8  }
0x11: {  	[smem:$0x3F99] =	sst s9;
	s0 =	simm.s32 @!p0 $0x0  }
0x12: {  	s1 =	sld [smem:$0x3F7F];
	s0 =	simm.s32 @p0 $0x1  }
0x13: {  	[smem:$0x3F9A] =	sst s0;
	s0 =	simm.s32 @!p1 $0x0  }
0x14: {  	s2 =	sld [smem:$0x3F7E];
	s0 =	simm.s32 @p1 $0x1  }
0x15: {  	[smem:$0x3F9B] =	sst s0;
	s0 =	simm.s32 @!p2 $0x0  }
0x16: {  	s3 =	sld [smem:$0x3FDB];
	s0 =	simm.s32 @p2 $0x1  }
0x17: {  	s4 =	simm.s32 $0x1BF5;
	[smem:$0x3F9D] =	sst s0  }
0x18: {  	s0 =	sld [smem:$0x3F80];
	_ =	swait.ge [sflag:s4], $0x0  }
0x19: {  	s7 =	sld [smem:$0x3F81]  }
0x1a: {  	s8 =	sadd.s32 $0xFFFFE003, lr  }
0x1b: {  	s9 =	sadd.s32 $0xFFFFFEF7, lr;
	s5 =	simm.s32 $0xFFFFFFFF;
	p2 =	slt.u32 s8, $0xFFFFF086  }
0x1c: {  	p1 =	slt.u32 s9, $0xF7A;
	s5 =	simm.s32 @!p2 $0x0  }
0x1d: {  	s5 =	simm.s32 @p1 $0x1;
	p0 =	seq.s32 s7, s2  }
0x1e: {  	s7 =	smul.u32 @!p0 $0xF7A, s2;
	p2 =	seq.s32 @!p0 s5, $0x0  }
0x1f: {  	s9 =	smul.u32 $0xF7A, s1;
	s8 =	simm.s32 @!p0 $0x1BF5;
	p2 =	por !p2, p0  }
0x20: {  	[sflag:s8] =	ssyncset.s32 @!p0 $0xFFFFF086;
	s6 =	sadd.s32 @!p0 s3, s7;
	s7 =	simm.s32 @!p0 $0x108  }
0x21: {  	s3 =	sadd.s32 s3, s9;
	s6 =	sadd.s32 @!p0 $0x88, s6;
	s7 =	simm.s32 @p2 $0x1082  }
0x22: {  	[simem:s7], [sflag:s8] =	dma.local @!p0 [hbm:s6], $0xF7A  }
0x23: {  	s9 =	sor.u32 $0xD0000000, s2;
	s6 =	simm.s32 $0x108;
	_ =	swait.ge @!p0 [sflag:s8], $0x0  }
0x24: {  	s3 =	sadd.s32 $0x88, s3;
	s6 =	simm.s32 @!p1 $0x1082;
	[sflag:s4] =	ssyncset.s32 $0xFFFFF086  }
0x25: {  	[simem:s6], [sflag:s4] =	dma.local [hbm:s3], $0xF7A  }
0x26: {  	[smem:$0x3F81] =	sst s1;
	(tag) =	ssettag s2;
	_ =	strace s9  }
0x27: {  	s1 =	sld [smem:$0x3F91]  }
0x28: {  	s2 =	sld [smem:$0x3F92]  }
0x29: {  	s4 =	sld [smem:$0x3F94]  }
0x2a: {  	p0 =	seq.s32 s5, $0x0;
	s5 =	sld [smem:$0x3F95]  }
0x2b: {  	s6 =	sld [smem:$0x3F96]  }
0x2c: {  	s7 =	sld [smem:$0x3F97]  }
0x2d: {  	s3 =	simm.s32 $0x108;
	s8 =	sld [smem:$0x3F98]  }
0x2e: {  	s3 =	simm.s32 @!p0 $0x1082;
	s9 =	sld [smem:$0x3F99]  }
0x2f: {  	lr =	sadd.s32 s0, s3;
	s0 =	sld [smem:$0x3F90]  }
0x30: {  	s3 =	sld [smem:$0x3F93]  }
0x31: {  	[smem:$0x3F9C] =	sst s10  }
0x32: {  	s10 =	sld [smem:$0x3F9A];
	_ =	sdelay $0x3  }
0x33: {  	p0 =	seq.s32 s10, $0x1;
	s10 =	sld [smem:$0x3F9C];
	_ =	sdelay $0x3  }
0x34: {  	[smem:$0x3F9C] =	sst s10  }
0x35: {  	s10 =	sld [smem:$0x3F9B];
	_ =	sdelay $0x3  }
0x36: {  	p1 =	seq.s32 s10, $0x1;
	s10 =	sld [smem:$0x3F9C];
	_ =	sdelay $0x3  }
0x37: {  	[smem:$0x3F9C] =	sst s10  }
0x38: {  	s10 =	sld [smem:$0x3F9D]  }
0x39: {  	_ = 	snop;
	(pc) =	sbr.ind lr, $3  }
0x3a: {  	_ = 	snop  }
0x3b: {  	_ = 	snop  }
0x3c: {  	p2 =	seq.s32 s10, $0x1;
	s10 =	sld [smem:$0x3F9C]  }
0x3d: {  	_ =	shalt  }
0x3e: {  	_ =	shalt  }
0x3f: {  	_ =	shalt  }
0x40: {  	_ =	shalt  }
0x41: {  	_ =	shalt  }
0x42: {  	_ =	shalt  }
0x43: {  	_ =	shalt  }
0x44: {  	_ =	shalt  }
0x45: {  	_ =	shalt  }
0x46: {  	_ =	shalt  }
0x47: {  	_ =	shalt  }
0x48: {  	_ =	shalt  }
0x49: {  	_ =	shalt  }
0x4a: {  	_ =	shalt  }
0x4b: {  	_ =	shalt  }
0x4c: {  	_ =	shalt  }
0x4d: {  	_ =	shalt  }
0x4e: {  	_ =	shalt  }
0x4f: {  	_ =	shalt  }
0x50: {  	_ =	shalt  }
0x51: {  	_ =	shalt  }
0x52: {  	_ =	shalt  }
0x53: {  	_ =	shalt  }
0x54: {  	_ =	shalt  }
0x55: {  	_ =	shalt  }
0x56: {  	_ =	shalt  }
0x57: {  	_ =	shalt  }
0x58: {  	_ =	shalt  }
0x59: {  	_ =	shalt  }
0x5a: {  	_ =	shalt  }
0x5b: {  	_ =	shalt  }
0x5c: {  	_ =	shalt  }
0x5d: {  	_ =	shalt  }
0x5e: {  	_ =	shalt  }
0x5f: {  	_ =	shalt  }
0x60: {  	_ =	shalt  }
0x61: {  	_ =	shalt  }
0x62: {  	_ =	shalt  }
0x63: {  	_ =	shalt  }
0x64: {  	_ =	shalt  }
0x65: {  	_ =	shalt  }
0x66: {  	_ =	shalt  }
0x67: {  	_ =	shalt  }
0x68: {  	_ =	shalt  }
0x69: {  	_ =	shalt  }
0x6a: {  	_ =	shalt  }
0x6b: {  	_ =	shalt  }
0x6c: {  	_ =	shalt  }
0x6d: {  	_ =	shalt  }
0x6e: {  	_ =	shalt  }
0x6f: {  	_ =	shalt  }
0x70: {  	_ =	shalt  }
0x71: {  	_ =	shalt  }
0x72: {  	_ =	shalt  }
0x73: {  	_ =	shalt  }
0x74: {  	_ =	shalt  }
0x75: {  	_ =	shalt  }
0x76: {  	_ =	shalt  }
0x77: {  	_ =	shalt  }
0x78: {  	_ =	shalt  }
0x79: {  	_ =	shalt  }
0x7a: {  	_ =	shalt  }
0x7b: {  	_ =	shalt  }
0x7c: {  	_ =	shalt  }
0x7d: {  	_ =	shalt  }
0x7e: {  	_ =	shalt  }
0x7f: {  	_ =	shalt  }
0x80: {  	_ =	shalt  }
0x81: {  	_ =	shalt  }
0x82: {  	_ =	shalt  }
0x83: {  	_ =	shalt  }
0x84: {  	_ =	shalt  }
0x85: {  	_ =	shalt  }
0x86: {  	_ =	shalt  }
0x87: {  	_ =	shalt  }
.Lfunc_end0:
.L_simem_size_0:
called_computation.1_lowered:
.L_overlay_start_0:
0x88: {  	s2 =	sld [smem:$0x3FD9]  }
0x89: {  	s3 =	sld [smem:$0x3FFE];
	_ =	sdelay $0x1  }
0x8a: {  	s1 =	srdreg.scid  }
0x8b: {  	s0 =	sand.u32 $0x1, s1  }
0x8c: {  	s15 =	sshll.u32 s0, $0xA;
	s2 =	sadd.s32 s3, s2  }
0x8d: {  	s2 =	sadd.s32 s2, s15  }
0x8e: {  	[smem:$0x3FA8] =	sst s2  }
0x8f: {  	_ = 	snop  }
0x90: {  	(tm) =	ssettm $0x1  }
0x91: {  	s16 =	sld [smem:$0x3FFB];
	_ =	sdelay $0x3  }
0x92: {  	_ =	strace s16  }
0x93: {  	s2 =	sld [smem:$0x3FFC];
	_ =	sdelay $0x3  }
0x94: {  	_ =	strace s2  }
0x95: {  	s2 =	sld [smem:$0x3FFD];
	_ =	sdelay $0x3  }
0x96: {  	_ =	strace s2  }
0x97: {  	_ =	strace $0x8FFFFFFF  }
0x98: {  	s17 =	sld [smem:$0x3FDB];
	_ =	sdelay $0x1  }
0x99: {  	s18 =	simm.s32 $_scs_section_size  }
0x9a: {  	s4 =	simm.s32 $_size__tile_overlayer_lowered;
	s5 =	simm.s32 $_tile_overlayer_lowered  }
0x9b: {  	s21 =	simm.s32 $0x1BFF;
	s20 =	sshll.u32 s5, $0x1;
	s2 =	sadd.s32 s18, s17  }
0x9c: {  	s6 =	simm.s32 $0x0;
	s19 =	sshll.u32 s4, $0x1;
	s4 =	sadd.s32 s20, s2  }
0x9d: {  	[timem:s6], [sflag:s21] =	dma.local [hbm:s4], s19  }
0x9e: {  	_ =	swait.ge [sflag:s21], s19  }
0x9f: {  	s3 =	ssub.s32 $0x0, s19;
	[sflag:s21] =	ssyncset.done $0x0  }
0xa0: {  	[sflag:s21] =	ssyncadd.s32 s3;
	_ =	sdelay $0x1  }
0xa1: {  	s22 =	simm.s32 $0x1B8B  }
0xa2: {  	_ =	swait.ge [sflag:s22], $0x1  }
0xa3: {  	[sflag:s22] =	ssyncset.done $0x0  }
0xa4: {  	s23 =	sld [smem:$0x3FFE];
	[sflag:s22] =	ssyncadd.s32 $0xFFFFFFFF  }
0xa5: {  	s25 =	simm.s32 $0x1B8E;
	s24 =	sld [smem:$0x0]  }
0xa6: {  	s26 =	simm.s32 $execute0_lowered;
	[smem:$0x3FD2] =	sst s25  }
0xa7: {  	s5 =	sshll.u32 s26, $0x1;
	_ =	strace $0x8000005E;
	[dreg:$0x1] =	wrdreg $0xFFFFFFFF  }
0xa8: {  	s28 =	simm.s32 $_size_execute0_lowered;
	s2 =	sadd.s32 s2, s5;
	[dreg:$0x0] =	wrdreg $0x0  }
0xa9: {  	s5 =	sshll.u32 s28, $0x1;
	[dreg:$0x2] =	wrdreg s2  }
0xaa: {  	[dreg:$0x3] =	wrdreg s5  }
0xab: {  	[dreg:$0x4] =	wrdreg $0xC0  }
0xac: {  	_ =	task [dreg:s6], $0x5FFFF  }
0xad: {  	[dreg:$0x1] =	wrdreg $0xFFFFFFFF  }
0xae: {  	[dreg:$0x0] =	wrdreg $0x60  }
0xaf: {  	[dreg:$0x2] =	wrdreg s23  }
0xb0: {  	[dreg:$0x3] =	wrdreg s1  }
0xb1: {  	[dreg:$0x4] =	wrdreg s24  }
0xb2: {  	[dreg:$0x5] =	wrdreg $0x9  }
0xb3: {  	_ =	task.clear_ibuf [dreg:s6], $0x6FFFF;
	_ =	strace $0x9000005E  }
0xb4: {  	s29 =	simm.s32 $0x9;
	_ =	strace $0x80000060  }
0xb5: {  	_ =	swait.ge [sflag:s29], $0x1  }
0xb6: {  	[sflag:s29] =	ssyncadd.s32 $0xFFFFFFFF  }
0xb7: {  	_ =	strace $0x90000060  }
0xb8: {  	_ =	sfence  }
0xb9: {  	s30 =	sld [smem:$0x0];
	_ =	sdelay $0x2  }
0xba: {  	s31 =	sshll.u32 s1, $0xD;
	s1 =	sshrl.u32 s1, $0x2  }
0xbb: {  	s3 =	sand.u32 $0x4000, s31;
	s1 =	sadd.s32 s1, s30  }
0xbc: {  	s0 =	sor.u32 s3, s0;
	s1 =	sshll.u32 s1, $0x11  }
0xbd: {  	s0 =	sor.u32 s1, s0  }
0xbe: {  	s0 =	sadd.s32 $0x8F2B, s0  }
0xbf: {  	[sflag:s0] =	ssyncadd.remote.s32 $0x1  }
0xc0: {  	_ =	sfence.sel $0xFFFF  }
0xc1: {  	[dreg:$0x0] =	wrdreg $0xFFFFFFFF;
	(pc) =	sbr.abs _section_cstart, $3  }
0xc2: {  	[dreg:$0x1] =	wrdreg $0xFFFFFFFF  }
0xc3: {  	_ =	task.clear_ibuf [dreg:s6], $0x2FFFF;
	_ =	strace $0x9FFFFFFF  }
0xc4: {  	(tm) =	ssettm $0x7FFFFFFF  }
0xc5: {  	_ =	shalt  }
tec
execute0_lowered:
.L_overlay_start_1:
0x0: {  	(tag) =	ssettag $0x1  }
0x1: {  	s2 =	rddreg [dreg:$0x0]  }
0x2: {  	s4 =	rddreg [dreg:$0x1]  }
0x3: {  	s3 =	rddreg [dreg:$0x2];
	_ =	strace $0x8000005F;
	s1 =	simm.s32 $0x1  }
0x4: {  	s9 =	simm.s32 $0x88;
	v0 =	vimm.s32 $0x0;
	[sflag:s1] =	ssyncpa.u1 $0x0  }
0x5: {  	[tilespmem:s9+$0x30] =	vst v0  }
0x6: {  	s1 =	sadd.s32 $0x2CA400, s2;
	[tilespmem:s9+$0x20] =	vst v0  }
0x7: {  	s5 =	sadd.s32 $0x67400, s2;
	s6 =	sadd.s32 $0xDF2800, s2;
	s2 =	simm.s32 $0x40;
	[tilespmem:s9+$0x10] =	vst v0  }
.LBB2_1:
0x8: {  	s2 =	sadd.s32 $0x40, s2  }
0x9: {  	[tilespmem:s9+$0x0] =	vst v0;
	s9 =	sadd.s32 $0x40, s9;
	p0 =	slt.u32 s2, $0x5040  }
.Ltmp0:
0xa: {  	(pc) =	sbr.rel @p0 .LBB2_1-.Ltmp0, $4  }
0xb: {  	_ = 	snop  }
0xc: {  	[tilespmem:s9+$0x30] =	vst v0  }
0xd: {  	[tilespmem:s9+$0x20] =	vst v0  }
0xe: {  	[tilespmem:s9+$0x10] =	vst v0  }
0xf: {  	s2 =	srdreg.scid  }
0x10: {  	s7 =	sshll.u32 s2, $0x4  }
0x11: {  	s2 =	stileid.u32;
	s7 =	sand.u32 $0x10, s7  }
0x12: {  	s8 =	sor.u32 s2, s7  }
0x13: {  	s7 =	smul.u32 $0x4E, s8  }
0x14: {  	s10 =	smin.u32 s8, $0x4  }
0x15: {  	s7 =	sadd.s32 s10, s7  }
0x16: {  	p0 =	slt.u32 s8, $0x4;
	s8 =	simm.s32 $0x62C0;
	s7 =	smul.u32 $0x140, s7  }
0x17: {  	s8 =	simm.s32 @!p0 $0x6180  }
0x18: {  	s8 =	sadd.s32 s8, s7  }
0x19: {  	s8 =	smin.u32 s8, $0xC3500  }
0x1a: {  	s11 =	ssub.s32 s8, s7  }
0x1b: {  	p0 =	sgt.s32 s11, $0x0  }
0x1c: {  	s11 =	simm.s32 @!p0 $0x0  }
0x1d: {  	s31 =	smulhi.u32 $0x66666667, s11;
	_ =	sdelay $0x1  }
0x1e: {  	s12 =	sshrl.u32 s31, $0x7  }
0x1f: {  	[tilespmem:s9+$0x0] =	vst v0;
	s9 =	simm.s32 $0x2;
	s13 =	smul.u32 $0x140, s12  }
.Ltmp1:
0x20: {  	s17 =	simm.s32 $0x0;
	s14 =	simm.s32 $0xA;
	(pc) =	sbr.rel .LBB2_3-.Ltmp1, $4  }
0x21: {  	v0 =	vimm.s32 $0xFFFFFFFF;
	s16 =	simm.s32 $0x0;
	[sflag:s9] =	ssyncpa.u1 $0x0;
	s10 =	simm.s32 $0x9  }
0x22: {  	[tilespmem:$0xA108] =	vst v0;
	[sflag:s10] =	ssyncpa.u1 $0x0;
	p0 =	sne.s32 s11, s13;
	s13 =	simm.s32 $0x1  }
0x23: {  	s15 =	smov.u32 s7;
	s11 =	simm.s32 $0x1;
	s13 =	simm.s32 @!p0 $0x0  }
0x24: {  	v0 =	vlaneseq.u32;
	p0 =	por $0x0, $0x0;
	s12 =	sadd.s32 s13, s12;
	s13 =	sshll.u32 s2, $0x7  }
.LBB2_18:
0x25: {  	s18 =	sshrl.u32 s25, $0x2  }
.LBB2_20:
0x26: {  	_ =	swait.ge [sflag:s14], s18  }
0x27: {  	s0 =	ssub.s32 $0x0, s18;
	v1 =	vmov s20;
	vm0 =	veq.s32 v0, $0x0;
	[sflag:s14] =	ssyncset.done $0x0  }
0x28: {  	vm15 =	veq.s32 v0, $0x2;
	v1 =	vsel vm0, s24, v1;
	[sflag:s14] =	ssyncadd.s32 s0  }
0x29: {  	v1 =	vsel vm15, s17, v1;
	[sflag:s14] =	ssyncpa.u1 $0x1  }
0x2a: {  	[tilespmem:$0xA108] =	vst v1  }
.LBB2_21:
0x2b: {  	s0 =	sadd.s32 $0x140, s15  }
0x2c: {  	s18 =	smov.u32 s7;
	p1 =	slt.s32 s0, s8  }
0x2d: {  	s18 =	smov.u32 @p1 s0;
	p1 =	sne.s32 s16, s12  }
.Ltmp2:
0x2e: {  	_ = 	snop;
	(pc) =	sbr.rel @!p1 .LBB2_22-.Ltmp2, $3  }
0x2f: {  	_ =	sdelay $0x1  }
0x30: {  	s31 =	sadd.s32 $0x1, s16;
	s17 =	smov.u32 s15  }
0x31: {  	p0 =	por !p0, !p0;
	s16 =	smov.u32 s31;
	s15 =	smov.u32 s18  }
.LBB2_3:
0x32: {  	p1 =	sge.u32 s16, s12  }
0x33: {  	p2 =	sgt.s32 @!p1 s15, $0xC33C0  }
0x34: {  	s18 =	smov.u32 s15;
	s19 =	sshra.s32 @!p1 s15, $0x1F;
	p2 =	por !p2, p1  }
0x35: {  	s19 =	sand.u32 @!p1 s19, s15;
	s18 =	simm.s32 @p2 $0xC33C0  }
0x36: {  	s18 =	ssub.s32 @!p1 s18, s19  }
0x37: {  	s19 =	sxor.u32 @!p1 $0xFFFFFFFF, s16;
	s18 =	sadd.s32 @!p1 $0xFFF3CC40, s18  }
0x38: {  	s19 =	sand.u32 @!p1 $0x1, s19;
	s20 =	sshll.u32 @!p1 s18, $0x2  }
0x39: {  	p2 =	sgt.s32 @!p1 s18, $0x13F;
	s18 =	ssub.s32 @!p1 $0x500, s20;
	s20 =	smul.u32 @!p1 $0x500, s19  }
0x3a: {  	s21 =	sshrl.u32 @!p1 s15, $0x3;
	s22 =	sand.u32 @!p1 $0x7, s15  }
0x3b: {  	p2 =	por !p2, p1;
	s18 =	sshrl.u32 @!p1 s18, $0x2;
	s20 =	sshrl.u32 @!p1 s20, $0x2  }
0x3c: {  	s21 =	sadd.s32 @!p1 s5, s21;
	s18 =	simm.s32 @!p2 $0x0;
	s20 =	sadd.s32 @!p1 $0xA948, s20  }
0x3d: {  	[tilespmem:s20], [sflag:$0x9] =	stream.linear.gather @!p1 [hbm4b:s21+s22], s18, $0x38;
	[tilespmem:$0x1EBC8] =	vst v63  }
0x3e: {  	s18 =	ssub.s32 @!p1 $0xC3500, s15  }
0x3f: {  	p2 =	sgt.s32 @!p1 s18, $0x0  }
0x40: {  	s19 =	smul.u32 @!p1 $0x28000, s19;
	p2 =	por !p2, p1  }
0x41: {  	s18 =	simm.s32 @p2 $0x0  }
0x42: {  	s19 =	sshrl.u32 @!p1 s19, $0x2;
	s20 =	sshll.u32 @!p1 s15, $0x4;
	s18 =	smin.u32 @!p1 s18, $0x140  }
0x43: {  	s19 =	sadd.s32 @!p1 $0xABC8, s19;
	s20 =	sadd.s32 @!p1 s6, s20;
	s18 =	sshll.u32 @!p1 s18, $0x7  }
0x44: {  	[tilespmem:s19], [sflag:$0x9] =	stream.linear.gather @!p1 [hbm:s20], s18, $0x38;
	[tilespmem:$0x1EBC8] =	vst v63  }
0x45: {  	p1 =	seq.s32 s16, $0x0  }
.Ltmp3:
0x46: {  	_ = 	snop;
	(pc) =	sbr.rel @p1 .LBB2_21-.Ltmp3, $1  }
0x47: {  	_ =	sdelay $0x3  }
0x48: {  	p1 =	sgt.s32 s17, $0xC33C0  }
0x49: {  	s18 =	smov.u32 s17;
	s19 =	sshra.s32 s17, $0x1F;
	s20 =	ssub.s32 $0xC3500, s17  }
0x4a: {  	s18 =	simm.s32 @!p1 $0xC33C0;
	s19 =	sand.u32 s19, s17;
	p1 =	sgt.s32 s20, $0x0  }
0x4b: {  	s18 =	ssub.s32 s18, s19;
	s20 =	simm.s32 @!p1 $0x0  }
0x4c: {  	s18 =	sadd.s32 $0xFFF3CC40, s18;
	s29 =	smin.u32 s20, $0x140  }
0x4d: {  	s21 =	sshll.u32 s18, $0x2;
	s19 =	sshll.u32 s29, $0x7  }
0x4e: {  	p1 =	sgt.s32 s18, $0x13F;
	s30 =	ssub.s32 $0x500, s21;
	_ =	swait.ge [sflag:s10], s19  }
0x4f: {  	s19 =	ssub.s32 $0x0, s19;
	[sflag:s10] =	ssyncset.done $0x0;
	s18 =	sshrl.u32 s30, $0x2  }
0x50: {  	[sflag:s10] =	ssyncadd.s32 s19;
	s18 =	simm.s32 @p1 $0x0  }
0x51: {  	_ =	swait.ge [sflag:s10], s18  }
0x52: {  	s18 =	ssub.s32 $0x0, s18;
	[sflag:s10] =	ssyncset.done $0x0  }
0x53: {  	[sflag:s10] =	ssyncadd.s32 s18  }
0x54: {  	v1 =	vld [tilespmem:$0xA108];
	_ =	sdelay $0x4  }
0x55: {  	(v2sf) =	vpush v1, $0x0  }
0x56: {  	(v2sf) =	vpush v1, $0x1  }
0x57: {  	(v2sf) =	vpush v1, $0x2;
	_ =	sdelay $0x3  }
0x58: {  	s18 =	sadd.s32 $0x140, s17  }
0x59: {  	p1 =	slt.s32 s8, s18  }
0x5a: {  	s18 =	smov.u32 @p1 s8  }
0x5b: {  	s18 =	ssub.s32 s18, s17  }
0x5c: {  	p1 =	slt.s32 s20, s18  }
0x5d: {  	s18 =	smov.u32 @p1 s20  }
0x5e: {  	s21 =	simm.s32 $0x1;
	p1 =	slt.s32 s18, $0x1  }
.Ltmp4:
0x5f: {  	s21 =	simm.s32 @!p0 $0x0;
	(pc) =	sbr.rel @p1 .LBB2_8-.Ltmp4, $4  }
0x60: {  	s31 =	smul.u32 $0x500, s21  }
0x61: {  	s22 =	spop (v2sf)  }
0x62: {  	s17 =	sshrl.u32 s31, $0x2;
	s24 =	spop (v2sf)  }
0x63: {  	s19 =	sadd.s32 $0xA948, s17;
	s17 =	spop (v2sf)  }
0x64: {  	s20 =	smin.u32 s18, $0x10  }
0x65: {  	v1 =	vmov s20  }
0x66: {  	p2 =	sgt.s32 s18, $0x10;
	vm1 =	vgt.u32 v1, v0  }
.Ltmp5:
0x67: {  	_ = 	snop;
	(pc) =	sbr.rel @!p2 .LBB2_7-.Ltmp5, $2  }
0x68: {  	_ =	sdelay $0x2  }
0x69: {  	s23 =	simm.s32 $0x10;
	s25 =	sadd.s32 $0xFFFFFFF0, s18;
	s20 =	smov.u32 s19;
	vm0 =	vmmov vm1  }
.LBB2_6:
0x6a: {  	s26 =	smin.u32 s25, $0x10;
	s23 =	sadd.s32 $0x10, s23;
	v1 =	vld.msk [tilespmem:s20+$0x0 ss:$0x1], vm1  }
0x6b: {  	v2 =	vmov s26;
	p2 =	slt.s32 s23, s18  }
0x6c: {  	vm1 =	vgt.u32 v2, v0  }
.Ltmp6:
0x6d: {  	(pc) =	sbr.rel @p2 .LBB2_6-.Ltmp6, $3  }
0x6e: {  	_ =	sdelay $0x1  }
0x6f: {  	v1 =	vshll.u32 v1, $0x4  }
0x70: {  	s25 =	sadd.s32 $0xFFFFFFF0, s25;
	[tilespmem:s20+$0x0] =	vst.msk vm0, v1;
	s20 =	sadd.s32 $0x10, s20;
	vm0 =	vmmov vm1  }
.LBB2_7:
0x71: {  	_ =	sdelay $0x4  }
0x72: {  	v1 =	vld.msk [tilespmem:s20+$0x0 ss:$0x1], vm1;
	_ =	sdelay $0x4  }
0x73: {  	v1 =	vshll.u32 v1, $0x4  }
0x74: {  	[tilespmem:s20+$0x0] =	vst.msk vm0, v1  }
.LBB2_8:
0x75: {  	s20 =	sand.u32 $0x1, s16  }
0x76: {  	s20 =	smul.u32 $0x140, s20  }
0x77: {  	p2 =	sne.s32 s24, $0xFFFFFFFF  }
0x78: {  	v1 =	vld.msk @!p2 [tilespmem:s20+$0xA948], $0x1;
	_ =	sdelay $0x4  }
0x79: {  	(v2sf) =	vpush @!p2 v1, $0x0;
	_ =	sdelay $0xc  }
.Ltmp7:
0x7a: {  	_ = 	snop;
	(pc) =	sbr.rel @p1 .LBB2_19-.Ltmp7, $4  }
0x7b: {  	_ = 	snop  }
0x7c: {  	s23 =	spop @!p2 (v2sf)  }
0x7d: {  	s17 =	simm.s32 @!p2 $0x0;
	s20 =	smov.u32 s23  }
0x7e: {  	[sflag:s14] =	ssyncpa.u1 $0x0;
	s23 =	smov.u32 @p2 s22;
	s20 =	smov.u32 @p2 s24  }
0x7f: {  	v1 =	vld.msk [tilespmem:s19+$0x0], $0x1;
	_ =	sdelay $0x4  }
0x80: {  	(v2sf) =	vpush v1, $0x0;
	_ =	sdelay $0xe  }
0x81: {  	s26 =	spop (v2sf)  }
0x82: {  	p1 =	seq.s32 s23, s26  }
0x83: {  	p2 =	sgt.s32 @!p1 s23, $0x0  }
0x84: {  	s25 =	smov.u32 s23;
	s24 =	sadd.s32 $0xFFFFFFFF, s18;
	p2 =	por !p2, p1  }
0x85: {  	s21 =	smul.u32 $0x28000, s21;
	s25 =	simm.s32 @p2 $0x0;
	p2 =	sne.s32 s24, $0x0  }
.Ltmp8:
0x86: {  	_ = 	snop;
	(pc) =	sbr.rel @!p2 .LBB2_11-.Ltmp8, $4  }
0x87: {  	s22 =	simm.s32 $0x0;
	s21 =	sshrl.u32 s21, $0x2  }
0x88: {  	s21 =	sadd.s32 $0xABE8, s21;
	s28 =	simm.s32 @!p1 $0x1;
	s25 =	smin.u32 @!p1 s25, $0x61A78  }
0x89: {  	s29 =	simm.s32 @!p1 $0x50C8;
	s28 =	smov.u32 @p1 s22;
	s31 =	sand.u32 @!p1 $0x7FFF8, s25  }
0x8a: {  	s30 =	sand.u32 @!p1 $0x7, s25;
	s25 =	sadd.s32 $0x1, s19;
	s31 =	sadd.s32 @!p1 s1, s31  }
.LBB2_10:
0x8b: {  	s0 =	smov.u32 s28  }
0x8c: {  	[tilespmem:s29], [sflag:$0x2] =	stream.linear.gather @!p1 [hbm4b:s31+s30], $0x40, $0x38;
	[tilespmem:$0x1EBC8] =	vst v63  }
0x8d: {  	s24 =	sadd.s32 $0xFFFFFFFF, s24;
	s30 =	smov.u32 s26;
	v1 =	vld.msk [tilespmem:s25+$0x0], $0x1  }
0x8e: {  	p2 =	sne.s32 s24, $0x0;
	_ =	sdelay $0x3  }
0x8f: {  	(v2sf) =	vpush v1, $0x0;
	_ =	sdelay $0xe  }
0x90: {  	s26 =	spop (v2sf)  }
0x91: {  	p1 =	seq.s32 s30, s26  }
0x92: {  	p3 =	sgt.s32 @!p1 s30, $0x0;
	s29 =	sshll.u32 @!p1 s28, $0x8;
	s28 =	sadd.s32 @!p1 $0x1, s28  }
.Ltmp9:
0x93: {  	p3 =	por !p3, p1;
	s29 =	sshra.s32 @!p1 s29, $0x2;
	(pc) =	sbr.rel @p2 .LBB2_10-.Ltmp9, $4  }
0x94: {  	s28 =	smov.u32 @p1 s0;
	s30 =	simm.s32 @p3 $0x0;
	s29 =	sadd.s32 @!p1 $0x50C8, s29  }
0x95: {  	s0 =	smin.u32 @!p1 s30, $0x61A78  }
0x96: {  	s31 =	sand.u32 @!p1 $0x7FFF8, s0;
	s30 =	sand.u32 @!p1 $0x7, s0  }
0x97: {  	s25 =	sadd.s32 $0x1, s25;
	s31 =	sadd.s32 @!p1 s1, s31  }
.LBB2_11:
0x98: {  	[tilespmem:s29], [sflag:$0x2] =	stream.linear.gather @!p1 [hbm4b:s31+s30], $0x40, $0x38;
	[tilespmem:$0x1EBC8] =	vst v63  }
.Ltmp10:
0x99: {  	s0 =	sshll.u32 s28, $0x6;
	(pc) =	sbr.rel .LBB2_12-.Ltmp10, $4  }
0x9a: {  	s0 =	sand.u32 $0x3FFFFFC0, s0  }
0x9b: {  	_ =	swait.ge [sflag:s9], s0  }
0x9c: {  	s0 =	ssub.s32 $0x0, s0;
	[sflag:s9] =	ssyncset.done $0x0  }
0x9d: {  	s25 =	simm.s32 $0x0;
	[sflag:s9] =	ssyncadd.s32 s0  }
.LBB2_13:
0x9e: {  	v1 =	vld [tilespmem:s21+$0xFFFFFFE0];
	_ =	sdelay $0x3  }
0x9f: {  	s0 =	sshra.s32 s26, $0x2  }
0xa0: {  	[tilespmem:s0+$0x88] =	vst.add.f32.msk $0xffff, v1  }
0xa1: {  	v1 =	vld [tilespmem:s21+$0xFFFFFFF0];
	_ =	sdelay $0x4  }
0xa2: {  	[tilespmem:s0+$0x98] =	vst.add.f32.msk $0xffff, v1  }
0xa3: {  	v1 =	vld [tilespmem:s21+$0x0];
	_ =	sdelay $0x4  }
0xa4: {  	[tilespmem:s0+$0xA8] =	vst.add.f32.msk $0xffff, v1  }
0xa5: {  	v1 =	vld [tilespmem:s21+$0x10];
	_ =	sdelay $0x4  }
0xa6: {  	[tilespmem:s0+$0xB8] =	vst.add.f32.msk $0xffff, v1  }
.LBB2_17:
0xa7: {  	s18 =	sadd.s32 $0xFFFFFFFF, s18  }
0xa8: {  	p1 =	sne.s32 s18, $0x0  }
.Ltmp11:
0xa9: {  	_ = 	snop;
	(pc) =	sbr.rel @!p1 .LBB2_18-.Ltmp11, $2  }
0xaa: {  	_ =	sdelay $0x2  }
0xab: {  	s21 =	sadd.s32 $0x80, s21;
	s19 =	sadd.s32 $0x1, s19;
	s23 =	smov.u32 s24  }
.LBB2_12:
0xac: {  	v1 =	vld.msk [tilespmem:s19+$0x0], $0x1;
	_ =	sdelay $0x4  }
0xad: {  	(v2sf) =	vpush v1, $0x0;
	_ =	sdelay $0xe  }
0xae: {  	s24 =	spop (v2sf)  }
0xaf: {  	p1 =	sne.s32 s23, s24  }
.Ltmp12:
0xb0: {  	_ = 	snop;
	(pc) =	sbr.rel @!p1 .LBB2_13-.Ltmp12, $2  }
0xb1: {  	_ =	sdelay $0x2  }
0xb2: {  	s26 =	sshll.u32 s17, $0x8  }
0xb3: {  	p1 =	seq.s32 s23, s20  }
.Ltmp13:
0xb4: {  	_ = 	snop;
	(pc) =	sbr.rel @!p1 .LBB2_15-.Ltmp13, $1  }
0xb5: {  	_ =	sdelay $0x3  }
0xb6: {  	s0 =	sshra.s32 s26, $0x2  }
.Ltmp14:
0xb7: {  	s0 =	sadd.s32 $0x88, s0;
	(pc) =	sbr.rel .LBB2_16-.Ltmp14, $4  }
0xb8: {  	[spmem:s13] =	stream.linear.scatter [tilespmem:s0], [sflag:$0x1], $0x40, $0x38;
	[tilespmem:$0x1EBC8] =	vst v63  }
0xb9: {  	_ =	swait.ge [sflag:s11], $0x40  }
0xba: {  	[sflag:s11] =	ssyncset.done $0x0  }
0xbb: {  	[sflag:s11] =	ssyncadd.s32 $0xFFFFFFC0  }
.LBB2_15:
0xbc: {  	s0 =	sshll.u32 s22, $0x8  }
0xbd: {  	s0 =	sshra.s32 s0, $0x2  }
0xbe: {  	v1 =	vld [tilespmem:s0+$0x50C8];
	_ =	sdelay $0x3  }
0xbf: {  	s26 =	sshra.s32 s26, $0x2  }
0xc0: {  	[tilespmem:s26+$0x88] =	vst.add.f32.msk $0xffff, v1  }
0xc1: {  	v1 =	vld [tilespmem:s0+$0x50D8];
	_ =	sdelay $0x4  }
0xc2: {  	[tilespmem:s26+$0x98] =	vst.add.f32.msk $0xffff, v1  }
0xc3: {  	v1 =	vld [tilespmem:s0+$0x50E8];
	_ =	sdelay $0x4  }
0xc4: {  	[tilespmem:s26+$0xA8] =	vst.add.f32.msk $0xffff, v1  }
0xc5: {  	v1 =	vld [tilespmem:s0+$0x50F8];
	_ =	sdelay $0x2  }
0xc6: {  	p1 =	sgt.u32 s23, $0x61A78  }
0xc7: {  	s0 =	sand.u32 @!p1 $0x7FFF8, s23  }
0xc8: {  	s28 =	sadd.s32 $0x88, s26;
	s23 =	sand.u32 @!p1 $0x7, s23;
	s0 =	sadd.s32 @!p1 s1, s0;
	[tilespmem:s26+$0xB8] =	vst.add.f32.msk $0xffff, v1  }
0xc9: {  	[hbm4b:s0+s23] =	stream.linear.scatter @!p1 [tilespmem:s28], [sflag:$0xA], $0x40, $0x38;
	[tilespmem:$0x1EBC8] =	vst v63  }
0xca: {  	s23 =	simm.s32 $0x0  }
0xcb: {  	s23 =	simm.s32 @!p1 $0x100  }
0xcc: {  	s25 =	sadd.s32 s23, s25  }
.LBB2_16:
0xcd: {  	s0 =	sadd.s32 $0x1, s17  }
0xce: {  	s17 =	smulhi.u32 $0xCCCCCCCD, s0;
	_ =	sdelay $0x1  }
0xcf: {  	v1 =	vld [tilespmem:s21+$0xFFFFFFE0];
	s17 =	sshrl.u32 s17, $0x8  }
0xd0: {  	s17 =	smul.u32 $0x140, s17;
	_ =	sdelay $0x1  }
0xd1: {  	s17 =	ssub.s32 s0, s17  }
0xd2: {  	s0 =	sshll.u32 s17, $0x6  }
0xd3: {  	[tilespmem:s0+$0x88] =	vst v1  }
0xd4: {  	v1 =	vld [tilespmem:s21+$0xFFFFFFF0];
	_ =	sdelay $0x4  }
0xd5: {  	[tilespmem:s0+$0x98] =	vst v1  }
0xd6: {  	v1 =	vld [tilespmem:s21+$0x0];
	_ =	sdelay $0x4  }
0xd7: {  	[tilespmem:s0+$0xA8] =	vst v1  }
0xd8: {  	v1 =	vld [tilespmem:s21+$0x10]  }
.Ltmp15:
0xd9: {  	_ = 	snop;
	(pc) =	sbr.rel .LBB2_17-.Ltmp15, $2  }
0xda: {  	_ =	sdelay $0x2  }
0xdb: {  	s22 =	sadd.s32 $0x1, s22;
	[tilespmem:s0+$0xB8] =	vst v1  }
.LBB2_19:
.Ltmp16:
0xdc: {  	(pc) =	sbr.rel .LBB2_20-.Ltmp16, $3  }
0xdd: {  	_ =	sdelay $0x1  }
0xde: {  	_ =	swait.ge [sflag:s9], $0x0  }
0xdf: {  	s18 =	simm.s32 $0x0;
	s24 =	smov.u32 s23;
	[sflag:s9] =	ssyncset.done $0x0  }
.LBB2_22:
0xe0: {  	_ =	sfence.sel $0x180000  }
0xe1: {  	s0 =	simm.s32 $0x9;
	[bflag:$0x0] =	sbarrier.arrive $0xFFFF  }
0xe2: {  	s26 =	simm.s32 $0x2;
	[sflag:s0] =	ssyncpa.u1 $0x1  }
0xe3: {  	[sflag:s26] =	ssyncpa.u1 $0x1  }
0xe4: {  	v0 =	vld [tilespmem:$0xA108];
	_ =	sdelay $0x4  }
0xe5: {  	(v2sf) =	vpush v0, $0x0  }
0xe6: {  	(v2sf) =	vpush v0, $0x1;
	_ =	sdelay $0x1  }
0xe7: {  	(v2sf) =	vpush v0, $0x2;
	_ =	sdelay $0xb  }
0xe8: {  	s0 =	spop (v2sf)  }
0xe9: {  	s5 =	spop (v2sf)  }
0xea: {  	s6 =	smov.u32 s0;
	p0 =	sne.s32 s0, s5  }
0xeb: {  	s7 =	spop (v2sf);
	s6 =	simm.s32 @!p0 $0xFFFFFFFF  }
0xec: {  	v2 =	vimm.s32 $0x1;
	v3 =	vlaneseq.u32;
	p0 =	seq.s32 s7, $0xFFFFFFFF;
	v1 =	vmov s6  }
0xed: {  	v0 =	vperm.xlane v0, v2;
	p1 =	sne.s32 @!p0 s0, s5;
	v1 =	vperm.xlane v1, v3  }
0xee: {  	vm0 =	vcmask $0x3F04;
	s9 =	simm.s32 $0xA108;
	s0 =	simm.s32 @!p0 $0x1;
	p1 =	por !p1, p0  }
0xef: {  	s6 =	sshll.u32 s2, $0x1;
	s5 =	sshll.u32 @!p0 s7, $0x8;
	s0 =	simm.s32 @p1 $0x0;
	v0 =	vsel vm0, v1, v0  }
0xf0: {  	s8 =	sor.u32 $0x800, s6;
	s5 =	sshra.s32 @!p0 s5, $0x2;
	s0 =	sor.u32 @!p0 s0, s6;
	[tilespmem:$0xA108] =	vst v0  }
0xf1: {  	[spmem:s8] =	stream.linear.scatter [tilespmem:s9], [sflag:$0x1], $0x2, $0x38;
	[tilespmem:$0x1EBC8] =	vst v63  }
0xf2: {  	s5 =	sadd.s32 @!p0 $0x88, s5;
	s0 =	sshll.u32 @!p0 s0, $0x6  }
0xf3: {  	[spmem:s0] =	stream.linear.scatter @!p0 [tilespmem:s5], [sflag:$0x1], $0x40, $0x38;
	[tilespmem:$0x1EBC8] =	vst v63  }
0xf4: {  	s0 =	simm.s32 @!p0 $0x42  }
0xf5: {  	s28 =	simm.s32 $0x1;
	s0 =	simm.s32 @p0 $0x2  }
0xf6: {  	_ =	swait.ge [sflag:s28], s0  }
0xf7: {  	s0 =	ssub.s32 $0x0, s0;
	[sflag:s28] =	ssyncset.done $0x0  }
0xf8: {  	p0 =	sne.s32 s2, $0x0;
	[sflag:s28] =	ssyncadd.s32 s0  }
.Ltmp17:
0xf9: {  	_ =	sfence.stream.spmem;
	(pc) =	sbr.rel @p0 .LBB2_39-.Ltmp17, $4  }
0xfa: {  	s29 =	simm.s32 $0x3;
	[bflag:$0x0] =	sbarrier.arrive $0xFFFF  }
0xfb: {  	s30 =	simm.s32 $0x4;
	[sflag:s29] =	ssyncpa.u1 $0x1  }
0xfc: {  	s31 =	simm.s32 $0x3C;
	[sflag:s30] =	ssyncpa.u1 $0x1  }
0xfd: {  	s5 =	sand.u32 $0x1, s4;
	[sflag:s31] =	ssyncpa.u1 $0x1  }
0xfe: {  	_ =	sfence.stream.spmem;
	s0 =	simm.s32 $0x5  }
0xff: {  	s6 =	simm.s32 $0x800;
	s7 =	simm.s32 $0xA118;
	[sflag:s0] =	ssyncpa.u1 $0x0  }
0x100: {  	[tilespmem:s7], [sflag:$0x5] =	stream.linear.gather [spmem:s6], $0x20, $0x38;
	[tilespmem:$0x1EBC8] =	vst v63  }
0x101: {  	s26 =	simm.s32 $0x0;
	s28 =	simm.s32 $0xA138  }
0x102: {  	[tilespmem:s28], [sflag:$0x5] =	stream.linear.gather [spmem:s26], $0x800, $0x38;
	[tilespmem:$0x1EBC8] =	vst v63  }
0x103: {  	_ =	swait.ge [sflag:s0], $0x820  }
0x104: {  	[sflag:s0] =	ssyncset.done $0x0  }
0x105: {  	s29 =	simm.s32 $0x0;
	[sflag:s0] =	ssyncadd.s32 $0xFFFFF7E0  }
0x106: {  	v0 =	vld.msk [tilespmem:s29+$0xA118], $0x1;
	_ =	sdelay $0x1  }
0x107: {  	s30 =	simm.s32 $0x1  }
0x108: {  	v1 =	vld.msk [tilespmem:s30+$0xA118], $0x1;
	_ =	sdelay $0x1  }
0x109: {  	(v2sf) =	vpush v0, $0x0;
	_ =	sdelay $0x2  }
0x10a: {  	(v2sf) =	vpush v1, $0x0;
	_ =	sdelay $0x2  }
0x10b: {  	s31 =	simm.s32 $0x2  }
0x10c: {  	v0 =	vld.msk [tilespmem:s31+$0xA118], $0x1;
	_ =	sdelay $0x2  }
0x10d: {  	s8 =	simm.s32 $0xFFFFFFFF;
	s7 =	simm.s32 $0xFFFFFFFF;
	s6 =	simm.s32 $0xC  }
.LBB2_24:
0x10e: {  	s0 =	smov.u32 s8;
	s9 =	smov.u32 s7  }
0x10f: {  	s7 =	sshra.s32 s6, $0x2;
	p1 =	sne.s32 s6, $0x7C;
	s6 =	sadd.s32 $0x4, s6;
	(v2sf) =	vpush v0, $0x0  }
0x110: {  	v0 =	vld.msk [tilespmem:s7+$0xA118], $0x1  }
.Ltmp18:
0x111: {  	(pc) =	sbr.rel @p1 .LBB2_24-.Ltmp18, $4  }
0x112: {  	s8 =	spop (v2sf)  }
0x113: {  	p2 =	sne.s32 s9, $0xFFFFFFFF;
	s7 =	smov.u32 s8  }
0x114: {  	p3 =	seq.s32 s8, $0xFFFFFFFF;
	s7 =	smov.u32 @p2 s9  }
0x115: {  	s8 =	smov.u32 @p3 s0;
	s7 =	smov.u32 @p3 s9  }
0x116: {  	(v2sf) =	vpush v0, $0x0;
	_ =	sdelay $0x8  }
0x117: {  	s0 =	spop (v2sf)  }
0x118: {  	p1 =	sne.s32 s7, $0xFFFFFFFF;
	s6 =	smov.u32 s0  }
0x119: {  	s9 =	simm.s32 $0x6;
	p2 =	seq.s32 s0, $0xFFFFFFFF;
	s6 =	smov.u32 @p1 s7  }
0x11a: {  	[sflag:s9] =	ssyncpa.u1 $0x0;
	s6 =	smov.u32 @p2 s7;
	s10 =	spop (v2sf)  }
0x11b: {  	s0 =	smov.u32 @p2 s8;
	p1 =	sne.s32 s6, $0xFFFFFFFF;
	s11 =	smov.u32 s10  }
.Ltmp19:
0x11c: {  	p2 =	seq.s32 s10, $0xFFFFFFFF;
	s11 =	smov.u32 @p1 s6;
	(pc) =	sbr.rel .LBB2_26-.Ltmp19, $4  }
0x11d: {  	s10 =	smov.u32 @p2 s0;
	s11 =	smov.u32 @p2 s6;
	s7 =	spop (v2sf)  }
0x11e: {  	p1 =	sne.s32 s11, $0xFFFFFFFF;
	s8 =	smov.u32 s7;
	p2 =	seq.s32 s7, $0xFFFFFFFF  }
0x11f: {  	s6 =	simm.s32 $0x0;
	s8 =	smov.u32 @p1 s11;
	s7 =	smov.u32 @p2 s10  }
0x120: {  	s10 =	simm.s32 $0xA0C8;
	s8 =	smov.u32 @p2 s11;
	s11 =	simm.s32 $0x0  }
.LBB2_32:
0x121: {  	p1 =	sgt.u32 s12, $0x61A78  }
0x122: {  	p2 =	seq.s32 @!p1 s12, s8  }
0x123: {  	p1 =	por p1, p2  }
0x124: {  	p2 =	sne.s32 @!p1 s12, s7  }
0x125: {  	p1 =	por p1, !p2  }
0x126: {  	s12 =	sshll.u32 @p1 s11, $0x8  }
0x127: {  	s0 =	sand.u32 @!p1 $0x7FFF8, s12  }
0x128: {  	s12 =	sand.u32 @!p1 $0x7, s12;
	s0 =	sadd.s32 @!p1 s1, s0  }
0x129: {  	[tilespmem:s10], [sflag:$0x6] =	stream.linear.gather @!p1 [hbm4b:s0+s12], $0x40, $0x38;
	[tilespmem:$0x1EBC8] =	vst v63  }
0x12a: {  	_ =	swait.ge @!p1 [sflag:s9], $0x40  }
0x12b: {  	[sflag:s9] =	ssyncset.done @!p1 $0x0  }
0x12c: {  	[sflag:s9] =	ssyncadd.s32 @!p1 $0xFFFFFFC0  }
0x12d: {  	v1 =	vld @!p1 [tilespmem:$0xA0C8];
	_ =	sdelay $0x2  }
0x12e: {  	s12 =	sshll.u32 @!p1 s11, $0x8  }
0x12f: {  	s0 =	sshrl.u32 @!p1 s12, $0x2  }
0x130: {  	[tilespmem:s0+$0xA138] =	vst.add.f32.msk @!p1 $0xffff, v1  }
0x131: {  	v1 =	vld @!p1 [tilespmem:$0xA0D8];
	_ =	sdelay $0x4  }
0x132: {  	[tilespmem:s0+$0xA148] =	vst.add.f32.msk @!p1 $0xffff, v1  }
0x133: {  	v1 =	vld @!p1 [tilespmem:$0xA0E8];
	_ =	sdelay $0x4  }
0x134: {  	[tilespmem:s0+$0xA158] =	vst.add.f32.msk @!p1 $0xffff, v1  }
0x135: {  	v1 =	vld @!p1 [tilespmem:$0xA0F8];
	_ =	sdelay $0x4  }
0x136: {  	[tilespmem:s0+$0xA168] =	vst.add.f32.msk @!p1 $0xffff, v1  }
0x137: {  	s30 =	sshrl.u32 s12, $0x2;
	[tilespmem:s6+$0xA118] =	vst.msk $0x1, v0  }
0x138: {  	v0 =	vld [tilespmem:s30+$0xA138];
	_ =	sdelay $0x2  }
0x139: {  	s31 =	sshll.u32 s6, $0x8  }
0x13a: {  	s12 =	sshra.s32 s31, $0x2  }
0x13b: {  	[tilespmem:s12+$0xA138] =	vst v0  }
0x13c: {  	v0 =	vld [tilespmem:s30+$0xA148];
	_ =	sdelay $0x4  }
0x13d: {  	[tilespmem:s12+$0xA148] =	vst v0  }
0x13e: {  	v0 =	vld [tilespmem:s30+$0xA158];
	_ =	sdelay $0x4  }
0x13f: {  	[tilespmem:s12+$0xA158] =	vst v0  }
0x140: {  	v0 =	vld [tilespmem:s30+$0xA168];
	_ =	sdelay $0x4  }
0x141: {  	s6 =	sadd.s32 $0x1, s6;
	[tilespmem:s12+$0xA168] =	vst v0  }
.LBB2_33:
0x142: {  	s11 =	sadd.s32 $0x1, s11  }
0x143: {  	p1 =	sne.s32 s11, $0x20  }
.Ltmp20:
0x144: {  	_ = 	snop;
	(pc) =	sbr.rel @!p1 .LBB2_34-.Ltmp20, $1  }
0x145: {  	_ =	sdelay $0x3  }
.LBB2_26:
0x146: {  	v0 =	vld.msk [tilespmem:s11+$0xA118], $0x1;
	_ =	sdelay $0x4  }
0x147: {  	(v2sf) =	vpush v0, $0x0;
	_ =	sdelay $0xe  }
0x148: {  	s12 =	spop (v2sf)  }
0x149: {  	p1 =	seq.s32 s12, $0xFFFFFFFF  }
.Ltmp21:
0x14a: {  	_ = 	snop;
	(pc) =	sbr.rel @p1 .LBB2_33-.Ltmp21, $1  }
0x14b: {  	_ =	sdelay $0x3  }
0x14c: {  	p1 =	slt.s32 s6, $0x1  }
.Ltmp22:
0x14d: {  	_ = 	snop;
	(pc) =	sbr.rel @p1 .LBB2_32-.Ltmp22, $1  }
0x14e: {  	_ =	sdelay $0x3  }
0x14f: {  	s13 =	simm.s32 $0xA118;
	p1 =	por $0x0, $0x0  }
0x150: {  	v1 =	vld.msk @!p1 [tilespmem:s13+$0x0], $0x1;
	_ =	sdelay $0x4  }
0x151: {  	(v2sf) =	vpush @!p1 v1, $0x0;
	_ =	sdelay $0xd  }
0x152: {  	p3 =	sne.s32 s6, $0x1  }
.Ltmp23:
0x153: {  	s0 =	spop @!p1 (v2sf);
	(pc) =	sbr.rel @!p3 .LBB2_30-.Ltmp23, $4  }
0x154: {  	p2 =	seq.s32 @!p1 s12, s0  }
0x155: {  	s14 =	simm.s32 $0x0;
	p2 =	por !p2, p1  }
0x156: {  	s0 =	simm.s32 $0xFFFFFFFF;
	s14 =	simm.s32 @p2 $0xFFFFFFFF  }
0x157: {  	s15 =	simm.s32 $0x1;
	s14 =	smov.u32 @p1 s0  }
.LBB2_29:
0x158: {  	s0 =	smov.u32 s14;
	p1 =	sne.s32 s14, $0xFFFFFFFF  }
0x159: {  	s13 =	sadd.s32 $0x1, s13;
	s14 =	smov.u32 s15;
	s15 =	sadd.s32 $0x1, s15  }
0x15a: {  	p2 =	sne.s32 s6, s15;
	v1 =	vld.msk @!p1 [tilespmem:s13+$0x0], $0x1;
	_ =	sdelay $0x4  }
0x15b: {  	(v2sf) =	vpush @!p1 v1, $0x0;
	_ =	sdelay $0xe  }
.Ltmp24:
0x15c: {  	s16 =	spop @!p1 (v2sf);
	(pc) =	sbr.rel @p2 .LBB2_29-.Ltmp24, $4  }
0x15d: {  	p3 =	seq.s32 @!p1 s12, s16  }
0x15e: {  	p3 =	por !p3, p1  }
0x15f: {  	s14 =	simm.s32 @p3 $0xFFFFFFFF  }
0x160: {  	s14 =	smov.u32 @p1 s0  }
.LBB2_30:
0x161: {  	p1 =	seq.s32 s14, $0xFFFFFFFF  }
.Ltmp25:
0x162: {  	_ = 	snop;
	(pc) =	sbr.rel @p1 .LBB2_32-.Ltmp25, $1  }
0x163: {  	_ =	sdelay $0x3  }
0x164: {  	s0 =	sshll.u32 s11, $0x6  }
0x165: {  	s0 =	sand.u32 $0x3FFFFFC0, s0  }
0x166: {  	v0 =	vld [tilespmem:s0+$0xA138];
	_ =	sdelay $0x2  }
0x167: {  	s12 =	sshll.u32 s14, $0x8  }
0x168: {  	s12 =	sshra.s32 s12, $0x2  }
0x169: {  	[tilespmem:s12+$0xA138] =	vst.add.f32.msk $0xffff, v0  }
0x16a: {  	v0 =	vld [tilespmem:s0+$0xA148];
	_ =	sdelay $0x4  }
0x16b: {  	[tilespmem:s12+$0xA148] =	vst.add.f32.msk $0xffff, v0  }
0x16c: {  	v0 =	vld [tilespmem:s0+$0xA158];
	_ =	sdelay $0x4  }
0x16d: {  	[tilespmem:s12+$0xA158] =	vst.add.f32.msk $0xffff, v0  }
0x16e: {  	v0 =	vld [tilespmem:s0+$0xA168]  }
.Ltmp26:
0x16f: {  	_ = 	snop;
	(pc) =	sbr.rel .LBB2_33-.Ltmp26, $2  }
0x170: {  	_ =	sdelay $0x2  }
0x171: {  	[tilespmem:s12+$0xA168] =	vst.add.f32.msk $0xffff, v0  }
.LBB2_34:
0x172: {  	s0 =	simm.s32 $0x6;
	p1 =	seq.s32 s6, $0x0  }
0x173: {  	[sflag:s0] =	ssyncpa.u1 $0x1;
	v0 =	vimm.s32 @p1 $0xFFFFFFFF  }
0x174: {  	s9 =	sadd.s32 $0xFFFFFFFF, s6;
	[tilespmem:$0xA938] =	vst @p1 v0  }
0x175: {  	v0 =	vld.msk @!p1 [tilespmem:s9+$0xA118], $0x1;
	_ =	sdelay $0x1  }
0x176: {  	v1 =	vld.msk @!p1 [tilespmem:$0xA118], $0x1;
	_ =	sdelay $0x2  }
0x177: {  	p2 =	seq.s32 @!p1 s9, $0x0;
	v0 =	vbroadcast @!p1 v0, $0x0  }
0x178: {  	vm0 =	vmmov @!p1 $0x1;
	p2 =	por !p2, p1  }
0x179: {  	v1 =	vnsel @!p1 vm0, $0xFFFFFFFF, v1;
	vm0 =	vcmask @!p1 $0x308;
	v0 =	vpsel !p2, $0xFFFFFFFF, v0  }
0x17a: {  	p2 =	sne.s32 @!p1 s8, s7;
	v0 =	vsel @!p1 vm0, v1, v0  }
0x17b: {  	s0 =	simm.s32 @!p1 $0xA138;
	s7 =	simm.s32 @!p1 $0x0;
	p3 =	por !p2, p1;
	[tilespmem:$0xA938] =	vst @!p1 v0  }
0x17c: {  	[spmem:s7] =	stream.linear.scatter @!p1 [tilespmem:s0], [sflag:$0x1], $0x40, $0x38;
	[tilespmem:$0x1EBC8] =	vst v63  }
0x17d: {  	s0 =	sshll.u32 @!p3 s9, $0x8  }
0x17e: {  	s0 =	sshra.s32 @!p3 s0, $0x2  }
0x17f: {  	s7 =	simm.s32 @!p3 $0x40;
	s0 =	sadd.s32 @!p3 $0xA138, s0  }
0x180: {  	[spmem:s7] =	stream.linear.scatter @!p3 [tilespmem:s0], [sflag:$0x1], $0x40, $0x38;
	[tilespmem:$0x1EBC8] =	vst v63  }
0x181: {  	s0 =	simm.s32 @!p3 $0x1  }
0x182: {  	_ =	swait.ge @!p3 [sflag:s0], $0x80  }
0x183: {  	p1 =	por p2, p1;
	[sflag:s0] =	ssyncset.done @!p3 $0x0  }
0x184: {  	[sflag:s0] =	ssyncadd.s32 @!p3 $0xFFFFFF80;
	s0 =	simm.s32 @!p1 $0x1  }
0x185: {  	_ =	swait.ge @!p1 [sflag:s0], $0x40  }
0x186: {  	s29 =	simm.s32 $0xA938;
	[sflag:s0] =	ssyncset.done @!p1 $0x0  }
0x187: {  	s30 =	simm.s32 $0x800;
	s31 =	simm.s32 $0x1;
	[sflag:s0] =	ssyncadd.s32 @!p1 $0xFFFFFFC0  }
0x188: {  	[spmem:s30] =	stream.linear.scatter [tilespmem:s29], [sflag:$0x1], $0x10, $0x38;
	[tilespmem:$0x1EBC8] =	vst v63  }
0x189: {  	p1 =	seq.s32 s5, $0x0;
	_ =	swait.ge [sflag:s31], $0x10  }
0x18a: {  	s7 =	sshll.u32 @p1 s4, $0xE;
	[sflag:s31] =	ssyncset.done $0x0  }
0x18b: {  	s0 =	sadd.s32 @p1 $0x15C3C, s7;
	s7 =	sshll.u32 @p1 s3, $0x11;
	[sflag:s31] =	ssyncadd.s32 $0xFFFFFFF0  }
0x18c: {  	s0 =	sor.u32 @p1 s7, s0;
	_ =	sfence.stream.spmem  }
0x18d: {  	[sflag:s0] =	ssyncadd.remote.s32 @p1 $0x1;
	s0 =	simm.s32 @p1 $0x4  }
0x18e: {  	s8 =	simm.s32 @!p1 $0x3C;
	s7 =	sand.u32 $0xFFFFFFFE, s4;
	_ =	swait.ge @p1 [sflag:s0], $0x12  }
0x18f: {  	s10 =	simm.s32 @!p1 $0x0;
	s7 =	sadd.s32 @!p1 $0x4, s7;
	[sflag:s0] =	ssyncset.done @p1 $0x0  }
0x190: {  	s11 =	simm.s32 @!p1 $0x80;
	[sflag:s0] =	ssyncadd.s32 @p1 $0xFFFFFFEE;
	s0 =	sshll.u32 @!p1 s7, $0x1A  }
0x191: {  	s7 =	sshll.u32 @!p1 s7, $0xD;
	s0 =	sor.u32 @!p1 s0, s3;
	_ =	swait.eq @!p1 [sflag:s8], $0x1  }
0x192: {  	s7 =	sor.u32 @!p1 $0x1C04, s7;
	s8 =	simm.s32 @!p1 $0x1C03;
	s0 =	sor.u32 @!p1 $0x80004000, s0  }
0x193: {  	[spmem:s11], [sflag:s7] =	dma.general @!p1 [spmem:s10], [sflag:s8], length:$0x10, [dreg:$0x0], stride_count:$0x0, ici_dest:s0, dma_misc:DstOpCode:WRITE  }
0x194: {  	p2 =	slt.s32 s9, $0x2;
	s10 =	simm.s32 @!p1 $0x100;
	s11 =	simm.s32 @!p1 $0x102  }
0x195: {  	[spmem:s11], [sflag:s7] =	dma.general @!p1 [spmem:s10], [sflag:s8], length:$0x2, [dreg:$0x0], stride_count:$0x0, ici_dest:s0, dma_misc:DstOpCode:WRITE  }
.Ltmp27:
0x196: {  	s0 =	simm.s32 @!p1 $0x3;
	(pc) =	sbr.rel @p2 .LBB2_38-.Ltmp27, $4  }
0x197: {  	s4 =	sshll.u32 @!p1 s4, $0xE;
	_ =	swait.ge @!p1 [sflag:s0], $0x12  }
0x198: {  	s4 =	sadd.s32 @!p1 $0x11C3C, s4;
	s3 =	sshll.u32 @!p1 s3, $0x11;
	[sflag:s0] =	ssyncset.done @!p1 $0x0  }
0x199: {  	[sflag:s0] =	ssyncadd.s32 @!p1 $0xFFFFFFEE;
	s0 =	sor.u32 @!p1 s3, s4  }
0x19a: {  	s3 =	simm.s32 $0x0;
	[sflag:s0] =	ssyncadd.remote.s32 @!p1 $0xFFFFFFFF  }
0x19b: {  	s0 =	simm.s32 $0xA119  }
0x19c: {  	v0 =	vld.msk [tilespmem:s0+$0x0], $0x1;
	_ =	sdelay $0x4  }
0x19d: {  	(v2sf) =	vpush v0, $0x0;
	_ =	sdelay $0xc  }
0x19e: {  	s4 =	sadd.s32 $0xFFFFFFFE, s6  }
0x19f: {  	s4 =	sadd.s32 $0xFFFFFFFF, s4  }
0x1a0: {  	p2 =	sne.s32 s4, $0x0;
	s0 =	spop (v2sf)  }
.Ltmp28:
0x1a1: {  	p1 =	sgt.u32 s0, $0x61A78;
	(pc) =	sbr.rel @!p2 .LBB2_37-.Ltmp28, $4  }
0x1a2: {  	s3 =	simm.s32 $0xA178;
	s6 =	sand.u32 @!p1 $0x7FFF8, s0  }
0x1a3: {  	s8 =	simm.s32 $0x0;
	s0 =	sand.u32 @!p1 $0x7, s0;
	s6 =	sadd.s32 @!p1 s1, s6  }
0x1a4: {  	[hbm4b:s6+s0] =	stream.linear.scatter @!p1 [tilespmem:s3], [sflag:$0x5], $0x40, $0x38;
	[tilespmem:$0x1EBC8] =	vst v63  }
0x1a5: {  	s7 =	simm.s32 $0xA11A;
	s8 =	simm.s32 @!p1 $0x100;
	s6 =	simm.s32 $0x0  }
.LBB2_36:
0x1a6: {  	v0 =	vld.msk [tilespmem:s7+$0x0], $0x1;
	s4 =	sadd.s32 $0xFFFFFFFF, s4;
	s6 =	sadd.s32 s6, s8  }
0x1a7: {  	p1 =	sne.s32 s4, $0x0;
	_ =	sdelay $0x3  }
0x1a8: {  	(v2sf) =	vpush v0, $0x0;
	_ =	sdelay $0xe  }
.Ltmp29:
0x1a9: {  	s0 =	spop (v2sf);
	(pc) =	sbr.rel @p1 .LBB2_36-.Ltmp29, $4  }
0x1aa: {  	s8 =	simm.s32 $0x0;
	p2 =	sgt.u32 s0, $0x61A78  }
0x1ab: {  	s3 =	sadd.s32 $0x40, s3;
	s8 =	simm.s32 @!p2 $0x100;
	s9 =	sand.u32 @!p2 $0x7FFF8, s0  }
0x1ac: {  	s7 =	sadd.s32 $0x1, s7;
	s0 =	sand.u32 @!p2 $0x7, s0;
	s9 =	sadd.s32 @!p2 s1, s9  }
0x1ad: {  	[hbm4b:s9+s0] =	stream.linear.scatter @!p2 [tilespmem:s3], [sflag:$0x5], $0x40, $0x38;
	[tilespmem:$0x1EBC8] =	vst v63  }
.LBB2_37:
0x1ae: {  	s0 =	sadd.s32 s6, s8  }
0x1af: {  	s3 =	sshrl.u32 s0, $0x2  }
.LBB2_38:
0x1b0: {  	s0 =	simm.s32 $0x5  }
0x1b1: {  	_ =	swait.ge [sflag:s0], s3  }
0x1b2: {  	s31 =	ssub.s32 $0x0, s3;
	[sflag:s0] =	ssyncset.done $0x0  }
0x1b3: {  	[sflag:s0] =	ssyncadd.s32 s31  }
0x1b4: {  	[sflag:s0] =	ssyncpa.u1 $0x1  }
.LBB2_39:
0x1b5: {  	s0 =	sor.u32 s5, s2  }
0x1b6: {  	p1 =	sne.s32 s0, $0x0  }
.Ltmp30:
0x1b7: {  	_ = 	snop;
	(pc) =	sbr.rel @p1 .LBB2_54-.Ltmp30, $3  }
0x1b8: {  	_ =	sdelay $0x1  }
0x1b9: {  	[bflag:$0x0] =	sbarrier.arrive $0xFFFF  }
0x1ba: {  	_ =	sfence  }
0x1bb: {  	s0 =	simm.s32 $0x7  }
0x1bc: {  	s2 =	simm.s32 $0x800;
	s3 =	simm.s32 $0xA118;
	[sflag:s0] =	ssyncpa.u1 $0x0  }
0x1bd: {  	[tilespmem:s3], [sflag:$0x7] =	stream.linear.gather [spmem:s2], $0x20, $0x38;
	[tilespmem:$0x1EBC8] =	vst v63  }
0x1be: {  	s30 =	simm.s32 $0xA138;
	s2 =	simm.s32 $0x0  }
0x1bf: {  	[tilespmem:s30], [sflag:$0x7] =	stream.linear.gather [spmem:s2], $0x800, $0x38;
	[tilespmem:$0x1EBC8] =	vst v63  }
.Ltmp31:
0x1c0: {  	_ = 	snop;
	(pc) =	sbr.rel .LBB2_41-.Ltmp31, $4  }
0x1c1: {  	_ =	swait.ge [sflag:s0], $0x820  }
0x1c2: {  	[sflag:s0] =	ssyncset.done $0x0  }
0x1c3: {  	s31 =	simm.s32 $0x8;
	[sflag:s0] =	ssyncadd.s32 $0xFFFFF7E0  }
0x1c4: {  	s3 =	simm.s32 $0x0;
	[sflag:s31] =	ssyncpa.u1 $0x0  }
.LBB2_47:
0x1c5: {  	p1 =	slt.u32 s4, $0x61A79  }
0x1c6: {  	s0 =	sand.u32 @p1 $0x7FFF8, s4  }
0x1c7: {  	s4 =	sand.u32 @p1 $0x7, s4;
	s5 =	simm.s32 @p1 $0xA0C8;
	s0 =	sadd.s32 @p1 s1, s0  }
0x1c8: {  	[tilespmem:s5], [sflag:$0x8] =	stream.linear.gather @p1 [hbm4b:s0+s4], $0x40, $0x38;
	[tilespmem:$0x1EBC8] =	vst v63  }
0x1c9: {  	s0 =	simm.s32 @p1 $0x8  }
0x1ca: {  	_ =	swait.ge @p1 [sflag:s0], $0x40  }
0x1cb: {  	[sflag:s0] =	ssyncset.done @p1 $0x0  }
0x1cc: {  	[sflag:s0] =	ssyncadd.s32 @p1 $0xFFFFFFC0  }
0x1cd: {  	v1 =	vld @p1 [tilespmem:$0xA0C8];
	_ =	sdelay $0x2  }
0x1ce: {  	s0 =	sshll.u32 @p1 s3, $0x8  }
0x1cf: {  	s4 =	sshrl.u32 @p1 s0, $0x2  }
0x1d0: {  	[tilespmem:s4+$0xA138] =	vst.add.f32.msk @p1 $0xffff, v1  }
0x1d1: {  	v1 =	vld @p1 [tilespmem:$0xA0D8];
	_ =	sdelay $0x4  }
0x1d2: {  	[tilespmem:s4+$0xA148] =	vst.add.f32.msk @p1 $0xffff, v1  }
0x1d3: {  	v1 =	vld @p1 [tilespmem:$0xA0E8];
	_ =	sdelay $0x4  }
0x1d4: {  	[tilespmem:s4+$0xA158] =	vst.add.f32.msk @p1 $0xffff, v1  }
0x1d5: {  	v1 =	vld @p1 [tilespmem:$0xA0F8];
	_ =	sdelay $0x3  }
0x1d6: {  	s5 =	sshll.u32 @!p1 s3, $0x8  }
0x1d7: {  	s5 =	smov.u32 @p1 s0;
	[tilespmem:s4+$0xA168] =	vst.add.f32.msk @p1 $0xffff, v1  }
0x1d8: {  	s0 =	sshrl.u32 s5, $0x2;
	[tilespmem:s2+$0xA118] =	vst.msk $0x1, v0  }
0x1d9: {  	v0 =	vld [tilespmem:s0+$0xA138];
	_ =	sdelay $0x2  }
0x1da: {  	s31 =	sshll.u32 s2, $0x8  }
0x1db: {  	s4 =	sshra.s32 s31, $0x2  }
0x1dc: {  	[tilespmem:s4+$0xA138] =	vst v0  }
0x1dd: {  	v0 =	vld [tilespmem:s0+$0xA148];
	_ =	sdelay $0x4  }
0x1de: {  	[tilespmem:s4+$0xA148] =	vst v0  }
0x1df: {  	v0 =	vld [tilespmem:s0+$0xA158];
	_ =	sdelay $0x4  }
0x1e0: {  	[tilespmem:s4+$0xA158] =	vst v0  }
0x1e1: {  	v0 =	vld [tilespmem:s0+$0xA168];
	_ =	sdelay $0x4  }
0x1e2: {  	s2 =	sadd.s32 $0x1, s2;
	[tilespmem:s4+$0xA168] =	vst v0  }
.LBB2_48:
0x1e3: {  	s3 =	sadd.s32 $0x1, s3  }
0x1e4: {  	p1 =	sne.s32 s3, $0x20  }
.Ltmp32:
0x1e5: {  	_ = 	snop;
	(pc) =	sbr.rel @!p1 .LBB2_49-.Ltmp32, $1  }
0x1e6: {  	_ =	sdelay $0x3  }
.LBB2_41:
0x1e7: {  	v0 =	vld.msk [tilespmem:s3+$0xA118], $0x1;
	_ =	sdelay $0x4  }
0x1e8: {  	(v2sf) =	vpush v0, $0x0;
	_ =	sdelay $0xe  }
0x1e9: {  	s4 =	spop (v2sf)  }
0x1ea: {  	p1 =	seq.s32 s4, $0xFFFFFFFF  }
.Ltmp33:
0x1eb: {  	_ = 	snop;
	(pc) =	sbr.rel @p1 .LBB2_48-.Ltmp33, $1  }
0x1ec: {  	_ =	sdelay $0x3  }
0x1ed: {  	p1 =	slt.s32 s2, $0x1  }
.Ltmp34:
0x1ee: {  	_ = 	snop;
	(pc) =	sbr.rel @p1 .LBB2_47-.Ltmp34, $1  }
0x1ef: {  	_ =	sdelay $0x3  }
0x1f0: {  	s5 =	simm.s32 $0xA118;
	p1 =	por $0x0, $0x0  }
0x1f1: {  	v1 =	vld.msk @!p1 [tilespmem:s5+$0x0], $0x1;
	_ =	sdelay $0x4  }
0x1f2: {  	(v2sf) =	vpush @!p1 v1, $0x0;
	_ =	sdelay $0xd  }
0x1f3: {  	p3 =	sne.s32 s2, $0x1  }
.Ltmp35:
0x1f4: {  	s0 =	spop @!p1 (v2sf);
	(pc) =	sbr.rel @!p3 .LBB2_45-.Ltmp35, $4  }
0x1f5: {  	p2 =	seq.s32 @!p1 s4, s0  }
0x1f6: {  	s6 =	simm.s32 $0x0;
	p2 =	por !p2, p1  }
0x1f7: {  	s0 =	simm.s32 $0xFFFFFFFF;
	s6 =	simm.s32 @p2 $0xFFFFFFFF  }
0x1f8: {  	s7 =	simm.s32 $0x1;
	s6 =	smov.u32 @p1 s0  }
.LBB2_44:
0x1f9: {  	s0 =	smov.u32 s6;
	p1 =	sne.s32 s6, $0xFFFFFFFF  }
0x1fa: {  	s5 =	sadd.s32 $0x1, s5;
	s6 =	smov.u32 s7;
	s7 =	sadd.s32 $0x1, s7  }
0x1fb: {  	p2 =	sne.s32 s2, s7;
	v1 =	vld.msk @!p1 [tilespmem:s5+$0x0], $0x1;
	_ =	sdelay $0x4  }
0x1fc: {  	(v2sf) =	vpush @!p1 v1, $0x0;
	_ =	sdelay $0xe  }
.Ltmp36:
0x1fd: {  	s8 =	spop @!p1 (v2sf);
	(pc) =	sbr.rel @p2 .LBB2_44-.Ltmp36, $4  }
0x1fe: {  	p3 =	seq.s32 @!p1 s4, s8  }
0x1ff: {  	p3 =	por !p3, p1  }
0x200: {  	s6 =	simm.s32 @p3 $0xFFFFFFFF  }
0x201: {  	s6 =	smov.u32 @p1 s0  }
.LBB2_45:
0x202: {  	p1 =	seq.s32 s6, $0xFFFFFFFF  }
.Ltmp37:
0x203: {  	_ = 	snop;
	(pc) =	sbr.rel @p1 .LBB2_47-.Ltmp37, $1  }
0x204: {  	_ =	sdelay $0x3  }
0x205: {  	s0 =	sshll.u32 s3, $0x6  }
0x206: {  	s0 =	sand.u32 $0x3FFFFFC0, s0  }
0x207: {  	v0 =	vld [tilespmem:s0+$0xA138];
	_ =	sdelay $0x2  }
0x208: {  	s4 =	sshll.u32 s6, $0x8  }
0x209: {  	s4 =	sshra.s32 s4, $0x2  }
0x20a: {  	[tilespmem:s4+$0xA138] =	vst.add.f32.msk $0xffff, v0  }
0x20b: {  	v0 =	vld [tilespmem:s0+$0xA148];
	_ =	sdelay $0x4  }
0x20c: {  	[tilespmem:s4+$0xA148] =	vst.add.f32.msk $0xffff, v0  }
0x20d: {  	v0 =	vld [tilespmem:s0+$0xA158];
	_ =	sdelay $0x4  }
0x20e: {  	[tilespmem:s4+$0xA158] =	vst.add.f32.msk $0xffff, v0  }
0x20f: {  	v0 =	vld [tilespmem:s0+$0xA168]  }
.Ltmp38:
0x210: {  	_ = 	snop;
	(pc) =	sbr.rel .LBB2_48-.Ltmp38, $2  }
0x211: {  	_ =	sdelay $0x2  }
0x212: {  	[tilespmem:s4+$0xA168] =	vst.add.f32.msk $0xffff, v0  }
.LBB2_49:
0x213: {  	p1 =	slt.s32 s2, $0x1  }
.Ltmp39:
0x214: {  	_ = 	snop;
	(pc) =	sbr.rel @p1 .LBB2_53-.Ltmp39, $3  }
0x215: {  	_ =	sdelay $0x1  }
0x216: {  	s0 =	simm.s32 $0x8  }
0x217: {  	s3 =	simm.s32 $0x0;
	[sflag:s0] =	ssyncpa.u1 $0x1  }
0x218: {  	s0 =	simm.s32 $0xA118  }
0x219: {  	v0 =	vld.msk [tilespmem:s0+$0x0], $0x1;
	_ =	sdelay $0x4  }
0x21a: {  	(v2sf) =	vpush v0, $0x0;
	_ =	sdelay $0xd  }
0x21b: {  	s2 =	sadd.s32 $0xFFFFFFFF, s2  }
0x21c: {  	p2 =	sne.s32 s2, $0x0;
	s0 =	spop (v2sf)  }
.Ltmp40:
0x21d: {  	p1 =	sgt.u32 s0, $0x61A78;
	(pc) =	sbr.rel @!p2 .LBB2_52-.Ltmp40, $4  }
0x21e: {  	s4 =	simm.s32 $0xA138;
	s5 =	sand.u32 @!p1 $0x7FFF8, s0  }
0x21f: {  	s6 =	simm.s32 $0x0;
	s0 =	sand.u32 @!p1 $0x7, s0;
	s5 =	sadd.s32 @!p1 s1, s5  }
0x220: {  	[hbm4b:s5+s0] =	stream.linear.scatter @!p1 [tilespmem:s4], [sflag:$0x7], $0x40, $0x38;
	[tilespmem:$0x1EBC8] =	vst v63  }
0x221: {  	s6 =	simm.s32 @!p1 $0x100;
	s5 =	simm.s32 $0xA119  }
.LBB2_51:
0x222: {  	v0 =	vld.msk [tilespmem:s5+$0x0], $0x1;
	s2 =	sadd.s32 $0xFFFFFFFF, s2;
	s3 =	sadd.s32 s3, s6  }
0x223: {  	p1 =	sne.s32 s2, $0x0;
	_ =	sdelay $0x3  }
0x224: {  	(v2sf) =	vpush v0, $0x0;
	_ =	sdelay $0xe  }
.Ltmp41:
0x225: {  	s0 =	spop (v2sf);
	(pc) =	sbr.rel @p1 .LBB2_51-.Ltmp41, $4  }
0x226: {  	s6 =	simm.s32 $0x0;
	p2 =	sgt.u32 s0, $0x61A78  }
0x227: {  	s4 =	sadd.s32 $0x40, s4;
	s6 =	simm.s32 @!p2 $0x100;
	s7 =	sand.u32 @!p2 $0x7FFF8, s0  }
0x228: {  	s5 =	sadd.s32 $0x1, s5;
	s0 =	sand.u32 @!p2 $0x7, s0;
	s7 =	sadd.s32 @!p2 s1, s7  }
0x229: {  	[hbm4b:s7+s0] =	stream.linear.scatter @!p2 [tilespmem:s4], [sflag:$0x7], $0x40, $0x38;
	[tilespmem:$0x1EBC8] =	vst v63  }
.LBB2_52:
0x22a: {  	s0 =	sadd.s32 s3, s6  }
0x22b: {  	s3 =	sshrl.u32 s0, $0x2  }
.LBB2_53:
0x22c: {  	s0 =	simm.s32 $0x7  }
0x22d: {  	_ =	swait.ge [sflag:s0], s3  }
0x22e: {  	s1 =	ssub.s32 $0x0, s3;
	[sflag:s0] =	ssyncset.done $0x0  }
0x22f: {  	[sflag:s0] =	ssyncadd.s32 s1  }
0x230: {  	[sflag:s0] =	ssyncpa.u1 $0x1  }
.LBB2_54:
0x231: {  	_ =	sfence;
	s0 =	simm.s32 $0x1  }
0x232: {  	[sflag:s0] =	ssyncpa.u1 $0x1  }
0x233: {  	_ =	strace $0x9000005F  }
0x234: {  	[bflag:$0x2] =	sbarrier.arrive $0xFFFF  }
0x235: {  	s0 =	rddreg [dreg:$0x3]  }
0x236: {  	s0 =	sadd.s32 @!p0 $0x100000, s0  }
0x237: {  	[sflag:s0] =	ssyncadd.tile.s32 @!p0 $0x1;
	_ =	shalt  }
.Lfunc_end2:
_tile_overlayer_lowered:
.L_overlay_start_2:
0x238: {  	(tag) =	ssettag $0x2  }
0x239: {  	s0 =	rddreg [dreg:$0x0];
	s2 =	stileid.u32  }
0x23a: {  	s1 =	rddreg [dreg:$0x1];
	p0 =	sne.s32 s2, $0x0  }
0x23b: {  	s3 =	rddreg [dreg:$0x2];
	[bflag:$0x3] =	sbarrier.arrive $0xFFFF;
	s2 =	simm.s32 @!p0 $0x1C01  }
0x23c: {  	[timem:s3], [sflag:s2] =	dma.local @!p0 [hbm:s0], s1  }
0x23d: {  	s0 =	simm.s32 @!p0 $0x1  }
0x23e: {  	_ =	swait.ge @!p0 [sflag:s0], s1  }
0x23f: {  	s1 =	ssub.s32 @!p0 $0x0, s1;
	[sflag:s0] =	ssyncset.done @!p0 $0x0  }
0x240: {  	[sflag:s0] =	ssyncadd.s32 @!p0 s1  }
0x241: {  	[bflag:$0x3] =	sbarrier.arrive $0xFFFF  }
0x242: {  	_ =	shalt  }

</sc_bundles>
